<compile_context>
chip_gen: v7x
topology: tpu7x:2x2x1
jax: 0.10.2.dev20260603
libtpu: 0.0.44.dev20260713+nightly
codegen_flags: <defaults>
</compile_context>

<pallas_src>
import jax
import jax.numpy as jnp
from jax import lax
from jax.experimental import pallas as pl
from jax.experimental.pallas import tpu as pltpu
from jax.experimental.pallas import tpu_sc as plsc

N = 10000
NP = 10240
E = 320000
FEAT = 128
HID = 32
H = 3

NCORES = 2
NTILES = 16

P1_PER_TILE = E // NTILES
P1_CHUNK = 800
P1_NCHUNK = P1_PER_TILE // P1_CHUNK
P1_GROUPS = P1_CHUNK // 16

SC2 = 256
NSUPER = E // SC2
P2_ITERS = -(-NSUPER // (NCORES * NTILES))

DR = NP * 3 // 128
WSLICE = NP // NTILES
ZR = DR // NTILES


def _gaan_body(src_hbm, dst_hbm, el_hbm, er_hbm, proj_hbm,
               out_hbm,
               el_v, er_v, den_v, se_v, de_v,
               si0, si1, di0, di1,
               rows_v, w_v, iota_v, total_s, out_s, sem):
    si_v = (si0, si1)
    di_v = (di0, di1)
    cid = lax.axis_index("c")
    sid = lax.axis_index("s")
    wid = sid * NCORES + cid
    zero16 = jnp.zeros((16,), jnp.float32)

    pltpu.sync_copy(el_hbm, el_v)
    pltpu.sync_copy(er_hbm, er_v)

    def _ziota(g, c):
        iota_v[pl.ds(g * 16, 16)] = lax.iota(jnp.int32, 16) + g * 16
        return c
    lax.fori_loop(0, DR // 16, _ziota, 0)

    def _zden(i, c):
        for j in range(8):
            den_v[i, pl.ds(j * 16, 16)] = zero16
        return c
    lax.fori_loop(0, DR, _zden, 0)

    pltpu.sync_copy(den_v.at[pl.ds(0, ZR)], total_s.at[pl.ds(sid * ZR, ZR)])

    def _zrows(i, c):
        rows_v[i, pl.ds(0, 16)] = zero16
        rows_v[i, pl.ds(16, 16)] = zero16
        return c
    lax.fori_loop(0, SC2, _zrows, 0)
    for j in range(WSLICE // SC2):
        pltpu.sync_copy(rows_v, out_s.at[pl.ds(sid * WSLICE + j * SC2, SC2)])
    pltpu.sync_copy(rows_v.at[pl.ds(0, WSLICE % SC2)],
                    out_s.at[pl.ds(sid * WSLICE + WSLICE - WSLICE % SC2,
                                   WSLICE % SC2)])
    plsc.subcore_barrier()

    def _p1_chunk(c, carry):
        eb = sid * P1_PER_TILE + c * P1_CHUNK
        pltpu.sync_copy(src_hbm.at[pl.ds(eb, P1_CHUNK)], se_v)
        pltpu.sync_copy(dst_hbm.at[pl.ds(eb, P1_CHUNK)], de_v)

        def _grp(g, cc):
            s16 = se_v[pl.ds(g * 16, 16)] * 3
            d16 = de_v[pl.ds(g * 16, 16)] * 3
            for h in range(H):
                a = plsc.load_gather(el_v, [s16 + h])
                b = plsc.load_gather(er_v, [d16 + h])
                e = a + b
                e = jnp.where(e >= 0.0, e, 0.01 * e)
                dd = d16 + h
                plsc.addupdate_scatter(
                    den_v, [lax.shift_right_logical(dd, 7),
                            lax.bitwise_and(dd, 127)], jnp.exp(e))
            return cc
        lax.fori_loop(0, P1_GROUPS, _grp, 0)
        return carry
    lax.fori_loop(0, P1_NCHUNK, _p1_chunk, 0)

    pltpu.sync_copy(den_v, total_s.at[iota_v], add=True)
    plsc.subcore_barrier()

    pltpu.sync_copy(total_s, den_v)

    def _rcp(r, c):
        for j in range(8):
            x = den_v[r, pl.ds(j * 16, 16)]
            den_v[r, pl.ds(j * 16, 16)] = 1.0 / (x + 1e-16)
        return c
    lax.fori_loop(0, DR, _rcp, 0)

    def _p2(k, carry):
        ch = wid + NCORES * NTILES * k

        @pl.when(ch < NSUPER)
        def _():
            eb = ch * SC2
            for j in range(SC2 // 128):
                pltpu.sync_copy(src_hbm.at[pl.ds(eb + j * 128, 128)], si_v[j])
                pltpu.sync_copy(dst_hbm.at[pl.ds(eb + j * 128, 128)], di_v[j])
            cps = [pltpu.async_copy(
                       proj_hbm.at[si_v[j]],
                       rows_v.at[pl.ds(j * 128, 128)], sem)
                   for j in range(SC2 // 128)]
            for cp in cps:
                cp.wait()

            for j in range(SC2 // 128):
                def _wgrp(g, cc, jj=j):
                    s16 = si_v[jj][pl.ds(g * 16, 16)] * 3
                    d16 = di_v[jj][pl.ds(g * 16, 16)] * 3
                    acc = zero16
                    for h in range(H):
                        a = plsc.load_gather(el_v, [s16 + h])
                        b = plsc.load_gather(er_v, [d16 + h])
                        e = a + b
                        e = jnp.where(e >= 0.0, e, 0.01 * e)
                        dd = d16 + h
                        rd = plsc.load_gather(
                            den_v, [lax.shift_right_logical(dd, 7),
                                    lax.bitwise_and(dd, 127)])
                        acc = acc + jnp.exp(e) * rd
                    w_v[pl.ds(jj * 128 + g * 16, 16)] = acc * (1.0 / H)
                    return cc
                lax.fori_loop(0, 128 // 16, _wgrp, 0)

            def _scale(g, cc):
                w16 = w_v[pl.ds(g * 16, 16)]
                for i in range(16):
                    r = g * 16 + i
                    ws = lax.broadcast(w16[i], (16,))
                    rows_v[r, pl.ds(0, 16)] = rows_v[r, pl.ds(0, 16)] * ws
                    rows_v[r, pl.ds(16, 16)] = rows_v[r, pl.ds(16, 16)] * ws
                return cc
            lax.fori_loop(0, SC2 // 16, _scale, 0)

            for j in range(SC2 // 128):
                pltpu.sync_copy(rows_v.at[pl.ds(j * 128, 128)],
                                out_s.at[di_v[j]], add=True)
        return carry
    lax.fori_loop(0, P2_ITERS, _p2, 0)

    plsc.subcore_barrier()
    pltpu.sync_copy(out_s.at[pl.ds(sid * WSLICE, WSLICE)],
                    out_hbm.at[cid, pl.ds(sid * WSLICE, WSLICE)])


def _make_gaan_call():
    mesh = plsc.VectorSubcoreMesh(core_axis_name="c", subcore_axis_name="s")
    return pl.kernel(
        _gaan_body,
        mesh=mesh,
        compiler_params=pltpu.CompilerParams(needs_layout_passes=False,
                                             use_tc_tiling_on_sc=False),
        out_type=jax.ShapeDtypeStruct((NCORES, NP, HID), jnp.float32),
        scratch_types=(
            [pltpu.VMEM((NP * 3,), jnp.float32),
             pltpu.VMEM((NP * 3,), jnp.float32),
             pltpu.VMEM((DR, 128), jnp.float32),
             pltpu.VMEM((P1_CHUNK,), jnp.int32),
             pltpu.VMEM((P1_CHUNK,), jnp.int32)]
            + [pltpu.VMEM((128,), jnp.int32)
               for _ in range(2 * (SC2 // 128))]
            + [pltpu.VMEM((SC2, HID), jnp.float32),
               pltpu.VMEM((SC2,), jnp.float32),
               pltpu.VMEM((DR,), jnp.int32),
               pltpu.VMEM_SHARED((DR, 128), jnp.float32),
               pltpu.VMEM_SHARED((NP, HID), jnp.float32),
               pltpu.SemaphoreType.DMA]
        ),
    )


def _tc_matmul(x, w):
    m, k = x.shape
    _, n = w.shape
    bm = 512

    def _mm(x_ref, w_ref, o_ref):
        o_ref[...] = jnp.dot(x_ref[...], w_ref[...],
                             preferred_element_type=jnp.float32)

    return pl.pallas_call(
        _mm,
        grid=(m // bm,),
        in_specs=[pl.BlockSpec((bm, k), lambda i: (i, 0)),
                  pl.BlockSpec((k, n), lambda i: (0, 0))],
        out_specs=pl.BlockSpec((bm, n), lambda i: (i, 0)),
        out_shape=jax.ShapeDtypeStruct((m, n), jnp.float32),
    )(x, w)


def kernel(fg_edge_index, bg_edge_index, gg_edge_index, feat, W_proj,
           Wa_f, al_f, ar_f, Wa_b, al_b, ar_b, Wa_g, al_g, ar_g):
    folds = []
    for Wa, al, ar in ((Wa_f, al_f, ar_f), (Wa_b, al_b, ar_b),
                       (Wa_g, al_g, ar_g)):
        folds.append(jnp.einsum('hdo,ho->dh', Wa, al))
        folds.append(jnp.einsum('hdo,ho->dh', Wa, ar))
    wcat = jnp.concatenate(
        [W_proj] + folds + [jnp.zeros((FEAT, 128 - HID - 6 * H),
                                      jnp.float32)], axis=1)

    featp = jnp.pad(feat, ((0, NP - N), (0, 0)))
    y = _tc_matmul(featp, wcat)
    proj = y[:, :HID]

    gaan = _make_gaan_call()
    outs = []
    for gi, edge_index in enumerate((fg_edge_index, bg_edge_index,
                                     gg_edge_index)):
        src = edge_index[0]
        dst = edge_index[1]
        c = HID + 6 * gi
        el = y[:, c:c + 3].reshape(-1)
        er = y[:, c + 3:c + 6].reshape(-1)
        parts = gaan(src, dst, el, er, proj)
        outs.append((parts[0] + parts[1])[:N])

    return jnp.concatenate([proj[:N]] + outs, axis=1)

# --- scband reference (transcript-rebuilt; emitter-appended) ---
"""Pipeline reference for scband-spat-att-layer-71219147702689 (READ-ONLY COPY).

The authoritative reference and input builder live on the scoring server;
editing this copy changes nothing except your own understanding.
"""

import jax, jax.numpy as jnp
import numpy as np

N = 10000
E = 320000
FEAT = 128
HID = 32
H = 3


def setup_inputs(seed: int = 0) -> dict:
    key = jax.random.key(seed)
    ks = jax.random.split(key, 16)
    feat = jax.random.normal(ks[0], (N, FEAT), dtype=jnp.float32)
    fg_edge_index = jax.random.randint(ks[1], (2, E), 0, N, dtype=jnp.int32)
    bg_edge_index = jax.random.randint(ks[2], (2, E), 0, N, dtype=jnp.int32)
    gg_edge_index = jax.random.randint(ks[3], (2, E), 0, N, dtype=jnp.int32)
    s = 1.0 / np.sqrt(FEAT)
    so = 1.0 / np.sqrt(HID)
    W_proj = jax.random.normal(ks[4], (FEAT, HID), dtype=jnp.float32) * s
    Wa_f = jax.random.normal(ks[5], (H, FEAT, HID), dtype=jnp.float32) * s
    al_f = jax.random.normal(ks[6], (H, HID), dtype=jnp.float32) * so
    ar_f = jax.random.normal(ks[7], (H, HID), dtype=jnp.float32) * so
    Wa_b = jax.random.normal(ks[8], (H, FEAT, HID), dtype=jnp.float32) * s
    al_b = jax.random.normal(ks[9], (H, HID), dtype=jnp.float32) * so
    ar_b = jax.random.normal(ks[10], (H, HID), dtype=jnp.float32) * so
    Wa_g = jax.random.normal(ks[11], (H, FEAT, HID), dtype=jnp.float32) * s
    al_g = jax.random.normal(ks[12], (H, HID), dtype=jnp.float32) * so
    ar_g = jax.random.normal(ks[13], (H, HID), dtype=jnp.float32) * so
    return {"fg_edge_index": fg_edge_index, "bg_edge_index": bg_edge_index, "gg_edge_index": gg_edge_index,
            "feat": feat, "W_proj": W_proj,
            "Wa_f": Wa_f, "al_f": al_f, "ar_f": ar_f,
            "Wa_b": Wa_b, "al_b": al_b, "ar_b": ar_b,
            "Wa_g": Wa_g, "al_g": al_g, "ar_g": ar_g}


def _gaan(feat, proj_feat, src, dst, Wa, a_l, a_r):
    # per-head attention features
    v = jnp.einsum('nd,hdo->hno', feat, Wa)          # [H, N, HID]
    el = jnp.einsum('hno,ho->hn', v, a_l)            # [H, N]
    er = jnp.einsum('hno,ho->hn', v, a_r)            # [H, N]
    e = jax.nn.leaky_relu(el[:, src] + er[:, dst])   # [H, E]
    msgs = proj_feat[src]                            # [E, HID]

    def head(e_h):
        m = jax.ops.segment_max(e_h, dst, num_segments=N)
        m = jax.lax.stop_gradient(m)
        ex = jnp.exp(e_h - m[dst])
        den = jax.ops.segment_sum(ex, dst, num_segments=N)
        alpha = ex / (den[dst] + 1e-16)
        return jax.ops.segment_sum(alpha[:, None] * msgs, dst, num_segments=N)

    hs = jax.vmap(head)(e)                           # [H, N, HID]
    return jnp.mean(hs, axis=0)                      # heads merged by mean


def reference(fg_edge_index, bg_edge_index, gg_edge_index, feat, W_proj,
              Wa_f, al_f, ar_f, Wa_b, al_b, ar_b, Wa_g, al_g, ar_g):
    proj_feat = feat @ W_proj
    h_fwd = _gaan(feat, proj_feat, fg_edge_index[0], fg_edge_index[1], Wa_f, al_f, ar_f)
    h_bwd = _gaan(feat, proj_feat, bg_edge_index[0], bg_edge_index[1], Wa_b, al_b, ar_b)
    h_geo = _gaan(feat, proj_feat, gg_edge_index[0], gg_edge_index[1], Wa_g, al_g, ar_g)
    return jnp.concatenate([proj_feat, h_fwd, h_bwd, h_geo], axis=1)

if __name__ == "__main__":
    import jax
    _d = setup_inputs()
    print(jax.jit(kernel)(*tuple(_d.values())))

</pallas_src>

<mosaic_0001>
#map = affine_map<(d0, d1) -> (0)>
#map1 = affine_map<(d0, d1) -> (0, 0)>
#map2 = affine_map<(d0, d1) -> (0, 0, 0)>
module attributes {stable_mosaic.version = 14 : i64} {
  func.func @_gaan_body(%arg0: i32, %arg1: i32, %arg2: memref<320000xi32, #tpu.memory_space<hbm>>, %arg3: memref<320000xi32, #tpu.memory_space<hbm>>, %arg4: memref<30720xf32, #tpu.memory_space<hbm>>, %arg5: memref<30720xf32, #tpu.memory_space<hbm>>, %arg6: memref<10240x32xf32, #tpu.memory_space<hbm>>, %arg7: memref<2x10240x32xf32, #tpu.memory_space<hbm>>, %arg8: memref<30720xf32, #tpu.memory_space<vmem>>, %arg9: memref<30720xf32, #tpu.memory_space<vmem>>, %arg10: memref<240x128xf32, #tpu.memory_space<vmem>>, %arg11: memref<800xi32, #tpu.memory_space<vmem>>, %arg12: memref<800xi32, #tpu.memory_space<vmem>>, %arg13: memref<128xi32, #tpu.memory_space<vmem>>, %arg14: memref<128xi32, #tpu.memory_space<vmem>>, %arg15: memref<128xi32, #tpu.memory_space<vmem>>, %arg16: memref<128xi32, #tpu.memory_space<vmem>>, %arg17: memref<256x32xf32, #tpu.memory_space<vmem>>, %arg18: memref<256xf32, #tpu.memory_space<vmem>>, %arg19: memref<240xi32, #tpu.memory_space<vmem>>, %arg20: memref<240x128xf32, #tpu.memory_space<vmem_shared>>, %arg21: memref<10240x32xf32, #tpu.memory_space<vmem_shared>>, %arg22: memref<!tpu.dma_semaphore, #tpu.memory_space<semaphore_mem>>) attributes {dimension_semantics = [#tpu.dimension_semantics<core_parallel>, #tpu.dimension_semantics<subcore_parallel>], iteration_bounds = array<i64: 2, 16>, scalar_prefetch = 0 : i64, scratch_operands = 15 : i64, tpu.core_type = #tpu.core_type<sc_vector_subcore>, window_params = [{transform_indices = #map}, {transform_indices = #map}, {transform_indices = #map}, {transform_indices = #map}, {transform_indices = #map1}, {transform_indices = #map2}]} {
    %mul3A = arith.constant 2 : i32
    %mul3A_0 = arith.muli %arg1, %mul3A : i32
    %add3A = arith.addi %mul3A_0, %arg0 : i32
    %broadcast_in_dim3A = arith.constant 0.000000e+00 : f32
    %broadcast_in_dim3A_1 = vector.broadcast %broadcast_in_dim3A : f32 to vector<16xf32>
    "tpu.region"() ({
      %run_scoped3A = tpu.sem_alloc : memref<!tpu.dma_semaphore, #tpu.memory_space<semaphore_mem>>
      tpu.enqueue_dma source(%arg4 : memref<30720xf32, #tpu.memory_space<hbm>>) target(%arg8 : memref<30720xf32, #tpu.memory_space<vmem>>) target_semaphore(%run_scoped3A : memref<!tpu.dma_semaphore, #tpu.memory_space<semaphore_mem>>)
      tpu.wait_dma2 semaphore(%run_scoped3A : memref<!tpu.dma_semaphore, #tpu.memory_space<semaphore_mem>>) src(%arg4 : memref<30720xf32, #tpu.memory_space<hbm>>) dst(%arg8 : memref<30720xf32, #tpu.memory_space<vmem>>)
      tpu.yield
    }) : () -> ()
    "tpu.region"() ({
      %run_scoped3A = tpu.sem_alloc : memref<!tpu.dma_semaphore, #tpu.memory_space<semaphore_mem>>
      tpu.enqueue_dma source(%arg5 : memref<30720xf32, #tpu.memory_space<hbm>>) target(%arg9 : memref<30720xf32, #tpu.memory_space<vmem>>) target_semaphore(%run_scoped3A : memref<!tpu.dma_semaphore, #tpu.memory_space<semaphore_mem>>)
      tpu.wait_dma2 semaphore(%run_scoped3A : memref<!tpu.dma_semaphore, #tpu.memory_space<semaphore_mem>>) src(%arg5 : memref<30720xf32, #tpu.memory_space<hbm>>) dst(%arg9 : memref<30720xf32, #tpu.memory_space<vmem>>)
      tpu.yield
    }) : () -> ()
    %scan3A = arith.constant 0 : i32
    %scan3A_2 = arith.constant 0 : i32
    %scan3A_3 = arith.constant 15 : i32
    %scan3A_4 = arith.addi %scan3A_2, %scan3A_3 : i32
    %scan3A_5 = arith.constant 1 : i32
    scf.for %scan3A_58 = %scan3A_2 to %scan3A_4 step %scan3A_5  : i32 {
      %iota3A = tpu.iota {dimensions = array<i32: 0>} : vector<16xi32>
      %mul3A_59 = arith.constant 16 : i32
      %mul3A_60 = arith.muli %scan3A_58, %mul3A_59 : i32
      %add3A_61 = vector.broadcast %mul3A_60 : i32 to vector<16xi32>
      %add3A_62 = arith.addi %iota3A, %add3A_61 : vector<16xi32>
      %mul3A_63 = arith.constant 16 : i32
      %mul3A_64 = arith.muli %scan3A_58, %mul3A_63 : i32
      %swap3A = arith.index_cast %mul3A_64 : i32 to index
      %swap3A_65 = tpu.vector_load %arg19[%swap3A] {strides = array<i32>} : memref<240xi32, #tpu.memory_space<vmem>>, vector<16xi32>,
      tpu.vector_store %arg19[%swap3A], %add3A_62 {strides = array<i32>} : memref<240xi32, #tpu.memory_space<vmem>>, vector<16xi32>,
    }
    %scan3A_6 = arith.constant 15 : i32
    %scan3A_7 = arith.constant 0 : i32
    %scan3A_8 = arith.constant 0 : i32
    %scan3A_9 = arith.constant 240 : i32
    %scan3A_10 = arith.addi %scan3A_8, %scan3A_9 : i32
    %scan3A_11 = arith.constant 1 : i32
    scf.for %scan3A_58 = %scan3A_8 to %scan3A_10 step %scan3A_11  : i32 {
      %swap3A = arith.index_cast %scan3A_58 : i32 to index
      %swap3A_59 = arith.constant 0 : index
      %swap3A_60 = tpu.vector_load %arg10[%swap3A, %swap3A_59] {strides = array<i32>} : memref<240x128xf32, #tpu.memory_space<vmem>>, vector<16xf32>,
      tpu.vector_store %arg10[%swap3A, %swap3A_59], %broadcast_in_dim3A_1 {strides = array<i32>} : memref<240x128xf32, #tpu.memory_space<vmem>>, vector<16xf32>,
      %swap3A_61 = arith.index_cast %scan3A_58 : i32 to index
      %swap3A_62 = arith.constant 16 : index
      %swap3A_63 = tpu.vector_load %arg10[%swap3A_61, %swap3A_62] {strides = array<i32>} : memref<240x128xf32, #tpu.memory_space<vmem>>, vector<16xf32>,
      tpu.vector_store %arg10[%swap3A_61, %swap3A_62], %broadcast_in_dim3A_1 {strides = array<i32>} : memref<240x128xf32, #tpu.memory_space<vmem>>, vector<16xf32>,
      %swap3A_64 = arith.index_cast %scan3A_58 : i32 to index
      %swap3A_65 = arith.constant 32 : index
      %swap3A_66 = tpu.vector_load %arg10[%swap3A_64, %swap3A_65] {strides = array<i32>} : memref<240x128xf32, #tpu.memory_space<vmem>>, vector<16xf32>,
      tpu.vector_store %arg10[%swap3A_64, %swap3A_65], %broadcast_in_dim3A_1 {strides = array<i32>} : memref<240x128xf32, #tpu.memory_space<vmem>>, vector<16xf32>,
      %swap3A_67 = arith.index_cast %scan3A_58 : i32 to index
      %swap3A_68 = arith.constant 48 : index
      %swap3A_69 = tpu.vector_load %arg10[%swap3A_67, %swap3A_68] {strides = array<i32>} : memref<240x128xf32, #tpu.memory_space<vmem>>, vector<16xf32>,
      tpu.vector_store %arg10[%swap3A_67, %swap3A_68], %broadcast_in_dim3A_1 {strides = array<i32>} : memref<240x128xf32, #tpu.memory_space<vmem>>, vector<16xf32>,
      %swap3A_70 = arith.index_cast %scan3A_58 : i32 to index
      %swap3A_71 = arith.constant 64 : index
      %swap3A_72 = tpu.vector_load %arg10[%swap3A_70, %swap3A_71] {strides = array<i32>} : memref<240x128xf32, #tpu.memory_space<vmem>>, vector<16xf32>,
      tpu.vector_store %arg10[%swap3A_70, %swap3A_71], %broadcast_in_dim3A_1 {strides = array<i32>} : memref<240x128xf32, #tpu.memory_space<vmem>>, vector<16xf32>,
      %swap3A_73 = arith.index_cast %scan3A_58 : i32 to index
      %swap3A_74 = arith.constant 80 : index
      %swap3A_75 = tpu.vector_load %arg10[%swap3A_73, %swap3A_74] {strides = array<i32>} : memref<240x128xf32, #tpu.memory_space<vmem>>, vector<16xf32>,
      tpu.vector_store %arg10[%swap3A_73, %swap3A_74], %broadcast_in_dim3A_1 {strides = array<i32>} : memref<240x128xf32, #tpu.memory_space<vmem>>, vector<16xf32>,
      %swap3A_76 = arith.index_cast %scan3A_58 : i32 to index
      %swap3A_77 = arith.constant 96 : index
      %swap3A_78 = tpu.vector_load %arg10[%swap3A_76, %swap3A_77] {strides = array<i32>} : memref<240x128xf32, #tpu.memory_space<vmem>>, vector<16xf32>,
      tpu.vector_store %arg10[%swap3A_76, %swap3A_77], %broadcast_in_dim3A_1 {strides = array<i32>} : memref<240x128xf32, #tpu.memory_space<vmem>>, vector<16xf32>,
      %swap3A_79 = arith.index_cast %scan3A_58 : i32 to index
      %swap3A_80 = arith.constant 112 : index
      %swap3A_81 = tpu.vector_load %arg10[%swap3A_79, %swap3A_80] {strides = array<i32>} : memref<240x128xf32, #tpu.memory_space<vmem>>, vector<16xf32>,
      tpu.vector_store %arg10[%swap3A_79, %swap3A_80], %broadcast_in_dim3A_1 {strides = array<i32>} : memref<240x128xf32, #tpu.memory_space<vmem>>, vector<16xf32>,
    }
    %scan3A_12 = arith.constant 240 : i32
    %mul3A_13 = arith.constant 15 : i32
    %mul3A_14 = arith.muli %arg1, %mul3A_13 : i32
    "tpu.region"() ({
      %run_scoped3A = tpu.sem_alloc : memref<!tpu.dma_semaphore, #tpu.memory_space<semaphore_mem>>
      %dma_start3A = arith.constant 0 : i32
      %dma_start3A_58 = arith.constant 0 : i32
      %dma_start3A_59 = tpu.memref_slice %arg10[%dma_start3A, %dma_start3A_58] : memref<240x128xf32, #tpu.memory_space<vmem>> -> memref<15x128xf32, #tpu.memory_space<vmem>>
      %dma_start3A_60 = arith.constant 0 : i32
      %dma_start3A_61 = tpu.memref_slice %arg20[%mul3A_14, %dma_start3A_60] : memref<240x128xf32, #tpu.memory_space<vmem_shared>> -> memref<15x128xf32, #tpu.memory_space<vmem_shared>>
      %dma_start3A_62 = arith.constant 0 : i32
      %dma_start3A_63 = tpu.memref_slice %arg20[%mul3A_14, %dma_start3A_62] : memref<240x128xf32, #tpu.memory_space<vmem_shared>> -> memref<15x128xf32, #tpu.memory_space<vmem_shared>>
      %dma_start3A_64 = arith.constant 0 : i32
      %dma_start3A_65 = arith.constant 0 : i32
      %dma_start3A_66 = tpu.memref_slice %arg10[%dma_start3A_64, %dma_start3A_65] : memref<240x128xf32, #tpu.memory_space<vmem>> -> memref<15x128xf32, #tpu.memory_space<vmem>>
      tpu.enqueue_dma source(%dma_start3A_66 : memref<15x128xf32, #tpu.memory_space<vmem>>) target(%dma_start3A_63 : memref<15x128xf32, #tpu.memory_space<vmem_shared>>) target_semaphore(%run_scoped3A : memref<!tpu.dma_semaphore, #tpu.memory_space<semaphore_mem>>)
      %dma_wait3A = arith.constant 0 : i32
      %dma_wait3A_67 = arith.constant 0 : i32
      %dma_wait3A_68 = tpu.memref_slice %arg10[%dma_wait3A, %dma_wait3A_67] : memref<240x128xf32, #tpu.memory_space<vmem>> -> memref<15x128xf32, #tpu.memory_space<vmem>>
      %dma_wait3A_69 = arith.constant 0 : i32
      %dma_wait3A_70 = tpu.memref_slice %arg20[%mul3A_14, %dma_wait3A_69] : memref<240x128xf32, #tpu.memory_space<vmem_shared>> -> memref<15x128xf32, #tpu.memory_space<vmem_shared>>
      %dma_wait3A_71 = arith.constant 0 : i32
      %dma_wait3A_72 = tpu.memref_slice %arg20[%mul3A_14, %dma_wait3A_71] : memref<240x128xf32, #tpu.memory_space<vmem_shared>> -> memref<15x128xf32, #tpu.memory_space<vmem_shared>>
      %dma_wait3A_73 = arith.constant 0 : i32
      %dma_wait3A_74 = arith.constant 0 : i32
      %dma_wait3A_75 = tpu.memref_slice %arg10[%dma_wait3A_73, %dma_wait3A_74] : memref<240x128xf32, #tpu.memory_space<vmem>> -> memref<15x128xf32, #tpu.memory_space<vmem>>
      tpu.wait_dma2 semaphore(%run_scoped3A : memref<!tpu.dma_semaphore, #tpu.memory_space<semaphore_mem>>) src(%dma_wait3A_75 : memref<15x128xf32, #tpu.memory_space<vmem>>) dst(%dma_wait3A_72 : memref<15x128xf32, #tpu.memory_space<vmem_shared>>)
      tpu.yield
    }) : () -> ()
    %scan3A_15 = arith.constant 0 : i32
    %scan3A_16 = arith.constant 0 : i32
    %scan3A_17 = arith.constant 256 : i32
    %scan3A_18 = arith.addi %scan3A_16, %scan3A_17 : i32
    %scan3A_19 = arith.constant 1 : i32
    scf.for %scan3A_58 = %scan3A_16 to %scan3A_18 step %scan3A_19  : i32 {
      %swap3A = arith.index_cast %scan3A_58 : i32 to index
      %swap3A_59 = arith.constant 0 : index
      %swap3A_60 = tpu.vector_load %arg17[%swap3A, %swap3A_59] {strides = array<i32>} : memref<256x32xf32, #tpu.memory_space<vmem>>, vector<16xf32>,
      tpu.vector_store %arg17[%swap3A, %swap3A_59], %broadcast_in_dim3A_1 {strides = array<i32>} : memref<256x32xf32, #tpu.memory_space<vmem>>, vector<16xf32>,
      %swap3A_61 = arith.index_cast %scan3A_58 : i32 to index
      %swap3A_62 = arith.constant 16 : index
      %swap3A_63 = tpu.vector_load %arg17[%swap3A_61, %swap3A_62] {strides = array<i32>} : memref<256x32xf32, #tpu.memory_space<vmem>>, vector<16xf32>,
      tpu.vector_store %arg17[%swap3A_61, %swap3A_62], %broadcast_in_dim3A_1 {strides = array<i32>} : memref<256x32xf32, #tpu.memory_space<vmem>>, vector<16xf32>,
    }
    %scan3A_20 = arith.constant 256 : i32
    %mul3A_21 = arith.constant 640 : i32
    %mul3A_22 = arith.muli %arg1, %mul3A_21 : i32
    %add3A_23 = arith.constant 0 : i32
    %add3A_24 = arith.addi %mul3A_22, %add3A_23 : i32
    "tpu.region"() ({
      %run_scoped3A = tpu.sem_alloc : memref<!tpu.dma_semaphore, #tpu.memory_space<semaphore_mem>>
      %dma_start3A = arith.constant 0 : i32
      %dma_start3A_58 = tpu.memref_slice %arg21[%add3A_24, %dma_start3A] : memref<10240x32xf32, #tpu.memory_space<vmem_shared>> -> memref<256x32xf32, #tpu.memory_space<vmem_shared>>
      %dma_start3A_59 = arith.constant 0 : i32
      %dma_start3A_60 = tpu.memref_slice %arg21[%add3A_24, %dma_start3A_59] : memref<10240x32xf32, #tpu.memory_space<vmem_shared>> -> memref<256x32xf32, #tpu.memory_space<vmem_shared>>
      tpu.enqueue_dma source(%arg17 : memref<256x32xf32, #tpu.memory_space<vmem>>) target(%dma_start3A_60 : memref<256x32xf32, #tpu.memory_space<vmem_shared>>) target_semaphore(%run_scoped3A : memref<!tpu.dma_semaphore, #tpu.memory_space<semaphore_mem>>)
      %dma_wait3A = arith.constant 0 : i32
      %dma_wait3A_61 = tpu.memref_slice %arg21[%add3A_24, %dma_wait3A] : memref<10240x32xf32, #tpu.memory_space<vmem_shared>> -> memref<256x32xf32, #tpu.memory_space<vmem_shared>>
      %dma_wait3A_62 = arith.constant 0 : i32
      %dma_wait3A_63 = tpu.memref_slice %arg21[%add3A_24, %dma_wait3A_62] : memref<10240x32xf32, #tpu.memory_space<vmem_shared>> -> memref<256x32xf32, #tpu.memory_space<vmem_shared>>
      tpu.wait_dma2 semaphore(%run_scoped3A : memref<!tpu.dma_semaphore, #tpu.memory_space<semaphore_mem>>) src(%arg17 : memref<256x32xf32, #tpu.memory_space<vmem>>) dst(%dma_wait3A_63 : memref<256x32xf32, #tpu.memory_space<vmem_shared>>)
      tpu.yield
    }) : () -> ()
    %mul3A_25 = arith.constant 640 : i32
    %mul3A_26 = arith.muli %arg1, %mul3A_25 : i32
    %add3A_27 = arith.constant 256 : i32
    %add3A_28 = arith.addi %mul3A_26, %add3A_27 : i32
    "tpu.region"() ({
      %run_scoped3A = tpu.sem_alloc : memref<!tpu.dma_semaphore, #tpu.memory_space<semaphore_mem>>
      %dma_start3A = arith.constant 0 : i32
      %dma_start3A_58 = tpu.memref_slice %arg21[%add3A_28, %dma_start3A] : memref<10240x32xf32, #tpu.memory_space<vmem_shared>> -> memref<256x32xf32, #tpu.memory_space<vmem_shared>>
      %dma_start3A_59 = arith.constant 0 : i32
      %dma_start3A_60 = tpu.memref_slice %arg21[%add3A_28, %dma_start3A_59] : memref<10240x32xf32, #tpu.memory_space<vmem_shared>> -> memref<256x32xf32, #tpu.memory_space<vmem_shared>>
      tpu.enqueue_dma source(%arg17 : memref<256x32xf32, #tpu.memory_space<vmem>>) target(%dma_start3A_60 : memref<256x32xf32, #tpu.memory_space<vmem_shared>>) target_semaphore(%run_scoped3A : memref<!tpu.dma_semaphore, #tpu.memory_space<semaphore_mem>>)
      %dma_wait3A = arith.constant 0 : i32
      %dma_wait3A_61 = tpu.memref_slice %arg21[%add3A_28, %dma_wait3A] : memref<10240x32xf32, #tpu.memory_space<vmem_shared>> -> memref<256x32xf32, #tpu.memory_space<vmem_shared>>
      %dma_wait3A_62 = arith.constant 0 : i32
      %dma_wait3A_63 = tpu.memref_slice %arg21[%add3A_28, %dma_wait3A_62] : memref<10240x32xf32, #tpu.memory_space<vmem_shared>> -> memref<256x32xf32, #tpu.memory_space<vmem_shared>>
      tpu.wait_dma2 semaphore(%run_scoped3A : memref<!tpu.dma_semaphore, #tpu.memory_space<semaphore_mem>>) src(%arg17 : memref<256x32xf32, #tpu.memory_space<vmem>>) dst(%dma_wait3A_63 : memref<256x32xf32, #tpu.memory_space<vmem_shared>>)
      tpu.yield
    }) : () -> ()
    %mul3A_29 = arith.constant 640 : i32
    %mul3A_30 = arith.muli %arg1, %mul3A_29 : i32
    %add3A_31 = arith.constant 640 : i32
    %add3A_32 = arith.addi %mul3A_30, %add3A_31 : i32
    %sub3A = arith.constant 128 : i32
    %sub3A_33 = arith.subi %add3A_32, %sub3A : i32
    "tpu.region"() ({
      %run_scoped3A = tpu.sem_alloc : memref<!tpu.dma_semaphore, #tpu.memory_space<semaphore_mem>>
      %dma_start3A = arith.constant 0 : i32
      %dma_start3A_58 = arith.constant 0 : i32
      %dma_start3A_59 = tpu.memref_slice %arg17[%dma_start3A, %dma_start3A_58] : memref<256x32xf32, #tpu.memory_space<vmem>> -> memref<128x32xf32, #tpu.memory_space<vmem>>
      %dma_start3A_60 = arith.constant 0 : i32
      %dma_start3A_61 = tpu.memref_slice %arg21[%sub3A_33, %dma_start3A_60] : memref<10240x32xf32, #tpu.memory_space<vmem_shared>> -> memref<128x32xf32, #tpu.memory_space<vmem_shared>>
      %dma_start3A_62 = arith.constant 0 : i32
      %dma_start3A_63 = tpu.memref_slice %arg21[%sub3A_33, %dma_start3A_62] : memref<10240x32xf32, #tpu.memory_space<vmem_shared>> -> memref<128x32xf32, #tpu.memory_space<vmem_shared>>
      %dma_start3A_64 = arith.constant 0 : i32
      %dma_start3A_65 = arith.constant 0 : i32
      %dma_start3A_66 = tpu.memref_slice %arg17[%dma_start3A_64, %dma_start3A_65] : memref<256x32xf32, #tpu.memory_space<vmem>> -> memref<128x32xf32, #tpu.memory_space<vmem>>
      tpu.enqueue_dma source(%dma_start3A_66 : memref<128x32xf32, #tpu.memory_space<vmem>>) target(%dma_start3A_63 : memref<128x32xf32, #tpu.memory_space<vmem_shared>>) target_semaphore(%run_scoped3A : memref<!tpu.dma_semaphore, #tpu.memory_space<semaphore_mem>>)
      %dma_wait3A = arith.constant 0 : i32
      %dma_wait3A_67 = arith.constant 0 : i32
      %dma_wait3A_68 = tpu.memref_slice %arg17[%dma_wait3A, %dma_wait3A_67] : memref<256x32xf32, #tpu.memory_space<vmem>> -> memref<128x32xf32, #tpu.memory_space<vmem>>
      %dma_wait3A_69 = arith.constant 0 : i32
      %dma_wait3A_70 = tpu.memref_slice %arg21[%sub3A_33, %dma_wait3A_69] : memref<10240x32xf32, #tpu.memory_space<vmem_shared>> -> memref<128x32xf32, #tpu.memory_space<vmem_shared>>
      %dma_wait3A_71 = arith.constant 0 : i32
      %dma_wait3A_72 = tpu.memref_slice %arg21[%sub3A_33, %dma_wait3A_71] : memref<10240x32xf32, #tpu.memory_space<vmem_shared>> -> memref<128x32xf32, #tpu.memory_space<vmem_shared>>
      %dma_wait3A_73 = arith.constant 0 : i32
      %dma_wait3A_74 = arith.constant 0 : i32
      %dma_wait3A_75 = tpu.memref_slice %arg17[%dma_wait3A_73, %dma_wait3A_74] : memref<256x32xf32, #tpu.memory_space<vmem>> -> memref<128x32xf32, #tpu.memory_space<vmem>>
      tpu.wait_dma2 semaphore(%run_scoped3A : memref<!tpu.dma_semaphore, #tpu.memory_space<semaphore_mem>>) src(%dma_wait3A_75 : memref<128x32xf32, #tpu.memory_space<vmem>>) dst(%dma_wait3A_72 : memref<128x32xf32, #tpu.memory_space<vmem_shared>>)
      tpu.yield
    }) : () -> ()
    %barrier3A = arith.constant 0 : index
    tpu.barrier barrier_id(%barrier3A)
    %scan3A_34 = arith.constant 0 : i32
    %scan3A_35 = arith.constant 0 : i32
    %scan3A_36 = arith.constant 25 : i32
    %scan3A_37 = arith.addi %scan3A_35, %scan3A_36 : i32
    %scan3A_38 = arith.constant 1 : i32
    scf.for %scan3A_58 = %scan3A_35 to %scan3A_37 step %scan3A_38  : i32 {
      %mul3A_59 = arith.constant 20000 : i32
      %mul3A_60 = arith.muli %arg1, %mul3A_59 : i32
      %mul3A_61 = arith.constant 800 : i32
      %mul3A_62 = arith.muli %scan3A_58, %mul3A_61 : i32
      %add3A_63 = arith.addi %mul3A_60, %mul3A_62 : i32
      "tpu.region"() ({
        %run_scoped3A = tpu.sem_alloc : memref<!tpu.dma_semaphore, #tpu.memory_space<semaphore_mem>>
        %dma_start3A = tpu.memref_slice %arg2[%add3A_63] : memref<320000xi32, #tpu.memory_space<hbm>> -> memref<800xi32, #tpu.memory_space<hbm>>
        %dma_start3A_70 = tpu.memref_slice %arg2[%add3A_63] : memref<320000xi32, #tpu.memory_space<hbm>> -> memref<800xi32, #tpu.memory_space<hbm>>
        tpu.enqueue_dma source(%dma_start3A_70 : memref<800xi32, #tpu.memory_space<hbm>>) target(%arg11 : memref<800xi32, #tpu.memory_space<vmem>>) target_semaphore(%run_scoped3A : memref<!tpu.dma_semaphore, #tpu.memory_space<semaphore_mem>>)
        %dma_wait3A = tpu.memref_slice %arg2[%add3A_63] : memref<320000xi32, #tpu.memory_space<hbm>> -> memref<800xi32, #tpu.memory_space<hbm>>
        %dma_wait3A_71 = tpu.memref_slice %arg2[%add3A_63] : memref<320000xi32, #tpu.memory_space<hbm>> -> memref<800xi32, #tpu.memory_space<hbm>>
        tpu.wait_dma2 semaphore(%run_scoped3A : memref<!tpu.dma_semaphore, #tpu.memory_space<semaphore_mem>>) src(%dma_wait3A_71 : memref<800xi32, #tpu.memory_space<hbm>>) dst(%arg11 : memref<800xi32, #tpu.memory_space<vmem>>)
        tpu.yield
      }) : () -> ()
      "tpu.region"() ({
        %run_scoped3A = tpu.sem_alloc : memref<!tpu.dma_semaphore, #tpu.memory_space<semaphore_mem>>
        %dma_start3A = tpu.memref_slice %arg3[%add3A_63] : memref<320000xi32, #tpu.memory_space<hbm>> -> memref<800xi32, #tpu.memory_space<hbm>>
        %dma_start3A_70 = tpu.memref_slice %arg3[%add3A_63] : memref<320000xi32, #tpu.memory_space<hbm>> -> memref<800xi32, #tpu.memory_space<hbm>>
        tpu.enqueue_dma source(%dma_start3A_70 : memref<800xi32, #tpu.memory_space<hbm>>) target(%arg12 : memref<800xi32, #tpu.memory_space<vmem>>) target_semaphore(%run_scoped3A : memref<!tpu.dma_semaphore, #tpu.memory_space<semaphore_mem>>)
        %dma_wait3A = tpu.memref_slice %arg3[%add3A_63] : memref<320000xi32, #tpu.memory_space<hbm>> -> memref<800xi32, #tpu.memory_space<hbm>>
        %dma_wait3A_71 = tpu.memref_slice %arg3[%add3A_63] : memref<320000xi32, #tpu.memory_space<hbm>> -> memref<800xi32, #tpu.memory_space<hbm>>
        tpu.wait_dma2 semaphore(%run_scoped3A : memref<!tpu.dma_semaphore, #tpu.memory_space<semaphore_mem>>) src(%dma_wait3A_71 : memref<800xi32, #tpu.memory_space<hbm>>) dst(%arg12 : memref<800xi32, #tpu.memory_space<vmem>>)
        tpu.yield
      }) : () -> ()
      %scan3A_64 = arith.constant 0 : i32
      %scan3A_65 = arith.constant 0 : i32
      %scan3A_66 = arith.constant 50 : i32
      %scan3A_67 = arith.addi %scan3A_65, %scan3A_66 : i32
      %scan3A_68 = arith.constant 1 : i32
      scf.for %scan3A_70 = %scan3A_65 to %scan3A_67 step %scan3A_68  : i32 {
        %mul3A_71 = arith.constant 16 : i32
        %mul3A_72 = arith.muli %scan3A_70, %mul3A_71 : i32
        %get3A = arith.index_cast %mul3A_72 : i32 to index
        %get3A_73 = tpu.vector_load %arg11[%get3A] {strides = array<i32>} : memref<800xi32, #tpu.memory_space<vmem>>, vector<16xi32>,
        %mul3A_74 = arith.constant 3 : i32
        %mul3A_75 = vector.broadcast %mul3A_74 : i32 to vector<16xi32>
        %mul3A_76 = arith.muli %get3A_73, %mul3A_75 : vector<16xi32>
        %mul3A_77 = arith.constant 16 : i32
        %mul3A_78 = arith.muli %scan3A_70, %mul3A_77 : i32
        %get3A_79 = arith.index_cast %mul3A_78 : i32 to index
        %get3A_80 = tpu.vector_load %arg12[%get3A_79] {strides = array<i32>} : memref<800xi32, #tpu.memory_space<vmem>>, vector<16xi32>,
        %mul3A_81 = arith.constant 3 : i32
        %mul3A_82 = vector.broadcast %mul3A_81 : i32 to vector<16xi32>
        %mul3A_83 = arith.muli %get3A_80, %mul3A_82 : vector<16xi32>
        %add3A_84 = arith.constant 0 : i32
        %add3A_85 = vector.broadcast %add3A_84 : i32 to vector<16xi32>
        %add3A_86 = arith.addi %mul3A_76, %add3A_85 : vector<16xi32>
        %gather3A = tpu.vector_load_idx %arg8[%add3A_86] : memref<30720xf32, #tpu.memory_space<vmem>>[vector<16xi32>], vector<16xf32>,
        %add3A_87 = arith.constant 0 : i32
        %add3A_88 = vector.broadcast %add3A_87 : i32 to vector<16xi32>
        %add3A_89 = arith.addi %mul3A_83, %add3A_88 : vector<16xi32>
        %gather3A_90 = tpu.vector_load_idx %arg9[%add3A_89] : memref<30720xf32, #tpu.memory_space<vmem>>[vector<16xi32>], vector<16xf32>,
        %add3A_91 = arith.addf %gather3A, %gather3A_90 : vector<16xf32>
        %ge3A = arith.constant 0.000000e+00 : f32
        %ge3A_92 = vector.broadcast %ge3A : f32 to vector<16xf32>
        %ge3A_93 = arith.cmpf oge, %add3A_91, %ge3A_92 : vector<16xf32>
        %mul3A_94 = arith.constant 0.00999999977 : f32
        %mul3A_95 = vector.broadcast %mul3A_94 : f32 to vector<16xf32>
        %mul3A_96 = arith.mulf %mul3A_95, %add3A_91 : vector<16xf32>
        %select_n3A = arith.select %ge3A_93, %add3A_91, %mul3A_96 : vector<16xi1>, vector<16xf32>
        %add3A_97 = arith.constant 0 : i32
        %add3A_98 = vector.broadcast %add3A_97 : i32 to vector<16xi32>
        %add3A_99 = arith.addi %mul3A_83, %add3A_98 : vector<16xi32>
        %shift_right_logical3A = arith.constant 7 : i32
        %shift_right_logical3A_100 = vector.broadcast %shift_right_logical3A : i32 to vector<16xi32>
        %shift_right_logical3A_101 = arith.shrui %add3A_99, %shift_right_logical3A_100 : vector<16xi32>
        %and3A = arith.constant 127 : i32
        %and3A_102 = vector.broadcast %and3A : i32 to vector<16xi32>
        %and3A_103 = arith.andi %add3A_99, %and3A_102 : vector<16xi32>
        %exp3A = math.exp %select_n3A : vector<16xf32>
        tpu.vector_store_idx %arg10[%shift_right_logical3A_101, %and3A_103], %exp3A {add = true} : memref<240x128xf32, #tpu.memory_space<vmem>>[vector<16xi32>, vector<16xi32>], vector<16xf32>,
        %add3A_104 = arith.constant 1 : i32
        %add3A_105 = vector.broadcast %add3A_104 : i32 to vector<16xi32>
        %add3A_106 = arith.addi %mul3A_76, %add3A_105 : vector<16xi32>
        %gather3A_107 = tpu.vector_load_idx %arg8[%add3A_106] : memref<30720xf32, #tpu.memory_space<vmem>>[vector<16xi32>], vector<16xf32>,
        %add3A_108 = arith.constant 1 : i32
        %add3A_109 = vector.broadcast %add3A_108 : i32 to vector<16xi32>
        %add3A_110 = arith.addi %mul3A_83, %add3A_109 : vector<16xi32>
        %gather3A_111 = tpu.vector_load_idx %arg9[%add3A_110] : memref<30720xf32, #tpu.memory_space<vmem>>[vector<16xi32>], vector<16xf32>,
        %add3A_112 = arith.addf %gather3A_107, %gather3A_111 : vector<16xf32>
        %ge3A_113 = arith.constant 0.000000e+00 : f32
        %ge3A_114 = vector.broadcast %ge3A_113 : f32 to vector<16xf32>
        %ge3A_115 = arith.cmpf oge, %add3A_112, %ge3A_114 : vector<16xf32>
        %mul3A_116 = arith.constant 0.00999999977 : f32
        %mul3A_117 = vector.broadcast %mul3A_116 : f32 to vector<16xf32>
        %mul3A_118 = arith.mulf %mul3A_117, %add3A_112 : vector<16xf32>
        %select_n3A_119 = arith.select %ge3A_115, %add3A_112, %mul3A_118 : vector<16xi1>, vector<16xf32>
        %add3A_120 = arith.constant 1 : i32
        %add3A_121 = vector.broadcast %add3A_120 : i32 to vector<16xi32>
        %add3A_122 = arith.addi %mul3A_83, %add3A_121 : vector<16xi32>
        %shift_right_logical3A_123 = arith.constant 7 : i32
        %shift_right_logical3A_124 = vector.broadcast %shift_right_logical3A_123 : i32 to vector<16xi32>
        %shift_right_logical3A_125 = arith.shrui %add3A_122, %shift_right_logical3A_124 : vector<16xi32>
        %and3A_126 = arith.constant 127 : i32
        %and3A_127 = vector.broadcast %and3A_126 : i32 to vector<16xi32>
        %and3A_128 = arith.andi %add3A_122, %and3A_127 : vector<16xi32>
        %exp3A_129 = math.exp %select_n3A_119 : vector<16xf32>
        tpu.vector_store_idx %arg10[%shift_right_logical3A_125, %and3A_128], %exp3A_129 {add = true} : memref<240x128xf32, #tpu.memory_space<vmem>>[vector<16xi32>, vector<16xi32>], vector<16xf32>,
        %add3A_130 = arith.constant 2 : i32
        %add3A_131 = vector.broadcast %add3A_130 : i32 to vector<16xi32>
        %add3A_132 = arith.addi %mul3A_76, %add3A_131 : vector<16xi32>
        %gather3A_133 = tpu.vector_load_idx %arg8[%add3A_132] : memref<30720xf32, #tpu.memory_space<vmem>>[vector<16xi32>], vector<16xf32>,
        %add3A_134 = arith.constant 2 : i32
        %add3A_135 = vector.broadcast %add3A_134 : i32 to vector<16xi32>
        %add3A_136 = arith.addi %mul3A_83, %add3A_135 : vector<16xi32>
        %gather3A_137 = tpu.vector_load_idx %arg9[%add3A_136] : memref<30720xf32, #tpu.memory_space<vmem>>[vector<16xi32>], vector<16xf32>,
        %add3A_138 = arith.addf %gather3A_133, %gather3A_137 : vector<16xf32>
        %ge3A_139 = arith.constant 0.000000e+00 : f32
        %ge3A_140 = vector.broadcast %ge3A_139 : f32 to vector<16xf32>
        %ge3A_141 = arith.cmpf oge, %add3A_138, %ge3A_140 : vector<16xf32>
        %mul3A_142 = arith.constant 0.00999999977 : f32
        %mul3A_143 = vector.broadcast %mul3A_142 : f32 to vector<16xf32>
        %mul3A_144 = arith.mulf %mul3A_143, %add3A_138 : vector<16xf32>
        %select_n3A_145 = arith.select %ge3A_141, %add3A_138, %mul3A_144 : vector<16xi1>, vector<16xf32>
        %add3A_146 = arith.constant 2 : i32
        %add3A_147 = vector.broadcast %add3A_146 : i32 to vector<16xi32>
        %add3A_148 = arith.addi %mul3A_83, %add3A_147 : vector<16xi32>
        %shift_right_logical3A_149 = arith.constant 7 : i32
        %shift_right_logical3A_150 = vector.broadcast %shift_right_logical3A_149 : i32 to vector<16xi32>
        %shift_right_logical3A_151 = arith.shrui %add3A_148, %shift_right_logical3A_150 : vector<16xi32>
        %and3A_152 = arith.constant 127 : i32
        %and3A_153 = vector.broadcast %and3A_152 : i32 to vector<16xi32>
        %and3A_154 = arith.andi %add3A_148, %and3A_153 : vector<16xi32>
        %exp3A_155 = math.exp %select_n3A_145 : vector<16xf32>
        tpu.vector_store_idx %arg10[%shift_right_logical3A_151, %and3A_154], %exp3A_155 {add = true} : memref<240x128xf32, #tpu.memory_space<vmem>>[vector<16xi32>, vector<16xi32>], vector<16xf32>,
      }
      %scan3A_69 = arith.constant 50 : i32
    }
    %scan3A_39 = arith.constant 25 : i32
    "tpu.region"() ({
      %run_scoped3A = tpu.sem_alloc : memref<!tpu.dma_semaphore, #tpu.memory_space<semaphore_mem>>
      %dma_start3A = arith.constant 0 : i32
      %dma_start3A_58 = arith.constant 0 : i32
      %dma_start3A_59 = tpu.memref_slice %arg20[%dma_start3A, %dma_start3A_58] : memref<240x128xf32, #tpu.memory_space<vmem_shared>> -> memref<240x128xf32, #tpu.memory_space<vmem_shared>>
      tpu.enqueue_indirect_dma source(%arg10 : memref<240x128xf32, #tpu.memory_space<vmem>>) target(%dma_start3A_59 : memref<240x128xf32, #tpu.memory_space<vmem_shared>>) offsets(%arg19 : memref<240xi32, #tpu.memory_space<vmem>>) semaphore(%run_scoped3A : memref<!tpu.dma_semaphore, #tpu.memory_space<semaphore_mem>>) {add = true}
      %dma_wait3A = arith.constant 0 : i32
      %dma_wait3A_60 = arith.constant 0 : i32
      %dma_wait3A_61 = tpu.memref_slice %arg20[%dma_wait3A, %dma_wait3A_60] : memref<240x128xf32, #tpu.memory_space<vmem_shared>> -> memref<240x128xf32, #tpu.memory_space<vmem_shared>>
      tpu.wait_indirect_dma semaphore(%run_scoped3A : memref<!tpu.dma_semaphore, #tpu.memory_space<semaphore_mem>>) src(%arg10 : memref<240x128xf32, #tpu.memory_space<vmem>>) dst(%dma_wait3A_61 : memref<240x128xf32, #tpu.memory_space<vmem_shared>>)
      tpu.yield
    }) : () -> ()
    %barrier3A_40 = arith.constant 0 : index
    tpu.barrier barrier_id(%barrier3A_40)
    "tpu.region"() ({
      %run_scoped3A = tpu.sem_alloc : memref<!tpu.dma_semaphore, #tpu.memory_space<semaphore_mem>>
      tpu.enqueue_dma source(%arg20 : memref<240x128xf32, #tpu.memory_space<vmem_shared>>) target(%arg10 : memref<240x128xf32, #tpu.memory_space<vmem>>) target_semaphore(%run_scoped3A : memref<!tpu.dma_semaphore, #tpu.memory_space<semaphore_mem>>)
      tpu.wait_dma2 semaphore(%run_scoped3A : memref<!tpu.dma_semaphore, #tpu.memory_space<semaphore_mem>>) src(%arg20 : memref<240x128xf32, #tpu.memory_space<vmem_shared>>) dst(%arg10 : memref<240x128xf32, #tpu.memory_space<vmem>>)
      tpu.yield
    }) : () -> ()
    %scan3A_41 = arith.constant 0 : i32
    %scan3A_42 = arith.constant 0 : i32
    %scan3A_43 = arith.constant 240 : i32
    %scan3A_44 = arith.addi %scan3A_42, %scan3A_43 : i32
    %scan3A_45 = arith.constant 1 : i32
    scf.for %scan3A_58 = %scan3A_42 to %scan3A_44 step %scan3A_45  : i32 {
      %get3A = arith.index_cast %scan3A_58 : i32 to index
      %get3A_59 = arith.constant 0 : index
      %get3A_60 = tpu.vector_load %arg10[%get3A, %get3A_59] {strides = array<i32>} : memref<240x128xf32, #tpu.memory_space<vmem>>, vector<16xf32>,
      %add3A_61 = arith.constant 1.000000e-16 : f32
      %add3A_62 = vector.broadcast %add3A_61 : f32 to vector<16xf32>
      %add3A_63 = arith.addf %get3A_60, %add3A_62 : vector<16xf32>
      %div3A = arith.constant 1.000000e+00 : f32
      %div3A_64 = vector.broadcast %div3A : f32 to vector<16xf32>
      %div3A_65 = arith.divf %div3A_64, %add3A_63 : vector<16xf32>
      %swap3A = arith.index_cast %scan3A_58 : i32 to index
      %swap3A_66 = arith.constant 0 : index
      %swap3A_67 = tpu.vector_load %arg10[%swap3A, %swap3A_66] {strides = array<i32>} : memref<240x128xf32, #tpu.memory_space<vmem>>, vector<16xf32>,
      tpu.vector_store %arg10[%swap3A, %swap3A_66], %div3A_65 {strides = array<i32>} : memref<240x128xf32, #tpu.memory_space<vmem>>, vector<16xf32>,
      %get3A_68 = arith.index_cast %scan3A_58 : i32 to index
      %get3A_69 = arith.constant 16 : index
      %get3A_70 = tpu.vector_load %arg10[%get3A_68, %get3A_69] {strides = array<i32>} : memref<240x128xf32, #tpu.memory_space<vmem>>, vector<16xf32>,
      %add3A_71 = arith.constant 1.000000e-16 : f32
      %add3A_72 = vector.broadcast %add3A_71 : f32 to vector<16xf32>
      %add3A_73 = arith.addf %get3A_70, %add3A_72 : vector<16xf32>
      %div3A_74 = arith.constant 1.000000e+00 : f32
      %div3A_75 = vector.broadcast %div3A_74 : f32 to vector<16xf32>
      %div3A_76 = arith.divf %div3A_75, %add3A_73 : vector<16xf32>
      %swap3A_77 = arith.index_cast %scan3A_58 : i32 to index
      %swap3A_78 = arith.constant 16 : index
      %swap3A_79 = tpu.vector_load %arg10[%swap3A_77, %swap3A_78] {strides = array<i32>} : memref<240x128xf32, #tpu.memory_space<vmem>>, vector<16xf32>,
      tpu.vector_store %arg10[%swap3A_77, %swap3A_78], %div3A_76 {strides = array<i32>} : memref<240x128xf32, #tpu.memory_space<vmem>>, vector<16xf32>,
      %get3A_80 = arith.index_cast %scan3A_58 : i32 to index
      %get3A_81 = arith.constant 32 : index
      %get3A_82 = tpu.vector_load %arg10[%get3A_80, %get3A_81] {strides = array<i32>} : memref<240x128xf32, #tpu.memory_space<vmem>>, vector<16xf32>,
      %add3A_83 = arith.constant 1.000000e-16 : f32
      %add3A_84 = vector.broadcast %add3A_83 : f32 to vector<16xf32>
      %add3A_85 = arith.addf %get3A_82, %add3A_84 : vector<16xf32>
      %div3A_86 = arith.constant 1.000000e+00 : f32
      %div3A_87 = vector.broadcast %div3A_86 : f32 to vector<16xf32>
      %div3A_88 = arith.divf %div3A_87, %add3A_85 : vector<16xf32>
      %swap3A_89 = arith.index_cast %scan3A_58 : i32 to index
      %swap3A_90 = arith.constant 32 : index
      %swap3A_91 = tpu.vector_load %arg10[%swap3A_89, %swap3A_90] {strides = array<i32>} : memref<240x128xf32, #tpu.memory_space<vmem>>, vector<16xf32>,
      tpu.vector_store %arg10[%swap3A_89, %swap3A_90], %div3A_88 {strides = array<i32>} : memref<240x128xf32, #tpu.memory_space<vmem>>, vector<16xf32>,
      %get3A_92 = arith.index_cast %scan3A_58 : i32 to index
      %get3A_93 = arith.constant 48 : index
      %get3A_94 = tpu.vector_load %arg10[%get3A_92, %get3A_93] {strides = array<i32>} : memref<240x128xf32, #tpu.memory_space<vmem>>, vector<16xf32>,
      %add3A_95 = arith.constant 1.000000e-16 : f32
      %add3A_96 = vector.broadcast %add3A_95 : f32 to vector<16xf32>
      %add3A_97 = arith.addf %get3A_94, %add3A_96 : vector<16xf32>
      %div3A_98 = arith.constant 1.000000e+00 : f32
      %div3A_99 = vector.broadcast %div3A_98 : f32 to vector<16xf32>
      %div3A_100 = arith.divf %div3A_99, %add3A_97 : vector<16xf32>
      %swap3A_101 = arith.index_cast %scan3A_58 : i32 to index
      %swap3A_102 = arith.constant 48 : index
      %swap3A_103 = tpu.vector_load %arg10[%swap3A_101, %swap3A_102] {strides = array<i32>} : memref<240x128xf32, #tpu.memory_space<vmem>>, vector<16xf32>,
      tpu.vector_store %arg10[%swap3A_101, %swap3A_102], %div3A_100 {strides = array<i32>} : memref<240x128xf32, #tpu.memory_space<vmem>>, vector<16xf32>,
      %get3A_104 = arith.index_cast %scan3A_58 : i32 to index
      %get3A_105 = arith.constant 64 : index
      %get3A_106 = tpu.vector_load %arg10[%get3A_104, %get3A_105] {strides = array<i32>} : memref<240x128xf32, #tpu.memory_space<vmem>>, vector<16xf32>,
      %add3A_107 = arith.constant 1.000000e-16 : f32
      %add3A_108 = vector.broadcast %add3A_107 : f32 to vector<16xf32>
      %add3A_109 = arith.addf %get3A_106, %add3A_108 : vector<16xf32>
      %div3A_110 = arith.constant 1.000000e+00 : f32
      %div3A_111 = vector.broadcast %div3A_110 : f32 to vector<16xf32>
      %div3A_112 = arith.divf %div3A_111, %add3A_109 : vector<16xf32>
      %swap3A_113 = arith.index_cast %scan3A_58 : i32 to index
      %swap3A_114 = arith.constant 64 : index
      %swap3A_115 = tpu.vector_load %arg10[%swap3A_113, %swap3A_114] {strides = array<i32>} : memref<240x128xf32, #tpu.memory_space<vmem>>, vector<16xf32>,
      tpu.vector_store %arg10[%swap3A_113, %swap3A_114], %div3A_112 {strides = array<i32>} : memref<240x128xf32, #tpu.memory_space<vmem>>, vector<16xf32>,
      %get3A_116 = arith.index_cast %scan3A_58 : i32 to index
      %get3A_117 = arith.constant 80 : index
      %get3A_118 = tpu.vector_load %arg10[%get3A_116, %get3A_117] {strides = array<i32>} : memref<240x128xf32, #tpu.memory_space<vmem>>, vector<16xf32>,
      %add3A_119 = arith.constant 1.000000e-16 : f32
      %add3A_120 = vector.broadcast %add3A_119 : f32 to vector<16xf32>
      %add3A_121 = arith.addf %get3A_118, %add3A_120 : vector<16xf32>
      %div3A_122 = arith.constant 1.000000e+00 : f32
      %div3A_123 = vector.broadcast %div3A_122 : f32 to vector<16xf32>
      %div3A_124 = arith.divf %div3A_123, %add3A_121 : vector<16xf32>
      %swap3A_125 = arith.index_cast %scan3A_58 : i32 to index
      %swap3A_126 = arith.constant 80 : index
      %swap3A_127 = tpu.vector_load %arg10[%swap3A_125, %swap3A_126] {strides = array<i32>} : memref<240x128xf32, #tpu.memory_space<vmem>>, vector<16xf32>,
      tpu.vector_store %arg10[%swap3A_125, %swap3A_126], %div3A_124 {strides = array<i32>} : memref<240x128xf32, #tpu.memory_space<vmem>>, vector<16xf32>,
      %get3A_128 = arith.index_cast %scan3A_58 : i32 to index
      %get3A_129 = arith.constant 96 : index
      %get3A_130 = tpu.vector_load %arg10[%get3A_128, %get3A_129] {strides = array<i32>} : memref<240x128xf32, #tpu.memory_space<vmem>>, vector<16xf32>,
      %add3A_131 = arith.constant 1.000000e-16 : f32
      %add3A_132 = vector.broadcast %add3A_131 : f32 to vector<16xf32>
      %add3A_133 = arith.addf %get3A_130, %add3A_132 : vector<16xf32>
      %div3A_134 = arith.constant 1.000000e+00 : f32
      %div3A_135 = vector.broadcast %div3A_134 : f32 to vector<16xf32>
      %div3A_136 = arith.divf %div3A_135, %add3A_133 : vector<16xf32>
      %swap3A_137 = arith.index_cast %scan3A_58 : i32 to index
      %swap3A_138 = arith.constant 96 : index
      %swap3A_139 = tpu.vector_load %arg10[%swap3A_137, %swap3A_138] {strides = array<i32>} : memref<240x128xf32, #tpu.memory_space<vmem>>, vector<16xf32>,
      tpu.vector_store %arg10[%swap3A_137, %swap3A_138], %div3A_136 {strides = array<i32>} : memref<240x128xf32, #tpu.memory_space<vmem>>, vector<16xf32>,
      %get3A_140 = arith.index_cast %scan3A_58 : i32 to index
      %get3A_141 = arith.constant 112 : index
      %get3A_142 = tpu.vector_load %arg10[%get3A_140, %get3A_141] {strides = array<i32>} : memref<240x128xf32, #tpu.memory_space<vmem>>, vector<16xf32>,
      %add3A_143 = arith.constant 1.000000e-16 : f32
      %add3A_144 = vector.broadcast %add3A_143 : f32 to vector<16xf32>
      %add3A_145 = arith.addf %get3A_142, %add3A_144 : vector<16xf32>
      %div3A_146 = arith.constant 1.000000e+00 : f32
      %div3A_147 = vector.broadcast %div3A_146 : f32 to vector<16xf32>
      %div3A_148 = arith.divf %div3A_147, %add3A_145 : vector<16xf32>
      %swap3A_149 = arith.index_cast %scan3A_58 : i32 to index
      %swap3A_150 = arith.constant 112 : index
      %swap3A_151 = tpu.vector_load %arg10[%swap3A_149, %swap3A_150] {strides = array<i32>} : memref<240x128xf32, #tpu.memory_space<vmem>>, vector<16xf32>,
      tpu.vector_store %arg10[%swap3A_149, %swap3A_150], %div3A_148 {strides = array<i32>} : memref<240x128xf32, #tpu.memory_space<vmem>>, vector<16xf32>,
    }
    %scan3A_46 = arith.constant 240 : i32
    %scan3A_47 = arith.constant 0 : i32
    %scan3A_48 = arith.constant 0 : i32
    %scan3A_49 = arith.constant 40 : i32
    %scan3A_50 = arith.addi %scan3A_48, %scan3A_49 : i32
    %scan3A_51 = arith.constant 1 : i32
    scf.for %scan3A_58 = %scan3A_48 to %scan3A_50 step %scan3A_51  : i32 {
      %mul3A_59 = arith.constant 32 : i32
      %mul3A_60 = arith.muli %mul3A_59, %scan3A_58 : i32
      %add3A_61 = arith.addi %add3A, %mul3A_60 : i32
      %lt3A = arith.constant 1250 : i32
      %lt3A_62 = arith.cmpi slt, %add3A_61, %lt3A : i32
      %convert_element_type3A = arith.extui %lt3A_62 : i1 to i32
      %cond3A = arith.constant 0 : i32
      %cond3A_63 = arith.cmpi ne, %convert_element_type3A, %cond3A : i32
      scf.if %cond3A_63 {
        %mul3A_64 = arith.constant 256 : i32
        %mul3A_65 = arith.muli %add3A_61, %mul3A_64 : i32
        %add3A_66 = arith.constant 0 : i32
        %add3A_67 = arith.addi %mul3A_65, %add3A_66 : i32
        "tpu.region"() ({
          %run_scoped3A = tpu.sem_alloc : memref<!tpu.dma_semaphore, #tpu.memory_space<semaphore_mem>>
          %dma_start3A_114 = tpu.memref_slice %arg2[%add3A_67] : memref<320000xi32, #tpu.memory_space<hbm>> -> memref<128xi32, #tpu.memory_space<hbm>>
          %dma_start3A_115 = tpu.memref_slice %arg2[%add3A_67] : memref<320000xi32, #tpu.memory_space<hbm>> -> memref<128xi32, #tpu.memory_space<hbm>>
          tpu.enqueue_dma source(%dma_start3A_115 : memref<128xi32, #tpu.memory_space<hbm>>) target(%arg13 : memref<128xi32, #tpu.memory_space<vmem>>) target_semaphore(%run_scoped3A : memref<!tpu.dma_semaphore, #tpu.memory_space<semaphore_mem>>)
          %dma_wait3A_116 = tpu.memref_slice %arg2[%add3A_67] : memref<320000xi32, #tpu.memory_space<hbm>> -> memref<128xi32, #tpu.memory_space<hbm>>
          %dma_wait3A_117 = tpu.memref_slice %arg2[%add3A_67] : memref<320000xi32, #tpu.memory_space<hbm>> -> memref<128xi32, #tpu.memory_space<hbm>>
          tpu.wait_dma2 semaphore(%run_scoped3A : memref<!tpu.dma_semaphore, #tpu.memory_space<semaphore_mem>>) src(%dma_wait3A_117 : memref<128xi32, #tpu.memory_space<hbm>>) dst(%arg13 : memref<128xi32, #tpu.memory_space<vmem>>)
          tpu.yield
        }) : () -> ()
        %add3A_68 = arith.constant 0 : i32
        %add3A_69 = arith.addi %mul3A_65, %add3A_68 : i32
        "tpu.region"() ({
          %run_scoped3A = tpu.sem_alloc : memref<!tpu.dma_semaphore, #tpu.memory_space<semaphore_mem>>
          %dma_start3A_114 = tpu.memref_slice %arg3[%add3A_69] : memref<320000xi32, #tpu.memory_space<hbm>> -> memref<128xi32, #tpu.memory_space<hbm>>
          %dma_start3A_115 = tpu.memref_slice %arg3[%add3A_69] : memref<320000xi32, #tpu.memory_space<hbm>> -> memref<128xi32, #tpu.memory_space<hbm>>
          tpu.enqueue_dma source(%dma_start3A_115 : memref<128xi32, #tpu.memory_space<hbm>>) target(%arg15 : memref<128xi32, #tpu.memory_space<vmem>>) target_semaphore(%run_scoped3A : memref<!tpu.dma_semaphore, #tpu.memory_space<semaphore_mem>>)
          %dma_wait3A_116 = tpu.memref_slice %arg3[%add3A_69] : memref<320000xi32, #tpu.memory_space<hbm>> -> memref<128xi32, #tpu.memory_space<hbm>>
          %dma_wait3A_117 = tpu.memref_slice %arg3[%add3A_69] : memref<320000xi32, #tpu.memory_space<hbm>> -> memref<128xi32, #tpu.memory_space<hbm>>
          tpu.wait_dma2 semaphore(%run_scoped3A : memref<!tpu.dma_semaphore, #tpu.memory_space<semaphore_mem>>) src(%dma_wait3A_117 : memref<128xi32, #tpu.memory_space<hbm>>) dst(%arg15 : memref<128xi32, #tpu.memory_space<vmem>>)
          tpu.yield
        }) : () -> ()
        %add3A_70 = arith.constant 128 : i32
        %add3A_71 = arith.addi %mul3A_65, %add3A_70 : i32
        "tpu.region"() ({
          %run_scoped3A = tpu.sem_alloc : memref<!tpu.dma_semaphore, #tpu.memory_space<semaphore_mem>>
          %dma_start3A_114 = tpu.memref_slice %arg2[%add3A_71] : memref<320000xi32, #tpu.memory_space<hbm>> -> memref<128xi32, #tpu.memory_space<hbm>>
          %dma_start3A_115 = tpu.memref_slice %arg2[%add3A_71] : memref<320000xi32, #tpu.memory_space<hbm>> -> memref<128xi32, #tpu.memory_space<hbm>>
          tpu.enqueue_dma source(%dma_start3A_115 : memref<128xi32, #tpu.memory_space<hbm>>) target(%arg14 : memref<128xi32, #tpu.memory_space<vmem>>) target_semaphore(%run_scoped3A : memref<!tpu.dma_semaphore, #tpu.memory_space<semaphore_mem>>)
          %dma_wait3A_116 = tpu.memref_slice %arg2[%add3A_71] : memref<320000xi32, #tpu.memory_space<hbm>> -> memref<128xi32, #tpu.memory_space<hbm>>
          %dma_wait3A_117 = tpu.memref_slice %arg2[%add3A_71] : memref<320000xi32, #tpu.memory_space<hbm>> -> memref<128xi32, #tpu.memory_space<hbm>>
          tpu.wait_dma2 semaphore(%run_scoped3A : memref<!tpu.dma_semaphore, #tpu.memory_space<semaphore_mem>>) src(%dma_wait3A_117 : memref<128xi32, #tpu.memory_space<hbm>>) dst(%arg14 : memref<128xi32, #tpu.memory_space<vmem>>)
          tpu.yield
        }) : () -> ()
        %add3A_72 = arith.constant 128 : i32
        %add3A_73 = arith.addi %mul3A_65, %add3A_72 : i32
        "tpu.region"() ({
          %run_scoped3A = tpu.sem_alloc : memref<!tpu.dma_semaphore, #tpu.memory_space<semaphore_mem>>
          %dma_start3A_114 = tpu.memref_slice %arg3[%add3A_73] : memref<320000xi32, #tpu.memory_space<hbm>> -> memref<128xi32, #tpu.memory_space<hbm>>
          %dma_start3A_115 = tpu.memref_slice %arg3[%add3A_73] : memref<320000xi32, #tpu.memory_space<hbm>> -> memref<128xi32, #tpu.memory_space<hbm>>
          tpu.enqueue_dma source(%dma_start3A_115 : memref<128xi32, #tpu.memory_space<hbm>>) target(%arg16 : memref<128xi32, #tpu.memory_space<vmem>>) target_semaphore(%run_scoped3A : memref<!tpu.dma_semaphore, #tpu.memory_space<semaphore_mem>>)
          %dma_wait3A_116 = tpu.memref_slice %arg3[%add3A_73] : memref<320000xi32, #tpu.memory_space<hbm>> -> memref<128xi32, #tpu.memory_space<hbm>>
          %dma_wait3A_117 = tpu.memref_slice %arg3[%add3A_73] : memref<320000xi32, #tpu.memory_space<hbm>> -> memref<128xi32, #tpu.memory_space<hbm>>
          tpu.wait_dma2 semaphore(%run_scoped3A : memref<!tpu.dma_semaphore, #tpu.memory_space<semaphore_mem>>) src(%dma_wait3A_117 : memref<128xi32, #tpu.memory_space<hbm>>) dst(%arg16 : memref<128xi32, #tpu.memory_space<vmem>>)
          tpu.yield
        }) : () -> ()
        %dma_start3A = arith.constant 0 : i32
        %dma_start3A_74 = arith.constant 0 : i32
        %dma_start3A_75 = tpu.memref_slice %arg17[%dma_start3A, %dma_start3A_74] : memref<256x32xf32, #tpu.memory_space<vmem>> -> memref<128x32xf32, #tpu.memory_space<vmem>>
        %dma_start3A_76 = arith.constant 0 : i32
        %dma_start3A_77 = arith.constant 0 : i32
        %dma_start3A_78 = tpu.memref_slice %arg6[%dma_start3A_76, %dma_start3A_77] : memref<10240x32xf32, #tpu.memory_space<hbm>> -> memref<10240x32xf32, #tpu.memory_space<hbm>>
        tpu.enqueue_indirect_dma source(%dma_start3A_78 : memref<10240x32xf32, #tpu.memory_space<hbm>>) target(%dma_start3A_75 : memref<128x32xf32, #tpu.memory_space<vmem>>) offsets(%arg13 : memref<128xi32, #tpu.memory_space<vmem>>) semaphore(%arg22 : memref<!tpu.dma_semaphore, #tpu.memory_space<semaphore_mem>>)
        %dma_start3A_79 = arith.constant 128 : i32
        %dma_start3A_80 = arith.constant 0 : i32
        %dma_start3A_81 = tpu.memref_slice %arg17[%dma_start3A_79, %dma_start3A_80] : memref<256x32xf32, #tpu.memory_space<vmem>> -> memref<128x32xf32, #tpu.memory_space<vmem>>
        %dma_start3A_82 = arith.constant 0 : i32
        %dma_start3A_83 = arith.constant 0 : i32
        %dma_start3A_84 = tpu.memref_slice %arg6[%dma_start3A_82, %dma_start3A_83] : memref<10240x32xf32, #tpu.memory_space<hbm>> -> memref<10240x32xf32, #tpu.memory_space<hbm>>
        tpu.enqueue_indirect_dma source(%dma_start3A_84 : memref<10240x32xf32, #tpu.memory_space<hbm>>) target(%dma_start3A_81 : memref<128x32xf32, #tpu.memory_space<vmem>>) offsets(%arg14 : memref<128xi32, #tpu.memory_space<vmem>>) semaphore(%arg22 : memref<!tpu.dma_semaphore, #tpu.memory_space<semaphore_mem>>)
        %dma_wait3A = arith.constant 0 : i32
        %dma_wait3A_85 = arith.constant 0 : i32
        %dma_wait3A_86 = tpu.memref_slice %arg17[%dma_wait3A, %dma_wait3A_85] : memref<256x32xf32, #tpu.memory_space<vmem>> -> memref<128x32xf32, #tpu.memory_space<vmem>>
        %dma_wait3A_87 = arith.constant 0 : i32
        %dma_wait3A_88 = arith.constant 0 : i32
        %dma_wait3A_89 = tpu.memref_slice %arg6[%dma_wait3A_87, %dma_wait3A_88] : memref<10240x32xf32, #tpu.memory_space<hbm>> -> memref<10240x32xf32, #tpu.memory_space<hbm>>
        tpu.wait_indirect_dma semaphore(%arg22 : memref<!tpu.dma_semaphore, #tpu.memory_space<semaphore_mem>>) src(%dma_wait3A_89 : memref<10240x32xf32, #tpu.memory_space<hbm>>) dst(%dma_wait3A_86 : memref<128x32xf32, #tpu.memory_space<vmem>>)
        %dma_wait3A_90 = arith.constant 128 : i32
        %dma_wait3A_91 = arith.constant 0 : i32
        %dma_wait3A_92 = tpu.memref_slice %arg17[%dma_wait3A_90, %dma_wait3A_91] : memref<256x32xf32, #tpu.memory_space<vmem>> -> memref<128x32xf32, #tpu.memory_space<vmem>>
        %dma_wait3A_93 = arith.constant 0 : i32
        %dma_wait3A_94 = arith.constant 0 : i32
        %dma_wait3A_95 = tpu.memref_slice %arg6[%dma_wait3A_93, %dma_wait3A_94] : memref<10240x32xf32, #tpu.memory_space<hbm>> -> memref<10240x32xf32, #tpu.memory_space<hbm>>
        tpu.wait_indirect_dma semaphore(%arg22 : memref<!tpu.dma_semaphore, #tpu.memory_space<semaphore_mem>>) src(%dma_wait3A_95 : memref<10240x32xf32, #tpu.memory_space<hbm>>) dst(%dma_wait3A_92 : memref<128x32xf32, #tpu.memory_space<vmem>>)
        %scan3A_96 = arith.constant 0 : i32
        %scan3A_97 = arith.constant 0 : i32
        %scan3A_98 = arith.constant 8 : i32
        %scan3A_99 = arith.addi %scan3A_97, %scan3A_98 : i32
        %scan3A_100 = arith.constant 1 : i32
        scf.for %scan3A_114 = %scan3A_97 to %scan3A_99 step %scan3A_100  : i32 {
          %mul3A_115 = arith.constant 16 : i32
          %mul3A_116 = arith.muli %scan3A_114, %mul3A_115 : i32
          %get3A = arith.index_cast %mul3A_116 : i32 to index
          %get3A_117 = tpu.vector_load %arg13[%get3A] {strides = array<i32>} : memref<128xi32, #tpu.memory_space<vmem>>, vector<16xi32>,
          %mul3A_118 = arith.constant 3 : i32
          %mul3A_119 = vector.broadcast %mul3A_118 : i32 to vector<16xi32>
          %mul3A_120 = arith.muli %get3A_117, %mul3A_119 : vector<16xi32>
          %mul3A_121 = arith.constant 16 : i32
          %mul3A_122 = arith.muli %scan3A_114, %mul3A_121 : i32
          %get3A_123 = arith.index_cast %mul3A_122 : i32 to index
          %get3A_124 = tpu.vector_load %arg15[%get3A_123] {strides = array<i32>} : memref<128xi32, #tpu.memory_space<vmem>>, vector<16xi32>,
          %mul3A_125 = arith.constant 3 : i32
          %mul3A_126 = vector.broadcast %mul3A_125 : i32 to vector<16xi32>
          %mul3A_127 = arith.muli %get3A_124, %mul3A_126 : vector<16xi32>
          %add3A_128 = arith.constant 0 : i32
          %add3A_129 = vector.broadcast %add3A_128 : i32 to vector<16xi32>
          %add3A_130 = arith.addi %mul3A_120, %add3A_129 : vector<16xi32>
          %gather3A = tpu.vector_load_idx %arg8[%add3A_130] : memref<30720xf32, #tpu.memory_space<vmem>>[vector<16xi32>], vector<16xf32>,
          %add3A_131 = arith.constant 0 : i32
          %add3A_132 = vector.broadcast %add3A_131 : i32 to vector<16xi32>
          %add3A_133 = arith.addi %mul3A_127, %add3A_132 : vector<16xi32>
          %gather3A_134 = tpu.vector_load_idx %arg9[%add3A_133] : memref<30720xf32, #tpu.memory_space<vmem>>[vector<16xi32>], vector<16xf32>,
          %add3A_135 = arith.addf %gather3A, %gather3A_134 : vector<16xf32>
          %ge3A = arith.constant 0.000000e+00 : f32
          %ge3A_136 = vector.broadcast %ge3A : f32 to vector<16xf32>
          %ge3A_137 = arith.cmpf oge, %add3A_135, %ge3A_136 : vector<16xf32>
          %mul3A_138 = arith.constant 0.00999999977 : f32
          %mul3A_139 = vector.broadcast %mul3A_138 : f32 to vector<16xf32>
          %mul3A_140 = arith.mulf %mul3A_139, %add3A_135 : vector<16xf32>
          %select_n3A = arith.select %ge3A_137, %add3A_135, %mul3A_140 : vector<16xi1>, vector<16xf32>
          %add3A_141 = arith.constant 0 : i32
          %add3A_142 = vector.broadcast %add3A_141 : i32 to vector<16xi32>
          %add3A_143 = arith.addi %mul3A_127, %add3A_142 : vector<16xi32>
          %shift_right_logical3A = arith.constant 7 : i32
          %shift_right_logical3A_144 = vector.broadcast %shift_right_logical3A : i32 to vector<16xi32>
          %shift_right_logical3A_145 = arith.shrui %add3A_143, %shift_right_logical3A_144 : vector<16xi32>
          %and3A = arith.constant 127 : i32
          %and3A_146 = vector.broadcast %and3A : i32 to vector<16xi32>
          %and3A_147 = arith.andi %add3A_143, %and3A_146 : vector<16xi32>
          %gather3A_148 = tpu.vector_load_idx %arg10[%shift_right_logical3A_145, %and3A_147] : memref<240x128xf32, #tpu.memory_space<vmem>>[vector<16xi32>, vector<16xi32>], vector<16xf32>,
          %exp3A = math.exp %select_n3A : vector<16xf32>
          %mul3A_149 = arith.mulf %exp3A, %gather3A_148 : vector<16xf32>
          %add3A_150 = arith.addf %broadcast_in_dim3A_1, %mul3A_149 : vector<16xf32>
          %add3A_151 = arith.constant 1 : i32
          %add3A_152 = vector.broadcast %add3A_151 : i32 to vector<16xi32>
          %add3A_153 = arith.addi %mul3A_120, %add3A_152 : vector<16xi32>
          %gather3A_154 = tpu.vector_load_idx %arg8[%add3A_153] : memref<30720xf32, #tpu.memory_space<vmem>>[vector<16xi32>], vector<16xf32>,
          %add3A_155 = arith.constant 1 : i32
          %add3A_156 = vector.broadcast %add3A_155 : i32 to vector<16xi32>
          %add3A_157 = arith.addi %mul3A_127, %add3A_156 : vector<16xi32>
          %gather3A_158 = tpu.vector_load_idx %arg9[%add3A_157] : memref<30720xf32, #tpu.memory_space<vmem>>[vector<16xi32>], vector<16xf32>,
          %add3A_159 = arith.addf %gather3A_154, %gather3A_158 : vector<16xf32>
          %ge3A_160 = arith.constant 0.000000e+00 : f32
          %ge3A_161 = vector.broadcast %ge3A_160 : f32 to vector<16xf32>
          %ge3A_162 = arith.cmpf oge, %add3A_159, %ge3A_161 : vector<16xf32>
          %mul3A_163 = arith.constant 0.00999999977 : f32
          %mul3A_164 = vector.broadcast %mul3A_163 : f32 to vector<16xf32>
          %mul3A_165 = arith.mulf %mul3A_164, %add3A_159 : vector<16xf32>
          %select_n3A_166 = arith.select %ge3A_162, %add3A_159, %mul3A_165 : vector<16xi1>, vector<16xf32>
          %add3A_167 = arith.constant 1 : i32
          %add3A_168 = vector.broadcast %add3A_167 : i32 to vector<16xi32>
          %add3A_169 = arith.addi %mul3A_127, %add3A_168 : vector<16xi32>
          %shift_right_logical3A_170 = arith.constant 7 : i32
          %shift_right_logical3A_171 = vector.broadcast %shift_right_logical3A_170 : i32 to vector<16xi32>
          %shift_right_logical3A_172 = arith.shrui %add3A_169, %shift_right_logical3A_171 : vector<16xi32>
          %and3A_173 = arith.constant 127 : i32
          %and3A_174 = vector.broadcast %and3A_173 : i32 to vector<16xi32>
          %and3A_175 = arith.andi %add3A_169, %and3A_174 : vector<16xi32>
          %gather3A_176 = tpu.vector_load_idx %arg10[%shift_right_logical3A_172, %and3A_175] : memref<240x128xf32, #tpu.memory_space<vmem>>[vector<16xi32>, vector<16xi32>], vector<16xf32>,
          %exp3A_177 = math.exp %select_n3A_166 : vector<16xf32>
          %mul3A_178 = arith.mulf %exp3A_177, %gather3A_176 : vector<16xf32>
          %add3A_179 = arith.addf %add3A_150, %mul3A_178 : vector<16xf32>
          %add3A_180 = arith.constant 2 : i32
          %add3A_181 = vector.broadcast %add3A_180 : i32 to vector<16xi32>
          %add3A_182 = arith.addi %mul3A_120, %add3A_181 : vector<16xi32>
          %gather3A_183 = tpu.vector_load_idx %arg8[%add3A_182] : memref<30720xf32, #tpu.memory_space<vmem>>[vector<16xi32>], vector<16xf32>,
          %add3A_184 = arith.constant 2 : i32
          %add3A_185 = vector.broadcast %add3A_184 : i32 to vector<16xi32>
          %add3A_186 = arith.addi %mul3A_127, %add3A_185 : vector<16xi32>
          %gather3A_187 = tpu.vector_load_idx %arg9[%add3A_186] : memref<30720xf32, #tpu.memory_space<vmem>>[vector<16xi32>], vector<16xf32>,
          %add3A_188 = arith.addf %gather3A_183, %gather3A_187 : vector<16xf32>
          %ge3A_189 = arith.constant 0.000000e+00 : f32
          %ge3A_190 = vector.broadcast %ge3A_189 : f32 to vector<16xf32>
          %ge3A_191 = arith.cmpf oge, %add3A_188, %ge3A_190 : vector<16xf32>
          %mul3A_192 = arith.constant 0.00999999977 : f32
          %mul3A_193 = vector.broadcast %mul3A_192 : f32 to vector<16xf32>
          %mul3A_194 = arith.mulf %mul3A_193, %add3A_188 : vector<16xf32>
          %select_n3A_195 = arith.select %ge3A_191, %add3A_188, %mul3A_194 : vector<16xi1>, vector<16xf32>
          %add3A_196 = arith.constant 2 : i32
          %add3A_197 = vector.broadcast %add3A_196 : i32 to vector<16xi32>
          %add3A_198 = arith.addi %mul3A_127, %add3A_197 : vector<16xi32>
          %shift_right_logical3A_199 = arith.constant 7 : i32
          %shift_right_logical3A_200 = vector.broadcast %shift_right_logical3A_199 : i32 to vector<16xi32>
          %shift_right_logical3A_201 = arith.shrui %add3A_198, %shift_right_logical3A_200 : vector<16xi32>
          %and3A_202 = arith.constant 127 : i32
          %and3A_203 = vector.broadcast %and3A_202 : i32 to vector<16xi32>
          %and3A_204 = arith.andi %add3A_198, %and3A_203 : vector<16xi32>
          %gather3A_205 = tpu.vector_load_idx %arg10[%shift_right_logical3A_201, %and3A_204] : memref<240x128xf32, #tpu.memory_space<vmem>>[vector<16xi32>, vector<16xi32>], vector<16xf32>,
          %exp3A_206 = math.exp %select_n3A_195 : vector<16xf32>
          %mul3A_207 = arith.mulf %exp3A_206, %gather3A_205 : vector<16xf32>
          %add3A_208 = arith.addf %add3A_179, %mul3A_207 : vector<16xf32>
          %mul3A_209 = arith.constant 0.333333343 : f32
          %mul3A_210 = vector.broadcast %mul3A_209 : f32 to vector<16xf32>
          %mul3A_211 = arith.mulf %add3A_208, %mul3A_210 : vector<16xf32>
          %mul3A_212 = arith.constant 16 : i32
          %mul3A_213 = arith.muli %scan3A_114, %mul3A_212 : i32
          %add3A_214 = arith.constant 0 : i32
          %add3A_215 = arith.addi %add3A_214, %mul3A_213 : i32
          %swap3A = arith.index_cast %add3A_215 : i32 to index
          %swap3A_216 = tpu.vector_load %arg18[%swap3A] {strides = array<i32>} : memref<256xf32, #tpu.memory_space<vmem>>, vector<16xf32>,
          tpu.vector_store %arg18[%swap3A], %mul3A_211 {strides = array<i32>} : memref<256xf32, #tpu.memory_space<vmem>>, vector<16xf32>,
        }
        %scan3A_101 = arith.constant 8 : i32
        %scan3A_102 = arith.constant 0 : i32
        %scan3A_103 = arith.constant 0 : i32
        %scan3A_104 = arith.constant 8 : i32
        %scan3A_105 = arith.addi %scan3A_103, %scan3A_104 : i32
        %scan3A_106 = arith.constant 1 : i32
        scf.for %scan3A_114 = %scan3A_103 to %scan3A_105 step %scan3A_106  : i32 {
          %mul3A_115 = arith.constant 16 : i32
          %mul3A_116 = arith.muli %scan3A_114, %mul3A_115 : i32
          %get3A = arith.index_cast %mul3A_116 : i32 to index
          %get3A_117 = tpu.vector_load %arg14[%get3A] {strides = array<i32>} : memref<128xi32, #tpu.memory_space<vmem>>, vector<16xi32>,
          %mul3A_118 = arith.constant 3 : i32
          %mul3A_119 = vector.broadcast %mul3A_118 : i32 to vector<16xi32>
          %mul3A_120 = arith.muli %get3A_117, %mul3A_119 : vector<16xi32>
          %mul3A_121 = arith.constant 16 : i32
          %mul3A_122 = arith.muli %scan3A_114, %mul3A_121 : i32
          %get3A_123 = arith.index_cast %mul3A_122 : i32 to index
          %get3A_124 = tpu.vector_load %arg16[%get3A_123] {strides = array<i32>} : memref<128xi32, #tpu.memory_space<vmem>>, vector<16xi32>,
          %mul3A_125 = arith.constant 3 : i32
          %mul3A_126 = vector.broadcast %mul3A_125 : i32 to vector<16xi32>
          %mul3A_127 = arith.muli %get3A_124, %mul3A_126 : vector<16xi32>
          %add3A_128 = arith.constant 0 : i32
          %add3A_129 = vector.broadcast %add3A_128 : i32 to vector<16xi32>
          %add3A_130 = arith.addi %mul3A_120, %add3A_129 : vector<16xi32>
          %gather3A = tpu.vector_load_idx %arg8[%add3A_130] : memref<30720xf32, #tpu.memory_space<vmem>>[vector<16xi32>], vector<16xf32>,
          %add3A_131 = arith.constant 0 : i32
          %add3A_132 = vector.broadcast %add3A_131 : i32 to vector<16xi32>
          %add3A_133 = arith.addi %mul3A_127, %add3A_132 : vector<16xi32>
          %gather3A_134 = tpu.vector_load_idx %arg9[%add3A_133] : memref<30720xf32, #tpu.memory_space<vmem>>[vector<16xi32>], vector<16xf32>,
          %add3A_135 = arith.addf %gather3A, %gather3A_134 : vector<16xf32>
          %ge3A = arith.constant 0.000000e+00 : f32
          %ge3A_136 = vector.broadcast %ge3A : f32 to vector<16xf32>
          %ge3A_137 = arith.cmpf oge, %add3A_135, %ge3A_136 : vector<16xf32>
          %mul3A_138 = arith.constant 0.00999999977 : f32
          %mul3A_139 = vector.broadcast %mul3A_138 : f32 to vector<16xf32>
          %mul3A_140 = arith.mulf %mul3A_139, %add3A_135 : vector<16xf32>
          %select_n3A = arith.select %ge3A_137, %add3A_135, %mul3A_140 : vector<16xi1>, vector<16xf32>
          %add3A_141 = arith.constant 0 : i32
          %add3A_142 = vector.broadcast %add3A_141 : i32 to vector<16xi32>
          %add3A_143 = arith.addi %mul3A_127, %add3A_142 : vector<16xi32>
          %shift_right_logical3A = arith.constant 7 : i32
          %shift_right_logical3A_144 = vector.broadcast %shift_right_logical3A : i32 to vector<16xi32>
          %shift_right_logical3A_145 = arith.shrui %add3A_143, %shift_right_logical3A_144 : vector<16xi32>
          %and3A = arith.constant 127 : i32
          %and3A_146 = vector.broadcast %and3A : i32 to vector<16xi32>
          %and3A_147 = arith.andi %add3A_143, %and3A_146 : vector<16xi32>
          %gather3A_148 = tpu.vector_load_idx %arg10[%shift_right_logical3A_145, %and3A_147] : memref<240x128xf32, #tpu.memory_space<vmem>>[vector<16xi32>, vector<16xi32>], vector<16xf32>,
          %exp3A = math.exp %select_n3A : vector<16xf32>
          %mul3A_149 = arith.mulf %exp3A, %gather3A_148 : vector<16xf32>
          %add3A_150 = arith.addf %broadcast_in_dim3A_1, %mul3A_149 : vector<16xf32>
          %add3A_151 = arith.constant 1 : i32
          %add3A_152 = vector.broadcast %add3A_151 : i32 to vector<16xi32>
          %add3A_153 = arith.addi %mul3A_120, %add3A_152 : vector<16xi32>
          %gather3A_154 = tpu.vector_load_idx %arg8[%add3A_153] : memref<30720xf32, #tpu.memory_space<vmem>>[vector<16xi32>], vector<16xf32>,
          %add3A_155 = arith.constant 1 : i32
          %add3A_156 = vector.broadcast %add3A_155 : i32 to vector<16xi32>
          %add3A_157 = arith.addi %mul3A_127, %add3A_156 : vector<16xi32>
          %gather3A_158 = tpu.vector_load_idx %arg9[%add3A_157] : memref<30720xf32, #tpu.memory_space<vmem>>[vector<16xi32>], vector<16xf32>,
          %add3A_159 = arith.addf %gather3A_154, %gather3A_158 : vector<16xf32>
          %ge3A_160 = arith.constant 0.000000e+00 : f32
          %ge3A_161 = vector.broadcast %ge3A_160 : f32 to vector<16xf32>
          %ge3A_162 = arith.cmpf oge, %add3A_159, %ge3A_161 : vector<16xf32>
          %mul3A_163 = arith.constant 0.00999999977 : f32
          %mul3A_164 = vector.broadcast %mul3A_163 : f32 to vector<16xf32>
          %mul3A_165 = arith.mulf %mul3A_164, %add3A_159 : vector<16xf32>
          %select_n3A_166 = arith.select %ge3A_162, %add3A_159, %mul3A_165 : vector<16xi1>, vector<16xf32>
          %add3A_167 = arith.constant 1 : i32
          %add3A_168 = vector.broadcast %add3A_167 : i32 to vector<16xi32>
          %add3A_169 = arith.addi %mul3A_127, %add3A_168 : vector<16xi32>
          %shift_right_logical3A_170 = arith.constant 7 : i32
          %shift_right_logical3A_171 = vector.broadcast %shift_right_logical3A_170 : i32 to vector<16xi32>
          %shift_right_logical3A_172 = arith.shrui %add3A_169, %shift_right_logical3A_171 : vector<16xi32>
          %and3A_173 = arith.constant 127 : i32
          %and3A_174 = vector.broadcast %and3A_173 : i32 to vector<16xi32>
          %and3A_175 = arith.andi %add3A_169, %and3A_174 : vector<16xi32>
          %gather3A_176 = tpu.vector_load_idx %arg10[%shift_right_logical3A_172, %and3A_175] : memref<240x128xf32, #tpu.memory_space<vmem>>[vector<16xi32>, vector<16xi32>], vector<16xf32>,
          %exp3A_177 = math.exp %select_n3A_166 : vector<16xf32>
          %mul3A_178 = arith.mulf %exp3A_177, %gather3A_176 : vector<16xf32>
          %add3A_179 = arith.addf %add3A_150, %mul3A_178 : vector<16xf32>
          %add3A_180 = arith.constant 2 : i32
          %add3A_181 = vector.broadcast %add3A_180 : i32 to vector<16xi32>
          %add3A_182 = arith.addi %mul3A_120, %add3A_181 : vector<16xi32>
          %gather3A_183 = tpu.vector_load_idx %arg8[%add3A_182] : memref<30720xf32, #tpu.memory_space<vmem>>[vector<16xi32>], vector<16xf32>,
          %add3A_184 = arith.constant 2 : i32
          %add3A_185 = vector.broadcast %add3A_184 : i32 to vector<16xi32>
          %add3A_186 = arith.addi %mul3A_127, %add3A_185 : vector<16xi32>
          %gather3A_187 = tpu.vector_load_idx %arg9[%add3A_186] : memref<30720xf32, #tpu.memory_space<vmem>>[vector<16xi32>], vector<16xf32>,
          %add3A_188 = arith.addf %gather3A_183, %gather3A_187 : vector<16xf32>
          %ge3A_189 = arith.constant 0.000000e+00 : f32
          %ge3A_190 = vector.broadcast %ge3A_189 : f32 to vector<16xf32>
          %ge3A_191 = arith.cmpf oge, %add3A_188, %ge3A_190 : vector<16xf32>
          %mul3A_192 = arith.constant 0.00999999977 : f32
          %mul3A_193 = vector.broadcast %mul3A_192 : f32 to vector<16xf32>
          %mul3A_194 = arith.mulf %mul3A_193, %add3A_188 : vector<16xf32>
          %select_n3A_195 = arith.select %ge3A_191, %add3A_188, %mul3A_194 : vector<16xi1>, vector<16xf32>
          %add3A_196 = arith.constant 2 : i32
          %add3A_197 = vector.broadcast %add3A_196 : i32 to vector<16xi32>
          %add3A_198 = arith.addi %mul3A_127, %add3A_197 : vector<16xi32>
          %shift_right_logical3A_199 = arith.constant 7 : i32
          %shift_right_logical3A_200 = vector.broadcast %shift_right_logical3A_199 : i32 to vector<16xi32>
          %shift_right_logical3A_201 = arith.shrui %add3A_198, %shift_right_logical3A_200 : vector<16xi32>
          %and3A_202 = arith.constant 127 : i32
          %and3A_203 = vector.broadcast %and3A_202 : i32 to vector<16xi32>
          %and3A_204 = arith.andi %add3A_198, %and3A_203 : vector<16xi32>
          %gather3A_205 = tpu.vector_load_idx %arg10[%shift_right_logical3A_201, %and3A_204] : memref<240x128xf32, #tpu.memory_space<vmem>>[vector<16xi32>, vector<16xi32>], vector<16xf32>,
          %exp3A_206 = math.exp %select_n3A_195 : vector<16xf32>
          %mul3A_207 = arith.mulf %exp3A_206, %gather3A_205 : vector<16xf32>
          %add3A_208 = arith.addf %add3A_179, %mul3A_207 : vector<16xf32>
          %mul3A_209 = arith.constant 0.333333343 : f32
          %mul3A_210 = vector.broadcast %mul3A_209 : f32 to vector<16xf32>
          %mul3A_211 = arith.mulf %add3A_208, %mul3A_210 : vector<16xf32>
          %mul3A_212 = arith.constant 16 : i32
          %mul3A_213 = arith.muli %scan3A_114, %mul3A_212 : i32
          %add3A_214 = arith.constant 128 : i32
          %add3A_215 = arith.addi %add3A_214, %mul3A_213 : i32
          %swap3A = arith.index_cast %add3A_215 : i32 to index
          %swap3A_216 = tpu.vector_load %arg18[%swap3A] {strides = array<i32>} : memref<256xf32, #tpu.memory_space<vmem>>, vector<16xf32>,
          tpu.vector_store %arg18[%swap3A], %mul3A_211 {strides = array<i32>} : memref<256xf32, #tpu.memory_space<vmem>>, vector<16xf32>,
        }
        %scan3A_107 = arith.constant 8 : i32
        %scan3A_108 = arith.constant 0 : i32
        %scan3A_109 = arith.constant 0 : i32
        %scan3A_110 = arith.constant 16 : i32
        %scan3A_111 = arith.addi %scan3A_109, %scan3A_110 : i32
        %scan3A_112 = arith.constant 1 : i32
        scf.for %scan3A_114 = %scan3A_109 to %scan3A_111 step %scan3A_112  : i32 {
          %mul3A_115 = arith.constant 16 : i32
          %mul3A_116 = arith.muli %scan3A_114, %mul3A_115 : i32
          %get3A = arith.index_cast %mul3A_116 : i32 to index
          %get3A_117 = tpu.vector_load %arg18[%get3A] {strides = array<i32>} : memref<256xf32, #tpu.memory_space<vmem>>, vector<16xf32>,
          %mul3A_118 = arith.constant 16 : i32
          %mul3A_119 = arith.muli %scan3A_114, %mul3A_118 : i32
          %add3A_120 = arith.constant 0 : i32
          %add3A_121 = arith.addi %mul3A_119, %add3A_120 : i32
          %slice3A = vector.extract_strided_slice %get3A_117 {offsets = [0], sizes = [1], strides = [1]} : vector<16xf32> to vector<1xf32>
          %squeeze3A = vector.extract %slice3A[0] : f32 from vector<1xf32>
          %broadcast_in_dim3A_122 = vector.broadcast %squeeze3A : f32 to vector<16xf32>
          %get3A_123 = arith.index_cast %add3A_121 : i32 to index
          %get3A_124 = arith.constant 0 : index
          %get3A_125 = tpu.vector_load %arg17[%get3A_123, %get3A_124] {strides = array<i32>} : memref<256x32xf32, #tpu.memory_space<vmem>>, vector<16xf32>,
          %mul3A_126 = arith.mulf %get3A_125, %broadcast_in_dim3A_122 : vector<16xf32>
          %swap3A = arith.index_cast %add3A_121 : i32 to index
          %swap3A_127 = arith.constant 0 : index
          %swap3A_128 = tpu.vector_load %arg17[%swap3A, %swap3A_127] {strides = array<i32>} : memref<256x32xf32, #tpu.memory_space<vmem>>, vector<16xf32>,
          tpu.vector_store %arg17[%swap3A, %swap3A_127], %mul3A_126 {strides = array<i32>} : memref<256x32xf32, #tpu.memory_space<vmem>>, vector<16xf32>,
          %get3A_129 = arith.index_cast %add3A_121 : i32 to index
          %get3A_130 = arith.constant 16 : index
          %get3A_131 = tpu.vector_load %arg17[%get3A_129, %get3A_130] {strides = array<i32>} : memref<256x32xf32, #tpu.memory_space<vmem>>, vector<16xf32>,
          %mul3A_132 = arith.mulf %get3A_131, %broadcast_in_dim3A_122 : vector<16xf32>
          %swap3A_133 = arith.index_cast %add3A_121 : i32 to index
          %swap3A_134 = arith.constant 16 : index
          %swap3A_135 = tpu.vector_load %arg17[%swap3A_133, %swap3A_134] {strides = array<i32>} : memref<256x32xf32, #tpu.memory_space<vmem>>, vector<16xf32>,
          tpu.vector_store %arg17[%swap3A_133, %swap3A_134], %mul3A_132 {strides = array<i32>} : memref<256x32xf32, #tpu.memory_space<vmem>>, vector<16xf32>,
          %mul3A_136 = arith.constant 16 : i32
          %mul3A_137 = arith.muli %scan3A_114, %mul3A_136 : i32
          %add3A_138 = arith.constant 1 : i32
          %add3A_139 = arith.addi %mul3A_137, %add3A_138 : i32
          %slice3A_140 = vector.extract_strided_slice %get3A_117 {offsets = [1], sizes = [1], strides = [1]} : vector<16xf32> to vector<1xf32>
          %squeeze3A_141 = vector.extract %slice3A_140[0] : f32 from vector<1xf32>
          %broadcast_in_dim3A_142 = vector.broadcast %squeeze3A_141 : f32 to vector<16xf32>
          %get3A_143 = arith.index_cast %add3A_139 : i32 to index
          %get3A_144 = arith.constant 0 : index
          %get3A_145 = tpu.vector_load %arg17[%get3A_143, %get3A_144] {strides = array<i32>} : memref<256x32xf32, #tpu.memory_space<vmem>>, vector<16xf32>,
          %mul3A_146 = arith.mulf %get3A_145, %broadcast_in_dim3A_142 : vector<16xf32>
          %swap3A_147 = arith.index_cast %add3A_139 : i32 to index
          %swap3A_148 = arith.constant 0 : index
          %swap3A_149 = tpu.vector_load %arg17[%swap3A_147, %swap3A_148] {strides = array<i32>} : memref<256x32xf32, #tpu.memory_space<vmem>>, vector<16xf32>,
          tpu.vector_store %arg17[%swap3A_147, %swap3A_148], %mul3A_146 {strides = array<i32>} : memref<256x32xf32, #tpu.memory_space<vmem>>, vector<16xf32>,
          %get3A_150 = arith.index_cast %add3A_139 : i32 to index
          %get3A_151 = arith.constant 16 : index
          %get3A_152 = tpu.vector_load %arg17[%get3A_150, %get3A_151] {strides = array<i32>} : memref<256x32xf32, #tpu.memory_space<vmem>>, vector<16xf32>,
          %mul3A_153 = arith.mulf %get3A_152, %broadcast_in_dim3A_142 : vector<16xf32>
          %swap3A_154 = arith.index_cast %add3A_139 : i32 to index
          %swap3A_155 = arith.constant 16 : index
          %swap3A_156 = tpu.vector_load %arg17[%swap3A_154, %swap3A_155] {strides = array<i32>} : memref<256x32xf32, #tpu.memory_space<vmem>>, vector<16xf32>,
          tpu.vector_store %arg17[%swap3A_154, %swap3A_155], %mul3A_153 {strides = array<i32>} : memref<256x32xf32, #tpu.memory_space<vmem>>, vector<16xf32>,
          %mul3A_157 = arith.constant 16 : i32
          %mul3A_158 = arith.muli %scan3A_114, %mul3A_157 : i32
          %add3A_159 = arith.constant 2 : i32
          %add3A_160 = arith.addi %mul3A_158, %add3A_159 : i32
          %slice3A_161 = vector.extract_strided_slice %get3A_117 {offsets = [2], sizes = [1], strides = [1]} : vector<16xf32> to vector<1xf32>
          %squeeze3A_162 = vector.extract %slice3A_161[0] : f32 from vector<1xf32>
          %broadcast_in_dim3A_163 = vector.broadcast %squeeze3A_162 : f32 to vector<16xf32>
          %get3A_164 = arith.index_cast %add3A_160 : i32 to index
          %get3A_165 = arith.constant 0 : index
          %get3A_166 = tpu.vector_load %arg17[%get3A_164, %get3A_165] {strides = array<i32>} : memref<256x32xf32, #tpu.memory_space<vmem>>, vector<16xf32>,
          %mul3A_167 = arith.mulf %get3A_166, %broadcast_in_dim3A_163 : vector<16xf32>
          %swap3A_168 = arith.index_cast %add3A_160 : i32 to index
          %swap3A_169 = arith.constant 0 : index
          %swap3A_170 = tpu.vector_load %arg17[%swap3A_168, %swap3A_169] {strides = array<i32>} : memref<256x32xf32, #tpu.memory_space<vmem>>, vector<16xf32>,
          tpu.vector_store %arg17[%swap3A_168, %swap3A_169], %mul3A_167 {strides = array<i32>} : memref<256x32xf32, #tpu.memory_space<vmem>>, vector<16xf32>,
          %get3A_171 = arith.index_cast %add3A_160 : i32 to index
          %get3A_172 = arith.constant 16 : index
          %get3A_173 = tpu.vector_load %arg17[%get3A_171, %get3A_172] {strides = array<i32>} : memref<256x32xf32, #tpu.memory_space<vmem>>, vector<16xf32>,
          %mul3A_174 = arith.mulf %get3A_173, %broadcast_in_dim3A_163 : vector<16xf32>
          %swap3A_175 = arith.index_cast %add3A_160 : i32 to index
          %swap3A_176 = arith.constant 16 : index
          %swap3A_177 = tpu.vector_load %arg17[%swap3A_175, %swap3A_176] {strides = array<i32>} : memref<256x32xf32, #tpu.memory_space<vmem>>, vector<16xf32>,
          tpu.vector_store %arg17[%swap3A_175, %swap3A_176], %mul3A_174 {strides = array<i32>} : memref<256x32xf32, #tpu.memory_space<vmem>>, vector<16xf32>,
          %mul3A_178 = arith.constant 16 : i32
          %mul3A_179 = arith.muli %scan3A_114, %mul3A_178 : i32
          %add3A_180 = arith.constant 3 : i32
          %add3A_181 = arith.addi %mul3A_179, %add3A_180 : i32
          %slice3A_182 = vector.extract_strided_slice %get3A_117 {offsets = [3], sizes = [1], strides = [1]} : vector<16xf32> to vector<1xf32>
          %squeeze3A_183 = vector.extract %slice3A_182[0] : f32 from vector<1xf32>
          %broadcast_in_dim3A_184 = vector.broadcast %squeeze3A_183 : f32 to vector<16xf32>
          %get3A_185 = arith.index_cast %add3A_181 : i32 to index
          %get3A_186 = arith.constant 0 : index
          %get3A_187 = tpu.vector_load %arg17[%get3A_185, %get3A_186] {strides = array<i32>} : memref<256x32xf32, #tpu.memory_space<vmem>>, vector<16xf32>,
          %mul3A_188 = arith.mulf %get3A_187, %broadcast_in_dim3A_184 : vector<16xf32>
          %swap3A_189 = arith.index_cast %add3A_181 : i32 to index
          %swap3A_190 = arith.constant 0 : index
          %swap3A_191 = tpu.vector_load %arg17[%swap3A_189, %swap3A_190] {strides = array<i32>} : memref<256x32xf32, #tpu.memory_space<vmem>>, vector<16xf32>,
          tpu.vector_store %arg17[%swap3A_189, %swap3A_190], %mul3A_188 {strides = array<i32>} : memref<256x32xf32, #tpu.memory_space<vmem>>, vector<16xf32>,
          %get3A_192 = arith.index_cast %add3A_181 : i32 to index
          %get3A_193 = arith.constant 16 : index
          %get3A_194 = tpu.vector_load %arg17[%get3A_192, %get3A_193] {strides = array<i32>} : memref<256x32xf32, #tpu.memory_space<vmem>>, vector<16xf32>,
          %mul3A_195 = arith.mulf %get3A_194, %broadcast_in_dim3A_184 : vector<16xf32>
          %swap3A_196 = arith.index_cast %add3A_181 : i32 to index
          %swap3A_197 = arith.constant 16 : index
          %swap3A_198 = tpu.vector_load %arg17[%swap3A_196, %swap3A_197] {strides = array<i32>} : memref<256x32xf32, #tpu.memory_space<vmem>>, vector<16xf32>,
          tpu.vector_store %arg17[%swap3A_196, %swap3A_197], %mul3A_195 {strides = array<i32>} : memref<256x32xf32, #tpu.memory_space<vmem>>, vector<16xf32>,
          %mul3A_199 = arith.constant 16 : i32
          %mul3A_200 = arith.muli %scan3A_114, %mul3A_199 : i32
          %add3A_201 = arith.constant 4 : i32
          %add3A_202 = arith.addi %mul3A_200, %add3A_201 : i32
          %slice3A_203 = vector.extract_strided_slice %get3A_117 {offsets = [4], sizes = [1], strides = [1]} : vector<16xf32> to vector<1xf32>
          %squeeze3A_204 = vector.extract %slice3A_203[0] : f32 from vector<1xf32>
          %broadcast_in_dim3A_205 = vector.broadcast %squeeze3A_204 : f32 to vector<16xf32>
          %get3A_206 = arith.index_cast %add3A_202 : i32 to index
          %get3A_207 = arith.constant 0 : index
          %get3A_208 = tpu.vector_load %arg17[%get3A_206, %get3A_207] {strides = array<i32>} : memref<256x32xf32, #tpu.memory_space<vmem>>, vector<16xf32>,
          %mul3A_209 = arith.mulf %get3A_208, %broadcast_in_dim3A_205 : vector<16xf32>
          %swap3A_210 = arith.index_cast %add3A_202 : i32 to index
          %swap3A_211 = arith.constant 0 : index
          %swap3A_212 = tpu.vector_load %arg17[%swap3A_210, %swap3A_211] {strides = array<i32>} : memref<256x32xf32, #tpu.memory_space<vmem>>, vector<16xf32>,
          tpu.vector_store %arg17[%swap3A_210, %swap3A_211], %mul3A_209 {strides = array<i32>} : memref<256x32xf32, #tpu.memory_space<vmem>>, vector<16xf32>,
          %get3A_213 = arith.index_cast %add3A_202 : i32 to index
          %get3A_214 = arith.constant 16 : index
          %get3A_215 = tpu.vector_load %arg17[%get3A_213, %get3A_214] {strides = array<i32>} : memref<256x32xf32, #tpu.memory_space<vmem>>, vector<16xf32>,
          %mul3A_216 = arith.mulf %get3A_215, %broadcast_in_dim3A_205 : vector<16xf32>
          %swap3A_217 = arith.index_cast %add3A_202 : i32 to index
          %swap3A_218 = arith.constant 16 : index
          %swap3A_219 = tpu.vector_load %arg17[%swap3A_217, %swap3A_218] {strides = array<i32>} : memref<256x32xf32, #tpu.memory_space<vmem>>, vector<16xf32>,
          tpu.vector_store %arg17[%swap3A_217, %swap3A_218], %mul3A_216 {strides = array<i32>} : memref<256x32xf32, #tpu.memory_space<vmem>>, vector<16xf32>,
          %mul3A_220 = arith.constant 16 : i32
          %mul3A_221 = arith.muli %scan3A_114, %mul3A_220 : i32
          %add3A_222 = arith.constant 5 : i32
          %add3A_223 = arith.addi %mul3A_221, %add3A_222 : i32
          %slice3A_224 = vector.extract_strided_slice %get3A_117 {offsets = [5], sizes = [1], strides = [1]} : vector<16xf32> to vector<1xf32>
          %squeeze3A_225 = vector.extract %slice3A_224[0] : f32 from vector<1xf32>
          %broadcast_in_dim3A_226 = vector.broadcast %squeeze3A_225 : f32 to vector<16xf32>
          %get3A_227 = arith.index_cast %add3A_223 : i32 to index
          %get3A_228 = arith.constant 0 : index
          %get3A_229 = tpu.vector_load %arg17[%get3A_227, %get3A_228] {strides = array<i32>} : memref<256x32xf32, #tpu.memory_space<vmem>>, vector<16xf32>,
          %mul3A_230 = arith.mulf %get3A_229, %broadcast_in_dim3A_226 : vector<16xf32>
          %swap3A_231 = arith.index_cast %add3A_223 : i32 to index
          %swap3A_232 = arith.constant 0 : index
          %swap3A_233 = tpu.vector_load %arg17[%swap3A_231, %swap3A_232] {strides = array<i32>} : memref<256x32xf32, #tpu.memory_space<vmem>>, vector<16xf32>,
          tpu.vector_store %arg17[%swap3A_231, %swap3A_232], %mul3A_230 {strides = array<i32>} : memref<256x32xf32, #tpu.memory_space<vmem>>, vector<16xf32>,
          %get3A_234 = arith.index_cast %add3A_223 : i32 to index
          %get3A_235 = arith.constant 16 : index
          %get3A_236 = tpu.vector_load %arg17[%get3A_234, %get3A_235] {strides = array<i32>} : memref<256x32xf32, #tpu.memory_space<vmem>>, vector<16xf32>,
          %mul3A_237 = arith.mulf %get3A_236, %broadcast_in_dim3A_226 : vector<16xf32>
          %swap3A_238 = arith.index_cast %add3A_223 : i32 to index
          %swap3A_239 = arith.constant 16 : index
          %swap3A_240 = tpu.vector_load %arg17[%swap3A_238, %swap3A_239] {strides = array<i32>} : memref<256x32xf32, #tpu.memory_space<vmem>>, vector<16xf32>,
          tpu.vector_store %arg17[%swap3A_238, %swap3A_239], %mul3A_237 {strides = array<i32>} : memref<256x32xf32, #tpu.memory_space<vmem>>, vector<16xf32>,
          %mul3A_241 = arith.constant 16 : i32
          %mul3A_242 = arith.muli %scan3A_114, %mul3A_241 : i32
          %add3A_243 = arith.constant 6 : i32
          %add3A_244 = arith.addi %mul3A_242, %add3A_243 : i32
          %slice3A_245 = vector.extract_strided_slice %get3A_117 {offsets = [6], sizes = [1], strides = [1]} : vector<16xf32> to vector<1xf32>
          %squeeze3A_246 = vector.extract %slice3A_245[0] : f32 from vector<1xf32>
          %broadcast_in_dim3A_247 = vector.broadcast %squeeze3A_246 : f32 to vector<16xf32>
          %get3A_248 = arith.index_cast %add3A_244 : i32 to index
          %get3A_249 = arith.constant 0 : index
          %get3A_250 = tpu.vector_load %arg17[%get3A_248, %get3A_249] {strides = array<i32>} : memref<256x32xf32, #tpu.memory_space<vmem>>, vector<16xf32>,
          %mul3A_251 = arith.mulf %get3A_250, %broadcast_in_dim3A_247 : vector<16xf32>
          %swap3A_252 = arith.index_cast %add3A_244 : i32 to index
          %swap3A_253 = arith.constant 0 : index
          %swap3A_254 = tpu.vector_load %arg17[%swap3A_252, %swap3A_253] {strides = array<i32>} : memref<256x32xf32, #tpu.memory_space<vmem>>, vector<16xf32>,
          tpu.vector_store %arg17[%swap3A_252, %swap3A_253], %mul3A_251 {strides = array<i32>} : memref<256x32xf32, #tpu.memory_space<vmem>>, vector<16xf32>,
          %get3A_255 = arith.index_cast %add3A_244 : i32 to index
          %get3A_256 = arith.constant 16 : index
          %get3A_257 = tpu.vector_load %arg17[%get3A_255, %get3A_256] {strides = array<i32>} : memref<256x32xf32, #tpu.memory_space<vmem>>, vector<16xf32>,
          %mul3A_258 = arith.mulf %get3A_257, %broadcast_in_dim3A_247 : vector<16xf32>
          %swap3A_259 = arith.index_cast %add3A_244 : i32 to index
          %swap3A_260 = arith.constant 16 : index
          %swap3A_261 = tpu.vector_load %arg17[%swap3A_259, %swap3A_260] {strides = array<i32>} : memref<256x32xf32, #tpu.memory_space<vmem>>, vector<16xf32>,
          tpu.vector_store %arg17[%swap3A_259, %swap3A_260], %mul3A_258 {strides = array<i32>} : memref<256x32xf32, #tpu.memory_space<vmem>>, vector<16xf32>,
          %mul3A_262 = arith.constant 16 : i32
          %mul3A_263 = arith.muli %scan3A_114, %mul3A_262 : i32
          %add3A_264 = arith.constant 7 : i32
          %add3A_265 = arith.addi %mul3A_263, %add3A_264 : i32
          %slice3A_266 = vector.extract_strided_slice %get3A_117 {offsets = [7], sizes = [1], strides = [1]} : vector<16xf32> to vector<1xf32>
          %squeeze3A_267 = vector.extract %slice3A_266[0] : f32 from vector<1xf32>
          %broadcast_in_dim3A_268 = vector.broadcast %squeeze3A_267 : f32 to vector<16xf32>
          %get3A_269 = arith.index_cast %add3A_265 : i32 to index
          %get3A_270 = arith.constant 0 : index
          %get3A_271 = tpu.vector_load %arg17[%get3A_269, %get3A_270] {strides = array<i32>} : memref<256x32xf32, #tpu.memory_space<vmem>>, vector<16xf32>,
          %mul3A_272 = arith.mulf %get3A_271, %broadcast_in_dim3A_268 : vector<16xf32>
          %swap3A_273 = arith.index_cast %add3A_265 : i32 to index
          %swap3A_274 = arith.constant 0 : index
          %swap3A_275 = tpu.vector_load %arg17[%swap3A_273, %swap3A_274] {strides = array<i32>} : memref<256x32xf32, #tpu.memory_space<vmem>>, vector<16xf32>,
          tpu.vector_store %arg17[%swap3A_273, %swap3A_274], %mul3A_272 {strides = array<i32>} : memref<256x32xf32, #tpu.memory_space<vmem>>, vector<16xf32>,
          %get3A_276 = arith.index_cast %add3A_265 : i32 to index
          %get3A_277 = arith.constant 16 : index
          %get3A_278 = tpu.vector_load %arg17[%get3A_276, %get3A_277] {strides = array<i32>} : memref<256x32xf32, #tpu.memory_space<vmem>>, vector<16xf32>,
          %mul3A_279 = arith.mulf %get3A_278, %broadcast_in_dim3A_268 : vector<16xf32>
          %swap3A_280 = arith.index_cast %add3A_265 : i32 to index
          %swap3A_281 = arith.constant 16 : index
          %swap3A_282 = tpu.vector_load %arg17[%swap3A_280, %swap3A_281] {strides = array<i32>} : memref<256x32xf32, #tpu.memory_space<vmem>>, vector<16xf32>,
          tpu.vector_store %arg17[%swap3A_280, %swap3A_281], %mul3A_279 {strides = array<i32>} : memref<256x32xf32, #tpu.memory_space<vmem>>, vector<16xf32>,
          %mul3A_283 = arith.constant 16 : i32
          %mul3A_284 = arith.muli %scan3A_114, %mul3A_283 : i32
          %add3A_285 = arith.constant 8 : i32
          %add3A_286 = arith.addi %mul3A_284, %add3A_285 : i32
          %slice3A_287 = vector.extract_strided_slice %get3A_117 {offsets = [8], sizes = [1], strides = [1]} : vector<16xf32> to vector<1xf32>
          %squeeze3A_288 = vector.extract %slice3A_287[0] : f32 from vector<1xf32>
          %broadcast_in_dim3A_289 = vector.broadcast %squeeze3A_288 : f32 to vector<16xf32>
          %get3A_290 = arith.index_cast %add3A_286 : i32 to index
          %get3A_291 = arith.constant 0 : index
          %get3A_292 = tpu.vector_load %arg17[%get3A_290, %get3A_291] {strides = array<i32>} : memref<256x32xf32, #tpu.memory_space<vmem>>, vector<16xf32>,
          %mul3A_293 = arith.mulf %get3A_292, %broadcast_in_dim3A_289 : vector<16xf32>
          %swap3A_294 = arith.index_cast %add3A_286 : i32 to index
          %swap3A_295 = arith.constant 0 : index
          %swap3A_296 = tpu.vector_load %arg17[%swap3A_294, %swap3A_295] {strides = array<i32>} : memref<256x32xf32, #tpu.memory_space<vmem>>, vector<16xf32>,
          tpu.vector_store %arg17[%swap3A_294, %swap3A_295], %mul3A_293 {strides = array<i32>} : memref<256x32xf32, #tpu.memory_space<vmem>>, vector<16xf32>,
          %get3A_297 = arith.index_cast %add3A_286 : i32 to index
          %get3A_298 = arith.constant 16 : index
          %get3A_299 = tpu.vector_load %arg17[%get3A_297, %get3A_298] {strides = array<i32>} : memref<256x32xf32, #tpu.memory_space<vmem>>, vector<16xf32>,
          %mul3A_300 = arith.mulf %get3A_299, %broadcast_in_dim3A_289 : vector<16xf32>
          %swap3A_301 = arith.index_cast %add3A_286 : i32 to index
          %swap3A_302 = arith.constant 16 : index
          %swap3A_303 = tpu.vector_load %arg17[%swap3A_301, %swap3A_302] {strides = array<i32>} : memref<256x32xf32, #tpu.memory_space<vmem>>, vector<16xf32>,
          tpu.vector_store %arg17[%swap3A_301, %swap3A_302], %mul3A_300 {strides = array<i32>} : memref<256x32xf32, #tpu.memory_space<vmem>>, vector<16xf32>,
          %mul3A_304 = arith.constant 16 : i32
          %mul3A_305 = arith.muli %scan3A_114, %mul3A_304 : i32
          %add3A_306 = arith.constant 9 : i32
          %add3A_307 = arith.addi %mul3A_305, %add3A_306 : i32
          %slice3A_308 = vector.extract_strided_slice %get3A_117 {offsets = [9], sizes = [1], strides = [1]} : vector<16xf32> to vector<1xf32>
          %squeeze3A_309 = vector.extract %slice3A_308[0] : f32 from vector<1xf32>
          %broadcast_in_dim3A_310 = vector.broadcast %squeeze3A_309 : f32 to vector<16xf32>
          %get3A_311 = arith.index_cast %add3A_307 : i32 to index
          %get3A_312 = arith.constant 0 : index
          %get3A_313 = tpu.vector_load %arg17[%get3A_311, %get3A_312] {strides = array<i32>} : memref<256x32xf32, #tpu.memory_space<vmem>>, vector<16xf32>,
          %mul3A_314 = arith.mulf %get3A_313, %broadcast_in_dim3A_310 : vector<16xf32>
          %swap3A_315 = arith.index_cast %add3A_307 : i32 to index
          %swap3A_316 = arith.constant 0 : index
          %swap3A_317 = tpu.vector_load %arg17[%swap3A_315, %swap3A_316] {strides = array<i32>} : memref<256x32xf32, #tpu.memory_space<vmem>>, vector<16xf32>,
          tpu.vector_store %arg17[%swap3A_315, %swap3A_316], %mul3A_314 {strides = array<i32>} : memref<256x32xf32, #tpu.memory_space<vmem>>, vector<16xf32>,
          %get3A_318 = arith.index_cast %add3A_307 : i32 to index
          %get3A_319 = arith.constant 16 : index
          %get3A_320 = tpu.vector_load %arg17[%get3A_318, %get3A_319] {strides = array<i32>} : memref<256x32xf32, #tpu.memory_space<vmem>>, vector<16xf32>,
          %mul3A_321 = arith.mulf %get3A_320, %broadcast_in_dim3A_310 : vector<16xf32>
          %swap3A_322 = arith.index_cast %add3A_307 : i32 to index
          %swap3A_323 = arith.constant 16 : index
          %swap3A_324 = tpu.vector_load %arg17[%swap3A_322, %swap3A_323] {strides = array<i32>} : memref<256x32xf32, #tpu.memory_space<vmem>>, vector<16xf32>,
          tpu.vector_store %arg17[%swap3A_322, %swap3A_323], %mul3A_321 {strides = array<i32>} : memref<256x32xf32, #tpu.memory_space<vmem>>, vector<16xf32>,
          %mul3A_325 = arith.constant 16 : i32
          %mul3A_326 = arith.muli %scan3A_114, %mul3A_325 : i32
          %add3A_327 = arith.constant 10 : i32
          %add3A_328 = arith.addi %mul3A_326, %add3A_327 : i32
          %slice3A_329 = vector.extract_strided_slice %get3A_117 {offsets = [10], sizes = [1], strides = [1]} : vector<16xf32> to vector<1xf32>
          %squeeze3A_330 = vector.extract %slice3A_329[0] : f32 from vector<1xf32>
          %broadcast_in_dim3A_331 = vector.broadcast %squeeze3A_330 : f32 to vector<16xf32>
          %get3A_332 = arith.index_cast %add3A_328 : i32 to index
          %get3A_333 = arith.constant 0 : index
          %get3A_334 = tpu.vector_load %arg17[%get3A_332, %get3A_333] {strides = array<i32>} : memref<256x32xf32, #tpu.memory_space<vmem>>, vector<16xf32>,
          %mul3A_335 = arith.mulf %get3A_334, %broadcast_in_dim3A_331 : vector<16xf32>
          %swap3A_336 = arith.index_cast %add3A_328 : i32 to index
          %swap3A_337 = arith.constant 0 : index
          %swap3A_338 = tpu.vector_load %arg17[%swap3A_336, %swap3A_337] {strides = array<i32>} : memref<256x32xf32, #tpu.memory_space<vmem>>, vector<16xf32>,
          tpu.vector_store %arg17[%swap3A_336, %swap3A_337], %mul3A_335 {strides = array<i32>} : memref<256x32xf32, #tpu.memory_space<vmem>>, vector<16xf32>,
          %get3A_339 = arith.index_cast %add3A_328 : i32 to index
          %get3A_340 = arith.constant 16 : index
          %get3A_341 = tpu.vector_load %arg17[%get3A_339, %get3A_340] {strides = array<i32>} : memref<256x32xf32, #tpu.memory_space<vmem>>, vector<16xf32>,
          %mul3A_342 = arith.mulf %get3A_341, %broadcast_in_dim3A_331 : vector<16xf32>
          %swap3A_343 = arith.index_cast %add3A_328 : i32 to index
          %swap3A_344 = arith.constant 16 : index
          %swap3A_345 = tpu.vector_load %arg17[%swap3A_343, %swap3A_344] {strides = array<i32>} : memref<256x32xf32, #tpu.memory_space<vmem>>, vector<16xf32>,
          tpu.vector_store %arg17[%swap3A_343, %swap3A_344], %mul3A_342 {strides = array<i32>} : memref<256x32xf32, #tpu.memory_space<vmem>>, vector<16xf32>,
          %mul3A_346 = arith.constant 16 : i32
          %mul3A_347 = arith.muli %scan3A_114, %mul3A_346 : i32
          %add3A_348 = arith.constant 11 : i32
          %add3A_349 = arith.addi %mul3A_347, %add3A_348 : i32
          %slice3A_350 = vector.extract_strided_slice %get3A_117 {offsets = [11], sizes = [1], strides = [1]} : vector<16xf32> to vector<1xf32>
          %squeeze3A_351 = vector.extract %slice3A_350[0] : f32 from vector<1xf32>
          %broadcast_in_dim3A_352 = vector.broadcast %squeeze3A_351 : f32 to vector<16xf32>
          %get3A_353 = arith.index_cast %add3A_349 : i32 to index
          %get3A_354 = arith.constant 0 : index
          %get3A_355 = tpu.vector_load %arg17[%get3A_353, %get3A_354] {strides = array<i32>} : memref<256x32xf32, #tpu.memory_space<vmem>>, vector<16xf32>,
          %mul3A_356 = arith.mulf %get3A_355, %broadcast_in_dim3A_352 : vector<16xf32>
          %swap3A_357 = arith.index_cast %add3A_349 : i32 to index
          %swap3A_358 = arith.constant 0 : index
          %swap3A_359 = tpu.vector_load %arg17[%swap3A_357, %swap3A_358] {strides = array<i32>} : memref<256x32xf32, #tpu.memory_space<vmem>>, vector<16xf32>,
          tpu.vector_store %arg17[%swap3A_357, %swap3A_358], %mul3A_356 {strides = array<i32>} : memref<256x32xf32, #tpu.memory_space<vmem>>, vector<16xf32>,
          %get3A_360 = arith.index_cast %add3A_349 : i32 to index
          %get3A_361 = arith.constant 16 : index
          %get3A_362 = tpu.vector_load %arg17[%get3A_360, %get3A_361] {strides = array<i32>} : memref<256x32xf32, #tpu.memory_space<vmem>>, vector<16xf32>,
          %mul3A_363 = arith.mulf %get3A_362, %broadcast_in_dim3A_352 : vector<16xf32>
          %swap3A_364 = arith.index_cast %add3A_349 : i32 to index
          %swap3A_365 = arith.constant 16 : index
          %swap3A_366 = tpu.vector_load %arg17[%swap3A_364, %swap3A_365] {strides = array<i32>} : memref<256x32xf32, #tpu.memory_space<vmem>>, vector<16xf32>,
          tpu.vector_store %arg17[%swap3A_364, %swap3A_365], %mul3A_363 {strides = array<i32>} : memref<256x32xf32, #tpu.memory_space<vmem>>, vector<16xf32>,
          %mul3A_367 = arith.constant 16 : i32
          %mul3A_368 = arith.muli %scan3A_114, %mul3A_367 : i32
          %add3A_369 = arith.constant 12 : i32
          %add3A_370 = arith.addi %mul3A_368, %add3A_369 : i32
          %slice3A_371 = vector.extract_strided_slice %get3A_117 {offsets = [12], sizes = [1], strides = [1]} : vector<16xf32> to vector<1xf32>
          %squeeze3A_372 = vector.extract %slice3A_371[0] : f32 from vector<1xf32>
          %broadcast_in_dim3A_373 = vector.broadcast %squeeze3A_372 : f32 to vector<16xf32>
          %get3A_374 = arith.index_cast %add3A_370 : i32 to index
          %get3A_375 = arith.constant 0 : index
          %get3A_376 = tpu.vector_load %arg17[%get3A_374, %get3A_375] {strides = array<i32>} : memref<256x32xf32, #tpu.memory_space<vmem>>, vector<16xf32>,
          %mul3A_377 = arith.mulf %get3A_376, %broadcast_in_dim3A_373 : vector<16xf32>
          %swap3A_378 = arith.index_cast %add3A_370 : i32 to index
          %swap3A_379 = arith.constant 0 : index
          %swap3A_380 = tpu.vector_load %arg17[%swap3A_378, %swap3A_379] {strides = array<i32>} : memref<256x32xf32, #tpu.memory_space<vmem>>, vector<16xf32>,
          tpu.vector_store %arg17[%swap3A_378, %swap3A_379], %mul3A_377 {strides = array<i32>} : memref<256x32xf32, #tpu.memory_space<vmem>>, vector<16xf32>,
          %get3A_381 = arith.index_cast %add3A_370 : i32 to index
          %get3A_382 = arith.constant 16 : index
          %get3A_383 = tpu.vector_load %arg17[%get3A_381, %get3A_382] {strides = array<i32>} : memref<256x32xf32, #tpu.memory_space<vmem>>, vector<16xf32>,
          %mul3A_384 = arith.mulf %get3A_383, %broadcast_in_dim3A_373 : vector<16xf32>
          %swap3A_385 = arith.index_cast %add3A_370 : i32 to index
          %swap3A_386 = arith.constant 16 : index
          %swap3A_387 = tpu.vector_load %arg17[%swap3A_385, %swap3A_386] {strides = array<i32>} : memref<256x32xf32, #tpu.memory_space<vmem>>, vector<16xf32>,
          tpu.vector_store %arg17[%swap3A_385, %swap3A_386], %mul3A_384 {strides = array<i32>} : memref<256x32xf32, #tpu.memory_space<vmem>>, vector<16xf32>,
          %mul3A_388 = arith.constant 16 : i32
          %mul3A_389 = arith.muli %scan3A_114, %mul3A_388 : i32
          %add3A_390 = arith.constant 13 : i32
          %add3A_391 = arith.addi %mul3A_389, %add3A_390 : i32
          %slice3A_392 = vector.extract_strided_slice %get3A_117 {offsets = [13], sizes = [1], strides = [1]} : vector<16xf32> to vector<1xf32>
          %squeeze3A_393 = vector.extract %slice3A_392[0] : f32 from vector<1xf32>
          %broadcast_in_dim3A_394 = vector.broadcast %squeeze3A_393 : f32 to vector<16xf32>
          %get3A_395 = arith.index_cast %add3A_391 : i32 to index
          %get3A_396 = arith.constant 0 : index
          %get3A_397 = tpu.vector_load %arg17[%get3A_395, %get3A_396] {strides = array<i32>} : memref<256x32xf32, #tpu.memory_space<vmem>>, vector<16xf32>,
          %mul3A_398 = arith.mulf %get3A_397, %broadcast_in_dim3A_394 : vector<16xf32>
          %swap3A_399 = arith.index_cast %add3A_391 : i32 to index
          %swap3A_400 = arith.constant 0 : index
          %swap3A_401 = tpu.vector_load %arg17[%swap3A_399, %swap3A_400] {strides = array<i32>} : memref<256x32xf32, #tpu.memory_space<vmem>>, vector<16xf32>,
          tpu.vector_store %arg17[%swap3A_399, %swap3A_400], %mul3A_398 {strides = array<i32>} : memref<256x32xf32, #tpu.memory_space<vmem>>, vector<16xf32>,
          %get3A_402 = arith.index_cast %add3A_391 : i32 to index
          %get3A_403 = arith.constant 16 : index
          %get3A_404 = tpu.vector_load %arg17[%get3A_402, %get3A_403] {strides = array<i32>} : memref<256x32xf32, #tpu.memory_space<vmem>>, vector<16xf32>,
          %mul3A_405 = arith.mulf %get3A_404, %broadcast_in_dim3A_394 : vector<16xf32>
          %swap3A_406 = arith.index_cast %add3A_391 : i32 to index
          %swap3A_407 = arith.constant 16 : index
          %swap3A_408 = tpu.vector_load %arg17[%swap3A_406, %swap3A_407] {strides = array<i32>} : memref<256x32xf32, #tpu.memory_space<vmem>>, vector<16xf32>,
          tpu.vector_store %arg17[%swap3A_406, %swap3A_407], %mul3A_405 {strides = array<i32>} : memref<256x32xf32, #tpu.memory_space<vmem>>, vector<16xf32>,
          %mul3A_409 = arith.constant 16 : i32
          %mul3A_410 = arith.muli %scan3A_114, %mul3A_409 : i32
          %add3A_411 = arith.constant 14 : i32
          %add3A_412 = arith.addi %mul3A_410, %add3A_411 : i32
          %slice3A_413 = vector.extract_strided_slice %get3A_117 {offsets = [14], sizes = [1], strides = [1]} : vector<16xf32> to vector<1xf32>
          %squeeze3A_414 = vector.extract %slice3A_413[0] : f32 from vector<1xf32>
          %broadcast_in_dim3A_415 = vector.broadcast %squeeze3A_414 : f32 to vector<16xf32>
          %get3A_416 = arith.index_cast %add3A_412 : i32 to index
          %get3A_417 = arith.constant 0 : index
          %get3A_418 = tpu.vector_load %arg17[%get3A_416, %get3A_417] {strides = array<i32>} : memref<256x32xf32, #tpu.memory_space<vmem>>, vector<16xf32>,
          %mul3A_419 = arith.mulf %get3A_418, %broadcast_in_dim3A_415 : vector<16xf32>
          %swap3A_420 = arith.index_cast %add3A_412 : i32 to index
          %swap3A_421 = arith.constant 0 : index
          %swap3A_422 = tpu.vector_load %arg17[%swap3A_420, %swap3A_421] {strides = array<i32>} : memref<256x32xf32, #tpu.memory_space<vmem>>, vector<16xf32>,
          tpu.vector_store %arg17[%swap3A_420, %swap3A_421], %mul3A_419 {strides = array<i32>} : memref<256x32xf32, #tpu.memory_space<vmem>>, vector<16xf32>,
          %get3A_423 = arith.index_cast %add3A_412 : i32 to index
          %get3A_424 = arith.constant 16 : index
          %get3A_425 = tpu.vector_load %arg17[%get3A_423, %get3A_424] {strides = array<i32>} : memref<256x32xf32, #tpu.memory_space<vmem>>, vector<16xf32>,
          %mul3A_426 = arith.mulf %get3A_425, %broadcast_in_dim3A_415 : vector<16xf32>
          %swap3A_427 = arith.index_cast %add3A_412 : i32 to index
          %swap3A_428 = arith.constant 16 : index
          %swap3A_429 = tpu.vector_load %arg17[%swap3A_427, %swap3A_428] {strides = array<i32>} : memref<256x32xf32, #tpu.memory_space<vmem>>, vector<16xf32>,
          tpu.vector_store %arg17[%swap3A_427, %swap3A_428], %mul3A_426 {strides = array<i32>} : memref<256x32xf32, #tpu.memory_space<vmem>>, vector<16xf32>,
          %mul3A_430 = arith.constant 16 : i32
          %mul3A_431 = arith.muli %scan3A_114, %mul3A_430 : i32
          %add3A_432 = arith.constant 15 : i32
          %add3A_433 = arith.addi %mul3A_431, %add3A_432 : i32
          %slice3A_434 = vector.extract_strided_slice %get3A_117 {offsets = [15], sizes = [1], strides = [1]} : vector<16xf32> to vector<1xf32>
          %squeeze3A_435 = vector.extract %slice3A_434[0] : f32 from vector<1xf32>
          %broadcast_in_dim3A_436 = vector.broadcast %squeeze3A_435 : f32 to vector<16xf32>
          %get3A_437 = arith.index_cast %add3A_433 : i32 to index
          %get3A_438 = arith.constant 0 : index
          %get3A_439 = tpu.vector_load %arg17[%get3A_437, %get3A_438] {strides = array<i32>} : memref<256x32xf32, #tpu.memory_space<vmem>>, vector<16xf32>,
          %mul3A_440 = arith.mulf %get3A_439, %broadcast_in_dim3A_436 : vector<16xf32>
          %swap3A_441 = arith.index_cast %add3A_433 : i32 to index
          %swap3A_442 = arith.constant 0 : index
          %swap3A_443 = tpu.vector_load %arg17[%swap3A_441, %swap3A_442] {strides = array<i32>} : memref<256x32xf32, #tpu.memory_space<vmem>>, vector<16xf32>,
          tpu.vector_store %arg17[%swap3A_441, %swap3A_442], %mul3A_440 {strides = array<i32>} : memref<256x32xf32, #tpu.memory_space<vmem>>, vector<16xf32>,
          %get3A_444 = arith.index_cast %add3A_433 : i32 to index
          %get3A_445 = arith.constant 16 : index
          %get3A_446 = tpu.vector_load %arg17[%get3A_444, %get3A_445] {strides = array<i32>} : memref<256x32xf32, #tpu.memory_space<vmem>>, vector<16xf32>,
          %mul3A_447 = arith.mulf %get3A_446, %broadcast_in_dim3A_436 : vector<16xf32>
          %swap3A_448 = arith.index_cast %add3A_433 : i32 to index
          %swap3A_449 = arith.constant 16 : index
          %swap3A_450 = tpu.vector_load %arg17[%swap3A_448, %swap3A_449] {strides = array<i32>} : memref<256x32xf32, #tpu.memory_space<vmem>>, vector<16xf32>,
          tpu.vector_store %arg17[%swap3A_448, %swap3A_449], %mul3A_447 {strides = array<i32>} : memref<256x32xf32, #tpu.memory_space<vmem>>, vector<16xf32>,
        }
        %scan3A_113 = arith.constant 16 : i32
        "tpu.region"() ({
          %run_scoped3A = tpu.sem_alloc : memref<!tpu.dma_semaphore, #tpu.memory_space<semaphore_mem>>
          %dma_start3A_114 = arith.constant 0 : i32
          %dma_start3A_115 = arith.constant 0 : i32
          %dma_start3A_116 = tpu.memref_slice %arg17[%dma_start3A_114, %dma_start3A_115] : memref<256x32xf32, #tpu.memory_space<vmem>> -> memref<128x32xf32, #tpu.memory_space<vmem>>
          %dma_start3A_117 = arith.constant 0 : i32
          %dma_start3A_118 = arith.constant 0 : i32
          %dma_start3A_119 = tpu.memref_slice %arg21[%dma_start3A_117, %dma_start3A_118] : memref<10240x32xf32, #tpu.memory_space<vmem_shared>> -> memref<10240x32xf32, #tpu.memory_space<vmem_shared>>
          tpu.enqueue_indirect_dma source(%dma_start3A_116 : memref<128x32xf32, #tpu.memory_space<vmem>>) target(%dma_start3A_119 : memref<10240x32xf32, #tpu.memory_space<vmem_shared>>) offsets(%arg15 : memref<128xi32, #tpu.memory_space<vmem>>) semaphore(%run_scoped3A : memref<!tpu.dma_semaphore, #tpu.memory_space<semaphore_mem>>) {add = true}
          %dma_wait3A_120 = arith.constant 0 : i32
          %dma_wait3A_121 = arith.constant 0 : i32
          %dma_wait3A_122 = tpu.memref_slice %arg17[%dma_wait3A_120, %dma_wait3A_121] : memref<256x32xf32, #tpu.memory_space<vmem>> -> memref<128x32xf32, #tpu.memory_space<vmem>>
          %dma_wait3A_123 = arith.constant 0 : i32
          %dma_wait3A_124 = arith.constant 0 : i32
          %dma_wait3A_125 = tpu.memref_slice %arg21[%dma_wait3A_123, %dma_wait3A_124] : memref<10240x32xf32, #tpu.memory_space<vmem_shared>> -> memref<10240x32xf32, #tpu.memory_space<vmem_shared>>
          tpu.wait_indirect_dma semaphore(%run_scoped3A : memref<!tpu.dma_semaphore, #tpu.memory_space<semaphore_mem>>) src(%dma_wait3A_122 : memref<128x32xf32, #tpu.memory_space<vmem>>) dst(%dma_wait3A_125 : memref<10240x32xf32, #tpu.memory_space<vmem_shared>>)
          tpu.yield
        }) : () -> ()
        "tpu.region"() ({
          %run_scoped3A = tpu.sem_alloc : memref<!tpu.dma_semaphore, #tpu.memory_space<semaphore_mem>>
          %dma_start3A_114 = arith.constant 128 : i32
          %dma_start3A_115 = arith.constant 0 : i32
          %dma_start3A_116 = tpu.memref_slice %arg17[%dma_start3A_114, %dma_start3A_115] : memref<256x32xf32, #tpu.memory_space<vmem>> -> memref<128x32xf32, #tpu.memory_space<vmem>>
          %dma_start3A_117 = arith.constant 0 : i32
          %dma_start3A_118 = arith.constant 0 : i32
          %dma_start3A_119 = tpu.memref_slice %arg21[%dma_start3A_117, %dma_start3A_118] : memref<10240x32xf32, #tpu.memory_space<vmem_shared>> -> memref<10240x32xf32, #tpu.memory_space<vmem_shared>>
          tpu.enqueue_indirect_dma source(%dma_start3A_116 : memref<128x32xf32, #tpu.memory_space<vmem>>) target(%dma_start3A_119 : memref<10240x32xf32, #tpu.memory_space<vmem_shared>>) offsets(%arg16 : memref<128xi32, #tpu.memory_space<vmem>>) semaphore(%run_scoped3A : memref<!tpu.dma_semaphore, #tpu.memory_space<semaphore_mem>>) {add = true}
          %dma_wait3A_120 = arith.constant 128 : i32
          %dma_wait3A_121 = arith.constant 0 : i32
          %dma_wait3A_122 = tpu.memref_slice %arg17[%dma_wait3A_120, %dma_wait3A_121] : memref<256x32xf32, #tpu.memory_space<vmem>> -> memref<128x32xf32, #tpu.memory_space<vmem>>
          %dma_wait3A_123 = arith.constant 0 : i32
          %dma_wait3A_124 = arith.constant 0 : i32
          %dma_wait3A_125 = tpu.memref_slice %arg21[%dma_wait3A_123, %dma_wait3A_124] : memref<10240x32xf32, #tpu.memory_space<vmem_shared>> -> memref<10240x32xf32, #tpu.memory_space<vmem_shared>>
          tpu.wait_indirect_dma semaphore(%run_scoped3A : memref<!tpu.dma_semaphore, #tpu.memory_space<semaphore_mem>>) src(%dma_wait3A_122 : memref<128x32xf32, #tpu.memory_space<vmem>>) dst(%dma_wait3A_125 : memref<10240x32xf32, #tpu.memory_space<vmem_shared>>)
          tpu.yield
        }) : () -> ()
      } else {
      }
    }
    %scan3A_52 = arith.constant 40 : i32
    %barrier3A_53 = arith.constant 0 : index
    tpu.barrier barrier_id(%barrier3A_53)
    %mul3A_54 = arith.constant 640 : i32
    %mul3A_55 = arith.muli %arg1, %mul3A_54 : i32
    %mul3A_56 = arith.constant 640 : i32
    %mul3A_57 = arith.muli %arg1, %mul3A_56 : i32
    "tpu.region"() ({
      %run_scoped3A = tpu.sem_alloc : memref<!tpu.dma_semaphore, #tpu.memory_space<semaphore_mem>>
      %dma_start3A = arith.constant 0 : i32
      %dma_start3A_58 = tpu.memref_slice %arg7[%arg0, %mul3A_57, %dma_start3A] : memref<2x10240x32xf32, #tpu.memory_space<hbm>> -> memref<1x640x32xf32, #tpu.memory_space<hbm>>
      %dma_start3A_59 = tpu.memref_squeeze %dma_start3A_58 : memref<1x640x32xf32, #tpu.memory_space<hbm>> -> memref<640x32xf32, #tpu.memory_space<hbm>>
      %dma_start3A_60 = arith.constant 0 : i32
      %dma_start3A_61 = tpu.memref_slice %arg21[%mul3A_55, %dma_start3A_60] : memref<10240x32xf32, #tpu.memory_space<vmem_shared>> -> memref<640x32xf32, #tpu.memory_space<vmem_shared>>
      tpu.enqueue_dma source(%dma_start3A_61 : memref<640x32xf32, #tpu.memory_space<vmem_shared>>) target(%dma_start3A_59 : memref<640x32xf32, #tpu.memory_space<hbm>>) target_semaphore(%run_scoped3A : memref<!tpu.dma_semaphore, #tpu.memory_space<semaphore_mem>>)
      %dma_wait3A = arith.constant 0 : i32
      %dma_wait3A_62 = tpu.memref_slice %arg7[%arg0, %mul3A_57, %dma_wait3A] : memref<2x10240x32xf32, #tpu.memory_space<hbm>> -> memref<1x640x32xf32, #tpu.memory_space<hbm>>
      %dma_wait3A_63 = tpu.memref_squeeze %dma_wait3A_62 : memref<1x640x32xf32, #tpu.memory_space<hbm>> -> memref<640x32xf32, #tpu.memory_space<hbm>>
      %dma_wait3A_64 = arith.constant 0 : i32
      %dma_wait3A_65 = tpu.memref_slice %arg21[%mul3A_55, %dma_wait3A_64] : memref<10240x32xf32, #tpu.memory_space<vmem_shared>> -> memref<640x32xf32, #tpu.memory_space<vmem_shared>>
      tpu.wait_dma2 semaphore(%run_scoped3A : memref<!tpu.dma_semaphore, #tpu.memory_space<semaphore_mem>>) src(%dma_wait3A_65 : memref<640x32xf32, #tpu.memory_space<vmem_shared>>) dst(%dma_wait3A_63 : memref<640x32xf32, #tpu.memory_space<hbm>>)
      tpu.yield
    }) : () -> ()
    return
  }
}

#map = affine_map<(d0, d1) -> (0)>
#map1 = affine_map<(d0, d1) -> (0, 0)>
#map2 = affine_map<(d0, d1) -> (0, 0, 0)>
module attributes {stable_mosaic.version = 14 : i64} {
  func.func @_gaan_body(%arg0: i32, %arg1: i32, %arg2: memref<320000xi32, #tpu.memory_space<hbm>>, %arg3: memref<320000xi32, #tpu.memory_space<hbm>>, %arg4: memref<30720xf32, #tpu.memory_space<hbm>>, %arg5: memref<30720xf32, #tpu.memory_space<hbm>>, %arg6: memref<10240x32xf32, #tpu.memory_space<hbm>>, %arg7: memref<2x10240x32xf32, #tpu.memory_space<hbm>>, %arg8: memref<30720xf32, #tpu.memory_space<vmem>>, %arg9: memref<30720xf32, #tpu.memory_space<vmem>>, %arg10: memref<240x128xf32, #tpu.memory_space<vmem>>, %arg11: memref<800xi32, #tpu.memory_space<vmem>>, %arg12: memref<800xi32, #tpu.memory_space<vmem>>, %arg13: memref<128xi32, #tpu.memory_space<vmem>>, %arg14: memref<128xi32, #tpu.memory_space<vmem>>, %arg15: memref<128xi32, #tpu.memory_space<vmem>>, %arg16: memref<128xi32, #tpu.memory_space<vmem>>, %arg17: memref<256x32xf32, #tpu.memory_space<vmem>>, %arg18: memref<256xf32, #tpu.memory_space<vmem>>, %arg19: memref<240xi32, #tpu.memory_space<vmem>>, %arg20: memref<240x128xf32, #tpu.memory_space<vmem_shared>>, %arg21: memref<10240x32xf32, #tpu.memory_space<vmem_shared>>, %arg22: memref<!tpu.dma_semaphore, #tpu.memory_space<semaphore_mem>>) attributes {dimension_semantics = [#tpu.dimension_semantics<core_parallel>, #tpu.dimension_semantics<subcore_parallel>], iteration_bounds = array<i64: 2, 16>, scalar_prefetch = 0 : i64, scratch_operands = 15 : i64, tpu.core_type = #tpu.core_type<sc_vector_subcore>, window_params = [{transform_indices = #map}, {transform_indices = #map}, {transform_indices = #map}, {transform_indices = #map}, {transform_indices = #map1}, {transform_indices = #map2}]} {
    %mul3A = arith.constant 2 : i32
    %mul3A_0 = arith.muli %arg1, %mul3A : i32
    %add3A = arith.addi %mul3A_0, %arg0 : i32
    %broadcast_in_dim3A = arith.constant 0.000000e+00 : f32
    %broadcast_in_dim3A_1 = vector.broadcast %broadcast_in_dim3A : f32 to vector<16xf32>
    "tpu.region"() ({
      %run_scoped3A = tpu.sem_alloc : memref<!tpu.dma_semaphore, #tpu.memory_space<semaphore_mem>>
      tpu.enqueue_dma source(%arg4 : memref<30720xf32, #tpu.memory_space<hbm>>) target(%arg8 : memref<30720xf32, #tpu.memory_space<vmem>>) target_semaphore(%run_scoped3A : memref<!tpu.dma_semaphore, #tpu.memory_space<semaphore_mem>>)
      tpu.wait_dma2 semaphore(%run_scoped3A : memref<!tpu.dma_semaphore, #tpu.memory_space<semaphore_mem>>) src(%arg4 : memref<30720xf32, #tpu.memory_space<hbm>>) dst(%arg8 : memref<30720xf32, #tpu.memory_space<vmem>>)
      tpu.yield
    }) : () -> ()
    "tpu.region"() ({
      %run_scoped3A = tpu.sem_alloc : memref<!tpu.dma_semaphore, #tpu.memory_space<semaphore_mem>>
      tpu.enqueue_dma source(%arg5 : memref<30720xf32, #tpu.memory_space<hbm>>) target(%arg9 : memref<30720xf32, #tpu.memory_space<vmem>>) target_semaphore(%run_scoped3A : memref<!tpu.dma_semaphore, #tpu.memory_space<semaphore_mem>>)
      tpu.wait_dma2 semaphore(%run_scoped3A : memref<!tpu.dma_semaphore, #tpu.memory_space<semaphore_mem>>) src(%arg5 : memref<30720xf32, #tpu.memory_space<hbm>>) dst(%arg9 : memref<30720xf32, #tpu.memory_space<vmem>>)
      tpu.yield
    }) : () -> ()
    %scan3A = arith.constant 0 : i32
    %scan3A_2 = arith.constant 0 : i32
    %scan3A_3 = arith.constant 15 : i32
    %scan3A_4 = arith.addi %scan3A_2, %scan3A_3 : i32
    %scan3A_5 = arith.constant 1 : i32
    scf.for %scan3A_58 = %scan3A_2 to %scan3A_4 step %scan3A_5  : i32 {
      %iota3A = tpu.iota {dimensions = array<i32: 0>} : vector<16xi32>
      %mul3A_59 = arith.constant 16 : i32
      %mul3A_60 = arith.muli %scan3A_58, %mul3A_59 : i32
      %add3A_61 = vector.broadcast %mul3A_60 : i32 to vector<16xi32>
      %add3A_62 = arith.addi %iota3A, %add3A_61 : vector<16xi32>
      %mul3A_63 = arith.constant 16 : i32
      %mul3A_64 = arith.muli %scan3A_58, %mul3A_63 : i32
      %swap3A = arith.index_cast %mul3A_64 : i32 to index
      %swap3A_65 = tpu.vector_load %arg19[%swap3A] {strides = array<i32>} : memref<240xi32, #tpu.memory_space<vmem>>, vector<16xi32>,
      tpu.vector_store %arg19[%swap3A], %add3A_62 {strides = array<i32>} : memref<240xi32, #tpu.memory_space<vmem>>, vector<16xi32>,
    }
    %scan3A_6 = arith.constant 15 : i32
    %scan3A_7 = arith.constant 0 : i32
    %scan3A_8 = arith.constant 0 : i32
    %scan3A_9 = arith.constant 240 : i32
    %scan3A_10 = arith.addi %scan3A_8, %scan3A_9 : i32
    %scan3A_11 = arith.constant 1 : i32
    scf.for %scan3A_58 = %scan3A_8 to %scan3A_10 step %scan3A_11  : i32 {
      %swap3A = arith.index_cast %scan3A_58 : i32 to index
      %swap3A_59 = arith.constant 0 : index
      %swap3A_60 = tpu.vector_load %arg10[%swap3A, %swap3A_59] {strides = array<i32>} : memref<240x128xf32, #tpu.memory_space<vmem>>, vector<16xf32>,
      tpu.vector_store %arg10[%swap3A, %swap3A_59], %broadcast_in_dim3A_1 {strides = array<i32>} : memref<240x128xf32, #tpu.memory_space<vmem>>, vector<16xf32>,
      %swap3A_61 = arith.index_cast %scan3A_58 : i32 to index
      %swap3A_62 = arith.constant 16 : index
      %swap3A_63 = tpu.vector_load %arg10[%swap3A_61, %swap3A_62] {strides = array<i32>} : memref<240x128xf32, #tpu.memory_space<vmem>>, vector<16xf32>,
      tpu.vector_store %arg10[%swap3A_61, %swap3A_62], %broadcast_in_dim3A_1 {strides = array<i32>} : memref<240x128xf32, #tpu.memory_space<vmem>>, vector<16xf32>,
      %swap3A_64 = arith.index_cast %scan3A_58 : i32 to index
      %swap3A_65 = arith.constant 32 : index
      %swap3A_66 = tpu.vector_load %arg10[%swap3A_64, %swap3A_65] {strides = array<i32>} : memref<240x128xf32, #tpu.memory_space<vmem>>, vector<16xf32>,
      tpu.vector_store %arg10[%swap3A_64, %swap3A_65], %broadcast_in_dim3A_1 {strides = array<i32>} : memref<240x128xf32, #tpu.memory_space<vmem>>, vector<16xf32>,
      %swap3A_67 = arith.index_cast %scan3A_58 : i32 to index
      %swap3A_68 = arith.constant 48 : index
      %swap3A_69 = tpu.vector_load %arg10[%swap3A_67, %swap3A_68] {strides = array<i32>} : memref<240x128xf32, #tpu.memory_space<vmem>>, vector<16xf32>,
      tpu.vector_store %arg10[%swap3A_67, %swap3A_68], %broadcast_in_dim3A_1 {strides = array<i32>} : memref<240x128xf32, #tpu.memory_space<vmem>>, vector<16xf32>,
      %swap3A_70 = arith.index_cast %scan3A_58 : i32 to index
      %swap3A_71 = arith.constant 64 : index
      %swap3A_72 = tpu.vector_load %arg10[%swap3A_70, %swap3A_71] {strides = array<i32>} : memref<240x128xf32, #tpu.memory_space<vmem>>, vector<16xf32>,
      tpu.vector_store %arg10[%swap3A_70, %swap3A_71], %broadcast_in_dim3A_1 {strides = array<i32>} : memref<240x128xf32, #tpu.memory_space<vmem>>, vector<16xf32>,
      %swap3A_73 = arith.index_cast %scan3A_58 : i32 to index
      %swap3A_74 = arith.constant 80 : index
      %swap3A_75 = tpu.vector_load %arg10[%swap3A_73, %swap3A_74] {strides = array<i32>} : memref<240x128xf32, #tpu.memory_space<vmem>>, vector<16xf32>,
      tpu.vector_store %arg10[%swap3A_73, %swap3A_74], %broadcast_in_dim3A_1 {strides = array<i32>} : memref<240x128xf32, #tpu.memory_space<vmem>>, vector<16xf32>,
      %swap3A_76 = arith.index_cast %scan3A_58 : i32 to index
      %swap3A_77 = arith.constant 96 : index
      %swap3A_78 = tpu.vector_load %arg10[%swap3A_76, %swap3A_77] {strides = array<i32>} : memref<240x128xf32, #tpu.memory_space<vmem>>, vector<16xf32>,
      tpu.vector_store %arg10[%swap3A_76, %swap3A_77], %broadcast_in_dim3A_1 {strides = array<i32>} : memref<240x128xf32, #tpu.memory_space<vmem>>, vector<16xf32>,
      %swap3A_79 = arith.index_cast %scan3A_58 : i32 to index
      %swap3A_80 = arith.constant 112 : index
      %swap3A_81 = tpu.vector_load %arg10[%swap3A_79, %swap3A_80] {strides = array<i32>} : memref<240x128xf32, #tpu.memory_space<vmem>>, vector<16xf32>,
      tpu.vector_store %arg10[%swap3A_79, %swap3A_80], %broadcast_in_dim3A_1 {strides = array<i32>} : memref<240x128xf32, #tpu.memory_space<vmem>>, vector<16xf32>,
    }
    %scan3A_12 = arith.constant 240 : i32
    %mul3A_13 = arith.constant 15 : i32
    %mul3A_14 = arith.muli %arg1, %mul3A_13 : i32
    "tpu.region"() ({
      %run_scoped3A = tpu.sem_alloc : memref<!tpu.dma_semaphore, #tpu.memory_space<semaphore_mem>>
      %dma_start3A = arith.constant 0 : i32
      %dma_start3A_58 = arith.constant 0 : i32
      %dma_start3A_59 = tpu.memref_slice %arg10[%dma_start3A, %dma_start3A_58] : memref<240x128xf32, #tpu.memory_space<vmem>> -> memref<15x128xf32, #tpu.memory_space<vmem>>
      %dma_start3A_60 = arith.constant 0 : i32
      %dma_start3A_61 = tpu.memref_slice %arg20[%mul3A_14, %dma_start3A_60] : memref<240x128xf32, #tpu.memory_space<vmem_shared>> -> memref<15x128xf32, #tpu.memory_space<vmem_shared>>
      %dma_start3A_62 = arith.constant 0 : i32
      %dma_start3A_63 = tpu.memref_slice %arg20[%mul3A_14, %dma_start3A_62] : memref<240x128xf32, #tpu.memory_space<vmem_shared>> -> memref<15x128xf32, #tpu.memory_space<vmem_shared>>
      %dma_start3A_64 = arith.constant 0 : i32
      %dma_start3A_65 = arith.constant 0 : i32
      %dma_start3A_66 = tpu.memref_slice %arg10[%dma_start3A_64, %dma_start3A_65] : memref<240x128xf32, #tpu.memory_space<vmem>> -> memref<15x128xf32, #tpu.memory_space<vmem>>
      tpu.enqueue_dma source(%dma_start3A_66 : memref<15x128xf32, #tpu.memory_space<vmem>>) target(%dma_start3A_63 : memref<15x128xf32, #tpu.memory_space<vmem_shared>>) target_semaphore(%run_scoped3A : memref<!tpu.dma_semaphore, #tpu.memory_space<semaphore_mem>>)
      %dma_wait3A = arith.constant 0 : i32
      %dma_wait3A_67 = arith.constant 0 : i32
      %dma_wait3A_68 = tpu.memref_slice %arg10[%dma_wait3A, %dma_wait3A_67] : memref<240x128xf32, #tpu.memory_space<vmem>> -> memref<15x128xf32, #tpu.memory_space<vmem>>
      %dma_wait3A_69 = arith.constant 0 : i32
      %dma_wait3A_70 = tpu.memref_slice %arg20[%mul3A_14, %dma_wait3A_69] : memref<240x128xf32, #tpu.memory_space<vmem_shared>> -> memref<15x128xf32, #tpu.memory_space<vmem_shared>>
      %dma_wait3A_71 = arith.constant 0 : i32
      %dma_wait3A_72 = tpu.memref_slice %arg20[%mul3A_14, %dma_wait3A_71] : memref<240x128xf32, #tpu.memory_space<vmem_shared>> -> memref<15x128xf32, #tpu.memory_space<vmem_shared>>
      %dma_wait3A_73 = arith.constant 0 : i32
      %dma_wait3A_74 = arith.constant 0 : i32
      %dma_wait3A_75 = tpu.memref_slice %arg10[%dma_wait3A_73, %dma_wait3A_74] : memref<240x128xf32, #tpu.memory_space<vmem>> -> memref<15x128xf32, #tpu.memory_space<vmem>>
      tpu.wait_dma2 semaphore(%run_scoped3A : memref<!tpu.dma_semaphore, #tpu.memory_space<semaphore_mem>>) src(%dma_wait3A_75 : memref<15x128xf32, #tpu.memory_space<vmem>>) dst(%dma_wait3A_72 : memref<15x128xf32, #tpu.memory_space<vmem_shared>>)
      tpu.yield
    }) : () -> ()
    %scan3A_15 = arith.constant 0 : i32
    %scan3A_16 = arith.constant 0 : i32
    %scan3A_17 = arith.constant 256 : i32
    %scan3A_18 = arith.addi %scan3A_16, %scan3A_17 : i32
    %scan3A_19 = arith.constant 1 : i32
    scf.for %scan3A_58 = %scan3A_16 to %scan3A_18 step %scan3A_19  : i32 {
      %swap3A = arith.index_cast %scan3A_58 : i32 to index
      %swap3A_59 = arith.constant 0 : index
      %swap3A_60 = tpu.vector_load %arg17[%swap3A, %swap3A_59] {strides = array<i32>} : memref<256x32xf32, #tpu.memory_space<vmem>>, vector<16xf32>,
      tpu.vector_store %arg17[%swap3A, %swap3A_59], %broadcast_in_dim3A_1 {strides = array<i32>} : memref<256x32xf32, #tpu.memory_space<vmem>>, vector<16xf32>,
      %swap3A_61 = arith.index_cast %scan3A_58 : i32 to index
      %swap3A_62 = arith.constant 16 : index
      %swap3A_63 = tpu.vector_load %arg17[%swap3A_61, %swap3A_62] {strides = array<i32>} : memref<256x32xf32, #tpu.memory_space<vmem>>, vector<16xf32>,
      tpu.vector_store %arg17[%swap3A_61, %swap3A_62], %broadcast_in_dim3A_1 {strides = array<i32>} : memref<256x32xf32, #tpu.memory_space<vmem>>, vector<16xf32>,
    }
    %scan3A_20 = arith.constant 256 : i32
    %mul3A_21 = arith.constant 640 : i32
    %mul3A_22 = arith.muli %arg1, %mul3A_21 : i32
    %add3A_23 = arith.constant 0 : i32
    %add3A_24 = arith.addi %mul3A_22, %add3A_23 : i32
    "tpu.region"() ({
      %run_scoped3A = tpu.sem_alloc : memref<!tpu.dma_semaphore, #tpu.memory_space<semaphore_mem>>
      %dma_start3A = arith.constant 0 : i32
      %dma_start3A_58 = tpu.memref_slice %arg21[%add3A_24, %dma_start3A] : memref<10240x32xf32, #tpu.memory_space<vmem_shared>> -> memref<256x32xf32, #tpu.memory_space<vmem_shared>>
      %dma_start3A_59 = arith.constant 0 : i32
      %dma_start3A_60 = tpu.memref_slice %arg21[%add3A_24, %dma_start3A_59] : memref<10240x32xf32, #tpu.memory_space<vmem_shared>> -> memref<256x32xf32, #tpu.memory_space<vmem_shared>>
      tpu.enqueue_dma source(%arg17 : memref<256x32xf32, #tpu.memory_space<vmem>>) target(%dma_start3A_60 : memref<256x32xf32, #tpu.memory_space<vmem_shared>>) target_semaphore(%run_scoped3A : memref<!tpu.dma_semaphore, #tpu.memory_space<semaphore_mem>>)
      %dma_wait3A = arith.constant 0 : i32
      %dma_wait3A_61 = tpu.memref_slice %arg21[%add3A_24, %dma_wait3A] : memref<10240x32xf32, #tpu.memory_space<vmem_shared>> -> memref<256x32xf32, #tpu.memory_space<vmem_shared>>
      %dma_wait3A_62 = arith.constant 0 : i32
      %dma_wait3A_63 = tpu.memref_slice %arg21[%add3A_24, %dma_wait3A_62] : memref<10240x32xf32, #tpu.memory_space<vmem_shared>> -> memref<256x32xf32, #tpu.memory_space<vmem_shared>>
      tpu.wait_dma2 semaphore(%run_scoped3A : memref<!tpu.dma_semaphore, #tpu.memory_space<semaphore_mem>>) src(%arg17 : memref<256x32xf32, #tpu.memory_space<vmem>>) dst(%dma_wait3A_63 : memref<256x32xf32, #tpu.memory_space<vmem_shared>>)
      tpu.yield
    }) : () -> ()
    %mul3A_25 = arith.constant 640 : i32
    %mul3A_26 = arith.muli %arg1, %mul3A_25 : i32
    %add3A_27 = arith.constant 256 : i32
    %add3A_28 = arith.addi %mul3A_26, %add3A_27 : i32
    "tpu.region"() ({
      %run_scoped3A = tpu.sem_alloc : memref<!tpu.dma_semaphore, #tpu.memory_space<semaphore_mem>>
      %dma_start3A = arith.constant 0 : i32
      %dma_start3A_58 = tpu.memref_slice %arg21[%add3A_28, %dma_start3A] : memref<10240x32xf32, #tpu.memory_space<vmem_shared>> -> memref<256x32xf32, #tpu.memory_space<vmem_shared>>
      %dma_start3A_59 = arith.constant 0 : i32
      %dma_start3A_60 = tpu.memref_slice %arg21[%add3A_28, %dma_start3A_59] : memref<10240x32xf32, #tpu.memory_space<vmem_shared>> -> memref<256x32xf32, #tpu.memory_space<vmem_shared>>
      tpu.enqueue_dma source(%arg17 : memref<256x32xf32, #tpu.memory_space<vmem>>) target(%dma_start3A_60 : memref<256x32xf32, #tpu.memory_space<vmem_shared>>) target_semaphore(%run_scoped3A : memref<!tpu.dma_semaphore, #tpu.memory_space<semaphore_mem>>)
      %dma_wait3A = arith.constant 0 : i32
      %dma_wait3A_61 = tpu.memref_slice %arg21[%add3A_28, %dma_wait3A] : memref<10240x32xf32, #tpu.memory_space<vmem_shared>> -> memref<256x32xf32, #tpu.memory_space<vmem_shared>>
      %dma_wait3A_62 = arith.constant 0 : i32
      %dma_wait3A_63 = tpu.memref_slice %arg21[%add3A_28, %dma_wait3A_62] : memref<10240x32xf32, #tpu.memory_space<vmem_shared>> -> memref<256x32xf32, #tpu.memory_space<vmem_shared>>
      tpu.wait_dma2 semaphore(%run_scoped3A : memref<!tpu.dma_semaphore, #tpu.memory_space<semaphore_mem>>) src(%arg17 : memref<256x32xf32, #tpu.memory_space<vmem>>) dst(%dma_wait3A_63 : memref<256x32xf32, #tpu.memory_space<vmem_shared>>)
      tpu.yield
    }) : () -> ()
    %mul3A_29 = arith.constant 640 : i32
    %mul3A_30 = arith.muli %arg1, %mul3A_29 : i32
    %add3A_31 = arith.constant 640 : i32
    %add3A_32 = arith.addi %mul3A_30, %add3A_31 : i32
    %sub3A = arith.constant 128 : i32
    %sub3A_33 = arith.subi %add3A_32, %sub3A : i32
    "tpu.region"() ({
      %run_scoped3A = tpu.sem_alloc : memref<!tpu.dma_semaphore, #tpu.memory_space<semaphore_mem>>
      %dma_start3A = arith.constant 0 : i32
      %dma_start3A_58 = arith.constant 0 : i32
      %dma_start3A_59 = tpu.memref_slice %arg17[%dma_start3A, %dma_start3A_58] : memref<256x32xf32, #tpu.memory_space<vmem>> -> memref<128x32xf32, #tpu.memory_space<vmem>>
      %dma_start3A_60 = arith.constant 0 : i32
      %dma_start3A_61 = tpu.memref_slice %arg21[%sub3A_33, %dma_start3A_60] : memref<10240x32xf32, #tpu.memory_space<vmem_shared>> -> memref<128x32xf32, #tpu.memory_space<vmem_shared>>
      %dma_start3A_62 = arith.constant 0 : i32
      %dma_start3A_63 = tpu.memref_slice %arg21[%sub3A_33, %dma_start3A_62] : memref<10240x32xf32, #tpu.memory_space<vmem_shared>> -> memref<128x32xf32, #tpu.memory_space<vmem_shared>>
      %dma_start3A_64 = arith.constant 0 : i32
      %dma_start3A_65 = arith.constant 0 : i32
      %dma_start3A_66 = tpu.memref_slice %arg17[%dma_start3A_64, %dma_start3A_65] : memref<256x32xf32, #tpu.memory_space<vmem>> -> memref<128x32xf32, #tpu.memory_space<vmem>>
      tpu.enqueue_dma source(%dma_start3A_66 : memref<128x32xf32, #tpu.memory_space<vmem>>) target(%dma_start3A_63 : memref<128x32xf32, #tpu.memory_space<vmem_shared>>) target_semaphore(%run_scoped3A : memref<!tpu.dma_semaphore, #tpu.memory_space<semaphore_mem>>)
      %dma_wait3A = arith.constant 0 : i32
      %dma_wait3A_67 = arith.constant 0 : i32
      %dma_wait3A_68 = tpu.memref_slice %arg17[%dma_wait3A, %dma_wait3A_67] : memref<256x32xf32, #tpu.memory_space<vmem>> -> memref<128x32xf32, #tpu.memory_space<vmem>>
      %dma_wait3A_69 = arith.constant 0 : i32
      %dma_wait3A_70 = tpu.memref_slice %arg21[%sub3A_33, %dma_wait3A_69] : memref<10240x32xf32, #tpu.memory_space<vmem_shared>> -> memref<128x32xf32, #tpu.memory_space<vmem_shared>>
      %dma_wait3A_71 = arith.constant 0 : i32
      %dma_wait3A_72 = tpu.memref_slice %arg21[%sub3A_33, %dma_wait3A_71] : memref<10240x32xf32, #tpu.memory_space<vmem_shared>> -> memref<128x32xf32, #tpu.memory_space<vmem_shared>>
      %dma_wait3A_73 = arith.constant 0 : i32
      %dma_wait3A_74 = arith.constant 0 : i32
      %dma_wait3A_75 = tpu.memref_slice %arg17[%dma_wait3A_73, %dma_wait3A_74] : memref<256x32xf32, #tpu.memory_space<vmem>> -> memref<128x32xf32, #tpu.memory_space<vmem>>
      tpu.wait_dma2 semaphore(%run_scoped3A : memref<!tpu.dma_semaphore, #tpu.memory_space<semaphore_mem>>) src(%dma_wait3A_75 : memref<128x32xf32, #tpu.memory_space<vmem>>) dst(%dma_wait3A_72 : memref<128x32xf32, #tpu.memory_space<vmem_shared>>)
      tpu.yield
    }) : () -> ()
    %barrier3A = arith.constant 0 : index
    tpu.barrier barrier_id(%barrier3A)
    %scan3A_34 = arith.constant 0 : i32
    %scan3A_35 = arith.constant 0 : i32
    %scan3A_36 = arith.constant 25 : i32
    %scan3A_37 = arith.addi %scan3A_35, %scan3A_36 : i32
    %scan3A_38 = arith.constant 1 : i32
    scf.for %scan3A_58 = %scan3A_35 to %scan3A_37 step %scan3A_38  : i32 {
      %mul3A_59 = arith.constant 20000 : i32
      %mul3A_60 = arith.muli %arg1, %mul3A_59 : i32
      %mul3A_61 = arith.constant 800 : i32
      %mul3A_62 = arith.muli %scan3A_58, %mul3A_61 : i32
      %add3A_63 = arith.addi %mul3A_60, %mul3A_62 : i32
      "tpu.region"() ({
        %run_scoped3A = tpu.sem_alloc : memref<!tpu.dma_semaphore, #tpu.memory_space<semaphore_mem>>
        %dma_start3A = tpu.memref_slice %arg2[%add3A_63] : memref<320000xi32, #tpu.memory_space<hbm>> -> memref<800xi32, #tpu.memory_space<hbm>>
        %dma_start3A_70 = tpu.memref_slice %arg2[%add3A_63] : memref<320000xi32, #tpu.memory_space<hbm>> -> memref<800xi32, #tpu.memory_space<hbm>>
        tpu.enqueue_dma source(%dma_start3A_70 : memref<800xi32, #tpu.memory_space<hbm>>) target(%arg11 : memref<800xi32, #tpu.memory_space<vmem>>) target_semaphore(%run_scoped3A : memref<!tpu.dma_semaphore, #tpu.memory_space<semaphore_mem>>)
        %dma_wait3A = tpu.memref_slice %arg2[%add3A_63] : memref<320000xi32, #tpu.memory_space<hbm>> -> memref<800xi32, #tpu.memory_space<hbm>>
        %dma_wait3A_71 = tpu.memref_slice %arg2[%add3A_63] : memref<320000xi32, #tpu.memory_space<hbm>> -> memref<800xi32, #tpu.memory_space<hbm>>
        tpu.wait_dma2 semaphore(%run_scoped3A : memref<!tpu.dma_semaphore, #tpu.memory_space<semaphore_mem>>) src(%dma_wait3A_71 : memref<800xi32, #tpu.memory_space<hbm>>) dst(%arg11 : memref<800xi32, #tpu.memory_space<vmem>>)
        tpu.yield
      }) : () -> ()
      "tpu.region"() ({
        %run_scoped3A = tpu.sem_alloc : memref<!tpu.dma_semaphore, #tpu.memory_space<semaphore_mem>>
        %dma_start3A = tpu.memref_slice %arg3[%add3A_63] : memref<320000xi32, #tpu.memory_space<hbm>> -> memref<800xi32, #tpu.memory_space<hbm>>
        %dma_start3A_70 = tpu.memref_slice %arg3[%add3A_63] : memref<320000xi32, #tpu.memory_space<hbm>> -> memref<800xi32, #tpu.memory_space<hbm>>
        tpu.enqueue_dma source(%dma_start3A_70 : memref<800xi32, #tpu.memory_space<hbm>>) target(%arg12 : memref<800xi32, #tpu.memory_space<vmem>>) target_semaphore(%run_scoped3A : memref<!tpu.dma_semaphore, #tpu.memory_space<semaphore_mem>>)
        %dma_wait3A = tpu.memref_slice %arg3[%add3A_63] : memref<320000xi32, #tpu.memory_space<hbm>> -> memref<800xi32, #tpu.memory_space<hbm>>
        %dma_wait3A_71 = tpu.memref_slice %arg3[%add3A_63] : memref<320000xi32, #tpu.memory_space<hbm>> -> memref<800xi32, #tpu.memory_space<hbm>>
        tpu.wait_dma2 semaphore(%run_scoped3A : memref<!tpu.dma_semaphore, #tpu.memory_space<semaphore_mem>>) src(%dma_wait3A_71 : memref<800xi32, #tpu.memory_space<hbm>>) dst(%arg12 : memref<800xi32, #tpu.memory_space<vmem>>)
        tpu.yield
      }) : () -> ()
      %scan3A_64 = arith.constant 0 : i32
      %scan3A_65 = arith.constant 0 : i32
      %scan3A_66 = arith.constant 50 : i32
      %scan3A_67 = arith.addi %scan3A_65, %scan3A_66 : i32
      %scan3A_68 = arith.constant 1 : i32
      scf.for %scan3A_70 = %scan3A_65 to %scan3A_67 step %scan3A_68  : i32 {
        %mul3A_71 = arith.constant 16 : i32
        %mul3A_72 = arith.muli %scan3A_70, %mul3A_71 : i32
        %get3A = arith.index_cast %mul3A_72 : i32 to index
        %get3A_73 = tpu.vector_load %arg11[%get3A] {strides = array<i32>} : memref<800xi32, #tpu.memory_space<vmem>>, vector<16xi32>,
        %mul3A_74 = arith.constant 3 : i32
        %mul3A_75 = vector.broadcast %mul3A_74 : i32 to vector<16xi32>
        %mul3A_76 = arith.muli %get3A_73, %mul3A_75 : vector<16xi32>
        %mul3A_77 = arith.constant 16 : i32
        %mul3A_78 = arith.muli %scan3A_70, %mul3A_77 : i32
        %get3A_79 = arith.index_cast %mul3A_78 : i32 to index
        %get3A_80 = tpu.vector_load %arg12[%get3A_79] {strides = array<i32>} : memref<800xi32, #tpu.memory_space<vmem>>, vector<16xi32>,
        %mul3A_81 = arith.constant 3 : i32
        %mul3A_82 = vector.broadcast %mul3A_81 : i32 to vector<16xi32>
        %mul3A_83 = arith.muli %get3A_80, %mul3A_82 : vector<16xi32>
        %add3A_84 = arith.constant 0 : i32
        %add3A_85 = vector.broadcast %add3A_84 : i32 to vector<16xi32>
        %add3A_86 = arith.addi %mul3A_76, %add3A_85 : vector<16xi32>
        %gather3A = tpu.vector_load_idx %arg8[%add3A_86] : memref<30720xf32, #tpu.memory_space<vmem>>[vector<16xi32>], vector<16xf32>,
        %add3A_87 = arith.constant 0 : i32
        %add3A_88 = vector.broadcast %add3A_87 : i32 to vector<16xi32>
        %add3A_89 = arith.addi %mul3A_83, %add3A_88 : vector<16xi32>
        %gather3A_90 = tpu.vector_load_idx %arg9[%add3A_89] : memref<30720xf32, #tpu.memory_space<vmem>>[vector<16xi32>], vector<16xf32>,
        %add3A_91 = arith.addf %gather3A, %gather3A_90 : vector<16xf32>
        %ge3A = arith.constant 0.000000e+00 : f32
        %ge3A_92 = vector.broadcast %ge3A : f32 to vector<16xf32>
        %ge3A_93 = arith.cmpf oge, %add3A_91, %ge3A_92 : vector<16xf32>
        %mul3A_94 = arith.constant 0.00999999977 : f32
        %mul3A_95 = vector.broadcast %mul3A_94 : f32 to vector<16xf32>
        %mul3A_96 = arith.mulf %mul3A_95, %add3A_91 : vector<16xf32>
        %select_n3A = arith.select %ge3A_93, %add3A_91, %mul3A_96 : vector<16xi1>, vector<16xf32>
        %add3A_97 = arith.constant 0 : i32
        %add3A_98 = vector.broadcast %add3A_97 : i32 to vector<16xi32>
        %add3A_99 = arith.addi %mul3A_83, %add3A_98 : vector<16xi32>
        %shift_right_logical3A = arith.constant 7 : i32
        %shift_right_logical3A_100 = vector.broadcast %shift_right_logical3A : i32 to vector<16xi32>
        %shift_right_logical3A_101 = arith.shrui %add3A_99, %shift_right_logical3A_100 : vector<16xi32>
        %and3A = arith.constant 127 : i32
        %and3A_102 = vector.broadcast %and3A : i32 to vector<16xi32>
        %and3A_103 = arith.andi %add3A_99, %and3A_102 : vector<16xi32>
        %exp3A = math.exp %select_n3A : vector<16xf32>
        tpu.vector_store_idx %arg10[%shift_right_logical3A_101, %and3A_103], %exp3A {add = true} : memref<240x128xf32, #tpu.memory_space<vmem>>[vector<16xi32>, vector<16xi32>], vector<16xf32>,
        %add3A_104 = arith.constant 1 : i32
        %add3A_105 = vector.broadcast %add3A_104 : i32 to vector<16xi32>
        %add3A_106 = arith.addi %mul3A_76, %add3A_105 : vector<16xi32>
        %gather3A_107 = tpu.vector_load_idx %arg8[%add3A_106] : memref<30720xf32, #tpu.memory_space<vmem>>[vector<16xi32>], vector<16xf32>,
        %add3A_108 = arith.constant 1 : i32
        %add3A_109 = vector.broadcast %add3A_108 : i32 to vector<16xi32>
        %add3A_110 = arith.addi %mul3A_83, %add3A_109 : vector<16xi32>
        %gather3A_111 = tpu.vector_load_idx %arg9[%add3A_110] : memref<30720xf32, #tpu.memory_space<vmem>>[vector<16xi32>], vector<16xf32>,
        %add3A_112 = arith.addf %gather3A_107, %gather3A_111 : vector<16xf32>
        %ge3A_113 = arith.constant 0.000000e+00 : f32
        %ge3A_114 = vector.broadcast %ge3A_113 : f32 to vector<16xf32>
        %ge3A_115 = arith.cmpf oge, %add3A_112, %ge3A_114 : vector<16xf32>
        %mul3A_116 = arith.constant 0.00999999977 : f32
        %mul3A_117 = vector.broadcast %mul3A_116 : f32 to vector<16xf32>
        %mul3A_118 = arith.mulf %mul3A_117, %add3A_112 : vector<16xf32>
        %select_n3A_119 = arith.select %ge3A_115, %add3A_112, %mul3A_118 : vector<16xi1>, vector<16xf32>
        %add3A_120 = arith.constant 1 : i32
        %add3A_121 = vector.broadcast %add3A_120 : i32 to vector<16xi32>
        %add3A_122 = arith.addi %mul3A_83, %add3A_121 : vector<16xi32>
        %shift_right_logical3A_123 = arith.constant 7 : i32
        %shift_right_logical3A_124 = vector.broadcast %shift_right_logical3A_123 : i32 to vector<16xi32>
        %shift_right_logical3A_125 = arith.shrui %add3A_122, %shift_right_logical3A_124 : vector<16xi32>
        %and3A_126 = arith.constant 127 : i32
        %and3A_127 = vector.broadcast %and3A_126 : i32 to vector<16xi32>
        %and3A_128 = arith.andi %add3A_122, %and3A_127 : vector<16xi32>
        %exp3A_129 = math.exp %select_n3A_119 : vector<16xf32>
        tpu.vector_store_idx %arg10[%shift_right_logical3A_125, %and3A_128], %exp3A_129 {add = true} : memref<240x128xf32, #tpu.memory_space<vmem>>[vector<16xi32>, vector<16xi32>], vector<16xf32>,
        %add3A_130 = arith.constant 2 : i32
        %add3A_131 = vector.broadcast %add3A_130 : i32 to vector<16xi32>
        %add3A_132 = arith.addi %mul3A_76, %add3A_131 : vector<16xi32>
        %gather3A_133 = tpu.vector_load_idx %arg8[%add3A_132] : memref<30720xf32, #tpu.memory_space<vmem>>[vector<16xi32>], vector<16xf32>,
        %add3A_134 = arith.constant 2 : i32
        %add3A_135 = vector.broadcast %add3A_134 : i32 to vector<16xi32>
        %add3A_136 = arith.addi %mul3A_83, %add3A_135 : vector<16xi32>
        %gather3A_137 = tpu.vector_load_idx %arg9[%add3A_136] : memref<30720xf32, #tpu.memory_space<vmem>>[vector<16xi32>], vector<16xf32>,
        %add3A_138 = arith.addf %gather3A_133, %gather3A_137 : vector<16xf32>
        %ge3A_139 = arith.constant 0.000000e+00 : f32
        %ge3A_140 = vector.broadcast %ge3A_139 : f32 to vector<16xf32>
        %ge3A_141 = arith.cmpf oge, %add3A_138, %ge3A_140 : vector<16xf32>
        %mul3A_142 = arith.constant 0.00999999977 : f32
        %mul3A_143 = vector.broadcast %mul3A_142 : f32 to vector<16xf32>
        %mul3A_144 = arith.mulf %mul3A_143, %add3A_138 : vector<16xf32>
        %select_n3A_145 = arith.select %ge3A_141, %add3A_138, %mul3A_144 : vector<16xi1>, vector<16xf32>
        %add3A_146 = arith.constant 2 : i32
        %add3A_147 = vector.broadcast %add3A_146 : i32 to vector<16xi32>
        %add3A_148 = arith.addi %mul3A_83, %add3A_147 : vector<16xi32>
        %shift_right_logical3A_149 = arith.constant 7 : i32
        %shift_right_logical3A_150 = vector.broadcast %shift_right_logical3A_149 : i32 to vector<16xi32>
        %shift_right_logical3A_151 = arith.shrui %add3A_148, %shift_right_logical3A_150 : vector<16xi32>
        %and3A_152 = arith.constant 127 : i32
        %and3A_153 = vector.broadcast %and3A_152 : i32 to vector<16xi32>
        %and3A_154 = arith.andi %add3A_148, %and3A_153 : vector<16xi32>
        %exp3A_155 = math.exp %select_n3A_145 : vector<16xf32>
        tpu.vector_store_idx %arg10[%shift_right_logical3A_151, %and3A_154], %exp3A_155 {add = true} : memref<240x128xf32, #tpu.memory_space<vmem>>[vector<16xi32>, vector<16xi32>], vector<16xf32>,
      }
      %scan3A_69 = arith.constant 50 : i32
    }
    %scan3A_39 = arith.constant 25 : i32
    "tpu.region"() ({
      %run_scoped3A = tpu.sem_alloc : memref<!tpu.dma_semaphore, #tpu.memory_space<semaphore_mem>>
      %dma_start3A = arith.constant 0 : i32
      %dma_start3A_58 = arith.constant 0 : i32
      %dma_start3A_59 = tpu.memref_slice %arg20[%dma_start3A, %dma_start3A_58] : memref<240x128xf32, #tpu.memory_space<vmem_shared>> -> memref<240x128xf32, #tpu.memory_space<vmem_shared>>
      tpu.enqueue_indirect_dma source(%arg10 : memref<240x128xf32, #tpu.memory_space<vmem>>) target(%dma_start3A_59 : memref<240x128xf32, #tpu.memory_space<vmem_shared>>) offsets(%arg19 : memref<240xi32, #tpu.memory_space<vmem>>) semaphore(%run_scoped3A : memref<!tpu.dma_semaphore, #tpu.memory_space<semaphore_mem>>) {add = true}
      %dma_wait3A = arith.constant 0 : i32
      %dma_wait3A_60 = arith.constant 0 : i32
      %dma_wait3A_61 = tpu.memref_slice %arg20[%dma_wait3A, %dma_wait3A_60] : memref<240x128xf32, #tpu.memory_space<vmem_shared>> -> memref<240x128xf32, #tpu.memory_space<vmem_shared>>
      tpu.wait_indirect_dma semaphore(%run_scoped3A : memref<!tpu.dma_semaphore, #tpu.memory_space<semaphore_mem>>) src(%arg10 : memref<240x128xf32, #tpu.memory_space<vmem>>) dst(%dma_wait3A_61 : memref<240x128xf32, #tpu.memory_space<vmem_shared>>)
      tpu.yield
    }) : () -> ()
    %barrier3A_40 = arith.constant 0 : index
    tpu.barrier barrier_id(%barrier3A_40)
    "tpu.region"() ({
      %run_scoped3A = tpu.sem_alloc : memref<!tpu.dma_semaphore, #tpu.memory_space<semaphore_mem>>
      tpu.enqueue_dma source(%arg20 : memref<240x128xf32, #tpu.memory_space<vmem_shared>>) target(%arg10 : memref<240x128xf32, #tpu.memory_space<vmem>>) target_semaphore(%run_scoped3A : memref<!tpu.dma_semaphore, #tpu.memory_space<semaphore_mem>>)
      tpu.wait_dma2 semaphore(%run_scoped3A : memref<!tpu.dma_semaphore, #tpu.memory_space<semaphore_mem>>) src(%arg20 : memref<240x128xf32, #tpu.memory_space<vmem_shared>>) dst(%arg10 : memref<240x128xf32, #tpu.memory_space<vmem>>)
      tpu.yield
    }) : () -> ()
    %scan3A_41 = arith.constant 0 : i32
    %scan3A_42 = arith.constant 0 : i32
    %scan3A_43 = arith.constant 240 : i32
    %scan3A_44 = arith.addi %scan3A_42, %scan3A_43 : i32
    %scan3A_45 = arith.constant 1 : i32
    scf.for %scan3A_58 = %scan3A_42 to %scan3A_44 step %scan3A_45  : i32 {
      %get3A = arith.index_cast %scan3A_58 : i32 to index
      %get3A_59 = arith.constant 0 : index
      %get3A_60 = tpu.vector_load %arg10[%get3A, %get3A_59] {strides = array<i32>} : memref<240x128xf32, #tpu.memory_space<vmem>>, vector<16xf32>,
      %add3A_61 = arith.constant 1.000000e-16 : f32
      %add3A_62 = vector.broadcast %add3A_61 : f32 to vector<16xf32>
      %add3A_63 = arith.addf %get3A_60, %add3A_62 : vector<16xf32>
      %div3A = arith.constant 1.000000e+00 : f32
      %div3A_64 = vector.broadcast %div3A : f32 to vector<16xf32>
      %div3A_65 = arith.divf %div3A_64, %add3A_63 : vector<16xf32>
      %swap3A = arith.index_cast %scan3A_58 : i32 to index
      %swap3A_66 = arith.constant 0 : index
      %swap3A_67 = tpu.vector_load %arg10[%swap3A, %swap3A_66] {strides = array<i32>} : memref<240x128xf32, #tpu.memory_space<vmem>>, vector<16xf32>,
      tpu.vector_store %arg10[%swap3A, %swap3A_66], %div3A_65 {strides = array<i32>} : memref<240x128xf32, #tpu.memory_space<vmem>>, vector<16xf32>,
      %get3A_68 = arith.index_cast %scan3A_58 : i32 to index
      %get3A_69 = arith.constant 16 : index
      %get3A_70 = tpu.vector_load %arg10[%get3A_68, %get3A_69] {strides = array<i32>} : memref<240x128xf32, #tpu.memory_space<vmem>>, vector<16xf32>,
      %add3A_71 = arith.constant 1.000000e-16 : f32
      %add3A_72 = vector.broadcast %add3A_71 : f32 to vector<16xf32>
      %add3A_73 = arith.addf %get3A_70, %add3A_72 : vector<16xf32>
      %div3A_74 = arith.constant 1.000000e+00 : f32
      %div3A_75 = vector.broadcast %div3A_74 : f32 to vector<16xf32>
      %div3A_76 = arith.divf %div3A_75, %add3A_73 : vector<16xf32>
      %swap3A_77 = arith.index_cast %scan3A_58 : i32 to index
      %swap3A_78 = arith.constant 16 : index
      %swap3A_79 = tpu.vector_load %arg10[%swap3A_77, %swap3A_78] {strides = array<i32>} : memref<240x128xf32, #tpu.memory_space<vmem>>, vector<16xf32>,
      tpu.vector_store %arg10[%swap3A_77, %swap3A_78], %div3A_76 {strides = array<i32>} : memref<240x128xf32, #tpu.memory_space<vmem>>, vector<16xf32>,
      %get3A_80 = arith.index_cast %scan3A_58 : i32 to index
      %get3A_81 = arith.constant 32 : index
      %get3A_82 = tpu.vector_load %arg10[%get3A_80, %get3A_81] {strides = array<i32>} : memref<240x128xf32, #tpu.memory_space<vmem>>, vector<16xf32>,
      %add3A_83 = arith.constant 1.000000e-16 : f32
      %add3A_84 = vector.broadcast %add3A_83 : f32 to vector<16xf32>
      %add3A_85 = arith.addf %get3A_82, %add3A_84 : vector<16xf32>
      %div3A_86 = arith.constant 1.000000e+00 : f32
      %div3A_87 = vector.broadcast %div3A_86 : f32 to vector<16xf32>
      %div3A_88 = arith.divf %div3A_87, %add3A_85 : vector<16xf32>
      %swap3A_89 = arith.index_cast %scan3A_58 : i32 to index
      %swap3A_90 = arith.constant 32 : index
      %swap3A_91 = tpu.vector_load %arg10[%swap3A_89, %swap3A_90] {strides = array<i32>} : memref<240x128xf32, #tpu.memory_space<vmem>>, vector<16xf32>,
      tpu.vector_store %arg10[%swap3A_89, %swap3A_90], %div3A_88 {strides = array<i32>} : memref<240x128xf32, #tpu.memory_space<vmem>>, vector<16xf32>,
      %get3A_92 = arith.index_cast %scan3A_58 : i32 to index
      %get3A_93 = arith.constant 48 : index
      %get3A_94 = tpu.vector_load %arg10[%get3A_92, %get3A_93] {strides = array<i32>} : memref<240x128xf32, #tpu.memory_space<vmem>>, vector<16xf32>,
      %add3A_95 = arith.constant 1.000000e-16 : f32
      %add3A_96 = vector.broadcast %add3A_95 : f32 to vector<16xf32>
      %add3A_97 = arith.addf %get3A_94, %add3A_96 : vector<16xf32>
      %div3A_98 = arith.constant 1.000000e+00 : f32
      %div3A_99 = vector.broadcast %div3A_98 : f32 to vector<16xf32>
      %div3A_100 = arith.divf %div3A_99, %add3A_97 : vector<16xf32>
      %swap3A_101 = arith.index_cast %scan3A_58 : i32 to index
      %swap3A_102 = arith.constant 48 : index
      %swap3A_103 = tpu.vector_load %arg10[%swap3A_101, %swap3A_102] {strides = array<i32>} : memref<240x128xf32, #tpu.memory_space<vmem>>, vector<16xf32>,
      tpu.vector_store %arg10[%swap3A_101, %swap3A_102], %div3A_100 {strides = array<i32>} : memref<240x128xf32, #tpu.memory_space<vmem>>, vector<16xf32>,
      %get3A_104 = arith.index_cast %scan3A_58 : i32 to index
      %get3A_105 = arith.constant 64 : index
      %get3A_106 = tpu.vector_load %arg10[%get3A_104, %get3A_105] {strides = array<i32>} : memref<240x128xf32, #tpu.memory_space<vmem>>, vector<16xf32>,
      %add3A_107 = arith.constant 1.000000e-16 : f32
      %add3A_108 = vector.broadcast %add3A_107 : f32 to vector<16xf32>
      %add3A_109 = arith.addf %get3A_106, %add3A_108 : vector<16xf32>
      %div3A_110 = arith.constant 1.000000e+00 : f32
      %div3A_111 = vector.broadcast %div3A_110 : f32 to vector<16xf32>
      %div3A_112 = arith.divf %div3A_111, %add3A_109 : vector<16xf32>
      %swap3A_113 = arith.index_cast %scan3A_58 : i32 to index
      %swap3A_114 = arith.constant 64 : index
      %swap3A_115 = tpu.vector_load %arg10[%swap3A_113, %swap3A_114] {strides = array<i32>} : memref<240x128xf32, #tpu.memory_space<vmem>>, vector<16xf32>,
      tpu.vector_store %arg10[%swap3A_113, %swap3A_114], %div3A_112 {strides = array<i32>} : memref<240x128xf32, #tpu.memory_space<vmem>>, vector<16xf32>,
      %get3A_116 = arith.index_cast %scan3A_58 : i32 to index
      %get3A_117 = arith.constant 80 : index
      %get3A_118 = tpu.vector_load %arg10[%get3A_116, %get3A_117] {strides = array<i32>} : memref<240x128xf32, #tpu.memory_space<vmem>>, vector<16xf32>,
      %add3A_119 = arith.constant 1.000000e-16 : f32
      %add3A_120 = vector.broadcast %add3A_119 : f32 to vector<16xf32>
      %add3A_121 = arith.addf %get3A_118, %add3A_120 : vector<16xf32>
      %div3A_122 = arith.constant 1.000000e+00 : f32
      %div3A_123 = vector.broadcast %div3A_122 : f32 to vector<16xf32>
      %div3A_124 = arith.divf %div3A_123, %add3A_121 : vector<16xf32>
      %swap3A_125 = arith.index_cast %scan3A_58 : i32 to index
      %swap3A_126 = arith.constant 80 : index
      %swap3A_127 = tpu.vector_load %arg10[%swap3A_125, %swap3A_126] {strides = array<i32>} : memref<240x128xf32, #tpu.memory_space<vmem>>, vector<16xf32>,
      tpu.vector_store %arg10[%swap3A_125, %swap3A_126], %div3A_124 {strides = array<i32>} : memref<240x128xf32, #tpu.memory_space<vmem>>, vector<16xf32>,
      %get3A_128 = arith.index_cast %scan3A_58 : i32 to index
      %get3A_129 = arith.constant 96 : index
      %get3A_130 = tpu.vector_load %arg10[%get3A_128, %get3A_129] {strides = array<i32>} : memref<240x128xf32, #tpu.memory_space<vmem>>, vector<16xf32>,
      %add3A_131 = arith.constant 1.000000e-16 : f32
      %add3A_132 = vector.broadcast %add3A_131 : f32 to vector<16xf32>
      %add3A_133 = arith.addf %get3A_130, %add3A_132 : vector<16xf32>
      %div3A_134 = arith.constant 1.000000e+00 : f32
      %div3A_135 = vector.broadcast %div3A_134 : f32 to vector<16xf32>
      %div3A_136 = arith.divf %div3A_135, %add3A_133 : vector<16xf32>
      %swap3A_137 = arith.index_cast %scan3A_58 : i32 to index
      %swap3A_138 = arith.constant 96 : index
      %swap3A_139 = tpu.vector_load %arg10[%swap3A_137, %swap3A_138] {strides = array<i32>} : memref<240x128xf32, #tpu.memory_space<vmem>>, vector<16xf32>,
      tpu.vector_store %arg10[%swap3A_137, %swap3A_138], %div3A_136 {strides = array<i32>} : memref<240x128xf32, #tpu.memory_space<vmem>>, vector<16xf32>,
      %get3A_140 = arith.index_cast %scan3A_58 : i32 to index
      %get3A_141 = arith.constant 112 : index
      %get3A_142 = tpu.vector_load %arg10[%get3A_140, %get3A_141] {strides = array<i32>} : memref<240x128xf32, #tpu.memory_space<vmem>>, vector<16xf32>,
      %add3A_143 = arith.constant 1.000000e-16 : f32
      %add3A_144 = vector.broadcast %add3A_143 : f32 to vector<16xf32>
      %add3A_145 = arith.addf %get3A_142, %add3A_144 : vector<16xf32>
      %div3A_146 = arith.constant 1.000000e+00 : f32
      %div3A_147 = vector.broadcast %div3A_146 : f32 to vector<16xf32>
      %div3A_148 = arith.divf %div3A_147, %add3A_145 : vector<16xf32>
      %swap3A_149 = arith.index_cast %scan3A_58 : i32 to index
      %swap3A_150 = arith.constant 112 : index
      %swap3A_151 = tpu.vector_load %arg10[%swap3A_149, %swap3A_150] {strides = array<i32>} : memref<240x128xf32, #tpu.memory_space<vmem>>, vector<16xf32>,
      tpu.vector_store %arg10[%swap3A_149, %swap3A_150], %div3A_148 {strides = array<i32>} : memref<240x128xf32, #tpu.memory_space<vmem>>, vector<16xf32>,
    }
    %scan3A_46 = arith.constant 240 : i32
    %scan3A_47 = arith.constant 0 : i32
    %scan3A_48 = arith.constant 0 : i32
    %scan3A_49 = arith.constant 40 : i32
    %scan3A_50 = arith.addi %scan3A_48, %scan3A_49 : i32
    %scan3A_51 = arith.constant 1 : i32
    scf.for %scan3A_58 = %scan3A_48 to %scan3A_50 step %scan3A_51  : i32 {
      %mul3A_59 = arith.constant 32 : i32
      %mul3A_60 = arith.muli %mul3A_59, %scan3A_58 : i32
      %add3A_61 = arith.addi %add3A, %mul3A_60 : i32
      %lt3A = arith.constant 1250 : i32
      %lt3A_62 = arith.cmpi slt, %add3A_61, %lt3A : i32
      %convert_element_type3A = arith.extui %lt3A_62 : i1 to i32
      %cond3A = arith.constant 0 : i32
      %cond3A_63 = arith.cmpi ne, %convert_element_type3A, %cond3A : i32
      scf.if %cond3A_63 {
        %mul3A_64 = arith.constant 256 : i32
        %mul3A_65 = arith.muli %add3A_61, %mul3A_64 : i32
        %add3A_66 = arith.constant 0 : i32
        %add3A_67 = arith.addi %mul3A_65, %add3A_66 : i32
        "tpu.region"() ({
          %run_scoped3A = tpu.sem_alloc : memref<!tpu.dma_semaphore, #tpu.memory_space<semaphore_mem>>
          %dma_start3A_114 = tpu.memref_slice %arg2[%add3A_67] : memref<320000xi32, #tpu.memory_space<hbm>> -> memref<128xi32, #tpu.memory_space<hbm>>
          %dma_start3A_115 = tpu.memref_slice %arg2[%add3A_67] : memref<320000xi32, #tpu.memory_space<hbm>> -> memref<128xi32, #tpu.memory_space<hbm>>
          tpu.enqueue_dma source(%dma_start3A_115 : memref<128xi32, #tpu.memory_space<hbm>>) target(%arg13 : memref<128xi32, #tpu.memory_space<vmem>>) target_semaphore(%run_scoped3A : memref<!tpu.dma_semaphore, #tpu.memory_space<semaphore_mem>>)
          %dma_wait3A_116 = tpu.memref_slice %arg2[%add3A_67] : memref<320000xi32, #tpu.memory_space<hbm>> -> memref<128xi32, #tpu.memory_space<hbm>>
          %dma_wait3A_117 = tpu.memref_slice %arg2[%add3A_67] : memref<320000xi32, #tpu.memory_space<hbm>> -> memref<128xi32, #tpu.memory_space<hbm>>
          tpu.wait_dma2 semaphore(%run_scoped3A : memref<!tpu.dma_semaphore, #tpu.memory_space<semaphore_mem>>) src(%dma_wait3A_117 : memref<128xi32, #tpu.memory_space<hbm>>) dst(%arg13 : memref<128xi32, #tpu.memory_space<vmem>>)
          tpu.yield
        }) : () -> ()
        %add3A_68 = arith.constant 0 : i32
        %add3A_69 = arith.addi %mul3A_65, %add3A_68 : i32
        "tpu.region"() ({
          %run_scoped3A = tpu.sem_alloc : memref<!tpu.dma_semaphore, #tpu.memory_space<semaphore_mem>>
          %dma_start3A_114 = tpu.memref_slice %arg3[%add3A_69] : memref<320000xi32, #tpu.memory_space<hbm>> -> memref<128xi32, #tpu.memory_space<hbm>>
          %dma_start3A_115 = tpu.memref_slice %arg3[%add3A_69] : memref<320000xi32, #tpu.memory_space<hbm>> -> memref<128xi32, #tpu.memory_space<hbm>>
          tpu.enqueue_dma source(%dma_start3A_115 : memref<128xi32, #tpu.memory_space<hbm>>) target(%arg15 : memref<128xi32, #tpu.memory_space<vmem>>) target_semaphore(%run_scoped3A : memref<!tpu.dma_semaphore, #tpu.memory_space<semaphore_mem>>)
          %dma_wait3A_116 = tpu.memref_slice %arg3[%add3A_69] : memref<320000xi32, #tpu.memory_space<hbm>> -> memref<128xi32, #tpu.memory_space<hbm>>
          %dma_wait3A_117 = tpu.memref_slice %arg3[%add3A_69] : memref<320000xi32, #tpu.memory_space<hbm>> -> memref<128xi32, #tpu.memory_space<hbm>>
          tpu.wait_dma2 semaphore(%run_scoped3A : memref<!tpu.dma_semaphore, #tpu.memory_space<semaphore_mem>>) src(%dma_wait3A_117 : memref<128xi32, #tpu.memory_space<hbm>>) dst(%arg15 : memref<128xi32, #tpu.memory_space<vmem>>)
          tpu.yield
        }) : () -> ()
        %add3A_70 = arith.constant 128 : i32
        %add3A_71 = arith.addi %mul3A_65, %add3A_70 : i32
        "tpu.region"() ({
          %run_scoped3A = tpu.sem_alloc : memref<!tpu.dma_semaphore, #tpu.memory_space<semaphore_mem>>
          %dma_start3A_114 = tpu.memref_slice %arg2[%add3A_71] : memref<320000xi32, #tpu.memory_space<hbm>> -> memref<128xi32, #tpu.memory_space<hbm>>
          %dma_start3A_115 = tpu.memref_slice %arg2[%add3A_71] : memref<320000xi32, #tpu.memory_space<hbm>> -> memref<128xi32, #tpu.memory_space<hbm>>
          tpu.enqueue_dma source(%dma_start3A_115 : memref<128xi32, #tpu.memory_space<hbm>>) target(%arg14 : memref<128xi32, #tpu.memory_space<vmem>>) target_semaphore(%run_scoped3A : memref<!tpu.dma_semaphore, #tpu.memory_space<semaphore_mem>>)
          %dma_wait3A_116 = tpu.memref_slice %arg2[%add3A_71] : memref<320000xi32, #tpu.memory_space<hbm>> -> memref<128xi32, #tpu.memory_space<hbm>>
          %dma_wait3A_117 = tpu.memref_slice %arg2[%add3A_71] : memref<320000xi32, #tpu.memory_space<hbm>> -> memref<128xi32, #tpu.memory_space<hbm>>
          tpu.wait_dma2 semaphore(%run_scoped3A : memref<!tpu.dma_semaphore, #tpu.memory_space<semaphore_mem>>) src(%dma_wait3A_117 : memref<128xi32, #tpu.memory_space<hbm>>) dst(%arg14 : memref<128xi32, #tpu.memory_space<vmem>>)
          tpu.yield
        }) : () -> ()
        %add3A_72 = arith.constant 128 : i32
        %add3A_73 = arith.addi %mul3A_65, %add3A_72 : i32
        "tpu.region"() ({
          %run_scoped3A = tpu.sem_alloc : memref<!tpu.dma_semaphore, #tpu.memory_space<semaphore_mem>>
          %dma_start3A_114 = tpu.memref_slice %arg3[%add3A_73] : memref<320000xi32, #tpu.memory_space<hbm>> -> memref<128xi32, #tpu.memory_space<hbm>>
          %dma_start3A_115 = tpu.memref_slice %arg3[%add3A_73] : memref<320000xi32, #tpu.memory_space<hbm>> -> memref<128xi32, #tpu.memory_space<hbm>>
          tpu.enqueue_dma source(%dma_start3A_115 : memref<128xi32, #tpu.memory_space<hbm>>) target(%arg16 : memref<128xi32, #tpu.memory_space<vmem>>) target_semaphore(%run_scoped3A : memref<!tpu.dma_semaphore, #tpu.memory_space<semaphore_mem>>)
          %dma_wait3A_116 = tpu.memref_slice %arg3[%add3A_73] : memref<320000xi32, #tpu.memory_space<hbm>> -> memref<128xi32, #tpu.memory_space<hbm>>
          %dma_wait3A_117 = tpu.memref_slice %arg3[%add3A_73] : memref<320000xi32, #tpu.memory_space<hbm>> -> memref<128xi32, #tpu.memory_space<hbm>>
          tpu.wait_dma2 semaphore(%run_scoped3A : memref<!tpu.dma_semaphore, #tpu.memory_space<semaphore_mem>>) src(%dma_wait3A_117 : memref<128xi32, #tpu.memory_space<hbm>>) dst(%arg16 : memref<128xi32, #tpu.memory_space<vmem>>)
          tpu.yield
        }) : () -> ()
        %dma_start3A = arith.constant 0 : i32
        %dma_start3A_74 = arith.constant 0 : i32
        %dma_start3A_75 = tpu.memref_slice %arg17[%dma_start3A, %dma_start3A_74] : memref<256x32xf32, #tpu.memory_space<vmem>> -> memref<128x32xf32, #tpu.memory_space<vmem>>
        %dma_start3A_76 = arith.constant 0 : i32
        %dma_start3A_77 = arith.constant 0 : i32
        %dma_start3A_78 = tpu.memref_slice %arg6[%dma_start3A_76, %dma_start3A_77] : memref<10240x32xf32, #tpu.memory_space<hbm>> -> memref<10240x32xf32, #tpu.memory_space<hbm>>
        tpu.enqueue_indirect_dma source(%dma_start3A_78 : memref<10240x32xf32, #tpu.memory_space<hbm>>) target(%dma_start3A_75 : memref<128x32xf32, #tpu.memory_space<vmem>>) offsets(%arg13 : memref<128xi32, #tpu.memory_space<vmem>>) semaphore(%arg22 : memref<!tpu.dma_semaphore, #tpu.memory_space<semaphore_mem>>)
        %dma_start3A_79 = arith.constant 128 : i32
        %dma_start3A_80 = arith.constant 0 : i32
        %dma_start3A_81 = tpu.memref_slice %arg17[%dma_start3A_79, %dma_start3A_80] : memref<256x32xf32, #tpu.memory_space<vmem>> -> memref<128x32xf32, #tpu.memory_space<vmem>>
        %dma_start3A_82 = arith.constant 0 : i32
        %dma_start3A_83 = arith.constant 0 : i32
        %dma_start3A_84 = tpu.memref_slice %arg6[%dma_start3A_82, %dma_start3A_83] : memref<10240x32xf32, #tpu.memory_space<hbm>> -> memref<10240x32xf32, #tpu.memory_space<hbm>>
        tpu.enqueue_indirect_dma source(%dma_start3A_84 : memref<10240x32xf32, #tpu.memory_space<hbm>>) target(%dma_start3A_81 : memref<128x32xf32, #tpu.memory_space<vmem>>) offsets(%arg14 : memref<128xi32, #tpu.memory_space<vmem>>) semaphore(%arg22 : memref<!tpu.dma_semaphore, #tpu.memory_space<semaphore_mem>>)
        %dma_wait3A = arith.constant 0 : i32
        %dma_wait3A_85 = arith.constant 0 : i32
        %dma_wait3A_86 = tpu.memref_slice %arg17[%dma_wait3A, %dma_wait3A_85] : memref<256x32xf32, #tpu.memory_space<vmem>> -> memref<128x32xf32, #tpu.memory_space<vmem>>
        %dma_wait3A_87 = arith.constant 0 : i32
        %dma_wait3A_88 = arith.constant 0 : i32
        %dma_wait3A_89 = tpu.memref_slice %arg6[%dma_wait3A_87, %dma_wait3A_88] : memref<10240x32xf32, #tpu.memory_space<hbm>> -> memref<10240x32xf32, #tpu.memory_space<hbm>>
        tpu.wait_indirect_dma semaphore(%arg22 : memref<!tpu.dma_semaphore, #tpu.memory_space<semaphore_mem>>) src(%dma_wait3A_89 : memref<10240x32xf32, #tpu.memory_space<hbm>>) dst(%dma_wait3A_86 : memref<128x32xf32, #tpu.memory_space<vmem>>)
        %dma_wait3A_90 = arith.constant 128 : i32
        %dma_wait3A_91 = arith.constant 0 : i32
        %dma_wait3A_92 = tpu.memref_slice %arg17[%dma_wait3A_90, %dma_wait3A_91] : memref<256x32xf32, #tpu.memory_space<vmem>> -> memref<128x32xf32, #tpu.memory_space<vmem>>
        %dma_wait3A_93 = arith.constant 0 : i32
        %dma_wait3A_94 = arith.constant 0 : i32
        %dma_wait3A_95 = tpu.memref_slice %arg6[%dma_wait3A_93, %dma_wait3A_94] : memref<10240x32xf32, #tpu.memory_space<hbm>> -> memref<10240x32xf32, #tpu.memory_space<hbm>>
        tpu.wait_indirect_dma semaphore(%arg22 : memref<!tpu.dma_semaphore, #tpu.memory_space<semaphore_mem>>) src(%dma_wait3A_95 : memref<10240x32xf32, #tpu.memory_space<hbm>>) dst(%dma_wait3A_92 : memref<128x32xf32, #tpu.memory_space<vmem>>)
        %scan3A_96 = arith.constant 0 : i32
        %scan3A_97 = arith.constant 0 : i32
        %scan3A_98 = arith.constant 8 : i32
        %scan3A_99 = arith.addi %scan3A_97, %scan3A_98 : i32
        %scan3A_100 = arith.constant 1 : i32
        scf.for %scan3A_114 = %scan3A_97 to %scan3A_99 step %scan3A_100  : i32 {
          %mul3A_115 = arith.constant 16 : i32
          %mul3A_116 = arith.muli %scan3A_114, %mul3A_115 : i32
          %get3A = arith.index_cast %mul3A_116 : i32 to index
          %get3A_117 = tpu.vector_load %arg13[%get3A] {strides = array<i32>} : memref<128xi32, #tpu.memory_space<vmem>>, vector<16xi32>,
          %mul3A_118 = arith.constant 3 : i32
          %mul3A_119 = vector.broadcast %mul3A_118 : i32 to vector<16xi32>
          %mul3A_120 = arith.muli %get3A_117, %mul3A_119 : vector<16xi32>
          %mul3A_121 = arith.constant 16 : i32
          %mul3A_122 = arith.muli %scan3A_114, %mul3A_121 : i32
          %get3A_123 = arith.index_cast %mul3A_122 : i32 to index
          %get3A_124 = tpu.vector_load %arg15[%get3A_123] {strides = array<i32>} : memref<128xi32, #tpu.memory_space<vmem>>, vector<16xi32>,
          %mul3A_125 = arith.constant 3 : i32
          %mul3A_126 = vector.broadcast %mul3A_125 : i32 to vector<16xi32>
          %mul3A_127 = arith.muli %get3A_124, %mul3A_126 : vector<16xi32>
          %add3A_128 = arith.constant 0 : i32
          %add3A_129 = vector.broadcast %add3A_128 : i32 to vector<16xi32>
          %add3A_130 = arith.addi %mul3A_120, %add3A_129 : vector<16xi32>
          %gather3A = tpu.vector_load_idx %arg8[%add3A_130] : memref<30720xf32, #tpu.memory_space<vmem>>[vector<16xi32>], vector<16xf32>,
          %add3A_131 = arith.constant 0 : i32
          %add3A_132 = vector.broadcast %add3A_131 : i32 to vector<16xi32>
          %add3A_133 = arith.addi %mul3A_127, %add3A_132 : vector<16xi32>
          %gather3A_134 = tpu.vector_load_idx %arg9[%add3A_133] : memref<30720xf32, #tpu.memory_space<vmem>>[vector<16xi32>], vector<16xf32>,
          %add3A_135 = arith.addf %gather3A, %gather3A_134 : vector<16xf32>
          %ge3A = arith.constant 0.000000e+00 : f32
          %ge3A_136 = vector.broadcast %ge3A : f32 to vector<16xf32>
          %ge3A_137 = arith.cmpf oge, %add3A_135, %ge3A_136 : vector<16xf32>
          %mul3A_138 = arith.constant 0.00999999977 : f32
          %mul3A_139 = vector.broadcast %mul3A_138 : f32 to vector<16xf32>
          %mul3A_140 = arith.mulf %mul3A_139, %add3A_135 : vector<16xf32>
          %select_n3A = arith.select %ge3A_137, %add3A_135, %mul3A_140 : vector<16xi1>, vector<16xf32>
          %add3A_141 = arith.constant 0 : i32
          %add3A_142 = vector.broadcast %add3A_141 : i32 to vector<16xi32>
          %add3A_143 = arith.addi %mul3A_127, %add3A_142 : vector<16xi32>
          %shift_right_logical3A = arith.constant 7 : i32
          %shift_right_logical3A_144 = vector.broadcast %shift_right_logical3A : i32 to vector<16xi32>
          %shift_right_logical3A_145 = arith.shrui %add3A_143, %shift_right_logical3A_144 : vector<16xi32>
          %and3A = arith.constant 127 : i32
          %and3A_146 = vector.broadcast %and3A : i32 to vector<16xi32>
          %and3A_147 = arith.andi %add3A_143, %and3A_146 : vector<16xi32>
          %gather3A_148 = tpu.vector_load_idx %arg10[%shift_right_logical3A_145, %and3A_147] : memref<240x128xf32, #tpu.memory_space<vmem>>[vector<16xi32>, vector<16xi32>], vector<16xf32>,
          %exp3A = math.exp %select_n3A : vector<16xf32>
          %mul3A_149 = arith.mulf %exp3A, %gather3A_148 : vector<16xf32>
          %add3A_150 = arith.addf %broadcast_in_dim3A_1, %mul3A_149 : vector<16xf32>
          %add3A_151 = arith.constant 1 : i32
          %add3A_152 = vector.broadcast %add3A_151 : i32 to vector<16xi32>
          %add3A_153 = arith.addi %mul3A_120, %add3A_152 : vector<16xi32>
          %gather3A_154 = tpu.vector_load_idx %arg8[%add3A_153] : memref<30720xf32, #tpu.memory_space<vmem>>[vector<16xi32>], vector<16xf32>,
          %add3A_155 = arith.constant 1 : i32
          %add3A_156 = vector.broadcast %add3A_155 : i32 to vector<16xi32>
          %add3A_157 = arith.addi %mul3A_127, %add3A_156 : vector<16xi32>
          %gather3A_158 = tpu.vector_load_idx %arg9[%add3A_157] : memref<30720xf32, #tpu.memory_space<vmem>>[vector<16xi32>], vector<16xf32>,
          %add3A_159 = arith.addf %gather3A_154, %gather3A_158 : vector<16xf32>
          %ge3A_160 = arith.constant 0.000000e+00 : f32
          %ge3A_161 = vector.broadcast %ge3A_160 : f32 to vector<16xf32>
          %ge3A_162 = arith.cmpf oge, %add3A_159, %ge3A_161 : vector<16xf32>
          %mul3A_163 = arith.constant 0.00999999977 : f32
          %mul3A_164 = vector.broadcast %mul3A_163 : f32 to vector<16xf32>
          %mul3A_165 = arith.mulf %mul3A_164, %add3A_159 : vector<16xf32>
          %select_n3A_166 = arith.select %ge3A_162, %add3A_159, %mul3A_165 : vector<16xi1>, vector<16xf32>
          %add3A_167 = arith.constant 1 : i32
          %add3A_168 = vector.broadcast %add3A_167 : i32 to vector<16xi32>
          %add3A_169 = arith.addi %mul3A_127, %add3A_168 : vector<16xi32>
          %shift_right_logical3A_170 = arith.constant 7 : i32
          %shift_right_logical3A_171 = vector.broadcast %shift_right_logical3A_170 : i32 to vector<16xi32>
          %shift_right_logical3A_172 = arith.shrui %add3A_169, %shift_right_logical3A_171 : vector<16xi32>
          %and3A_173 = arith.constant 127 : i32
          %and3A_174 = vector.broadcast %and3A_173 : i32 to vector<16xi32>
          %and3A_175 = arith.andi %add3A_169, %and3A_174 : vector<16xi32>
          %gather3A_176 = tpu.vector_load_idx %arg10[%shift_right_logical3A_172, %and3A_175] : memref<240x128xf32, #tpu.memory_space<vmem>>[vector<16xi32>, vector<16xi32>], vector<16xf32>,
          %exp3A_177 = math.exp %select_n3A_166 : vector<16xf32>
          %mul3A_178 = arith.mulf %exp3A_177, %gather3A_176 : vector<16xf32>
          %add3A_179 = arith.addf %add3A_150, %mul3A_178 : vector<16xf32>
          %add3A_180 = arith.constant 2 : i32
          %add3A_181 = vector.broadcast %add3A_180 : i32 to vector<16xi32>
          %add3A_182 = arith.addi %mul3A_120, %add3A_181 : vector<16xi32>
          %gather3A_183 = tpu.vector_load_idx %arg8[%add3A_182] : memref<30720xf32, #tpu.memory_space<vmem>>[vector<16xi32>], vector<16xf32>,
          %add3A_184 = arith.constant 2 : i32
          %add3A_185 = vector.broadcast %add3A_184 : i32 to vector<16xi32>
          %add3A_186 = arith.addi %mul3A_127, %add3A_185 : vector<16xi32>
          %gather3A_187 = tpu.vector_load_idx %arg9[%add3A_186] : memref<30720xf32, #tpu.memory_space<vmem>>[vector<16xi32>], vector<16xf32>,
          %add3A_188 = arith.addf %gather3A_183, %gather3A_187 : vector<16xf32>
          %ge3A_189 = arith.constant 0.000000e+00 : f32
          %ge3A_190 = vector.broadcast %ge3A_189 : f32 to vector<16xf32>
          %ge3A_191 = arith.cmpf oge, %add3A_188, %ge3A_190 : vector<16xf32>
          %mul3A_192 = arith.constant 0.00999999977 : f32
          %mul3A_193 = vector.broadcast %mul3A_192 : f32 to vector<16xf32>
          %mul3A_194 = arith.mulf %mul3A_193, %add3A_188 : vector<16xf32>
          %select_n3A_195 = arith.select %ge3A_191, %add3A_188, %mul3A_194 : vector<16xi1>, vector<16xf32>
          %add3A_196 = arith.constant 2 : i32
          %add3A_197 = vector.broadcast %add3A_196 : i32 to vector<16xi32>
          %add3A_198 = arith.addi %mul3A_127, %add3A_197 : vector<16xi32>
          %shift_right_logical3A_199 = arith.constant 7 : i32
          %shift_right_logical3A_200 = vector.broadcast %shift_right_logical3A_199 : i32 to vector<16xi32>
          %shift_right_logical3A_201 = arith.shrui %add3A_198, %shift_right_logical3A_200 : vector<16xi32>
          %and3A_202 = arith.constant 127 : i32
          %and3A_203 = vector.broadcast %and3A_202 : i32 to vector<16xi32>
          %and3A_204 = arith.andi %add3A_198, %and3A_203 : vector<16xi32>
          %gather3A_205 = tpu.vector_load_idx %arg10[%shift_right_logical3A_201, %and3A_204] : memref<240x128xf32, #tpu.memory_space<vmem>>[vector<16xi32>, vector<16xi32>], vector<16xf32>,
          %exp3A_206 = math.exp %select_n3A_195 : vector<16xf32>
          %mul3A_207 = arith.mulf %exp3A_206, %gather3A_205 : vector<16xf32>
          %add3A_208 = arith.addf %add3A_179, %mul3A_207 : vector<16xf32>
          %mul3A_209 = arith.constant 0.333333343 : f32
          %mul3A_210 = vector.broadcast %mul3A_209 : f32 to vector<16xf32>
          %mul3A_211 = arith.mulf %add3A_208, %mul3A_210 : vector<16xf32>
          %mul3A_212 = arith.constant 16 : i32
          %mul3A_213 = arith.muli %scan3A_114, %mul3A_212 : i32
          %add3A_214 = arith.constant 0 : i32
          %add3A_215 = arith.addi %add3A_214, %mul3A_213 : i32
          %swap3A = arith.index_cast %add3A_215 : i32 to index
          %swap3A_216 = tpu.vector_load %arg18[%swap3A] {strides = array<i32>} : memref<256xf32, #tpu.memory_space<vmem>>, vector<16xf32>,
          tpu.vector_store %arg18[%swap3A], %mul3A_211 {strides = array<i32>} : memref<256xf32, #tpu.memory_space<vmem>>, vector<16xf32>,
        }
        %scan3A_101 = arith.constant 8 : i32
        %scan3A_102 = arith.constant 0 : i32
        %scan3A_103 = arith.constant 0 : i32
        %scan3A_104 = arith.constant 8 : i32
        %scan3A_105 = arith.addi %scan3A_103, %scan3A_104 : i32
        %scan3A_106 = arith.constant 1 : i32
        scf.for %scan3A_114 = %scan3A_103 to %scan3A_105 step %scan3A_106  : i32 {
          %mul3A_115 = arith.constant 16 : i32
          %mul3A_116 = arith.muli %scan3A_114, %mul3A_115 : i32
          %get3A = arith.index_cast %mul3A_116 : i32 to index
          %get3A_117 = tpu.vector_load %arg14[%get3A] {strides = array<i32>} : memref<128xi32, #tpu.memory_space<vmem>>, vector<16xi32>,
          %mul3A_118 = arith.constant 3 : i32
          %mul3A_119 = vector.broadcast %mul3A_118 : i32 to vector<16xi32>
          %mul3A_120 = arith.muli %get3A_117, %mul3A_119 : vector<16xi32>
          %mul3A_121 = arith.constant 16 : i32
          %mul3A_122 = arith.muli %scan3A_114, %mul3A_121 : i32
          %get3A_123 = arith.index_cast %mul3A_122 : i32 to index
          %get3A_124 = tpu.vector_load %arg16[%get3A_123] {strides = array<i32>} : memref<128xi32, #tpu.memory_space<vmem>>, vector<16xi32>,
          %mul3A_125 = arith.constant 3 : i32
          %mul3A_126 = vector.broadcast %mul3A_125 : i32 to vector<16xi32>
          %mul3A_127 = arith.muli %get3A_124, %mul3A_126 : vector<16xi32>
          %add3A_128 = arith.constant 0 : i32
          %add3A_129 = vector.broadcast %add3A_128 : i32 to vector<16xi32>
          %add3A_130 = arith.addi %mul3A_120, %add3A_129 : vector<16xi32>
          %gather3A = tpu.vector_load_idx %arg8[%add3A_130] : memref<30720xf32, #tpu.memory_space<vmem>>[vector<16xi32>], vector<16xf32>,
          %add3A_131 = arith.constant 0 : i32
          %add3A_132 = vector.broadcast %add3A_131 : i32 to vector<16xi32>
          %add3A_133 = arith.addi %mul3A_127, %add3A_132 : vector<16xi32>
          %gather3A_134 = tpu.vector_load_idx %arg9[%add3A_133] : memref<30720xf32, #tpu.memory_space<vmem>>[vector<16xi32>], vector<16xf32>,
          %add3A_135 = arith.addf %gather3A, %gather3A_134 : vector<16xf32>
          %ge3A = arith.constant 0.000000e+00 : f32
          %ge3A_136 = vector.broadcast %ge3A : f32 to vector<16xf32>
          %ge3A_137 = arith.cmpf oge, %add3A_135, %ge3A_136 : vector<16xf32>
          %mul3A_138 = arith.constant 0.00999999977 : f32
          %mul3A_139 = vector.broadcast %mul3A_138 : f32 to vector<16xf32>
          %mul3A_140 = arith.mulf %mul3A_139, %add3A_135 : vector<16xf32>
          %select_n3A = arith.select %ge3A_137, %add3A_135, %mul3A_140 : vector<16xi1>, vector<16xf32>
          %add3A_141 = arith.constant 0 : i32
          %add3A_142 = vector.broadcast %add3A_141 : i32 to vector<16xi32>
          %add3A_143 = arith.addi %mul3A_127, %add3A_142 : vector<16xi32>
          %shift_right_logical3A = arith.constant 7 : i32
          %shift_right_logical3A_144 = vector.broadcast %shift_right_logical3A : i32 to vector<16xi32>
          %shift_right_logical3A_145 = arith.shrui %add3A_143, %shift_right_logical3A_144 : vector<16xi32>
          %and3A = arith.constant 127 : i32
          %and3A_146 = vector.broadcast %and3A : i32 to vector<16xi32>
          %and3A_147 = arith.andi %add3A_143, %and3A_146 : vector<16xi32>
          %gather3A_148 = tpu.vector_load_idx %arg10[%shift_right_logical3A_145, %and3A_147] : memref<240x128xf32, #tpu.memory_space<vmem>>[vector<16xi32>, vector<16xi32>], vector<16xf32>,
          %exp3A = math.exp %select_n3A : vector<16xf32>
          %mul3A_149 = arith.mulf %exp3A, %gather3A_148 : vector<16xf32>
          %add3A_150 = arith.addf %broadcast_in_dim3A_1, %mul3A_149 : vector<16xf32>
          %add3A_151 = arith.constant 1 : i32
          %add3A_152 = vector.broadcast %add3A_151 : i32 to vector<16xi32>
          %add3A_153 = arith.addi %mul3A_120, %add3A_152 : vector<16xi32>
          %gather3A_154 = tpu.vector_load_idx %arg8[%add3A_153] : memref<30720xf32, #tpu.memory_space<vmem>>[vector<16xi32>], vector<16xf32>,
          %add3A_155 = arith.constant 1 : i32
          %add3A_156 = vector.broadcast %add3A_155 : i32 to vector<16xi32>
          %add3A_157 = arith.addi %mul3A_127, %add3A_156 : vector<16xi32>
          %gather3A_158 = tpu.vector_load_idx %arg9[%add3A_157] : memref<30720xf32, #tpu.memory_space<vmem>>[vector<16xi32>], vector<16xf32>,
          %add3A_159 = arith.addf %gather3A_154, %gather3A_158 : vector<16xf32>
          %ge3A_160 = arith.constant 0.000000e+00 : f32
          %ge3A_161 = vector.broadcast %ge3A_160 : f32 to vector<16xf32>
          %ge3A_162 = arith.cmpf oge, %add3A_159, %ge3A_161 : vector<16xf32>
          %mul3A_163 = arith.constant 0.00999999977 : f32
          %mul3A_164 = vector.broadcast %mul3A_163 : f32 to vector<16xf32>
          %mul3A_165 = arith.mulf %mul3A_164, %add3A_159 : vector<16xf32>
          %select_n3A_166 = arith.select %ge3A_162, %add3A_159, %mul3A_165 : vector<16xi1>, vector<16xf32>
          %add3A_167 = arith.constant 1 : i32
          %add3A_168 = vector.broadcast %add3A_167 : i32 to vector<16xi32>
          %add3A_169 = arith.addi %mul3A_127, %add3A_168 : vector<16xi32>
          %shift_right_logical3A_170 = arith.constant 7 : i32
          %shift_right_logical3A_171 = vector.broadcast %shift_right_logical3A_170 : i32 to vector<16xi32>
          %shift_right_logical3A_172 = arith.shrui %add3A_169, %shift_right_logical3A_171 : vector<16xi32>
          %and3A_173 = arith.constant 127 : i32
          %and3A_174 = vector.broadcast %and3A_173 : i32 to vector<16xi32>
          %and3A_175 = arith.andi %add3A_169, %and3A_174 : vector<16xi32>
          %gather3A_176 = tpu.vector_load_idx %arg10[%shift_right_logical3A_172, %and3A_175] : memref<240x128xf32, #tpu.memory_space<vmem>>[vector<16xi32>, vector<16xi32>], vector<16xf32>,
          %exp3A_177 = math.exp %select_n3A_166 : vector<16xf32>
          %mul3A_178 = arith.mulf %exp3A_177, %gather3A_176 : vector<16xf32>
          %add3A_179 = arith.addf %add3A_150, %mul3A_178 : vector<16xf32>
          %add3A_180 = arith.constant 2 : i32
          %add3A_181 = vector.broadcast %add3A_180 : i32 to vector<16xi32>
          %add3A_182 = arith.addi %mul3A_120, %add3A_181 : vector<16xi32>
          %gather3A_183 = tpu.vector_load_idx %arg8[%add3A_182] : memref<30720xf32, #tpu.memory_space<vmem>>[vector<16xi32>], vector<16xf32>,
          %add3A_184 = arith.constant 2 : i32
          %add3A_185 = vector.broadcast %add3A_184 : i32 to vector<16xi32>
          %add3A_186 = arith.addi %mul3A_127, %add3A_185 : vector<16xi32>
          %gather3A_187 = tpu.vector_load_idx %arg9[%add3A_186] : memref<30720xf32, #tpu.memory_space<vmem>>[vector<16xi32>], vector<16xf32>,
          %add3A_188 = arith.addf %gather3A_183, %gather3A_187 : vector<16xf32>
          %ge3A_189 = arith.constant 0.000000e+00 : f32
          %ge3A_190 = vector.broadcast %ge3A_189 : f32 to vector<16xf32>
          %ge3A_191 = arith.cmpf oge, %add3A_188, %ge3A_190 : vector<16xf32>
          %mul3A_192 = arith.constant 0.00999999977 : f32
          %mul3A_193 = vector.broadcast %mul3A_192 : f32 to vector<16xf32>
          %mul3A_194 = arith.mulf %mul3A_193, %add3A_188 : vector<16xf32>
          %select_n3A_195 = arith.select %ge3A_191, %add3A_188, %mul3A_194 : vector<16xi1>, vector<16xf32>
          %add3A_196 = arith.constant 2 : i32
          %add3A_197 = vector.broadcast %add3A_196 : i32 to vector<16xi32>
          %add3A_198 = arith.addi %mul3A_127, %add3A_197 : vector<16xi32>
          %shift_right_logical3A_199 = arith.constant 7 : i32
          %shift_right_logical3A_200 = vector.broadcast %shift_right_logical3A_199 : i32 to vector<16xi32>
          %shift_right_logical3A_201 = arith.shrui %add3A_198, %shift_right_logical3A_200 : vector<16xi32>
          %and3A_202 = arith.constant 127 : i32
          %and3A_203 = vector.broadcast %and3A_202 : i32 to vector<16xi32>
          %and3A_204 = arith.andi %add3A_198, %and3A_203 : vector<16xi32>
          %gather3A_205 = tpu.vector_load_idx %arg10[%shift_right_logical3A_201, %and3A_204] : memref<240x128xf32, #tpu.memory_space<vmem>>[vector<16xi32>, vector<16xi32>], vector<16xf32>,
          %exp3A_206 = math.exp %select_n3A_195 : vector<16xf32>
          %mul3A_207 = arith.mulf %exp3A_206, %gather3A_205 : vector<16xf32>
          %add3A_208 = arith.addf %add3A_179, %mul3A_207 : vector<16xf32>
          %mul3A_209 = arith.constant 0.333333343 : f32
          %mul3A_210 = vector.broadcast %mul3A_209 : f32 to vector<16xf32>
          %mul3A_211 = arith.mulf %add3A_208, %mul3A_210 : vector<16xf32>
          %mul3A_212 = arith.constant 16 : i32
          %mul3A_213 = arith.muli %scan3A_114, %mul3A_212 : i32
          %add3A_214 = arith.constant 128 : i32
          %add3A_215 = arith.addi %add3A_214, %mul3A_213 : i32
          %swap3A = arith.index_cast %add3A_215 : i32 to index
          %swap3A_216 = tpu.vector_load %arg18[%swap3A] {strides = array<i32>} : memref<256xf32, #tpu.memory_space<vmem>>, vector<16xf32>,
          tpu.vector_store %arg18[%swap3A], %mul3A_211 {strides = array<i32>} : memref<256xf32, #tpu.memory_space<vmem>>, vector<16xf32>,
        }
        %scan3A_107 = arith.constant 8 : i32
        %scan3A_108 = arith.constant 0 : i32
        %scan3A_109 = arith.constant 0 : i32
        %scan3A_110 = arith.constant 16 : i32
        %scan3A_111 = arith.addi %scan3A_109, %scan3A_110 : i32
        %scan3A_112 = arith.constant 1 : i32
        scf.for %scan3A_114 = %scan3A_109 to %scan3A_111 step %scan3A_112  : i32 {
          %mul3A_115 = arith.constant 16 : i32
          %mul3A_116 = arith.muli %scan3A_114, %mul3A_115 : i32
          %get3A = arith.index_cast %mul3A_116 : i32 to index
          %get3A_117 = tpu.vector_load %arg18[%get3A] {strides = array<i32>} : memref<256xf32, #tpu.memory_space<vmem>>, vector<16xf32>,
          %mul3A_118 = arith.constant 16 : i32
          %mul3A_119 = arith.muli %scan3A_114, %mul3A_118 : i32
          %add3A_120 = arith.constant 0 : i32
          %add3A_121 = arith.addi %mul3A_119, %add3A_120 : i32
          %slice3A = vector.extract_strided_slice %get3A_117 {offsets = [0], sizes = [1], strides = [1]} : vector<16xf32> to vector<1xf32>
          %squeeze3A = vector.extract %slice3A[0] : f32 from vector<1xf32>
          %broadcast_in_dim3A_122 = vector.broadcast %squeeze3A : f32 to vector<16xf32>
          %get3A_123 = arith.index_cast %add3A_121 : i32 to index
          %get3A_124 = arith.constant 0 : index
          %get3A_125 = tpu.vector_load %arg17[%get3A_123, %get3A_124] {strides = array<i32>} : memref<256x32xf32, #tpu.memory_space<vmem>>, vector<16xf32>,
          %mul3A_126 = arith.mulf %get3A_125, %broadcast_in_dim3A_122 : vector<16xf32>
          %swap3A = arith.index_cast %add3A_121 : i32 to index
          %swap3A_127 = arith.constant 0 : index
          %swap3A_128 = tpu.vector_load %arg17[%swap3A, %swap3A_127] {strides = array<i32>} : memref<256x32xf32, #tpu.memory_space<vmem>>, vector<16xf32>,
          tpu.vector_store %arg17[%swap3A, %swap3A_127], %mul3A_126 {strides = array<i32>} : memref<256x32xf32, #tpu.memory_space<vmem>>, vector<16xf32>,
          %get3A_129 = arith.index_cast %add3A_121 : i32 to index
          %get3A_130 = arith.constant 16 : index
          %get3A_131 = tpu.vector_load %arg17[%get3A_129, %get3A_130] {strides = array<i32>} : memref<256x32xf32, #tpu.memory_space<vmem>>, vector<16xf32>,
          %mul3A_132 = arith.mulf %get3A_131, %broadcast_in_dim3A_122 : vector<16xf32>
          %swap3A_133 = arith.index_cast %add3A_121 : i32 to index
          %swap3A_134 = arith.constant 16 : index
          %swap3A_135 = tpu.vector_load %arg17[%swap3A_133, %swap3A_134] {strides = array<i32>} : memref<256x32xf32, #tpu.memory_space<vmem>>, vector<16xf32>,
          tpu.vector_store %arg17[%swap3A_133, %swap3A_134], %mul3A_132 {strides = array<i32>} : memref<256x32xf32, #tpu.memory_space<vmem>>, vector<16xf32>,
          %mul3A_136 = arith.constant 16 : i32
          %mul3A_137 = arith.muli %scan3A_114, %mul3A_136 : i32
          %add3A_138 = arith.constant 1 : i32
          %add3A_139 = arith.addi %mul3A_137, %add3A_138 : i32
          %slice3A_140 = vector.extract_strided_slice %get3A_117 {offsets = [1], sizes = [1], strides = [1]} : vector<16xf32> to vector<1xf32>
          %squeeze3A_141 = vector.extract %slice3A_140[0] : f32 from vector<1xf32>
          %broadcast_in_dim3A_142 = vector.broadcast %squeeze3A_141 : f32 to vector<16xf32>
          %get3A_143 = arith.index_cast %add3A_139 : i32 to index
          %get3A_144 = arith.constant 0 : index
          %get3A_145 = tpu.vector_load %arg17[%get3A_143, %get3A_144] {strides = array<i32>} : memref<256x32xf32, #tpu.memory_space<vmem>>, vector<16xf32>,
          %mul3A_146 = arith.mulf %get3A_145, %broadcast_in_dim3A_142 : vector<16xf32>
          %swap3A_147 = arith.index_cast %add3A_139 : i32 to index
          %swap3A_148 = arith.constant 0 : index
          %swap3A_149 = tpu.vector_load %arg17[%swap3A_147, %swap3A_148] {strides = array<i32>} : memref<256x32xf32, #tpu.memory_space<vmem>>, vector<16xf32>,
          tpu.vector_store %arg17[%swap3A_147, %swap3A_148], %mul3A_146 {strides = array<i32>} : memref<256x32xf32, #tpu.memory_space<vmem>>, vector<16xf32>,
          %get3A_150 = arith.index_cast %add3A_139 : i32 to index
          %get3A_151 = arith.constant 16 : index
          %get3A_152 = tpu.vector_load %arg17[%get3A_150, %get3A_151] {strides = array<i32>} : memref<256x32xf32, #tpu.memory_space<vmem>>, vector<16xf32>,
          %mul3A_153 = arith.mulf %get3A_152, %broadcast_in_dim3A_142 : vector<16xf32>
          %swap3A_154 = arith.index_cast %add3A_139 : i32 to index
          %swap3A_155 = arith.constant 16 : index
          %swap3A_156 = tpu.vector_load %arg17[%swap3A_154, %swap3A_155] {strides = array<i32>} : memref<256x32xf32, #tpu.memory_space<vmem>>, vector<16xf32>,
          tpu.vector_store %arg17[%swap3A_154, %swap3A_155], %mul3A_153 {strides = array<i32>} : memref<256x32xf32, #tpu.memory_space<vmem>>, vector<16xf32>,
          %mul3A_157 = arith.constant 16 : i32
          %mul3A_158 = arith.muli %scan3A_114, %mul3A_157 : i32
          %add3A_159 = arith.constant 2 : i32
          %add3A_160 = arith.addi %mul3A_158, %add3A_159 : i32
          %slice3A_161 = vector.extract_strided_slice %get3A_117 {offsets = [2], sizes = [1], strides = [1]} : vector<16xf32> to vector<1xf32>
          %squeeze3A_162 = vector.extract %slice3A_161[0] : f32 from vector<1xf32>
          %broadcast_in_dim3A_163 = vector.broadcast %squeeze3A_162 : f32 to vector<16xf32>
          %get3A_164 = arith.index_cast %add3A_160 : i32 to index
          %get3A_165 = arith.constant 0 : index
          %get3A_166 = tpu.vector_load %arg17[%get3A_164, %get3A_165] {strides = array<i32>} : memref<256x32xf32, #tpu.memory_space<vmem>>, vector<16xf32>,
          %mul3A_167 = arith.mulf %get3A_166, %broadcast_in_dim3A_163 : vector<16xf32>
          %swap3A_168 = arith.index_cast %add3A_160 : i32 to index
          %swap3A_169 = arith.constant 0 : index
          %swap3A_170 = tpu.vector_load %arg17[%swap3A_168, %swap3A_169] {strides = array<i32>} : memref<256x32xf32, #tpu.memory_space<vmem>>, vector<16xf32>,
          tpu.vector_store %arg17[%swap3A_168, %swap3A_169], %mul3A_167 {strides = array<i32>} : memref<256x32xf32, #tpu.memory_space<vmem>>, vector<16xf32>,
          %get3A_171 = arith.index_cast %add3A_160 : i32 to index
          %get3A_172 = arith.constant 16 : index
          %get3A_173 = tpu.vector_load %arg17[%get3A_171, %get3A_172] {strides = array<i32>} : memref<256x32xf32, #tpu.memory_space<vmem>>, vector<16xf32>,
          %mul3A_174 = arith.mulf %get3A_173, %broadcast_in_dim3A_163 : vector<16xf32>
          %swap3A_175 = arith.index_cast %add3A_160 : i32 to index
          %swap3A_176 = arith.constant 16 : index
          %swap3A_177 = tpu.vector_load %arg17[%swap3A_175, %swap3A_176] {strides = array<i32>} : memref<256x32xf32, #tpu.memory_space<vmem>>, vector<16xf32>,
          tpu.vector_store %arg17[%swap3A_175, %swap3A_176], %mul3A_174 {strides = array<i32>} : memref<256x32xf32, #tpu.memory_space<vmem>>, vector<16xf32>,
          %mul3A_178 = arith.constant 16 : i32
          %mul3A_179 = arith.muli %scan3A_114, %mul3A_178 : i32
          %add3A_180 = arith.constant 3 : i32
          %add3A_181 = arith.addi %mul3A_179, %add3A_180 : i32
          %slice3A_182 = vector.extract_strided_slice %get3A_117 {offsets = [3], sizes = [1], strides = [1]} : vector<16xf32> to vector<1xf32>
          %squeeze3A_183 = vector.extract %slice3A_182[0] : f32 from vector<1xf32>
          %broadcast_in_dim3A_184 = vector.broadcast %squeeze3A_183 : f32 to vector<16xf32>
          %get3A_185 = arith.index_cast %add3A_181 : i32 to index
          %get3A_186 = arith.constant 0 : index
          %get3A_187 = tpu.vector_load %arg17[%get3A_185, %get3A_186] {strides = array<i32>} : memref<256x32xf32, #tpu.memory_space<vmem>>, vector<16xf32>,
          %mul3A_188 = arith.mulf %get3A_187, %broadcast_in_dim3A_184 : vector<16xf32>
          %swap3A_189 = arith.index_cast %add3A_181 : i32 to index
          %swap3A_190 = arith.constant 0 : index
          %swap3A_191 = tpu.vector_load %arg17[%swap3A_189, %swap3A_190] {strides = array<i32>} : memref<256x32xf32, #tpu.memory_space<vmem>>, vector<16xf32>,
          tpu.vector_store %arg17[%swap3A_189, %swap3A_190], %mul3A_188 {strides = array<i32>} : memref<256x32xf32, #tpu.memory_space<vmem>>, vector<16xf32>,
          %get3A_192 = arith.index_cast %add3A_181 : i32 to index
          %get3A_193 = arith.constant 16 : index
          %get3A_194 = tpu.vector_load %arg17[%get3A_192, %get3A_193] {strides = array<i32>} : memref<256x32xf32, #tpu.memory_space<vmem>>, vector<16xf32>,
          %mul3A_195 = arith.mulf %get3A_194, %broadcast_in_dim3A_184 : vector<16xf32>
          %swap3A_196 = arith.index_cast %add3A_181 : i32 to index
          %swap3A_197 = arith.constant 16 : index
          %swap3A_198 = tpu.vector_load %arg17[%swap3A_196, %swap3A_197] {strides = array<i32>} : memref<256x32xf32, #tpu.memory_space<vmem>>, vector<16xf32>,
          tpu.vector_store %arg17[%swap3A_196, %swap3A_197], %mul3A_195 {strides = array<i32>} : memref<256x32xf32, #tpu.memory_space<vmem>>, vector<16xf32>,
          %mul3A_199 = arith.constant 16 : i32
          %mul3A_200 = arith.muli %scan3A_114, %mul3A_199 : i32
          %add3A_201 = arith.constant 4 : i32
          %add3A_202 = arith.addi %mul3A_200, %add3A_201 : i32
          %slice3A_203 = vector.extract_strided_slice %get3A_117 {offsets = [4], sizes = [1], strides = [1]} : vector<16xf32> to vector<1xf32>
          %squeeze3A_204 = vector.extract %slice3A_203[0] : f32 from vector<1xf32>
          %broadcast_in_dim3A_205 = vector.broadcast %squeeze3A_204 : f32 to vector<16xf32>
          %get3A_206 = arith.index_cast %add3A_202 : i32 to index
          %get3A_207 = arith.constant 0 : index
          %get3A_208 = tpu.vector_load %arg17[%get3A_206, %get3A_207] {strides = array<i32>} : memref<256x32xf32, #tpu.memory_space<vmem>>, vector<16xf32>,
          %mul3A_209 = arith.mulf %get3A_208, %broadcast_in_dim3A_205 : vector<16xf32>
          %swap3A_210 = arith.index_cast %add3A_202 : i32 to index
          %swap3A_211 = arith.constant 0 : index
          %swap3A_212 = tpu.vector_load %arg17[%swap3A_210, %swap3A_211] {strides = array<i32>} : memref<256x32xf32, #tpu.memory_space<vmem>>, vector<16xf32>,
          tpu.vector_store %arg17[%swap3A_210, %swap3A_211], %mul3A_209 {strides = array<i32>} : memref<256x32xf32, #tpu.memory_space<vmem>>, vector<16xf32>,
          %get3A_213 = arith.index_cast %add3A_202 : i32 to index
          %get3A_214 = arith.constant 16 : index
          %get3A_215 = tpu.vector_load %arg17[%get3A_213, %get3A_214] {strides = array<i32>} : memref<256x32xf32, #tpu.memory_space<vmem>>, vector<16xf32>,
          %mul3A_216 = arith.mulf %get3A_215, %broadcast_in_dim3A_205 : vector<16xf32>
          %swap3A_217 = arith.index_cast %add3A_202 : i32 to index
          %swap3A_218 = arith.constant 16 : index
          %swap3A_219 = tpu.vector_load %arg17[%swap3A_217, %swap3A_218] {strides = array<i32>} : memref<256x32xf32, #tpu.memory_space<vmem>>, vector<16xf32>,
          tpu.vector_store %arg17[%swap3A_217, %swap3A_218], %mul3A_216 {strides = array<i32>} : memref<256x32xf32, #tpu.memory_space<vmem>>, vector<16xf32>,
          %mul3A_220 = arith.constant 16 : i32
          %mul3A_221 = arith.muli %scan3A_114, %mul3A_220 : i32
          %add3A_222 = arith.constant 5 : i32
          %add3A_223 = arith.addi %mul3A_221, %add3A_222 : i32
          %slice3A_224 = vector.extract_strided_slice %get3A_117 {offsets = [5], sizes = [1], strides = [1]} : vector<16xf32> to vector<1xf32>
          %squeeze3A_225 = vector.extract %slice3A_224[0] : f32 from vector<1xf32>
          %broadcast_in_dim3A_226 = vector.broadcast %squeeze3A_225 : f32 to vector<16xf32>
          %get3A_227 = arith.index_cast %add3A_223 : i32 to index
          %get3A_228 = arith.constant 0 : index
          %get3A_229 = tpu.vector_load %arg17[%get3A_227, %get3A_228] {strides = array<i32>} : memref<256x32xf32, #tpu.memory_space<vmem>>, vector<16xf32>,
          %mul3A_230 = arith.mulf %get3A_229, %broadcast_in_dim3A_226 : vector<16xf32>
          %swap3A_231 = arith.index_cast %add3A_223 : i32 to index
          %swap3A_232 = arith.constant 0 : index
          %swap3A_233 = tpu.vector_load %arg17[%swap3A_231, %swap3A_232] {strides = array<i32>} : memref<256x32xf32, #tpu.memory_space<vmem>>, vector<16xf32>,
          tpu.vector_store %arg17[%swap3A_231, %swap3A_232], %mul3A_230 {strides = array<i32>} : memref<256x32xf32, #tpu.memory_space<vmem>>, vector<16xf32>,
          %get3A_234 = arith.index_cast %add3A_223 : i32 to index
          %get3A_235 = arith.constant 16 : index
          %get3A_236 = tpu.vector_load %arg17[%get3A_234, %get3A_235] {strides = array<i32>} : memref<256x32xf32, #tpu.memory_space<vmem>>, vector<16xf32>,
          %mul3A_237 = arith.mulf %get3A_236, %broadcast_in_dim3A_226 : vector<16xf32>
          %swap3A_238 = arith.index_cast %add3A_223 : i32 to index
          %swap3A_239 = arith.constant 16 : index
          %swap3A_240 = tpu.vector_load %arg17[%swap3A_238, %swap3A_239] {strides = array<i32>} : memref<256x32xf32, #tpu.memory_space<vmem>>, vector<16xf32>,
          tpu.vector_store %arg17[%swap3A_238, %swap3A_239], %mul3A_237 {strides = array<i32>} : memref<256x32xf32, #tpu.memory_space<vmem>>, vector<16xf32>,
          %mul3A_241 = arith.constant 16 : i32
          %mul3A_242 = arith.muli %scan3A_114, %mul3A_241 : i32
          %add3A_243 = arith.constant 6 : i32
          %add3A_244 = arith.addi %mul3A_242, %add3A_243 : i32
          %slice3A_245 = vector.extract_strided_slice %get3A_117 {offsets = [6], sizes = [1], strides = [1]} : vector<16xf32> to vector<1xf32>
          %squeeze3A_246 = vector.extract %slice3A_245[0] : f32 from vector<1xf32>
          %broadcast_in_dim3A_247 = vector.broadcast %squeeze3A_246 : f32 to vector<16xf32>
          %get3A_248 = arith.index_cast %add3A_244 : i32 to index
          %get3A_249 = arith.constant 0 : index
          %get3A_250 = tpu.vector_load %arg17[%get3A_248, %get3A_249] {strides = array<i32>} : memref<256x32xf32, #tpu.memory_space<vmem>>, vector<16xf32>,
          %mul3A_251 = arith.mulf %get3A_250, %broadcast_in_dim3A_247 : vector<16xf32>
          %swap3A_252 = arith.index_cast %add3A_244 : i32 to index
          %swap3A_253 = arith.constant 0 : index
          %swap3A_254 = tpu.vector_load %arg17[%swap3A_252, %swap3A_253] {strides = array<i32>} : memref<256x32xf32, #tpu.memory_space<vmem>>, vector<16xf32>,
          tpu.vector_store %arg17[%swap3A_252, %swap3A_253], %mul3A_251 {strides = array<i32>} : memref<256x32xf32, #tpu.memory_space<vmem>>, vector<16xf32>,
          %get3A_255 = arith.index_cast %add3A_244 : i32 to index
          %get3A_256 = arith.constant 16 : index
          %get3A_257 = tpu.vector_load %arg17[%get3A_255, %get3A_256] {strides = array<i32>} : memref<256x32xf32, #tpu.memory_space<vmem>>, vector<16xf32>,
          %mul3A_258 = arith.mulf %get3A_257, %broadcast_in_dim3A_247 : vector<16xf32>
          %swap3A_259 = arith.index_cast %add3A_244 : i32 to index
          %swap3A_260 = arith.constant 16 : index
          %swap3A_261 = tpu.vector_load %arg17[%swap3A_259, %swap3A_260] {strides = array<i32>} : memref<256x32xf32, #tpu.memory_space<vmem>>, vector<16xf32>,
          tpu.vector_store %arg17[%swap3A_259, %swap3A_260], %mul3A_258 {strides = array<i32>} : memref<256x32xf32, #tpu.memory_space<vmem>>, vector<16xf32>,
          %mul3A_262 = arith.constant 16 : i32
          %mul3A_263 = arith.muli %scan3A_114, %mul3A_262 : i32
          %add3A_264 = arith.constant 7 : i32
          %add3A_265 = arith.addi %mul3A_263, %add3A_264 : i32
          %slice3A_266 = vector.extract_strided_slice %get3A_117 {offsets = [7], sizes = [1], strides = [1]} : vector<16xf32> to vector<1xf32>
          %squeeze3A_267 = vector.extract %slice3A_266[0] : f32 from vector<1xf32>
          %broadcast_in_dim3A_268 = vector.broadcast %squeeze3A_267 : f32 to vector<16xf32>
          %get3A_269 = arith.index_cast %add3A_265 : i32 to index
          %get3A_270 = arith.constant 0 : index
          %get3A_271 = tpu.vector_load %arg17[%get3A_269, %get3A_270] {strides = array<i32>} : memref<256x32xf32, #tpu.memory_space<vmem>>, vector<16xf32>,
          %mul3A_272 = arith.mulf %get3A_271, %broadcast_in_dim3A_268 : vector<16xf32>
          %swap3A_273 = arith.index_cast %add3A_265 : i32 to index
          %swap3A_274 = arith.constant 0 : index
          %swap3A_275 = tpu.vector_load %arg17[%swap3A_273, %swap3A_274] {strides = array<i32>} : memref<256x32xf32, #tpu.memory_space<vmem>>, vector<16xf32>,
          tpu.vector_store %arg17[%swap3A_273, %swap3A_274], %mul3A_272 {strides = array<i32>} : memref<256x32xf32, #tpu.memory_space<vmem>>, vector<16xf32>,
          %get3A_276 = arith.index_cast %add3A_265 : i32 to index
          %get3A_277 = arith.constant 16 : index
          %get3A_278 = tpu.vector_load %arg17[%get3A_276, %get3A_277] {strides = array<i32>} : memref<256x32xf32, #tpu.memory_space<vmem>>, vector<16xf32>,
          %mul3A_279 = arith.mulf %get3A_278, %broadcast_in_dim3A_268 : vector<16xf32>
          %swap3A_280 = arith.index_cast %add3A_265 : i32 to index
          %swap3A_281 = arith.constant 16 : index
          %swap3A_282 = tpu.vector_load %arg17[%swap3A_280, %swap3A_281] {strides = array<i32>} : memref<256x32xf32, #tpu.memory_space<vmem>>, vector<16xf32>,
          tpu.vector_store %arg17[%swap3A_280, %swap3A_281], %mul3A_279 {strides = array<i32>} : memref<256x32xf32, #tpu.memory_space<vmem>>, vector<16xf32>,
          %mul3A_283 = arith.constant 16 : i32
          %mul3A_284 = arith.muli %scan3A_114, %mul3A_283 : i32
          %add3A_285 = arith.constant 8 : i32
          %add3A_286 = arith.addi %mul3A_284, %add3A_285 : i32
          %slice3A_287 = vector.extract_strided_slice %get3A_117 {offsets = [8], sizes = [1], strides = [1]} : vector<16xf32> to vector<1xf32>
          %squeeze3A_288 = vector.extract %slice3A_287[0] : f32 from vector<1xf32>
          %broadcast_in_dim3A_289 = vector.broadcast %squeeze3A_288 : f32 to vector<16xf32>
          %get3A_290 = arith.index_cast %add3A_286 : i32 to index
          %get3A_291 = arith.constant 0 : index
          %get3A_292 = tpu.vector_load %arg17[%get3A_290, %get3A_291] {strides = array<i32>} : memref<256x32xf32, #tpu.memory_space<vmem>>, vector<16xf32>,
          %mul3A_293 = arith.mulf %get3A_292, %broadcast_in_dim3A_289 : vector<16xf32>
          %swap3A_294 = arith.index_cast %add3A_286 : i32 to index
          %swap3A_295 = arith.constant 0 : index
          %swap3A_296 = tpu.vector_load %arg17[%swap3A_294, %swap3A_295] {strides = array<i32>} : memref<256x32xf32, #tpu.memory_space<vmem>>, vector<16xf32>,
          tpu.vector_store %arg17[%swap3A_294, %swap3A_295], %mul3A_293 {strides = array<i32>} : memref<256x32xf32, #tpu.memory_space<vmem>>, vector<16xf32>,
          %get3A_297 = arith.index_cast %add3A_286 : i32 to index
          %get3A_298 = arith.constant 16 : index
          %get3A_299 = tpu.vector_load %arg17[%get3A_297, %get3A_298] {strides = array<i32>} : memref<256x32xf32, #tpu.memory_space<vmem>>, vector<16xf32>,
          %mul3A_300 = arith.mulf %get3A_299, %broadcast_in_dim3A_289 : vector<16xf32>
          %swap3A_301 = arith.index_cast %add3A_286 : i32 to index
          %swap3A_302 = arith.constant 16 : index
          %swap3A_303 = tpu.vector_load %arg17[%swap3A_301, %swap3A_302] {strides = array<i32>} : memref<256x32xf32, #tpu.memory_space<vmem>>, vector<16xf32>,
          tpu.vector_store %arg17[%swap3A_301, %swap3A_302], %mul3A_300 {strides = array<i32>} : memref<256x32xf32, #tpu.memory_space<vmem>>, vector<16xf32>,
          %mul3A_304 = arith.constant 16 : i32
          %mul3A_305 = arith.muli %scan3A_114, %mul3A_304 : i32
          %add3A_306 = arith.constant 9 : i32
          %add3A_307 = arith.addi %mul3A_305, %add3A_306 : i32
          %slice3A_308 = vector.extract_strided_slice %get3A_117 {offsets = [9], sizes = [1], strides = [1]} : vector<16xf32> to vector<1xf32>
          %squeeze3A_309 = vector.extract %slice3A_308[0] : f32 from vector<1xf32>
          %broadcast_in_dim3A_310 = vector.broadcast %squeeze3A_309 : f32 to vector<16xf32>
          %get3A_311 = arith.index_cast %add3A_307 : i32 to index
          %get3A_312 = arith.constant 0 : index
          %get3A_313 = tpu.vector_load %arg17[%get3A_311, %get3A_312] {strides = array<i32>} : memref<256x32xf32, #tpu.memory_space<vmem>>, vector<16xf32>,
          %mul3A_314 = arith.mulf %get3A_313, %broadcast_in_dim3A_310 : vector<16xf32>
          %swap3A_315 = arith.index_cast %add3A_307 : i32 to index
          %swap3A_316 = arith.constant 0 : index
          %swap3A_317 = tpu.vector_load %arg17[%swap3A_315, %swap3A_316] {strides = array<i32>} : memref<256x32xf32, #tpu.memory_space<vmem>>, vector<16xf32>,
          tpu.vector_store %arg17[%swap3A_315, %swap3A_316], %mul3A_314 {strides = array<i32>} : memref<256x32xf32, #tpu.memory_space<vmem>>, vector<16xf32>,
          %get3A_318 = arith.index_cast %add3A_307 : i32 to index
          %get3A_319 = arith.constant 16 : index
          %get3A_320 = tpu.vector_load %arg17[%get3A_318, %get3A_319] {strides = array<i32>} : memref<256x32xf32, #tpu.memory_space<vmem>>, vector<16xf32>,
          %mul3A_321 = arith.mulf %get3A_320, %broadcast_in_dim3A_310 : vector<16xf32>
          %swap3A_322 = arith.index_cast %add3A_307 : i32 to index
          %swap3A_323 = arith.constant 16 : index
          %swap3A_324 = tpu.vector_load %arg17[%swap3A_322, %swap3A_323] {strides = array<i32>} : memref<256x32xf32, #tpu.memory_space<vmem>>, vector<16xf32>,
          tpu.vector_store %arg17[%swap3A_322, %swap3A_323], %mul3A_321 {strides = array<i32>} : memref<256x32xf32, #tpu.memory_space<vmem>>, vector<16xf32>,
          %mul3A_325 = arith.constant 16 : i32
          %mul3A_326 = arith.muli %scan3A_114, %mul3A_325 : i32
          %add3A_327 = arith.constant 10 : i32
          %add3A_328 = arith.addi %mul3A_326, %add3A_327 : i32
          %slice3A_329 = vector.extract_strided_slice %get3A_117 {offsets = [10], sizes = [1], strides = [1]} : vector<16xf32> to vector<1xf32>
          %squeeze3A_330 = vector.extract %slice3A_329[0] : f32 from vector<1xf32>
          %broadcast_in_dim3A_331 = vector.broadcast %squeeze3A_330 : f32 to vector<16xf32>
          %get3A_332 = arith.index_cast %add3A_328 : i32 to index
          %get3A_333 = arith.constant 0 : index
          %get3A_334 = tpu.vector_load %arg17[%get3A_332, %get3A_333] {strides = array<i32>} : memref<256x32xf32, #tpu.memory_space<vmem>>, vector<16xf32>,
          %mul3A_335 = arith.mulf %get3A_334, %broadcast_in_dim3A_331 : vector<16xf32>
          %swap3A_336 = arith.index_cast %add3A_328 : i32 to index
          %swap3A_337 = arith.constant 0 : index
          %swap3A_338 = tpu.vector_load %arg17[%swap3A_336, %swap3A_337] {strides = array<i32>} : memref<256x32xf32, #tpu.memory_space<vmem>>, vector<16xf32>,
          tpu.vector_store %arg17[%swap3A_336, %swap3A_337], %mul3A_335 {strides = array<i32>} : memref<256x32xf32, #tpu.memory_space<vmem>>, vector<16xf32>,
          %get3A_339 = arith.index_cast %add3A_328 : i32 to index
          %get3A_340 = arith.constant 16 : index
          %get3A_341 = tpu.vector_load %arg17[%get3A_339, %get3A_340] {strides = array<i32>} : memref<256x32xf32, #tpu.memory_space<vmem>>, vector<16xf32>,
          %mul3A_342 = arith.mulf %get3A_341, %broadcast_in_dim3A_331 : vector<16xf32>
          %swap3A_343 = arith.index_cast %add3A_328 : i32 to index
          %swap3A_344 = arith.constant 16 : index
          %swap3A_345 = tpu.vector_load %arg17[%swap3A_343, %swap3A_344] {strides = array<i32>} : memref<256x32xf32, #tpu.memory_space<vmem>>, vector<16xf32>,
          tpu.vector_store %arg17[%swap3A_343, %swap3A_344], %mul3A_342 {strides = array<i32>} : memref<256x32xf32, #tpu.memory_space<vmem>>, vector<16xf32>,
          %mul3A_346 = arith.constant 16 : i32
          %mul3A_347 = arith.muli %scan3A_114, %mul3A_346 : i32
          %add3A_348 = arith.constant 11 : i32
          %add3A_349 = arith.addi %mul3A_347, %add3A_348 : i32
          %slice3A_350 = vector.extract_strided_slice %get3A_117 {offsets = [11], sizes = [1], strides = [1]} : vector<16xf32> to vector<1xf32>
          %squeeze3A_351 = vector.extract %slice3A_350[0] : f32 from vector<1xf32>
          %broadcast_in_dim3A_352 = vector.broadcast %squeeze3A_351 : f32 to vector<16xf32>
          %get3A_353 = arith.index_cast %add3A_349 : i32 to index
          %get3A_354 = arith.constant 0 : index
          %get3A_355 = tpu.vector_load %arg17[%get3A_353, %get3A_354] {strides = array<i32>} : memref<256x32xf32, #tpu.memory_space<vmem>>, vector<16xf32>,
          %mul3A_356 = arith.mulf %get3A_355, %broadcast_in_dim3A_352 : vector<16xf32>
          %swap3A_357 = arith.index_cast %add3A_349 : i32 to index
          %swap3A_358 = arith.constant 0 : index
          %swap3A_359 = tpu.vector_load %arg17[%swap3A_357, %swap3A_358] {strides = array<i32>} : memref<256x32xf32, #tpu.memory_space<vmem>>, vector<16xf32>,
          tpu.vector_store %arg17[%swap3A_357, %swap3A_358], %mul3A_356 {strides = array<i32>} : memref<256x32xf32, #tpu.memory_space<vmem>>, vector<16xf32>,
          %get3A_360 = arith.index_cast %add3A_349 : i32 to index
          %get3A_361 = arith.constant 16 : index
          %get3A_362 = tpu.vector_load %arg17[%get3A_360, %get3A_361] {strides = array<i32>} : memref<256x32xf32, #tpu.memory_space<vmem>>, vector<16xf32>,
          %mul3A_363 = arith.mulf %get3A_362, %broadcast_in_dim3A_352 : vector<16xf32>
          %swap3A_364 = arith.index_cast %add3A_349 : i32 to index
          %swap3A_365 = arith.constant 16 : index
          %swap3A_366 = tpu.vector_load %arg17[%swap3A_364, %swap3A_365] {strides = array<i32>} : memref<256x32xf32, #tpu.memory_space<vmem>>, vector<16xf32>,
          tpu.vector_store %arg17[%swap3A_364, %swap3A_365], %mul3A_363 {strides = array<i32>} : memref<256x32xf32, #tpu.memory_space<vmem>>, vector<16xf32>,
          %mul3A_367 = arith.constant 16 : i32
          %mul3A_368 = arith.muli %scan3A_114, %mul3A_367 : i32
          %add3A_369 = arith.constant 12 : i32
          %add3A_370 = arith.addi %mul3A_368, %add3A_369 : i32
          %slice3A_371 = vector.extract_strided_slice %get3A_117 {offsets = [12], sizes = [1], strides = [1]} : vector<16xf32> to vector<1xf32>
          %squeeze3A_372 = vector.extract %slice3A_371[0] : f32 from vector<1xf32>
          %broadcast_in_dim3A_373 = vector.broadcast %squeeze3A_372 : f32 to vector<16xf32>
          %get3A_374 = arith.index_cast %add3A_370 : i32 to index
          %get3A_375 = arith.constant 0 : index
          %get3A_376 = tpu.vector_load %arg17[%get3A_374, %get3A_375] {strides = array<i32>} : memref<256x32xf32, #tpu.memory_space<vmem>>, vector<16xf32>,
          %mul3A_377 = arith.mulf %get3A_376, %broadcast_in_dim3A_373 : vector<16xf32>
          %swap3A_378 = arith.index_cast %add3A_370 : i32 to index
          %swap3A_379 = arith.constant 0 : index
          %swap3A_380 = tpu.vector_load %arg17[%swap3A_378, %swap3A_379] {strides = array<i32>} : memref<256x32xf32, #tpu.memory_space<vmem>>, vector<16xf32>,
          tpu.vector_store %arg17[%swap3A_378, %swap3A_379], %mul3A_377 {strides = array<i32>} : memref<256x32xf32, #tpu.memory_space<vmem>>, vector<16xf32>,
          %get3A_381 = arith.index_cast %add3A_370 : i32 to index
          %get3A_382 = arith.constant 16 : index
          %get3A_383 = tpu.vector_load %arg17[%get3A_381, %get3A_382] {strides = array<i32>} : memref<256x32xf32, #tpu.memory_space<vmem>>, vector<16xf32>,
          %mul3A_384 = arith.mulf %get3A_383, %broadcast_in_dim3A_373 : vector<16xf32>
          %swap3A_385 = arith.index_cast %add3A_370 : i32 to index
          %swap3A_386 = arith.constant 16 : index
          %swap3A_387 = tpu.vector_load %arg17[%swap3A_385, %swap3A_386] {strides = array<i32>} : memref<256x32xf32, #tpu.memory_space<vmem>>, vector<16xf32>,
          tpu.vector_store %arg17[%swap3A_385, %swap3A_386], %mul3A_384 {strides = array<i32>} : memref<256x32xf32, #tpu.memory_space<vmem>>, vector<16xf32>,
          %mul3A_388 = arith.constant 16 : i32
          %mul3A_389 = arith.muli %scan3A_114, %mul3A_388 : i32
          %add3A_390 = arith.constant 13 : i32
          %add3A_391 = arith.addi %mul3A_389, %add3A_390 : i32
          %slice3A_392 = vector.extract_strided_slice %get3A_117 {offsets = [13], sizes = [1], strides = [1]} : vector<16xf32> to vector<1xf32>
          %squeeze3A_393 = vector.extract %slice3A_392[0] : f32 from vector<1xf32>
          %broadcast_in_dim3A_394 = vector.broadcast %squeeze3A_393 : f32 to vector<16xf32>
          %get3A_395 = arith.index_cast %add3A_391 : i32 to index
          %get3A_396 = arith.constant 0 : index
          %get3A_397 = tpu.vector_load %arg17[%get3A_395, %get3A_396] {strides = array<i32>} : memref<256x32xf32, #tpu.memory_space<vmem>>, vector<16xf32>,
          %mul3A_398 = arith.mulf %get3A_397, %broadcast_in_dim3A_394 : vector<16xf32>
          %swap3A_399 = arith.index_cast %add3A_391 : i32 to index
          %swap3A_400 = arith.constant 0 : index
          %swap3A_401 = tpu.vector_load %arg17[%swap3A_399, %swap3A_400] {strides = array<i32>} : memref<256x32xf32, #tpu.memory_space<vmem>>, vector<16xf32>,
          tpu.vector_store %arg17[%swap3A_399, %swap3A_400], %mul3A_398 {strides = array<i32>} : memref<256x32xf32, #tpu.memory_space<vmem>>, vector<16xf32>,
          %get3A_402 = arith.index_cast %add3A_391 : i32 to index
          %get3A_403 = arith.constant 16 : index
          %get3A_404 = tpu.vector_load %arg17[%get3A_402, %get3A_403] {strides = array<i32>} : memref<256x32xf32, #tpu.memory_space<vmem>>, vector<16xf32>,
          %mul3A_405 = arith.mulf %get3A_404, %broadcast_in_dim3A_394 : vector<16xf32>
          %swap3A_406 = arith.index_cast %add3A_391 : i32 to index
          %swap3A_407 = arith.constant 16 : index
          %swap3A_408 = tpu.vector_load %arg17[%swap3A_406, %swap3A_407] {strides = array<i32>} : memref<256x32xf32, #tpu.memory_space<vmem>>, vector<16xf32>,
          tpu.vector_store %arg17[%swap3A_406, %swap3A_407], %mul3A_405 {strides = array<i32>} : memref<256x32xf32, #tpu.memory_space<vmem>>, vector<16xf32>,
          %mul3A_409 = arith.constant 16 : i32
          %mul3A_410 = arith.muli %scan3A_114, %mul3A_409 : i32
          %add3A_411 = arith.constant 14 : i32
          %add3A_412 = arith.addi %mul3A_410, %add3A_411 : i32
          %slice3A_413 = vector.extract_strided_slice %get3A_117 {offsets = [14], sizes = [1], strides = [1]} : vector<16xf32> to vector<1xf32>
          %squeeze3A_414 = vector.extract %slice3A_413[0] : f32 from vector<1xf32>
          %broadcast_in_dim3A_415 = vector.broadcast %squeeze3A_414 : f32 to vector<16xf32>
          %get3A_416 = arith.index_cast %add3A_412 : i32 to index
          %get3A_417 = arith.constant 0 : index
          %get3A_418 = tpu.vector_load %arg17[%get3A_416, %get3A_417] {strides = array<i32>} : memref<256x32xf32, #tpu.memory_space<vmem>>, vector<16xf32>,
          %mul3A_419 = arith.mulf %get3A_418, %broadcast_in_dim3A_415 : vector<16xf32>
          %swap3A_420 = arith.index_cast %add3A_412 : i32 to index
          %swap3A_421 = arith.constant 0 : index
          %swap3A_422 = tpu.vector_load %arg17[%swap3A_420, %swap3A_421] {strides = array<i32>} : memref<256x32xf32, #tpu.memory_space<vmem>>, vector<16xf32>,
          tpu.vector_store %arg17[%swap3A_420, %swap3A_421], %mul3A_419 {strides = array<i32>} : memref<256x32xf32, #tpu.memory_space<vmem>>, vector<16xf32>,
          %get3A_423 = arith.index_cast %add3A_412 : i32 to index
          %get3A_424 = arith.constant 16 : index
          %get3A_425 = tpu.vector_load %arg17[%get3A_423, %get3A_424] {strides = array<i32>} : memref<256x32xf32, #tpu.memory_space<vmem>>, vector<16xf32>,
          %mul3A_426 = arith.mulf %get3A_425, %broadcast_in_dim3A_415 : vector<16xf32>
          %swap3A_427 = arith.index_cast %add3A_412 : i32 to index
          %swap3A_428 = arith.constant 16 : index
          %swap3A_429 = tpu.vector_load %arg17[%swap3A_427, %swap3A_428] {strides = array<i32>} : memref<256x32xf32, #tpu.memory_space<vmem>>, vector<16xf32>,
          tpu.vector_store %arg17[%swap3A_427, %swap3A_428], %mul3A_426 {strides = array<i32>} : memref<256x32xf32, #tpu.memory_space<vmem>>, vector<16xf32>,
          %mul3A_430 = arith.constant 16 : i32
          %mul3A_431 = arith.muli %scan3A_114, %mul3A_430 : i32
          %add3A_432 = arith.constant 15 : i32
          %add3A_433 = arith.addi %mul3A_431, %add3A_432 : i32
          %slice3A_434 = vector.extract_strided_slice %get3A_117 {offsets = [15], sizes = [1], strides = [1]} : vector<16xf32> to vector<1xf32>
          %squeeze3A_435 = vector.extract %slice3A_434[0] : f32 from vector<1xf32>
          %broadcast_in_dim3A_436 = vector.broadcast %squeeze3A_435 : f32 to vector<16xf32>
          %get3A_437 = arith.index_cast %add3A_433 : i32 to index
          %get3A_438 = arith.constant 0 : index
          %get3A_439 = tpu.vector_load %arg17[%get3A_437, %get3A_438] {strides = array<i32>} : memref<256x32xf32, #tpu.memory_space<vmem>>, vector<16xf32>,
          %mul3A_440 = arith.mulf %get3A_439, %broadcast_in_dim3A_436 : vector<16xf32>
          %swap3A_441 = arith.index_cast %add3A_433 : i32 to index
          %swap3A_442 = arith.constant 0 : index
          %swap3A_443 = tpu.vector_load %arg17[%swap3A_441, %swap3A_442] {strides = array<i32>} : memref<256x32xf32, #tpu.memory_space<vmem>>, vector<16xf32>,
          tpu.vector_store %arg17[%swap3A_441, %swap3A_442], %mul3A_440 {strides = array<i32>} : memref<256x32xf32, #tpu.memory_space<vmem>>, vector<16xf32>,
          %get3A_444 = arith.index_cast %add3A_433 : i32 to index
          %get3A_445 = arith.constant 16 : index
          %get3A_446 = tpu.vector_load %arg17[%get3A_444, %get3A_445] {strides = array<i32>} : memref<256x32xf32, #tpu.memory_space<vmem>>, vector<16xf32>,
          %mul3A_447 = arith.mulf %get3A_446, %broadcast_in_dim3A_436 : vector<16xf32>
          %swap3A_448 = arith.index_cast %add3A_433 : i32 to index
          %swap3A_449 = arith.constant 16 : index
          %swap3A_450 = tpu.vector_load %arg17[%swap3A_448, %swap3A_449] {strides = array<i32>} : memref<256x32xf32, #tpu.memory_space<vmem>>, vector<16xf32>,
          tpu.vector_store %arg17[%swap3A_448, %swap3A_449], %mul3A_447 {strides = array<i32>} : memref<256x32xf32, #tpu.memory_space<vmem>>, vector<16xf32>,
        }
        %scan3A_113 = arith.constant 16 : i32
        "tpu.region"() ({
          %run_scoped3A = tpu.sem_alloc : memref<!tpu.dma_semaphore, #tpu.memory_space<semaphore_mem>>
          %dma_start3A_114 = arith.constant 0 : i32
          %dma_start3A_115 = arith.constant 0 : i32
          %dma_start3A_116 = tpu.memref_slice %arg17[%dma_start3A_114, %dma_start3A_115] : memref<256x32xf32, #tpu.memory_space<vmem>> -> memref<128x32xf32, #tpu.memory_space<vmem>>
          %dma_start3A_117 = arith.constant 0 : i32
          %dma_start3A_118 = arith.constant 0 : i32
          %dma_start3A_119 = tpu.memref_slice %arg21[%dma_start3A_117, %dma_start3A_118] : memref<10240x32xf32, #tpu.memory_space<vmem_shared>> -> memref<10240x32xf32, #tpu.memory_space<vmem_shared>>
          tpu.enqueue_indirect_dma source(%dma_start3A_116 : memref<128x32xf32, #tpu.memory_space<vmem>>) target(%dma_start3A_119 : memref<10240x32xf32, #tpu.memory_space<vmem_shared>>) offsets(%arg15 : memref<128xi32, #tpu.memory_space<vmem>>) semaphore(%run_scoped3A : memref<!tpu.dma_semaphore, #tpu.memory_space<semaphore_mem>>) {add = true}
          %dma_wait3A_120 = arith.constant 0 : i32
          %dma_wait3A_121 = arith.constant 0 : i32
          %dma_wait3A_122 = tpu.memref_slice %arg17[%dma_wait3A_120, %dma_wait3A_121] : memref<256x32xf32, #tpu.memory_space<vmem>> -> memref<128x32xf32, #tpu.memory_space<vmem>>
          %dma_wait3A_123 = arith.constant 0 : i32
          %dma_wait3A_124 = arith.constant 0 : i32
          %dma_wait3A_125 = tpu.memref_slice %arg21[%dma_wait3A_123, %dma_wait3A_124] : memref<10240x32xf32, #tpu.memory_space<vmem_shared>> -> memref<10240x32xf32, #tpu.memory_space<vmem_shared>>
          tpu.wait_indirect_dma semaphore(%run_scoped3A : memref<!tpu.dma_semaphore, #tpu.memory_space<semaphore_mem>>) src(%dma_wait3A_122 : memref<128x32xf32, #tpu.memory_space<vmem>>) dst(%dma_wait3A_125 : memref<10240x32xf32, #tpu.memory_space<vmem_shared>>)
          tpu.yield
        }) : () -> ()
        "tpu.region"() ({
          %run_scoped3A = tpu.sem_alloc : memref<!tpu.dma_semaphore, #tpu.memory_space<semaphore_mem>>
          %dma_start3A_114 = arith.constant 128 : i32
          %dma_start3A_115 = arith.constant 0 : i32
          %dma_start3A_116 = tpu.memref_slice %arg17[%dma_start3A_114, %dma_start3A_115] : memref<256x32xf32, #tpu.memory_space<vmem>> -> memref<128x32xf32, #tpu.memory_space<vmem>>
          %dma_start3A_117 = arith.constant 0 : i32
          %dma_start3A_118 = arith.constant 0 : i32
          %dma_start3A_119 = tpu.memref_slice %arg21[%dma_start3A_117, %dma_start3A_118] : memref<10240x32xf32, #tpu.memory_space<vmem_shared>> -> memref<10240x32xf32, #tpu.memory_space<vmem_shared>>
          tpu.enqueue_indirect_dma source(%dma_start3A_116 : memref<128x32xf32, #tpu.memory_space<vmem>>) target(%dma_start3A_119 : memref<10240x32xf32, #tpu.memory_space<vmem_shared>>) offsets(%arg16 : memref<128xi32, #tpu.memory_space<vmem>>) semaphore(%run_scoped3A : memref<!tpu.dma_semaphore, #tpu.memory_space<semaphore_mem>>) {add = true}
          %dma_wait3A_120 = arith.constant 128 : i32
          %dma_wait3A_121 = arith.constant 0 : i32
          %dma_wait3A_122 = tpu.memref_slice %arg17[%dma_wait3A_120, %dma_wait3A_121] : memref<256x32xf32, #tpu.memory_space<vmem>> -> memref<128x32xf32, #tpu.memory_space<vmem>>
          %dma_wait3A_123 = arith.constant 0 : i32
          %dma_wait3A_124 = arith.constant 0 : i32
          %dma_wait3A_125 = tpu.memref_slice %arg21[%dma_wait3A_123, %dma_wait3A_124] : memref<10240x32xf32, #tpu.memory_space<vmem_shared>> -> memref<10240x32xf32, #tpu.memory_space<vmem_shared>>
          tpu.wait_indirect_dma semaphore(%run_scoped3A : memref<!tpu.dma_semaphore, #tpu.memory_space<semaphore_mem>>) src(%dma_wait3A_122 : memref<128x32xf32, #tpu.memory_space<vmem>>) dst(%dma_wait3A_125 : memref<10240x32xf32, #tpu.memory_space<vmem_shared>>)
          tpu.yield
        }) : () -> ()
      } else {
      }
    }
    %scan3A_52 = arith.constant 40 : i32
    %barrier3A_53 = arith.constant 0 : index
    tpu.barrier barrier_id(%barrier3A_53)
    %mul3A_54 = arith.constant 640 : i32
    %mul3A_55 = arith.muli %arg1, %mul3A_54 : i32
    %mul3A_56 = arith.constant 640 : i32
    %mul3A_57 = arith.muli %arg1, %mul3A_56 : i32
    "tpu.region"() ({
      %run_scoped3A = tpu.sem_alloc : memref<!tpu.dma_semaphore, #tpu.memory_space<semaphore_mem>>
      %dma_start3A = arith.constant 0 : i32
      %dma_start3A_58 = tpu.memref_slice %arg7[%arg0, %mul3A_57, %dma_start3A] : memref<2x10240x32xf32, #tpu.memory_space<hbm>> -> memref<1x640x32xf32, #tpu.memory_space<hbm>>
      %dma_start3A_59 = tpu.memref_squeeze %dma_start3A_58 : memref<1x640x32xf32, #tpu.memory_space<hbm>> -> memref<640x32xf32, #tpu.memory_space<hbm>>
      %dma_start3A_60 = arith.constant 0 : i32
      %dma_start3A_61 = tpu.memref_slice %arg21[%mul3A_55, %dma_start3A_60] : memref<10240x32xf32, #tpu.memory_space<vmem_shared>> -> memref<640x32xf32, #tpu.memory_space<vmem_shared>>
      tpu.enqueue_dma source(%dma_start3A_61 : memref<640x32xf32, #tpu.memory_space<vmem_shared>>) target(%dma_start3A_59 : memref<640x32xf32, #tpu.memory_space<hbm>>) target_semaphore(%run_scoped3A : memref<!tpu.dma_semaphore, #tpu.memory_space<semaphore_mem>>)
      %dma_wait3A = arith.constant 0 : i32
      %dma_wait3A_62 = tpu.memref_slice %arg7[%arg0, %mul3A_57, %dma_wait3A] : memref<2x10240x32xf32, #tpu.memory_space<hbm>> -> memref<1x640x32xf32, #tpu.memory_space<hbm>>
      %dma_wait3A_63 = tpu.memref_squeeze %dma_wait3A_62 : memref<1x640x32xf32, #tpu.memory_space<hbm>> -> memref<640x32xf32, #tpu.memory_space<hbm>>
      %dma_wait3A_64 = arith.constant 0 : i32
      %dma_wait3A_65 = tpu.memref_slice %arg21[%mul3A_55, %dma_wait3A_64] : memref<10240x32xf32, #tpu.memory_space<vmem_shared>> -> memref<640x32xf32, #tpu.memory_space<vmem_shared>>
      tpu.wait_dma2 semaphore(%run_scoped3A : memref<!tpu.dma_semaphore, #tpu.memory_space<semaphore_mem>>) src(%dma_wait3A_65 : memref<640x32xf32, #tpu.memory_space<vmem_shared>>) dst(%dma_wait3A_63 : memref<640x32xf32, #tpu.memory_space<hbm>>)
      tpu.yield
    }) : () -> ()
    return
  }
}

#map = affine_map<(d0, d1) -> (0)>
#map1 = affine_map<(d0, d1) -> (0, 0)>
#map2 = affine_map<(d0, d1) -> (0, 0, 0)>
module attributes {stable_mosaic.version = 14 : i64} {
  func.func @_gaan_body(%arg0: i32, %arg1: i32, %arg2: memref<320000xi32, #tpu.memory_space<hbm>>, %arg3: memref<320000xi32, #tpu.memory_space<hbm>>, %arg4: memref<30720xf32, #tpu.memory_space<hbm>>, %arg5: memref<30720xf32, #tpu.memory_space<hbm>>, %arg6: memref<10240x32xf32, #tpu.memory_space<hbm>>, %arg7: memref<2x10240x32xf32, #tpu.memory_space<hbm>>, %arg8: memref<30720xf32, #tpu.memory_space<vmem>>, %arg9: memref<30720xf32, #tpu.memory_space<vmem>>, %arg10: memref<240x128xf32, #tpu.memory_space<vmem>>, %arg11: memref<800xi32, #tpu.memory_space<vmem>>, %arg12: memref<800xi32, #tpu.memory_space<vmem>>, %arg13: memref<128xi32, #tpu.memory_space<vmem>>, %arg14: memref<128xi32, #tpu.memory_space<vmem>>, %arg15: memref<128xi32, #tpu.memory_space<vmem>>, %arg16: memref<128xi32, #tpu.memory_space<vmem>>, %arg17: memref<256x32xf32, #tpu.memory_space<vmem>>, %arg18: memref<256xf32, #tpu.memory_space<vmem>>, %arg19: memref<240xi32, #tpu.memory_space<vmem>>, %arg20: memref<240x128xf32, #tpu.memory_space<vmem_shared>>, %arg21: memref<10240x32xf32, #tpu.memory_space<vmem_shared>>, %arg22: memref<!tpu.dma_semaphore, #tpu.memory_space<semaphore_mem>>) attributes {dimension_semantics = [#tpu.dimension_semantics<core_parallel>, #tpu.dimension_semantics<subcore_parallel>], iteration_bounds = array<i64: 2, 16>, scalar_prefetch = 0 : i64, scratch_operands = 15 : i64, tpu.core_type = #tpu.core_type<sc_vector_subcore>, window_params = [{transform_indices = #map}, {transform_indices = #map}, {transform_indices = #map}, {transform_indices = #map}, {transform_indices = #map1}, {transform_indices = #map2}]} {
    %mul3A = arith.constant 2 : i32
    %mul3A_0 = arith.muli %arg1, %mul3A : i32
    %add3A = arith.addi %mul3A_0, %arg0 : i32
    %broadcast_in_dim3A = arith.constant 0.000000e+00 : f32
    %broadcast_in_dim3A_1 = vector.broadcast %broadcast_in_dim3A : f32 to vector<16xf32>
    "tpu.region"() ({
      %run_scoped3A = tpu.sem_alloc : memref<!tpu.dma_semaphore, #tpu.memory_space<semaphore_mem>>
      tpu.enqueue_dma source(%arg4 : memref<30720xf32, #tpu.memory_space<hbm>>) target(%arg8 : memref<30720xf32, #tpu.memory_space<vmem>>) target_semaphore(%run_scoped3A : memref<!tpu.dma_semaphore, #tpu.memory_space<semaphore_mem>>)
      tpu.wait_dma2 semaphore(%run_scoped3A : memref<!tpu.dma_semaphore, #tpu.memory_space<semaphore_mem>>) src(%arg4 : memref<30720xf32, #tpu.memory_space<hbm>>) dst(%arg8 : memref<30720xf32, #tpu.memory_space<vmem>>)
      tpu.yield
    }) : () -> ()
    "tpu.region"() ({
      %run_scoped3A = tpu.sem_alloc : memref<!tpu.dma_semaphore, #tpu.memory_space<semaphore_mem>>
      tpu.enqueue_dma source(%arg5 : memref<30720xf32, #tpu.memory_space<hbm>>) target(%arg9 : memref<30720xf32, #tpu.memory_space<vmem>>) target_semaphore(%run_scoped3A : memref<!tpu.dma_semaphore, #tpu.memory_space<semaphore_mem>>)
      tpu.wait_dma2 semaphore(%run_scoped3A : memref<!tpu.dma_semaphore, #tpu.memory_space<semaphore_mem>>) src(%arg5 : memref<30720xf32, #tpu.memory_space<hbm>>) dst(%arg9 : memref<30720xf32, #tpu.memory_space<vmem>>)
      tpu.yield
    }) : () -> ()
    %scan3A = arith.constant 0 : i32
    %scan3A_2 = arith.constant 0 : i32
    %scan3A_3 = arith.constant 15 : i32
    %scan3A_4 = arith.addi %scan3A_2, %scan3A_3 : i32
    %scan3A_5 = arith.constant 1 : i32
    scf.for %scan3A_58 = %scan3A_2 to %scan3A_4 step %scan3A_5  : i32 {
      %iota3A = tpu.iota {dimensions = array<i32: 0>} : vector<16xi32>
      %mul3A_59 = arith.constant 16 : i32
      %mul3A_60 = arith.muli %scan3A_58, %mul3A_59 : i32
      %add3A_61 = vector.broadcast %mul3A_60 : i32 to vector<16xi32>
      %add3A_62 = arith.addi %iota3A, %add3A_61 : vector<16xi32>
      %mul3A_63 = arith.constant 16 : i32
      %mul3A_64 = arith.muli %scan3A_58, %mul3A_63 : i32
      %swap3A = arith.index_cast %mul3A_64 : i32 to index
      %swap3A_65 = tpu.vector_load %arg19[%swap3A] {strides = array<i32>} : memref<240xi32, #tpu.memory_space<vmem>>, vector<16xi32>,
      tpu.vector_store %arg19[%swap3A], %add3A_62 {strides = array<i32>} : memref<240xi32, #tpu.memory_space<vmem>>, vector<16xi32>,
    }
    %scan3A_6 = arith.constant 15 : i32
    %scan3A_7 = arith.constant 0 : i32
    %scan3A_8 = arith.constant 0 : i32
    %scan3A_9 = arith.constant 240 : i32
    %scan3A_10 = arith.addi %scan3A_8, %scan3A_9 : i32
    %scan3A_11 = arith.constant 1 : i32
    scf.for %scan3A_58 = %scan3A_8 to %scan3A_10 step %scan3A_11  : i32 {
      %swap3A = arith.index_cast %scan3A_58 : i32 to index
      %swap3A_59 = arith.constant 0 : index
      %swap3A_60 = tpu.vector_load %arg10[%swap3A, %swap3A_59] {strides = array<i32>} : memref<240x128xf32, #tpu.memory_space<vmem>>, vector<16xf32>,
      tpu.vector_store %arg10[%swap3A, %swap3A_59], %broadcast_in_dim3A_1 {strides = array<i32>} : memref<240x128xf32, #tpu.memory_space<vmem>>, vector<16xf32>,
      %swap3A_61 = arith.index_cast %scan3A_58 : i32 to index
      %swap3A_62 = arith.constant 16 : index
      %swap3A_63 = tpu.vector_load %arg10[%swap3A_61, %swap3A_62] {strides = array<i32>} : memref<240x128xf32, #tpu.memory_space<vmem>>, vector<16xf32>,
      tpu.vector_store %arg10[%swap3A_61, %swap3A_62], %broadcast_in_dim3A_1 {strides = array<i32>} : memref<240x128xf32, #tpu.memory_space<vmem>>, vector<16xf32>,
      %swap3A_64 = arith.index_cast %scan3A_58 : i32 to index
      %swap3A_65 = arith.constant 32 : index
      %swap3A_66 = tpu.vector_load %arg10[%swap3A_64, %swap3A_65] {strides = array<i32>} : memref<240x128xf32, #tpu.memory_space<vmem>>, vector<16xf32>,
      tpu.vector_store %arg10[%swap3A_64, %swap3A_65], %broadcast_in_dim3A_1 {strides = array<i32>} : memref<240x128xf32, #tpu.memory_space<vmem>>, vector<16xf32>,
      %swap3A_67 = arith.index_cast %scan3A_58 : i32 to index
      %swap3A_68 = arith.constant 48 : index
      %swap3A_69 = tpu.vector_load %arg10[%swap3A_67, %swap3A_68] {strides = array<i32>} : memref<240x128xf32, #tpu.memory_space<vmem>>, vector<16xf32>,
      tpu.vector_store %arg10[%swap3A_67, %swap3A_68], %broadcast_in_dim3A_1 {strides = array<i32>} : memref<240x128xf32, #tpu.memory_space<vmem>>, vector<16xf32>,
      %swap3A_70 = arith.index_cast %scan3A_58 : i32 to index
      %swap3A_71 = arith.constant 64 : index
      %swap3A_72 = tpu.vector_load %arg10[%swap3A_70, %swap3A_71] {strides = array<i32>} : memref<240x128xf32, #tpu.memory_space<vmem>>, vector<16xf32>,
      tpu.vector_store %arg10[%swap3A_70, %swap3A_71], %broadcast_in_dim3A_1 {strides = array<i32>} : memref<240x128xf32, #tpu.memory_space<vmem>>, vector<16xf32>,
      %swap3A_73 = arith.index_cast %scan3A_58 : i32 to index
      %swap3A_74 = arith.constant 80 : index
      %swap3A_75 = tpu.vector_load %arg10[%swap3A_73, %swap3A_74] {strides = array<i32>} : memref<240x128xf32, #tpu.memory_space<vmem>>, vector<16xf32>,
      tpu.vector_store %arg10[%swap3A_73, %swap3A_74], %broadcast_in_dim3A_1 {strides = array<i32>} : memref<240x128xf32, #tpu.memory_space<vmem>>, vector<16xf32>,
      %swap3A_76 = arith.index_cast %scan3A_58 : i32 to index
      %swap3A_77 = arith.constant 96 : index
      %swap3A_78 = tpu.vector_load %arg10[%swap3A_76, %swap3A_77] {strides = array<i32>} : memref<240x128xf32, #tpu.memory_space<vmem>>, vector<16xf32>,
      tpu.vector_store %arg10[%swap3A_76, %swap3A_77], %broadcast_in_dim3A_1 {strides = array<i32>} : memref<240x128xf32, #tpu.memory_space<vmem>>, vector<16xf32>,
      %swap3A_79 = arith.index_cast %scan3A_58 : i32 to index
      %swap3A_80 = arith.constant 112 : index
      %swap3A_81 = tpu.vector_load %arg10[%swap3A_79, %swap3A_80] {strides = array<i32>} : memref<240x128xf32, #tpu.memory_space<vmem>>, vector<16xf32>,
      tpu.vector_store %arg10[%swap3A_79, %swap3A_80], %broadcast_in_dim3A_1 {strides = array<i32>} : memref<240x128xf32, #tpu.memory_space<vmem>>, vector<16xf32>,
    }
    %scan3A_12 = arith.constant 240 : i32
    %mul3A_13 = arith.constant 15 : i32
    %mul3A_14 = arith.muli %arg1, %mul3A_13 : i32
    "tpu.region"() ({
      %run_scoped3A = tpu.sem_alloc : memref<!tpu.dma_semaphore, #tpu.memory_space<semaphore_mem>>
      %dma_start3A = arith.constant 0 : i32
      %dma_start3A_58 = arith.constant 0 : i32
      %dma_start3A_59 = tpu.memref_slice %arg10[%dma_start3A, %dma_start3A_58] : memref<240x128xf32, #tpu.memory_space<vmem>> -> memref<15x128xf32, #tpu.memory_space<vmem>>
      %dma_start3A_60 = arith.constant 0 : i32
      %dma_start3A_61 = tpu.memref_slice %arg20[%mul3A_14, %dma_start3A_60] : memref<240x128xf32, #tpu.memory_space<vmem_shared>> -> memref<15x128xf32, #tpu.memory_space<vmem_shared>>
      %dma_start3A_62 = arith.constant 0 : i32
      %dma_start3A_63 = tpu.memref_slice %arg20[%mul3A_14, %dma_start3A_62] : memref<240x128xf32, #tpu.memory_space<vmem_shared>> -> memref<15x128xf32, #tpu.memory_space<vmem_shared>>
      %dma_start3A_64 = arith.constant 0 : i32
      %dma_start3A_65 = arith.constant 0 : i32
      %dma_start3A_66 = tpu.memref_slice %arg10[%dma_start3A_64, %dma_start3A_65] : memref<240x128xf32, #tpu.memory_space<vmem>> -> memref<15x128xf32, #tpu.memory_space<vmem>>
      tpu.enqueue_dma source(%dma_start3A_66 : memref<15x128xf32, #tpu.memory_space<vmem>>) target(%dma_start3A_63 : memref<15x128xf32, #tpu.memory_space<vmem_shared>>) target_semaphore(%run_scoped3A : memref<!tpu.dma_semaphore, #tpu.memory_space<semaphore_mem>>)
      %dma_wait3A = arith.constant 0 : i32
      %dma_wait3A_67 = arith.constant 0 : i32
      %dma_wait3A_68 = tpu.memref_slice %arg10[%dma_wait3A, %dma_wait3A_67] : memref<240x128xf32, #tpu.memory_space<vmem>> -> memref<15x128xf32, #tpu.memory_space<vmem>>
      %dma_wait3A_69 = arith.constant 0 : i32
      %dma_wait3A_70 = tpu.memref_slice %arg20[%mul3A_14, %dma_wait3A_69] : memref<240x128xf32, #tpu.memory_space<vmem_shared>> -> memref<15x128xf32, #tpu.memory_space<vmem_shared>>
      %dma_wait3A_71 = arith.constant 0 : i32
      %dma_wait3A_72 = tpu.memref_slice %arg20[%mul3A_14, %dma_wait3A_71] : memref<240x128xf32, #tpu.memory_space<vmem_shared>> -> memref<15x128xf32, #tpu.memory_space<vmem_shared>>
      %dma_wait3A_73 = arith.constant 0 : i32
      %dma_wait3A_74 = arith.constant 0 : i32
      %dma_wait3A_75 = tpu.memref_slice %arg10[%dma_wait3A_73, %dma_wait3A_74] : memref<240x128xf32, #tpu.memory_space<vmem>> -> memref<15x128xf32, #tpu.memory_space<vmem>>
      tpu.wait_dma2 semaphore(%run_scoped3A : memref<!tpu.dma_semaphore, #tpu.memory_space<semaphore_mem>>) src(%dma_wait3A_75 : memref<15x128xf32, #tpu.memory_space<vmem>>) dst(%dma_wait3A_72 : memref<15x128xf32, #tpu.memory_space<vmem_shared>>)
      tpu.yield
    }) : () -> ()
    %scan3A_15 = arith.constant 0 : i32
    %scan3A_16 = arith.constant 0 : i32
    %scan3A_17 = arith.constant 256 : i32
    %scan3A_18 = arith.addi %scan3A_16, %scan3A_17 : i32
    %scan3A_19 = arith.constant 1 : i32
    scf.for %scan3A_58 = %scan3A_16 to %scan3A_18 step %scan3A_19  : i32 {
      %swap3A = arith.index_cast %scan3A_58 : i32 to index
      %swap3A_59 = arith.constant 0 : index
      %swap3A_60 = tpu.vector_load %arg17[%swap3A, %swap3A_59] {strides = array<i32>} : memref<256x32xf32, #tpu.memory_space<vmem>>, vector<16xf32>,
      tpu.vector_store %arg17[%swap3A, %swap3A_59], %broadcast_in_dim3A_1 {strides = array<i32>} : memref<256x32xf32, #tpu.memory_space<vmem>>, vector<16xf32>,
      %swap3A_61 = arith.index_cast %scan3A_58 : i32 to index
      %swap3A_62 = arith.constant 16 : index
      %swap3A_63 = tpu.vector_load %arg17[%swap3A_61, %swap3A_62] {strides = array<i32>} : memref<256x32xf32, #tpu.memory_space<vmem>>, vector<16xf32>,
      tpu.vector_store %arg17[%swap3A_61, %swap3A_62], %broadcast_in_dim3A_1 {strides = array<i32>} : memref<256x32xf32, #tpu.memory_space<vmem>>, vector<16xf32>,
    }
    %scan3A_20 = arith.constant 256 : i32
    %mul3A_21 = arith.constant 640 : i32
    %mul3A_22 = arith.muli %arg1, %mul3A_21 : i32
    %add3A_23 = arith.constant 0 : i32
    %add3A_24 = arith.addi %mul3A_22, %add3A_23 : i32
    "tpu.region"() ({
      %run_scoped3A = tpu.sem_alloc : memref<!tpu.dma_semaphore, #tpu.memory_space<semaphore_mem>>
      %dma_start3A = arith.constant 0 : i32
      %dma_start3A_58 = tpu.memref_slice %arg21[%add3A_24, %dma_start3A] : memref<10240x32xf32, #tpu.memory_space<vmem_shared>> -> memref<256x32xf32, #tpu.memory_space<vmem_shared>>
      %dma_start3A_59 = arith.constant 0 : i32
      %dma_start3A_60 = tpu.memref_slice %arg21[%add3A_24, %dma_start3A_59] : memref<10240x32xf32, #tpu.memory_space<vmem_shared>> -> memref<256x32xf32, #tpu.memory_space<vmem_shared>>
      tpu.enqueue_dma source(%arg17 : memref<256x32xf32, #tpu.memory_space<vmem>>) target(%dma_start3A_60 : memref<256x32xf32, #tpu.memory_space<vmem_shared>>) target_semaphore(%run_scoped3A : memref<!tpu.dma_semaphore, #tpu.memory_space<semaphore_mem>>)
      %dma_wait3A = arith.constant 0 : i32
      %dma_wait3A_61 = tpu.memref_slice %arg21[%add3A_24, %dma_wait3A] : memref<10240x32xf32, #tpu.memory_space<vmem_shared>> -> memref<256x32xf32, #tpu.memory_space<vmem_shared>>
      %dma_wait3A_62 = arith.constant 0 : i32
      %dma_wait3A_63 = tpu.memref_slice %arg21[%add3A_24, %dma_wait3A_62] : memref<10240x32xf32, #tpu.memory_space<vmem_shared>> -> memref<256x32xf32, #tpu.memory_space<vmem_shared>>
      tpu.wait_dma2 semaphore(%run_scoped3A : memref<!tpu.dma_semaphore, #tpu.memory_space<semaphore_mem>>) src(%arg17 : memref<256x32xf32, #tpu.memory_space<vmem>>) dst(%dma_wait3A_63 : memref<256x32xf32, #tpu.memory_space<vmem_shared>>)
      tpu.yield
    }) : () -> ()
    %mul3A_25 = arith.constant 640 : i32
    %mul3A_26 = arith.muli %arg1, %mul3A_25 : i32
    %add3A_27 = arith.constant 256 : i32
    %add3A_28 = arith.addi %mul3A_26, %add3A_27 : i32
    "tpu.region"() ({
      %run_scoped3A = tpu.sem_alloc : memref<!tpu.dma_semaphore, #tpu.memory_space<semaphore_mem>>
      %dma_start3A = arith.constant 0 : i32
      %dma_start3A_58 = tpu.memref_slice %arg21[%add3A_28, %dma_start3A] : memref<10240x32xf32, #tpu.memory_space<vmem_shared>> -> memref<256x32xf32, #tpu.memory_space<vmem_shared>>
      %dma_start3A_59 = arith.constant 0 : i32
      %dma_start3A_60 = tpu.memref_slice %arg21[%add3A_28, %dma_start3A_59] : memref<10240x32xf32, #tpu.memory_space<vmem_shared>> -> memref<256x32xf32, #tpu.memory_space<vmem_shared>>
      tpu.enqueue_dma source(%arg17 : memref<256x32xf32, #tpu.memory_space<vmem>>) target(%dma_start3A_60 : memref<256x32xf32, #tpu.memory_space<vmem_shared>>) target_semaphore(%run_scoped3A : memref<!tpu.dma_semaphore, #tpu.memory_space<semaphore_mem>>)
      %dma_wait3A = arith.constant 0 : i32
      %dma_wait3A_61 = tpu.memref_slice %arg21[%add3A_28, %dma_wait3A] : memref<10240x32xf32, #tpu.memory_space<vmem_shared>> -> memref<256x32xf32, #tpu.memory_space<vmem_shared>>
      %dma_wait3A_62 = arith.constant 0 : i32
      %dma_wait3A_63 = tpu.memref_slice %arg21[%add3A_28, %dma_wait3A_62] : memref<10240x32xf32, #tpu.memory_space<vmem_shared>> -> memref<256x32xf32, #tpu.memory_space<vmem_shared>>
      tpu.wait_dma2 semaphore(%run_scoped3A : memref<!tpu.dma_semaphore, #tpu.memory_space<semaphore_mem>>) src(%arg17 : memref<256x32xf32, #tpu.memory_space<vmem>>) dst(%dma_wait3A_63 : memref<256x32xf32, #tpu.memory_space<vmem_shared>>)
      tpu.yield
    }) : () -> ()
    %mul3A_29 = arith.constant 640 : i32
    %mul3A_30 = arith.muli %arg1, %mul3A_29 : i32
    %add3A_31 = arith.constant 640 : i32
    %add3A_32 = arith.addi %mul3A_30, %add3A_31 : i32
    %sub3A = arith.constant 128 : i32
    %sub3A_33 = arith.subi %add3A_32, %sub3A : i32
    "tpu.region"() ({
      %run_scoped3A = tpu.sem_alloc : memref<!tpu.dma_semaphore, #tpu.memory_space<semaphore_mem>>
      %dma_start3A = arith.constant 0 : i32
      %dma_start3A_58 = arith.constant 0 : i32
      %dma_start3A_59 = tpu.memref_slice %arg17[%dma_start3A, %dma_start3A_58] : memref<256x32xf32, #tpu.memory_space<vmem>> -> memref<128x32xf32, #tpu.memory_space<vmem>>
      %dma_start3A_60 = arith.constant 0 : i32
      %dma_start3A_61 = tpu.memref_slice %arg21[%sub3A_33, %dma_start3A_60] : memref<10240x32xf32, #tpu.memory_space<vmem_shared>> -> memref<128x32xf32, #tpu.memory_space<vmem_shared>>
      %dma_start3A_62 = arith.constant 0 : i32
      %dma_start3A_63 = tpu.memref_slice %arg21[%sub3A_33, %dma_start3A_62] : memref<10240x32xf32, #tpu.memory_space<vmem_shared>> -> memref<128x32xf32, #tpu.memory_space<vmem_shared>>
      %dma_start3A_64 = arith.constant 0 : i32
      %dma_start3A_65 = arith.constant 0 : i32
      %dma_start3A_66 = tpu.memref_slice %arg17[%dma_start3A_64, %dma_start3A_65] : memref<256x32xf32, #tpu.memory_space<vmem>> -> memref<128x32xf32, #tpu.memory_space<vmem>>
      tpu.enqueue_dma source(%dma_start3A_66 : memref<128x32xf32, #tpu.memory_space<vmem>>) target(%dma_start3A_63 : memref<128x32xf32, #tpu.memory_space<vmem_shared>>) target_semaphore(%run_scoped3A : memref<!tpu.dma_semaphore, #tpu.memory_space<semaphore_mem>>)
      %dma_wait3A = arith.constant 0 : i32
      %dma_wait3A_67 = arith.constant 0 : i32
      %dma_wait3A_68 = tpu.memref_slice %arg17[%dma_wait3A, %dma_wait3A_67] : memref<256x32xf32, #tpu.memory_space<vmem>> -> memref<128x32xf32, #tpu.memory_space<vmem>>
      %dma_wait3A_69 = arith.constant 0 : i32
      %dma_wait3A_70 = tpu.memref_slice %arg21[%sub3A_33, %dma_wait3A_69] : memref<10240x32xf32, #tpu.memory_space<vmem_shared>> -> memref<128x32xf32, #tpu.memory_space<vmem_shared>>
      %dma_wait3A_71 = arith.constant 0 : i32
      %dma_wait3A_72 = tpu.memref_slice %arg21[%sub3A_33, %dma_wait3A_71] : memref<10240x32xf32, #tpu.memory_space<vmem_shared>> -> memref<128x32xf32, #tpu.memory_space<vmem_shared>>
      %dma_wait3A_73 = arith.constant 0 : i32
      %dma_wait3A_74 = arith.constant 0 : i32
      %dma_wait3A_75 = tpu.memref_slice %arg17[%dma_wait3A_73, %dma_wait3A_74] : memref<256x32xf32, #tpu.memory_space<vmem>> -> memref<128x32xf32, #tpu.memory_space<vmem>>
      tpu.wait_dma2 semaphore(%run_scoped3A : memref<!tpu.dma_semaphore, #tpu.memory_space<semaphore_mem>>) src(%dma_wait3A_75 : memref<128x32xf32, #tpu.memory_space<vmem>>) dst(%dma_wait3A_72 : memref<128x32xf32, #tpu.memory_space<vmem_shared>>)
      tpu.yield
    }) : () -> ()
    %barrier3A = arith.constant 0 : index
    tpu.barrier barrier_id(%barrier3A)
    %scan3A_34 = arith.constant 0 : i32
    %scan3A_35 = arith.constant 0 : i32
    %scan3A_36 = arith.constant 25 : i32
    %scan3A_37 = arith.addi %scan3A_35, %scan3A_36 : i32
    %scan3A_38 = arith.constant 1 : i32
    scf.for %scan3A_58 = %scan3A_35 to %scan3A_37 step %scan3A_38  : i32 {
      %mul3A_59 = arith.constant 20000 : i32
      %mul3A_60 = arith.muli %arg1, %mul3A_59 : i32
      %mul3A_61 = arith.constant 800 : i32
      %mul3A_62 = arith.muli %scan3A_58, %mul3A_61 : i32
      %add3A_63 = arith.addi %mul3A_60, %mul3A_62 : i32
      "tpu.region"() ({
        %run_scoped3A = tpu.sem_alloc : memref<!tpu.dma_semaphore, #tpu.memory_space<semaphore_mem>>
        %dma_start3A = tpu.memref_slice %arg2[%add3A_63] : memref<320000xi32, #tpu.memory_space<hbm>> -> memref<800xi32, #tpu.memory_space<hbm>>
        %dma_start3A_70 = tpu.memref_slice %arg2[%add3A_63] : memref<320000xi32, #tpu.memory_space<hbm>> -> memref<800xi32, #tpu.memory_space<hbm>>
        tpu.enqueue_dma source(%dma_start3A_70 : memref<800xi32, #tpu.memory_space<hbm>>) target(%arg11 : memref<800xi32, #tpu.memory_space<vmem>>) target_semaphore(%run_scoped3A : memref<!tpu.dma_semaphore, #tpu.memory_space<semaphore_mem>>)
        %dma_wait3A = tpu.memref_slice %arg2[%add3A_63] : memref<320000xi32, #tpu.memory_space<hbm>> -> memref<800xi32, #tpu.memory_space<hbm>>
        %dma_wait3A_71 = tpu.memref_slice %arg2[%add3A_63] : memref<320000xi32, #tpu.memory_space<hbm>> -> memref<800xi32, #tpu.memory_space<hbm>>
        tpu.wait_dma2 semaphore(%run_scoped3A : memref<!tpu.dma_semaphore, #tpu.memory_space<semaphore_mem>>) src(%dma_wait3A_71 : memref<800xi32, #tpu.memory_space<hbm>>) dst(%arg11 : memref<800xi32, #tpu.memory_space<vmem>>)
        tpu.yield
      }) : () -> ()
      "tpu.region"() ({
        %run_scoped3A = tpu.sem_alloc : memref<!tpu.dma_semaphore, #tpu.memory_space<semaphore_mem>>
        %dma_start3A = tpu.memref_slice %arg3[%add3A_63] : memref<320000xi32, #tpu.memory_space<hbm>> -> memref<800xi32, #tpu.memory_space<hbm>>
        %dma_start3A_70 = tpu.memref_slice %arg3[%add3A_63] : memref<320000xi32, #tpu.memory_space<hbm>> -> memref<800xi32, #tpu.memory_space<hbm>>
        tpu.enqueue_dma source(%dma_start3A_70 : memref<800xi32, #tpu.memory_space<hbm>>) target(%arg12 : memref<800xi32, #tpu.memory_space<vmem>>) target_semaphore(%run_scoped3A : memref<!tpu.dma_semaphore, #tpu.memory_space<semaphore_mem>>)
        %dma_wait3A = tpu.memref_slice %arg3[%add3A_63] : memref<320000xi32, #tpu.memory_space<hbm>> -> memref<800xi32, #tpu.memory_space<hbm>>
        %dma_wait3A_71 = tpu.memref_slice %arg3[%add3A_63] : memref<320000xi32, #tpu.memory_space<hbm>> -> memref<800xi32, #tpu.memory_space<hbm>>
        tpu.wait_dma2 semaphore(%run_scoped3A : memref<!tpu.dma_semaphore, #tpu.memory_space<semaphore_mem>>) src(%dma_wait3A_71 : memref<800xi32, #tpu.memory_space<hbm>>) dst(%arg12 : memref<800xi32, #tpu.memory_space<vmem>>)
        tpu.yield
      }) : () -> ()
      %scan3A_64 = arith.constant 0 : i32
      %scan3A_65 = arith.constant 0 : i32
      %scan3A_66 = arith.constant 50 : i32
      %scan3A_67 = arith.addi %scan3A_65, %scan3A_66 : i32
      %scan3A_68 = arith.constant 1 : i32
      scf.for %scan3A_70 = %scan3A_65 to %scan3A_67 step %scan3A_68  : i32 {
        %mul3A_71 = arith.constant 16 : i32
        %mul3A_72 = arith.muli %scan3A_70, %mul3A_71 : i32
        %get3A = arith.index_cast %mul3A_72 : i32 to index
        %get3A_73 = tpu.vector_load %arg11[%get3A] {strides = array<i32>} : memref<800xi32, #tpu.memory_space<vmem>>, vector<16xi32>,
        %mul3A_74 = arith.constant 3 : i32
        %mul3A_75 = vector.broadcast %mul3A_74 : i32 to vector<16xi32>
        %mul3A_76 = arith.muli %get3A_73, %mul3A_75 : vector<16xi32>
        %mul3A_77 = arith.constant 16 : i32
        %mul3A_78 = arith.muli %scan3A_70, %mul3A_77 : i32
        %get3A_79 = arith.index_cast %mul3A_78 : i32 to index
        %get3A_80 = tpu.vector_load %arg12[%get3A_79] {strides = array<i32>} : memref<800xi32, #tpu.memory_space<vmem>>, vector<16xi32>,
        %mul3A_81 = arith.constant 3 : i32
        %mul3A_82 = vector.broadcast %mul3A_81 : i32 to vector<16xi32>
        %mul3A_83 = arith.muli %get3A_80, %mul3A_82 : vector<16xi32>
        %add3A_84 = arith.constant 0 : i32
        %add3A_85 = vector.broadcast %add3A_84 : i32 to vector<16xi32>
        %add3A_86 = arith.addi %mul3A_76, %add3A_85 : vector<16xi32>
        %gather3A = tpu.vector_load_idx %arg8[%add3A_86] : memref<30720xf32, #tpu.memory_space<vmem>>[vector<16xi32>], vector<16xf32>,
        %add3A_87 = arith.constant 0 : i32
        %add3A_88 = vector.broadcast %add3A_87 : i32 to vector<16xi32>
        %add3A_89 = arith.addi %mul3A_83, %add3A_88 : vector<16xi32>
        %gather3A_90 = tpu.vector_load_idx %arg9[%add3A_89] : memref<30720xf32, #tpu.memory_space<vmem>>[vector<16xi32>], vector<16xf32>,
        %add3A_91 = arith.addf %gather3A, %gather3A_90 : vector<16xf32>
        %ge3A = arith.constant 0.000000e+00 : f32
        %ge3A_92 = vector.broadcast %ge3A : f32 to vector<16xf32>
        %ge3A_93 = arith.cmpf oge, %add3A_91, %ge3A_92 : vector<16xf32>
        %mul3A_94 = arith.constant 0.00999999977 : f32
        %mul3A_95 = vector.broadcast %mul3A_94 : f32 to vector<16xf32>
        %mul3A_96 = arith.mulf %mul3A_95, %add3A_91 : vector<16xf32>
        %select_n3A = arith.select %ge3A_93, %add3A_91, %mul3A_96 : vector<16xi1>, vector<16xf32>
        %add3A_97 = arith.constant 0 : i32
        %add3A_98 = vector.broadcast %add3A_97 : i32 to vector<16xi32>
        %add3A_99 = arith.addi %mul3A_83, %add3A_98 : vector<16xi32>
        %shift_right_logical3A = arith.constant 7 : i32
        %shift_right_logical3A_100 = vector.broadcast %shift_right_logical3A : i32 to vector<16xi32>
        %shift_right_logical3A_101 = arith.shrui %add3A_99, %shift_right_logical3A_100 : vector<16xi32>
        %and3A = arith.constant 127 : i32
        %and3A_102 = vector.broadcast %and3A : i32 to vector<16xi32>
        %and3A_103 = arith.andi %add3A_99, %and3A_102 : vector<16xi32>
        %exp3A = math.exp %select_n3A : vector<16xf32>
        tpu.vector_store_idx %arg10[%shift_right_logical3A_101, %and3A_103], %exp3A {add = true} : memref<240x128xf32, #tpu.memory_space<vmem>>[vector<16xi32>, vector<16xi32>], vector<16xf32>,
        %add3A_104 = arith.constant 1 : i32
        %add3A_105 = vector.broadcast %add3A_104 : i32 to vector<16xi32>
        %add3A_106 = arith.addi %mul3A_76, %add3A_105 : vector<16xi32>
        %gather3A_107 = tpu.vector_load_idx %arg8[%add3A_106] : memref<30720xf32, #tpu.memory_space<vmem>>[vector<16xi32>], vector<16xf32>,
        %add3A_108 = arith.constant 1 : i32
        %add3A_109 = vector.broadcast %add3A_108 : i32 to vector<16xi32>
        %add3A_110 = arith.addi %mul3A_83, %add3A_109 : vector<16xi32>
        %gather3A_111 = tpu.vector_load_idx %arg9[%add3A_110] : memref<30720xf32, #tpu.memory_space<vmem>>[vector<16xi32>], vector<16xf32>,
        %add3A_112 = arith.addf %gather3A_107, %gather3A_111 : vector<16xf32>
        %ge3A_113 = arith.constant 0.000000e+00 : f32
        %ge3A_114 = vector.broadcast %ge3A_113 : f32 to vector<16xf32>
        %ge3A_115 = arith.cmpf oge, %add3A_112, %ge3A_114 : vector<16xf32>
        %mul3A_116 = arith.constant 0.00999999977 : f32
        %mul3A_117 = vector.broadcast %mul3A_116 : f32 to vector<16xf32>
        %mul3A_118 = arith.mulf %mul3A_117, %add3A_112 : vector<16xf32>
        %select_n3A_119 = arith.select %ge3A_115, %add3A_112, %mul3A_118 : vector<16xi1>, vector<16xf32>
        %add3A_120 = arith.constant 1 : i32
        %add3A_121 = vector.broadcast %add3A_120 : i32 to vector<16xi32>
        %add3A_122 = arith.addi %mul3A_83, %add3A_121 : vector<16xi32>
        %shift_right_logical3A_123 = arith.constant 7 : i32
        %shift_right_logical3A_124 = vector.broadcast %shift_right_logical3A_123 : i32 to vector<16xi32>
        %shift_right_logical3A_125 = arith.shrui %add3A_122, %shift_right_logical3A_124 : vector<16xi32>
        %and3A_126 = arith.constant 127 : i32
        %and3A_127 = vector.broadcast %and3A_126 : i32 to vector<16xi32>
        %and3A_128 = arith.andi %add3A_122, %and3A_127 : vector<16xi32>
        %exp3A_129 = math.exp %select_n3A_119 : vector<16xf32>
        tpu.vector_store_idx %arg10[%shift_right_logical3A_125, %and3A_128], %exp3A_129 {add = true} : memref<240x128xf32, #tpu.memory_space<vmem>>[vector<16xi32>, vector<16xi32>], vector<16xf32>,
        %add3A_130 = arith.constant 2 : i32
        %add3A_131 = vector.broadcast %add3A_130 : i32 to vector<16xi32>
        %add3A_132 = arith.addi %mul3A_76, %add3A_131 : vector<16xi32>
        %gather3A_133 = tpu.vector_load_idx %arg8[%add3A_132] : memref<30720xf32, #tpu.memory_space<vmem>>[vector<16xi32>], vector<16xf32>,
        %add3A_134 = arith.constant 2 : i32
        %add3A_135 = vector.broadcast %add3A_134 : i32 to vector<16xi32>
        %add3A_136 = arith.addi %mul3A_83, %add3A_135 : vector<16xi32>
        %gather3A_137 = tpu.vector_load_idx %arg9[%add3A_136] : memref<30720xf32, #tpu.memory_space<vmem>>[vector<16xi32>], vector<16xf32>,
        %add3A_138 = arith.addf %gather3A_133, %gather3A_137 : vector<16xf32>
        %ge3A_139 = arith.constant 0.000000e+00 : f32
        %ge3A_140 = vector.broadcast %ge3A_139 : f32 to vector<16xf32>
        %ge3A_141 = arith.cmpf oge, %add3A_138, %ge3A_140 : vector<16xf32>
        %mul3A_142 = arith.constant 0.00999999977 : f32
        %mul3A_143 = vector.broadcast %mul3A_142 : f32 to vector<16xf32>
        %mul3A_144 = arith.mulf %mul3A_143, %add3A_138 : vector<16xf32>
        %select_n3A_145 = arith.select %ge3A_141, %add3A_138, %mul3A_144 : vector<16xi1>, vector<16xf32>
        %add3A_146 = arith.constant 2 : i32
        %add3A_147 = vector.broadcast %add3A_146 : i32 to vector<16xi32>
        %add3A_148 = arith.addi %mul3A_83, %add3A_147 : vector<16xi32>
        %shift_right_logical3A_149 = arith.constant 7 : i32
        %shift_right_logical3A_150 = vector.broadcast %shift_right_logical3A_149 : i32 to vector<16xi32>
        %shift_right_logical3A_151 = arith.shrui %add3A_148, %shift_right_logical3A_150 : vector<16xi32>
        %and3A_152 = arith.constant 127 : i32
        %and3A_153 = vector.broadcast %and3A_152 : i32 to vector<16xi32>
        %and3A_154 = arith.andi %add3A_148, %and3A_153 : vector<16xi32>
        %exp3A_155 = math.exp %select_n3A_145 : vector<16xf32>
        tpu.vector_store_idx %arg10[%shift_right_logical3A_151, %and3A_154], %exp3A_155 {add = true} : memref<240x128xf32, #tpu.memory_space<vmem>>[vector<16xi32>, vector<16xi32>], vector<16xf32>,
      }
      %scan3A_69 = arith.constant 50 : i32
    }
    %scan3A_39 = arith.constant 25 : i32
    "tpu.region"() ({
      %run_scoped3A = tpu.sem_alloc : memref<!tpu.dma_semaphore, #tpu.memory_space<semaphore_mem>>
      %dma_start3A = arith.constant 0 : i32
      %dma_start3A_58 = arith.constant 0 : i32
      %dma_start3A_59 = tpu.memref_slice %arg20[%dma_start3A, %dma_start3A_58] : memref<240x128xf32, #tpu.memory_space<vmem_shared>> -> memref<240x128xf32, #tpu.memory_space<vmem_shared>>
      tpu.enqueue_indirect_dma source(%arg10 : memref<240x128xf32, #tpu.memory_space<vmem>>) target(%dma_start3A_59 : memref<240x128xf32, #tpu.memory_space<vmem_shared>>) offsets(%arg19 : memref<240xi32, #tpu.memory_space<vmem>>) semaphore(%run_scoped3A : memref<!tpu.dma_semaphore, #tpu.memory_space<semaphore_mem>>) {add = true}
      %dma_wait3A = arith.constant 0 : i32
      %dma_wait3A_60 = arith.constant 0 : i32
      %dma_wait3A_61 = tpu.memref_slice %arg20[%dma_wait3A, %dma_wait3A_60] : memref<240x128xf32, #tpu.memory_space<vmem_shared>> -> memref<240x128xf32, #tpu.memory_space<vmem_shared>>
      tpu.wait_indirect_dma semaphore(%run_scoped3A : memref<!tpu.dma_semaphore, #tpu.memory_space<semaphore_mem>>) src(%arg10 : memref<240x128xf32, #tpu.memory_space<vmem>>) dst(%dma_wait3A_61 : memref<240x128xf32, #tpu.memory_space<vmem_shared>>)
      tpu.yield
    }) : () -> ()
    %barrier3A_40 = arith.constant 0 : index
    tpu.barrier barrier_id(%barrier3A_40)
    "tpu.region"() ({
      %run_scoped3A = tpu.sem_alloc : memref<!tpu.dma_semaphore, #tpu.memory_space<semaphore_mem>>
      tpu.enqueue_dma source(%arg20 : memref<240x128xf32, #tpu.memory_space<vmem_shared>>) target(%arg10 : memref<240x128xf32, #tpu.memory_space<vmem>>) target_semaphore(%run_scoped3A : memref<!tpu.dma_semaphore, #tpu.memory_space<semaphore_mem>>)
      tpu.wait_dma2 semaphore(%run_scoped3A : memref<!tpu.dma_semaphore, #tpu.memory_space<semaphore_mem>>) src(%arg20 : memref<240x128xf32, #tpu.memory_space<vmem_shared>>) dst(%arg10 : memref<240x128xf32, #tpu.memory_space<vmem>>)
      tpu.yield
    }) : () -> ()
    %scan3A_41 = arith.constant 0 : i32
    %scan3A_42 = arith.constant 0 : i32
    %scan3A_43 = arith.constant 240 : i32
    %scan3A_44 = arith.addi %scan3A_42, %scan3A_43 : i32
    %scan3A_45 = arith.constant 1 : i32
    scf.for %scan3A_58 = %scan3A_42 to %scan3A_44 step %scan3A_45  : i32 {
      %get3A = arith.index_cast %scan3A_58 : i32 to index
      %get3A_59 = arith.constant 0 : index
      %get3A_60 = tpu.vector_load %arg10[%get3A, %get3A_59] {strides = array<i32>} : memref<240x128xf32, #tpu.memory_space<vmem>>, vector<16xf32>,
      %add3A_61 = arith.constant 1.000000e-16 : f32
      %add3A_62 = vector.broadcast %add3A_61 : f32 to vector<16xf32>
      %add3A_63 = arith.addf %get3A_60, %add3A_62 : vector<16xf32>
      %div3A = arith.constant 1.000000e+00 : f32
      %div3A_64 = vector.broadcast %div3A : f32 to vector<16xf32>
      %div3A_65 = arith.divf %div3A_64, %add3A_63 : vector<16xf32>
      %swap3A = arith.index_cast %scan3A_58 : i32 to index
      %swap3A_66 = arith.constant 0 : index
      %swap3A_67 = tpu.vector_load %arg10[%swap3A, %swap3A_66] {strides = array<i32>} : memref<240x128xf32, #tpu.memory_space<vmem>>, vector<16xf32>,
      tpu.vector_store %arg10[%swap3A, %swap3A_66], %div3A_65 {strides = array<i32>} : memref<240x128xf32, #tpu.memory_space<vmem>>, vector<16xf32>,
      %get3A_68 = arith.index_cast %scan3A_58 : i32 to index
      %get3A_69 = arith.constant 16 : index
      %get3A_70 = tpu.vector_load %arg10[%get3A_68, %get3A_69] {strides = array<i32>} : memref<240x128xf32, #tpu.memory_space<vmem>>, vector<16xf32>,
      %add3A_71 = arith.constant 1.000000e-16 : f32
      %add3A_72 = vector.broadcast %add3A_71 : f32 to vector<16xf32>
      %add3A_73 = arith.addf %get3A_70, %add3A_72 : vector<16xf32>
      %div3A_74 = arith.constant 1.000000e+00 : f32
      %div3A_75 = vector.broadcast %div3A_74 : f32 to vector<16xf32>
      %div3A_76 = arith.divf %div3A_75, %add3A_73 : vector<16xf32>
      %swap3A_77 = arith.index_cast %scan3A_58 : i32 to index
      %swap3A_78 = arith.constant 16 : index
      %swap3A_79 = tpu.vector_load %arg10[%swap3A_77, %swap3A_78] {strides = array<i32>} : memref<240x128xf32, #tpu.memory_space<vmem>>, vector<16xf32>,
      tpu.vector_store %arg10[%swap3A_77, %swap3A_78], %div3A_76 {strides = array<i32>} : memref<240x128xf32, #tpu.memory_space<vmem>>, vector<16xf32>,
      %get3A_80 = arith.index_cast %scan3A_58 : i32 to index
      %get3A_81 = arith.constant 32 : index
      %get3A_82 = tpu.vector_load %arg10[%get3A_80, %get3A_81] {strides = array<i32>} : memref<240x128xf32, #tpu.memory_space<vmem>>, vector<16xf32>,
      %add3A_83 = arith.constant 1.000000e-16 : f32
      %add3A_84 = vector.broadcast %add3A_83 : f32 to vector<16xf32>
      %add3A_85 = arith.addf %get3A_82, %add3A_84 : vector<16xf32>
      %div3A_86 = arith.constant 1.000000e+00 : f32
      %div3A_87 = vector.broadcast %div3A_86 : f32 to vector<16xf32>
      %div3A_88 = arith.divf %div3A_87, %add3A_85 : vector<16xf32>
      %swap3A_89 = arith.index_cast %scan3A_58 : i32 to index
      %swap3A_90 = arith.constant 32 : index
      %swap3A_91 = tpu.vector_load %arg10[%swap3A_89, %swap3A_90] {strides = array<i32>} : memref<240x128xf32, #tpu.memory_space<vmem>>, vector<16xf32>,
      tpu.vector_store %arg10[%swap3A_89, %swap3A_90], %div3A_88 {strides = array<i32>} : memref<240x128xf32, #tpu.memory_space<vmem>>, vector<16xf32>,
      %get3A_92 = arith.index_cast %scan3A_58 : i32 to index
      %get3A_93 = arith.constant 48 : index
      %get3A_94 = tpu.vector_load %arg10[%get3A_92, %get3A_93] {strides = array<i32>} : memref<240x128xf32, #tpu.memory_space<vmem>>, vector<16xf32>,
      %add3A_95 = arith.constant 1.000000e-16 : f32
      %add3A_96 = vector.broadcast %add3A_95 : f32 to vector<16xf32>
      %add3A_97 = arith.addf %get3A_94, %add3A_96 : vector<16xf32>
      %div3A_98 = arith.constant 1.000000e+00 : f32
      %div3A_99 = vector.broadcast %div3A_98 : f32 to vector<16xf32>
      %div3A_100 = arith.divf %div3A_99, %add3A_97 : vector<16xf32>
      %swap3A_101 = arith.index_cast %scan3A_58 : i32 to index
      %swap3A_102 = arith.constant 48 : index
      %swap3A_103 = tpu.vector_load %arg10[%swap3A_101, %swap3A_102] {strides = array<i32>} : memref<240x128xf32, #tpu.memory_space<vmem>>, vector<16xf32>,
      tpu.vector_store %arg10[%swap3A_101, %swap3A_102], %div3A_100 {strides = array<i32>} : memref<240x128xf32, #tpu.memory_space<vmem>>, vector<16xf32>,
      %get3A_104 = arith.index_cast %scan3A_58 : i32 to index
      %get3A_105 = arith.constant 64 : index
      %get3A_106 = tpu.vector_load %arg10[%get3A_104, %get3A_105] {strides = array<i32>} : memref<240x128xf32, #tpu.memory_space<vmem>>, vector<16xf32>,
      %add3A_107 = arith.constant 1.000000e-16 : f32
      %add3A_108 = vector.broadcast %add3A_107 : f32 to vector<16xf32>
      %add3A_109 = arith.addf %get3A_106, %add3A_108 : vector<16xf32>
      %div3A_110 = arith.constant 1.000000e+00 : f32
      %div3A_111 = vector.broadcast %div3A_110 : f32 to vector<16xf32>
      %div3A_112 = arith.divf %div3A_111, %add3A_109 : vector<16xf32>
      %swap3A_113 = arith.index_cast %scan3A_58 : i32 to index
      %swap3A_114 = arith.constant 64 : index
      %swap3A_115 = tpu.vector_load %arg10[%swap3A_113, %swap3A_114] {strides = array<i32>} : memref<240x128xf32, #tpu.memory_space<vmem>>, vector<16xf32>,
      tpu.vector_store %arg10[%swap3A_113, %swap3A_114], %div3A_112 {strides = array<i32>} : memref<240x128xf32, #tpu.memory_space<vmem>>, vector<16xf32>,
      %get3A_116 = arith.index_cast %scan3A_58 : i32 to index
      %get3A_117 = arith.constant 80 : index
      %get3A_118 = tpu.vector_load %arg10[%get3A_116, %get3A_117] {strides = array<i32>} : memref<240x128xf32, #tpu.memory_space<vmem>>, vector<16xf32>,
      %add3A_119 = arith.constant 1.000000e-16 : f32
      %add3A_120 = vector.broadcast %add3A_119 : f32 to vector<16xf32>
      %add3A_121 = arith.addf %get3A_118, %add3A_120 : vector<16xf32>
      %div3A_122 = arith.constant 1.000000e+00 : f32
      %div3A_123 = vector.broadcast %div3A_122 : f32 to vector<16xf32>
      %div3A_124 = arith.divf %div3A_123, %add3A_121 : vector<16xf32>
      %swap3A_125 = arith.index_cast %scan3A_58 : i32 to index
      %swap3A_126 = arith.constant 80 : index
      %swap3A_127 = tpu.vector_load %arg10[%swap3A_125, %swap3A_126] {strides = array<i32>} : memref<240x128xf32, #tpu.memory_space<vmem>>, vector<16xf32>,
      tpu.vector_store %arg10[%swap3A_125, %swap3A_126], %div3A_124 {strides = array<i32>} : memref<240x128xf32, #tpu.memory_space<vmem>>, vector<16xf32>,
      %get3A_128 = arith.index_cast %scan3A_58 : i32 to index
      %get3A_129 = arith.constant 96 : index
      %get3A_130 = tpu.vector_load %arg10[%get3A_128, %get3A_129] {strides = array<i32>} : memref<240x128xf32, #tpu.memory_space<vmem>>, vector<16xf32>,
      %add3A_131 = arith.constant 1.000000e-16 : f32
      %add3A_132 = vector.broadcast %add3A_131 : f32 to vector<16xf32>
      %add3A_133 = arith.addf %get3A_130, %add3A_132 : vector<16xf32>
      %div3A_134 = arith.constant 1.000000e+00 : f32
      %div3A_135 = vector.broadcast %div3A_134 : f32 to vector<16xf32>
      %div3A_136 = arith.divf %div3A_135, %add3A_133 : vector<16xf32>
      %swap3A_137 = arith.index_cast %scan3A_58 : i32 to index
      %swap3A_138 = arith.constant 96 : index
      %swap3A_139 = tpu.vector_load %arg10[%swap3A_137, %swap3A_138] {strides = array<i32>} : memref<240x128xf32, #tpu.memory_space<vmem>>, vector<16xf32>,
      tpu.vector_store %arg10[%swap3A_137, %swap3A_138], %div3A_136 {strides = array<i32>} : memref<240x128xf32, #tpu.memory_space<vmem>>, vector<16xf32>,
      %get3A_140 = arith.index_cast %scan3A_58 : i32 to index
      %get3A_141 = arith.constant 112 : index
      %get3A_142 = tpu.vector_load %arg10[%get3A_140, %get3A_141] {strides = array<i32>} : memref<240x128xf32, #tpu.memory_space<vmem>>, vector<16xf32>,
      %add3A_143 = arith.constant 1.000000e-16 : f32
      %add3A_144 = vector.broadcast %add3A_143 : f32 to vector<16xf32>
      %add3A_145 = arith.addf %get3A_142, %add3A_144 : vector<16xf32>
      %div3A_146 = arith.constant 1.000000e+00 : f32
      %div3A_147 = vector.broadcast %div3A_146 : f32 to vector<16xf32>
      %div3A_148 = arith.divf %div3A_147, %add3A_145 : vector<16xf32>
      %swap3A_149 = arith.index_cast %scan3A_58 : i32 to index
      %swap3A_150 = arith.constant 112 : index
      %swap3A_151 = tpu.vector_load %arg10[%swap3A_149, %swap3A_150] {strides = array<i32>} : memref<240x128xf32, #tpu.memory_space<vmem>>, vector<16xf32>,
      tpu.vector_store %arg10[%swap3A_149, %swap3A_150], %div3A_148 {strides = array<i32>} : memref<240x128xf32, #tpu.memory_space<vmem>>, vector<16xf32>,
    }
    %scan3A_46 = arith.constant 240 : i32
    %scan3A_47 = arith.constant 0 : i32
    %scan3A_48 = arith.constant 0 : i32
    %scan3A_49 = arith.constant 40 : i32
    %scan3A_50 = arith.addi %scan3A_48, %scan3A_49 : i32
    %scan3A_51 = arith.constant 1 : i32
    scf.for %scan3A_58 = %scan3A_48 to %scan3A_50 step %scan3A_51  : i32 {
      %mul3A_59 = arith.constant 32 : i32
      %mul3A_60 = arith.muli %mul3A_59, %scan3A_58 : i32
      %add3A_61 = arith.addi %add3A, %mul3A_60 : i32
      %lt3A = arith.constant 1250 : i32
      %lt3A_62 = arith.cmpi slt, %add3A_61, %lt3A : i32
      %convert_element_type3A = arith.extui %lt3A_62 : i1 to i32
      %cond3A = arith.constant 0 : i32
      %cond3A_63 = arith.cmpi ne, %convert_element_type3A, %cond3A : i32
      scf.if %cond3A_63 {
        %mul3A_64 = arith.constant 256 : i32
        %mul3A_65 = arith.muli %add3A_61, %mul3A_64 : i32
        %add3A_66 = arith.constant 0 : i32
        %add3A_67 = arith.addi %mul3A_65, %add3A_66 : i32
        "tpu.region"() ({
          %run_scoped3A = tpu.sem_alloc : memref<!tpu.dma_semaphore, #tpu.memory_space<semaphore_mem>>
          %dma_start3A_114 = tpu.memref_slice %arg2[%add3A_67] : memref<320000xi32, #tpu.memory_space<hbm>> -> memref<128xi32, #tpu.memory_space<hbm>>
          %dma_start3A_115 = tpu.memref_slice %arg2[%add3A_67] : memref<320000xi32, #tpu.memory_space<hbm>> -> memref<128xi32, #tpu.memory_space<hbm>>
          tpu.enqueue_dma source(%dma_start3A_115 : memref<128xi32, #tpu.memory_space<hbm>>) target(%arg13 : memref<128xi32, #tpu.memory_space<vmem>>) target_semaphore(%run_scoped3A : memref<!tpu.dma_semaphore, #tpu.memory_space<semaphore_mem>>)
          %dma_wait3A_116 = tpu.memref_slice %arg2[%add3A_67] : memref<320000xi32, #tpu.memory_space<hbm>> -> memref<128xi32, #tpu.memory_space<hbm>>
          %dma_wait3A_117 = tpu.memref_slice %arg2[%add3A_67] : memref<320000xi32, #tpu.memory_space<hbm>> -> memref<128xi32, #tpu.memory_space<hbm>>
          tpu.wait_dma2 semaphore(%run_scoped3A : memref<!tpu.dma_semaphore, #tpu.memory_space<semaphore_mem>>) src(%dma_wait3A_117 : memref<128xi32, #tpu.memory_space<hbm>>) dst(%arg13 : memref<128xi32, #tpu.memory_space<vmem>>)
          tpu.yield
        }) : () -> ()
        %add3A_68 = arith.constant 0 : i32
        %add3A_69 = arith.addi %mul3A_65, %add3A_68 : i32
        "tpu.region"() ({
          %run_scoped3A = tpu.sem_alloc : memref<!tpu.dma_semaphore, #tpu.memory_space<semaphore_mem>>
          %dma_start3A_114 = tpu.memref_slice %arg3[%add3A_69] : memref<320000xi32, #tpu.memory_space<hbm>> -> memref<128xi32, #tpu.memory_space<hbm>>
          %dma_start3A_115 = tpu.memref_slice %arg3[%add3A_69] : memref<320000xi32, #tpu.memory_space<hbm>> -> memref<128xi32, #tpu.memory_space<hbm>>
          tpu.enqueue_dma source(%dma_start3A_115 : memref<128xi32, #tpu.memory_space<hbm>>) target(%arg15 : memref<128xi32, #tpu.memory_space<vmem>>) target_semaphore(%run_scoped3A : memref<!tpu.dma_semaphore, #tpu.memory_space<semaphore_mem>>)
          %dma_wait3A_116 = tpu.memref_slice %arg3[%add3A_69] : memref<320000xi32, #tpu.memory_space<hbm>> -> memref<128xi32, #tpu.memory_space<hbm>>
          %dma_wait3A_117 = tpu.memref_slice %arg3[%add3A_69] : memref<320000xi32, #tpu.memory_space<hbm>> -> memref<128xi32, #tpu.memory_space<hbm>>
          tpu.wait_dma2 semaphore(%run_scoped3A : memref<!tpu.dma_semaphore, #tpu.memory_space<semaphore_mem>>) src(%dma_wait3A_117 : memref<128xi32, #tpu.memory_space<hbm>>) dst(%arg15 : memref<128xi32, #tpu.memory_space<vmem>>)
          tpu.yield
        }) : () -> ()
        %add3A_70 = arith.constant 128 : i32
        %add3A_71 = arith.addi %mul3A_65, %add3A_70 : i32
        "tpu.region"() ({
          %run_scoped3A = tpu.sem_alloc : memref<!tpu.dma_semaphore, #tpu.memory_space<semaphore_mem>>
          %dma_start3A_114 = tpu.memref_slice %arg2[%add3A_71] : memref<320000xi32, #tpu.memory_space<hbm>> -> memref<128xi32, #tpu.memory_space<hbm>>
          %dma_start3A_115 = tpu.memref_slice %arg2[%add3A_71] : memref<320000xi32, #tpu.memory_space<hbm>> -> memref<128xi32, #tpu.memory_space<hbm>>
          tpu.enqueue_dma source(%dma_start3A_115 : memref<128xi32, #tpu.memory_space<hbm>>) target(%arg14 : memref<128xi32, #tpu.memory_space<vmem>>) target_semaphore(%run_scoped3A : memref<!tpu.dma_semaphore, #tpu.memory_space<semaphore_mem>>)
          %dma_wait3A_116 = tpu.memref_slice %arg2[%add3A_71] : memref<320000xi32, #tpu.memory_space<hbm>> -> memref<128xi32, #tpu.memory_space<hbm>>
          %dma_wait3A_117 = tpu.memref_slice %arg2[%add3A_71] : memref<320000xi32, #tpu.memory_space<hbm>> -> memref<128xi32, #tpu.memory_space<hbm>>
          tpu.wait_dma2 semaphore(%run_scoped3A : memref<!tpu.dma_semaphore, #tpu.memory_space<semaphore_mem>>) src(%dma_wait3A_117 : memref<128xi32, #tpu.memory_space<hbm>>) dst(%arg14 : memref<128xi32, #tpu.memory_space<vmem>>)
          tpu.yield
        }) : () -> ()
        %add3A_72 = arith.constant 128 : i32
        %add3A_73 = arith.addi %mul3A_65, %add3A_72 : i32
        "tpu.region"() ({
          %run_scoped3A = tpu.sem_alloc : memref<!tpu.dma_semaphore, #tpu.memory_space<semaphore_mem>>
          %dma_start3A_114 = tpu.memref_slice %arg3[%add3A_73] : memref<320000xi32, #tpu.memory_space<hbm>> -> memref<128xi32, #tpu.memory_space<hbm>>
          %dma_start3A_115 = tpu.memref_slice %arg3[%add3A_73] : memref<320000xi32, #tpu.memory_space<hbm>> -> memref<128xi32, #tpu.memory_space<hbm>>
          tpu.enqueue_dma source(%dma_start3A_115 : memref<128xi32, #tpu.memory_space<hbm>>) target(%arg16 : memref<128xi32, #tpu.memory_space<vmem>>) target_semaphore(%run_scoped3A : memref<!tpu.dma_semaphore, #tpu.memory_space<semaphore_mem>>)
          %dma_wait3A_116 = tpu.memref_slice %arg3[%add3A_73] : memref<320000xi32, #tpu.memory_space<hbm>> -> memref<128xi32, #tpu.memory_space<hbm>>
          %dma_wait3A_117 = tpu.memref_slice %arg3[%add3A_73] : memref<320000xi32, #tpu.memory_space<hbm>> -> memref<128xi32, #tpu.memory_space<hbm>>
          tpu.wait_dma2 semaphore(%run_scoped3A : memref<!tpu.dma_semaphore, #tpu.memory_space<semaphore_mem>>) src(%dma_wait3A_117 : memref<128xi32, #tpu.memory_space<hbm>>) dst(%arg16 : memref<128xi32, #tpu.memory_space<vmem>>)
          tpu.yield
        }) : () -> ()
        %dma_start3A = arith.constant 0 : i32
        %dma_start3A_74 = arith.constant 0 : i32
        %dma_start3A_75 = tpu.memref_slice %arg17[%dma_start3A, %dma_start3A_74] : memref<256x32xf32, #tpu.memory_space<vmem>> -> memref<128x32xf32, #tpu.memory_space<vmem>>
        %dma_start3A_76 = arith.constant 0 : i32
        %dma_start3A_77 = arith.constant 0 : i32
        %dma_start3A_78 = tpu.memref_slice %arg6[%dma_start3A_76, %dma_start3A_77] : memref<10240x32xf32, #tpu.memory_space<hbm>> -> memref<10240x32xf32, #tpu.memory_space<hbm>>
        tpu.enqueue_indirect_dma source(%dma_start3A_78 : memref<10240x32xf32, #tpu.memory_space<hbm>>) target(%dma_start3A_75 : memref<128x32xf32, #tpu.memory_space<vmem>>) offsets(%arg13 : memref<128xi32, #tpu.memory_space<vmem>>) semaphore(%arg22 : memref<!tpu.dma_semaphore, #tpu.memory_space<semaphore_mem>>)
        %dma_start3A_79 = arith.constant 128 : i32
        %dma_start3A_80 = arith.constant 0 : i32
        %dma_start3A_81 = tpu.memref_slice %arg17[%dma_start3A_79, %dma_start3A_80] : memref<256x32xf32, #tpu.memory_space<vmem>> -> memref<128x32xf32, #tpu.memory_space<vmem>>
        %dma_start3A_82 = arith.constant 0 : i32
        %dma_start3A_83 = arith.constant 0 : i32
        %dma_start3A_84 = tpu.memref_slice %arg6[%dma_start3A_82, %dma_start3A_83] : memref<10240x32xf32, #tpu.memory_space<hbm>> -> memref<10240x32xf32, #tpu.memory_space<hbm>>
        tpu.enqueue_indirect_dma source(%dma_start3A_84 : memref<10240x32xf32, #tpu.memory_space<hbm>>) target(%dma_start3A_81 : memref<128x32xf32, #tpu.memory_space<vmem>>) offsets(%arg14 : memref<128xi32, #tpu.memory_space<vmem>>) semaphore(%arg22 : memref<!tpu.dma_semaphore, #tpu.memory_space<semaphore_mem>>)
        %dma_wait3A = arith.constant 0 : i32
        %dma_wait3A_85 = arith.constant 0 : i32
        %dma_wait3A_86 = tpu.memref_slice %arg17[%dma_wait3A, %dma_wait3A_85] : memref<256x32xf32, #tpu.memory_space<vmem>> -> memref<128x32xf32, #tpu.memory_space<vmem>>
        %dma_wait3A_87 = arith.constant 0 : i32
        %dma_wait3A_88 = arith.constant 0 : i32
        %dma_wait3A_89 = tpu.memref_slice %arg6[%dma_wait3A_87, %dma_wait3A_88] : memref<10240x32xf32, #tpu.memory_space<hbm>> -> memref<10240x32xf32, #tpu.memory_space<hbm>>
        tpu.wait_indirect_dma semaphore(%arg22 : memref<!tpu.dma_semaphore, #tpu.memory_space<semaphore_mem>>) src(%dma_wait3A_89 : memref<10240x32xf32, #tpu.memory_space<hbm>>) dst(%dma_wait3A_86 : memref<128x32xf32, #tpu.memory_space<vmem>>)
        %dma_wait3A_90 = arith.constant 128 : i32
        %dma_wait3A_91 = arith.constant 0 : i32
        %dma_wait3A_92 = tpu.memref_slice %arg17[%dma_wait3A_90, %dma_wait3A_91] : memref<256x32xf32, #tpu.memory_space<vmem>> -> memref<128x32xf32, #tpu.memory_space<vmem>>
        %dma_wait3A_93 = arith.constant 0 : i32
        %dma_wait3A_94 = arith.constant 0 : i32
        %dma_wait3A_95 = tpu.memref_slice %arg6[%dma_wait3A_93, %dma_wait3A_94] : memref<10240x32xf32, #tpu.memory_space<hbm>> -> memref<10240x32xf32, #tpu.memory_space<hbm>>
        tpu.wait_indirect_dma semaphore(%arg22 : memref<!tpu.dma_semaphore, #tpu.memory_space<semaphore_mem>>) src(%dma_wait3A_95 : memref<10240x32xf32, #tpu.memory_space<hbm>>) dst(%dma_wait3A_92 : memref<128x32xf32, #tpu.memory_space<vmem>>)
        %scan3A_96 = arith.constant 0 : i32
        %scan3A_97 = arith.constant 0 : i32
        %scan3A_98 = arith.constant 8 : i32
        %scan3A_99 = arith.addi %scan3A_97, %scan3A_98 : i32
        %scan3A_100 = arith.constant 1 : i32
        scf.for %scan3A_114 = %scan3A_97 to %scan3A_99 step %scan3A_100  : i32 {
          %mul3A_115 = arith.constant 16 : i32
          %mul3A_116 = arith.muli %scan3A_114, %mul3A_115 : i32
          %get3A = arith.index_cast %mul3A_116 : i32 to index
          %get3A_117 = tpu.vector_load %arg13[%get3A] {strides = array<i32>} : memref<128xi32, #tpu.memory_space<vmem>>, vector<16xi32>,
          %mul3A_118 = arith.constant 3 : i32
          %mul3A_119 = vector.broadcast %mul3A_118 : i32 to vector<16xi32>
          %mul3A_120 = arith.muli %get3A_117, %mul3A_119 : vector<16xi32>
          %mul3A_121 = arith.constant 16 : i32
          %mul3A_122 = arith.muli %scan3A_114, %mul3A_121 : i32
          %get3A_123 = arith.index_cast %mul3A_122 : i32 to index
          %get3A_124 = tpu.vector_load %arg15[%get3A_123] {strides = array<i32>} : memref<128xi32, #tpu.memory_space<vmem>>, vector<16xi32>,
          %mul3A_125 = arith.constant 3 : i32
          %mul3A_126 = vector.broadcast %mul3A_125 : i32 to vector<16xi32>
          %mul3A_127 = arith.muli %get3A_124, %mul3A_126 : vector<16xi32>
          %add3A_128 = arith.constant 0 : i32
          %add3A_129 = vector.broadcast %add3A_128 : i32 to vector<16xi32>
          %add3A_130 = arith.addi %mul3A_120, %add3A_129 : vector<16xi32>
          %gather3A = tpu.vector_load_idx %arg8[%add3A_130] : memref<30720xf32, #tpu.memory_space<vmem>>[vector<16xi32>], vector<16xf32>,
          %add3A_131 = arith.constant 0 : i32
          %add3A_132 = vector.broadcast %add3A_131 : i32 to vector<16xi32>
          %add3A_133 = arith.addi %mul3A_127, %add3A_132 : vector<16xi32>
          %gather3A_134 = tpu.vector_load_idx %arg9[%add3A_133] : memref<30720xf32, #tpu.memory_space<vmem>>[vector<16xi32>], vector<16xf32>,
          %add3A_135 = arith.addf %gather3A, %gather3A_134 : vector<16xf32>
          %ge3A = arith.constant 0.000000e+00 : f32
          %ge3A_136 = vector.broadcast %ge3A : f32 to vector<16xf32>
          %ge3A_137 = arith.cmpf oge, %add3A_135, %ge3A_136 : vector<16xf32>
          %mul3A_138 = arith.constant 0.00999999977 : f32
          %mul3A_139 = vector.broadcast %mul3A_138 : f32 to vector<16xf32>
          %mul3A_140 = arith.mulf %mul3A_139, %add3A_135 : vector<16xf32>
          %select_n3A = arith.select %ge3A_137, %add3A_135, %mul3A_140 : vector<16xi1>, vector<16xf32>
          %add3A_141 = arith.constant 0 : i32
          %add3A_142 = vector.broadcast %add3A_141 : i32 to vector<16xi32>
          %add3A_143 = arith.addi %mul3A_127, %add3A_142 : vector<16xi32>
          %shift_right_logical3A = arith.constant 7 : i32
          %shift_right_logical3A_144 = vector.broadcast %shift_right_logical3A : i32 to vector<16xi32>
          %shift_right_logical3A_145 = arith.shrui %add3A_143, %shift_right_logical3A_144 : vector<16xi32>
          %and3A = arith.constant 127 : i32
          %and3A_146 = vector.broadcast %and3A : i32 to vector<16xi32>
          %and3A_147 = arith.andi %add3A_143, %and3A_146 : vector<16xi32>
          %gather3A_148 = tpu.vector_load_idx %arg10[%shift_right_logical3A_145, %and3A_147] : memref<240x128xf32, #tpu.memory_space<vmem>>[vector<16xi32>, vector<16xi32>], vector<16xf32>,
          %exp3A = math.exp %select_n3A : vector<16xf32>
          %mul3A_149 = arith.mulf %exp3A, %gather3A_148 : vector<16xf32>
          %add3A_150 = arith.addf %broadcast_in_dim3A_1, %mul3A_149 : vector<16xf32>
          %add3A_151 = arith.constant 1 : i32
          %add3A_152 = vector.broadcast %add3A_151 : i32 to vector<16xi32>
          %add3A_153 = arith.addi %mul3A_120, %add3A_152 : vector<16xi32>
          %gather3A_154 = tpu.vector_load_idx %arg8[%add3A_153] : memref<30720xf32, #tpu.memory_space<vmem>>[vector<16xi32>], vector<16xf32>,
          %add3A_155 = arith.constant 1 : i32
          %add3A_156 = vector.broadcast %add3A_155 : i32 to vector<16xi32>
          %add3A_157 = arith.addi %mul3A_127, %add3A_156 : vector<16xi32>
          %gather3A_158 = tpu.vector_load_idx %arg9[%add3A_157] : memref<30720xf32, #tpu.memory_space<vmem>>[vector<16xi32>], vector<16xf32>,
          %add3A_159 = arith.addf %gather3A_154, %gather3A_158 : vector<16xf32>
          %ge3A_160 = arith.constant 0.000000e+00 : f32
          %ge3A_161 = vector.broadcast %ge3A_160 : f32 to vector<16xf32>
          %ge3A_162 = arith.cmpf oge, %add3A_159, %ge3A_161 : vector<16xf32>
          %mul3A_163 = arith.constant 0.00999999977 : f32
          %mul3A_164 = vector.broadcast %mul3A_163 : f32 to vector<16xf32>
          %mul3A_165 = arith.mulf %mul3A_164, %add3A_159 : vector<16xf32>
          %select_n3A_166 = arith.select %ge3A_162, %add3A_159, %mul3A_165 : vector<16xi1>, vector<16xf32>
          %add3A_167 = arith.constant 1 : i32
          %add3A_168 = vector.broadcast %add3A_167 : i32 to vector<16xi32>
          %add3A_169 = arith.addi %mul3A_127, %add3A_168 : vector<16xi32>
          %shift_right_logical3A_170 = arith.constant 7 : i32
          %shift_right_logical3A_171 = vector.broadcast %shift_right_logical3A_170 : i32 to vector<16xi32>
          %shift_right_logical3A_172 = arith.shrui %add3A_169, %shift_right_logical3A_171 : vector<16xi32>
          %and3A_173 = arith.constant 127 : i32
          %and3A_174 = vector.broadcast %and3A_173 : i32 to vector<16xi32>
          %and3A_175 = arith.andi %add3A_169, %and3A_174 : vector<16xi32>
          %gather3A_176 = tpu.vector_load_idx %arg10[%shift_right_logical3A_172, %and3A_175] : memref<240x128xf32, #tpu.memory_space<vmem>>[vector<16xi32>, vector<16xi32>], vector<16xf32>,
          %exp3A_177 = math.exp %select_n3A_166 : vector<16xf32>
          %mul3A_178 = arith.mulf %exp3A_177, %gather3A_176 : vector<16xf32>
          %add3A_179 = arith.addf %add3A_150, %mul3A_178 : vector<16xf32>
          %add3A_180 = arith.constant 2 : i32
          %add3A_181 = vector.broadcast %add3A_180 : i32 to vector<16xi32>
          %add3A_182 = arith.addi %mul3A_120, %add3A_181 : vector<16xi32>
          %gather3A_183 = tpu.vector_load_idx %arg8[%add3A_182] : memref<30720xf32, #tpu.memory_space<vmem>>[vector<16xi32>], vector<16xf32>,
          %add3A_184 = arith.constant 2 : i32
          %add3A_185 = vector.broadcast %add3A_184 : i32 to vector<16xi32>
          %add3A_186 = arith.addi %mul3A_127, %add3A_185 : vector<16xi32>
          %gather3A_187 = tpu.vector_load_idx %arg9[%add3A_186] : memref<30720xf32, #tpu.memory_space<vmem>>[vector<16xi32>], vector<16xf32>,
          %add3A_188 = arith.addf %gather3A_183, %gather3A_187 : vector<16xf32>
          %ge3A_189 = arith.constant 0.000000e+00 : f32
          %ge3A_190 = vector.broadcast %ge3A_189 : f32 to vector<16xf32>
          %ge3A_191 = arith.cmpf oge, %add3A_188, %ge3A_190 : vector<16xf32>
          %mul3A_192 = arith.constant 0.00999999977 : f32
          %mul3A_193 = vector.broadcast %mul3A_192 : f32 to vector<16xf32>
          %mul3A_194 = arith.mulf %mul3A_193, %add3A_188 : vector<16xf32>
          %select_n3A_195 = arith.select %ge3A_191, %add3A_188, %mul3A_194 : vector<16xi1>, vector<16xf32>
          %add3A_196 = arith.constant 2 : i32
          %add3A_197 = vector.broadcast %add3A_196 : i32 to vector<16xi32>
          %add3A_198 = arith.addi %mul3A_127, %add3A_197 : vector<16xi32>
          %shift_right_logical3A_199 = arith.constant 7 : i32
          %shift_right_logical3A_200 = vector.broadcast %shift_right_logical3A_199 : i32 to vector<16xi32>
          %shift_right_logical3A_201 = arith.shrui %add3A_198, %shift_right_logical3A_200 : vector<16xi32>
          %and3A_202 = arith.constant 127 : i32
          %and3A_203 = vector.broadcast %and3A_202 : i32 to vector<16xi32>
          %and3A_204 = arith.andi %add3A_198, %and3A_203 : vector<16xi32>
          %gather3A_205 = tpu.vector_load_idx %arg10[%shift_right_logical3A_201, %and3A_204] : memref<240x128xf32, #tpu.memory_space<vmem>>[vector<16xi32>, vector<16xi32>], vector<16xf32>,
          %exp3A_206 = math.exp %select_n3A_195 : vector<16xf32>
          %mul3A_207 = arith.mulf %exp3A_206, %gather3A_205 : vector<16xf32>
          %add3A_208 = arith.addf %add3A_179, %mul3A_207 : vector<16xf32>
          %mul3A_209 = arith.constant 0.333333343 : f32
          %mul3A_210 = vector.broadcast %mul3A_209 : f32 to vector<16xf32>
          %mul3A_211 = arith.mulf %add3A_208, %mul3A_210 : vector<16xf32>
          %mul3A_212 = arith.constant 16 : i32
          %mul3A_213 = arith.muli %scan3A_114, %mul3A_212 : i32
          %add3A_214 = arith.constant 0 : i32
          %add3A_215 = arith.addi %add3A_214, %mul3A_213 : i32
          %swap3A = arith.index_cast %add3A_215 : i32 to index
          %swap3A_216 = tpu.vector_load %arg18[%swap3A] {strides = array<i32>} : memref<256xf32, #tpu.memory_space<vmem>>, vector<16xf32>,
          tpu.vector_store %arg18[%swap3A], %mul3A_211 {strides = array<i32>} : memref<256xf32, #tpu.memory_space<vmem>>, vector<16xf32>,
        }
        %scan3A_101 = arith.constant 8 : i32
        %scan3A_102 = arith.constant 0 : i32
        %scan3A_103 = arith.constant 0 : i32
        %scan3A_104 = arith.constant 8 : i32
        %scan3A_105 = arith.addi %scan3A_103, %scan3A_104 : i32
        %scan3A_106 = arith.constant 1 : i32
        scf.for %scan3A_114 = %scan3A_103 to %scan3A_105 step %scan3A_106  : i32 {
          %mul3A_115 = arith.constant 16 : i32
          %mul3A_116 = arith.muli %scan3A_114, %mul3A_115 : i32
          %get3A = arith.index_cast %mul3A_116 : i32 to index
          %get3A_117 = tpu.vector_load %arg14[%get3A] {strides = array<i32>} : memref<128xi32, #tpu.memory_space<vmem>>, vector<16xi32>,
          %mul3A_118 = arith.constant 3 : i32
          %mul3A_119 = vector.broadcast %mul3A_118 : i32 to vector<16xi32>
          %mul3A_120 = arith.muli %get3A_117, %mul3A_119 : vector<16xi32>
          %mul3A_121 = arith.constant 16 : i32
          %mul3A_122 = arith.muli %scan3A_114, %mul3A_121 : i32
          %get3A_123 = arith.index_cast %mul3A_122 : i32 to index
          %get3A_124 = tpu.vector_load %arg16[%get3A_123] {strides = array<i32>} : memref<128xi32, #tpu.memory_space<vmem>>, vector<16xi32>,
          %mul3A_125 = arith.constant 3 : i32
          %mul3A_126 = vector.broadcast %mul3A_125 : i32 to vector<16xi32>
          %mul3A_127 = arith.muli %get3A_124, %mul3A_126 : vector<16xi32>
          %add3A_128 = arith.constant 0 : i32
          %add3A_129 = vector.broadcast %add3A_128 : i32 to vector<16xi32>
          %add3A_130 = arith.addi %mul3A_120, %add3A_129 : vector<16xi32>
          %gather3A = tpu.vector_load_idx %arg8[%add3A_130] : memref<30720xf32, #tpu.memory_space<vmem>>[vector<16xi32>], vector<16xf32>,
          %add3A_131 = arith.constant 0 : i32
          %add3A_132 = vector.broadcast %add3A_131 : i32 to vector<16xi32>
          %add3A_133 = arith.addi %mul3A_127, %add3A_132 : vector<16xi32>
          %gather3A_134 = tpu.vector_load_idx %arg9[%add3A_133] : memref<30720xf32, #tpu.memory_space<vmem>>[vector<16xi32>], vector<16xf32>,
          %add3A_135 = arith.addf %gather3A, %gather3A_134 : vector<16xf32>
          %ge3A = arith.constant 0.000000e+00 : f32
          %ge3A_136 = vector.broadcast %ge3A : f32 to vector<16xf32>
          %ge3A_137 = arith.cmpf oge, %add3A_135, %ge3A_136 : vector<16xf32>
          %mul3A_138 = arith.constant 0.00999999977 : f32
          %mul3A_139 = vector.broadcast %mul3A_138 : f32 to vector<16xf32>
          %mul3A_140 = arith.mulf %mul3A_139, %add3A_135 : vector<16xf32>
          %select_n3A = arith.select %ge3A_137, %add3A_135, %mul3A_140 : vector<16xi1>, vector<16xf32>
          %add3A_141 = arith.constant 0 : i32
          %add3A_142 = vector.broadcast %add3A_141 : i32 to vector<16xi32>
          %add3A_143 = arith.addi %mul3A_127, %add3A_142 : vector<16xi32>
          %shift_right_logical3A = arith.constant 7 : i32
          %shift_right_logical3A_144 = vector.broadcast %shift_right_logical3A : i32 to vector<16xi32>
          %shift_right_logical3A_145 = arith.shrui %add3A_143, %shift_right_logical3A_144 : vector<16xi32>
          %and3A = arith.constant 127 : i32
          %and3A_146 = vector.broadcast %and3A : i32 to vector<16xi32>
          %and3A_147 = arith.andi %add3A_143, %and3A_146 : vector<16xi32>
          %gather3A_148 = tpu.vector_load_idx %arg10[%shift_right_logical3A_145, %and3A_147] : memref<240x128xf32, #tpu.memory_space<vmem>>[vector<16xi32>, vector<16xi32>], vector<16xf32>,
          %exp3A = math.exp %select_n3A : vector<16xf32>
          %mul3A_149 = arith.mulf %exp3A, %gather3A_148 : vector<16xf32>
          %add3A_150 = arith.addf %broadcast_in_dim3A_1, %mul3A_149 : vector<16xf32>
          %add3A_151 = arith.constant 1 : i32
          %add3A_152 = vector.broadcast %add3A_151 : i32 to vector<16xi32>
          %add3A_153 = arith.addi %mul3A_120, %add3A_152 : vector<16xi32>
          %gather3A_154 = tpu.vector_load_idx %arg8[%add3A_153] : memref<30720xf32, #tpu.memory_space<vmem>>[vector<16xi32>], vector<16xf32>,
          %add3A_155 = arith.constant 1 : i32
          %add3A_156 = vector.broadcast %add3A_155 : i32 to vector<16xi32>
          %add3A_157 = arith.addi %mul3A_127, %add3A_156 : vector<16xi32>
          %gather3A_158 = tpu.vector_load_idx %arg9[%add3A_157] : memref<30720xf32, #tpu.memory_space<vmem>>[vector<16xi32>], vector<16xf32>,
          %add3A_159 = arith.addf %gather3A_154, %gather3A_158 : vector<16xf32>
          %ge3A_160 = arith.constant 0.000000e+00 : f32
          %ge3A_161 = vector.broadcast %ge3A_160 : f32 to vector<16xf32>
          %ge3A_162 = arith.cmpf oge, %add3A_159, %ge3A_161 : vector<16xf32>
          %mul3A_163 = arith.constant 0.00999999977 : f32
          %mul3A_164 = vector.broadcast %mul3A_163 : f32 to vector<16xf32>
          %mul3A_165 = arith.mulf %mul3A_164, %add3A_159 : vector<16xf32>
          %select_n3A_166 = arith.select %ge3A_162, %add3A_159, %mul3A_165 : vector<16xi1>, vector<16xf32>
          %add3A_167 = arith.constant 1 : i32
          %add3A_168 = vector.broadcast %add3A_167 : i32 to vector<16xi32>
          %add3A_169 = arith.addi %mul3A_127, %add3A_168 : vector<16xi32>
          %shift_right_logical3A_170 = arith.constant 7 : i32
          %shift_right_logical3A_171 = vector.broadcast %shift_right_logical3A_170 : i32 to vector<16xi32>
          %shift_right_logical3A_172 = arith.shrui %add3A_169, %shift_right_logical3A_171 : vector<16xi32>
          %and3A_173 = arith.constant 127 : i32
          %and3A_174 = vector.broadcast %and3A_173 : i32 to vector<16xi32>
          %and3A_175 = arith.andi %add3A_169, %and3A_174 : vector<16xi32>
          %gather3A_176 = tpu.vector_load_idx %arg10[%shift_right_logical3A_172, %and3A_175] : memref<240x128xf32, #tpu.memory_space<vmem>>[vector<16xi32>, vector<16xi32>], vector<16xf32>,
          %exp3A_177 = math.exp %select_n3A_166 : vector<16xf32>
          %mul3A_178 = arith.mulf %exp3A_177, %gather3A_176 : vector<16xf32>
          %add3A_179 = arith.addf %add3A_150, %mul3A_178 : vector<16xf32>
          %add3A_180 = arith.constant 2 : i32
          %add3A_181 = vector.broadcast %add3A_180 : i32 to vector<16xi32>
          %add3A_182 = arith.addi %mul3A_120, %add3A_181 : vector<16xi32>
          %gather3A_183 = tpu.vector_load_idx %arg8[%add3A_182] : memref<30720xf32, #tpu.memory_space<vmem>>[vector<16xi32>], vector<16xf32>,
          %add3A_184 = arith.constant 2 : i32
          %add3A_185 = vector.broadcast %add3A_184 : i32 to vector<16xi32>
          %add3A_186 = arith.addi %mul3A_127, %add3A_185 : vector<16xi32>
          %gather3A_187 = tpu.vector_load_idx %arg9[%add3A_186] : memref<30720xf32, #tpu.memory_space<vmem>>[vector<16xi32>], vector<16xf32>,
          %add3A_188 = arith.addf %gather3A_183, %gather3A_187 : vector<16xf32>
          %ge3A_189 = arith.constant 0.000000e+00 : f32
          %ge3A_190 = vector.broadcast %ge3A_189 : f32 to vector<16xf32>
          %ge3A_191 = arith.cmpf oge, %add3A_188, %ge3A_190 : vector<16xf32>
          %mul3A_192 = arith.constant 0.00999999977 : f32
          %mul3A_193 = vector.broadcast %mul3A_192 : f32 to vector<16xf32>
          %mul3A_194 = arith.mulf %mul3A_193, %add3A_188 : vector<16xf32>
          %select_n3A_195 = arith.select %ge3A_191, %add3A_188, %mul3A_194 : vector<16xi1>, vector<16xf32>
          %add3A_196 = arith.constant 2 : i32
          %add3A_197 = vector.broadcast %add3A_196 : i32 to vector<16xi32>
          %add3A_198 = arith.addi %mul3A_127, %add3A_197 : vector<16xi32>
          %shift_right_logical3A_199 = arith.constant 7 : i32
          %shift_right_logical3A_200 = vector.broadcast %shift_right_logical3A_199 : i32 to vector<16xi32>
          %shift_right_logical3A_201 = arith.shrui %add3A_198, %shift_right_logical3A_200 : vector<16xi32>
          %and3A_202 = arith.constant 127 : i32
          %and3A_203 = vector.broadcast %and3A_202 : i32 to vector<16xi32>
          %and3A_204 = arith.andi %add3A_198, %and3A_203 : vector<16xi32>
          %gather3A_205 = tpu.vector_load_idx %arg10[%shift_right_logical3A_201, %and3A_204] : memref<240x128xf32, #tpu.memory_space<vmem>>[vector<16xi32>, vector<16xi32>], vector<16xf32>,
          %exp3A_206 = math.exp %select_n3A_195 : vector<16xf32>
          %mul3A_207 = arith.mulf %exp3A_206, %gather3A_205 : vector<16xf32>
          %add3A_208 = arith.addf %add3A_179, %mul3A_207 : vector<16xf32>
          %mul3A_209 = arith.constant 0.333333343 : f32
          %mul3A_210 = vector.broadcast %mul3A_209 : f32 to vector<16xf32>
          %mul3A_211 = arith.mulf %add3A_208, %mul3A_210 : vector<16xf32>
          %mul3A_212 = arith.constant 16 : i32
          %mul3A_213 = arith.muli %scan3A_114, %mul3A_212 : i32
          %add3A_214 = arith.constant 128 : i32
          %add3A_215 = arith.addi %add3A_214, %mul3A_213 : i32
          %swap3A = arith.index_cast %add3A_215 : i32 to index
          %swap3A_216 = tpu.vector_load %arg18[%swap3A] {strides = array<i32>} : memref<256xf32, #tpu.memory_space<vmem>>, vector<16xf32>,
          tpu.vector_store %arg18[%swap3A], %mul3A_211 {strides = array<i32>} : memref<256xf32, #tpu.memory_space<vmem>>, vector<16xf32>,
        }
        %scan3A_107 = arith.constant 8 : i32
        %scan3A_108 = arith.constant 0 : i32
        %scan3A_109 = arith.constant 0 : i32
        %scan3A_110 = arith.constant 16 : i32
        %scan3A_111 = arith.addi %scan3A_109, %scan3A_110 : i32
        %scan3A_112 = arith.constant 1 : i32
        scf.for %scan3A_114 = %scan3A_109 to %scan3A_111 step %scan3A_112  : i32 {
          %mul3A_115 = arith.constant 16 : i32
          %mul3A_116 = arith.muli %scan3A_114, %mul3A_115 : i32
          %get3A = arith.index_cast %mul3A_116 : i32 to index
          %get3A_117 = tpu.vector_load %arg18[%get3A] {strides = array<i32>} : memref<256xf32, #tpu.memory_space<vmem>>, vector<16xf32>,
          %mul3A_118 = arith.constant 16 : i32
          %mul3A_119 = arith.muli %scan3A_114, %mul3A_118 : i32
          %add3A_120 = arith.constant 0 : i32
          %add3A_121 = arith.addi %mul3A_119, %add3A_120 : i32
          %slice3A = vector.extract_strided_slice %get3A_117 {offsets = [0], sizes = [1], strides = [1]} : vector<16xf32> to vector<1xf32>
          %squeeze3A = vector.extract %slice3A[0] : f32 from vector<1xf32>
          %broadcast_in_dim3A_122 = vector.broadcast %squeeze3A : f32 to vector<16xf32>
          %get3A_123 = arith.index_cast %add3A_121 : i32 to index
          %get3A_124 = arith.constant 0 : index
          %get3A_125 = tpu.vector_load %arg17[%get3A_123, %get3A_124] {strides = array<i32>} : memref<256x32xf32, #tpu.memory_space<vmem>>, vector<16xf32>,
          %mul3A_126 = arith.mulf %get3A_125, %broadcast_in_dim3A_122 : vector<16xf32>
          %swap3A = arith.index_cast %add3A_121 : i32 to index
          %swap3A_127 = arith.constant 0 : index
          %swap3A_128 = tpu.vector_load %arg17[%swap3A, %swap3A_127] {strides = array<i32>} : memref<256x32xf32, #tpu.memory_space<vmem>>, vector<16xf32>,
          tpu.vector_store %arg17[%swap3A, %swap3A_127], %mul3A_126 {strides = array<i32>} : memref<256x32xf32, #tpu.memory_space<vmem>>, vector<16xf32>,
          %get3A_129 = arith.index_cast %add3A_121 : i32 to index
          %get3A_130 = arith.constant 16 : index
          %get3A_131 = tpu.vector_load %arg17[%get3A_129, %get3A_130] {strides = array<i32>} : memref<256x32xf32, #tpu.memory_space<vmem>>, vector<16xf32>,
          %mul3A_132 = arith.mulf %get3A_131, %broadcast_in_dim3A_122 : vector<16xf32>
          %swap3A_133 = arith.index_cast %add3A_121 : i32 to index
          %swap3A_134 = arith.constant 16 : index
          %swap3A_135 = tpu.vector_load %arg17[%swap3A_133, %swap3A_134] {strides = array<i32>} : memref<256x32xf32, #tpu.memory_space<vmem>>, vector<16xf32>,
          tpu.vector_store %arg17[%swap3A_133, %swap3A_134], %mul3A_132 {strides = array<i32>} : memref<256x32xf32, #tpu.memory_space<vmem>>, vector<16xf32>,
          %mul3A_136 = arith.constant 16 : i32
          %mul3A_137 = arith.muli %scan3A_114, %mul3A_136 : i32
          %add3A_138 = arith.constant 1 : i32
          %add3A_139 = arith.addi %mul3A_137, %add3A_138 : i32
          %slice3A_140 = vector.extract_strided_slice %get3A_117 {offsets = [1], sizes = [1], strides = [1]} : vector<16xf32> to vector<1xf32>
          %squeeze3A_141 = vector.extract %slice3A_140[0] : f32 from vector<1xf32>
          %broadcast_in_dim3A_142 = vector.broadcast %squeeze3A_141 : f32 to vector<16xf32>
          %get3A_143 = arith.index_cast %add3A_139 : i32 to index
          %get3A_144 = arith.constant 0 : index
          %get3A_145 = tpu.vector_load %arg17[%get3A_143, %get3A_144] {strides = array<i32>} : memref<256x32xf32, #tpu.memory_space<vmem>>, vector<16xf32>,
          %mul3A_146 = arith.mulf %get3A_145, %broadcast_in_dim3A_142 : vector<16xf32>
          %swap3A_147 = arith.index_cast %add3A_139 : i32 to index
          %swap3A_148 = arith.constant 0 : index
          %swap3A_149 = tpu.vector_load %arg17[%swap3A_147, %swap3A_148] {strides = array<i32>} : memref<256x32xf32, #tpu.memory_space<vmem>>, vector<16xf32>,
          tpu.vector_store %arg17[%swap3A_147, %swap3A_148], %mul3A_146 {strides = array<i32>} : memref<256x32xf32, #tpu.memory_space<vmem>>, vector<16xf32>,
          %get3A_150 = arith.index_cast %add3A_139 : i32 to index
          %get3A_151 = arith.constant 16 : index
          %get3A_152 = tpu.vector_load %arg17[%get3A_150, %get3A_151] {strides = array<i32>} : memref<256x32xf32, #tpu.memory_space<vmem>>, vector<16xf32>,
          %mul3A_153 = arith.mulf %get3A_152, %broadcast_in_dim3A_142 : vector<16xf32>
          %swap3A_154 = arith.index_cast %add3A_139 : i32 to index
          %swap3A_155 = arith.constant 16 : index
          %swap3A_156 = tpu.vector_load %arg17[%swap3A_154, %swap3A_155] {strides = array<i32>} : memref<256x32xf32, #tpu.memory_space<vmem>>, vector<16xf32>,
          tpu.vector_store %arg17[%swap3A_154, %swap3A_155], %mul3A_153 {strides = array<i32>} : memref<256x32xf32, #tpu.memory_space<vmem>>, vector<16xf32>,
          %mul3A_157 = arith.constant 16 : i32
          %mul3A_158 = arith.muli %scan3A_114, %mul3A_157 : i32
          %add3A_159 = arith.constant 2 : i32
          %add3A_160 = arith.addi %mul3A_158, %add3A_159 : i32
          %slice3A_161 = vector.extract_strided_slice %get3A_117 {offsets = [2], sizes = [1], strides = [1]} : vector<16xf32> to vector<1xf32>
          %squeeze3A_162 = vector.extract %slice3A_161[0] : f32 from vector<1xf32>
          %broadcast_in_dim3A_163 = vector.broadcast %squeeze3A_162 : f32 to vector<16xf32>
          %get3A_164 = arith.index_cast %add3A_160 : i32 to index
          %get3A_165 = arith.constant 0 : index
          %get3A_166 = tpu.vector_load %arg17[%get3A_164, %get3A_165] {strides = array<i32>} : memref<256x32xf32, #tpu.memory_space<vmem>>, vector<16xf32>,
          %mul3A_167 = arith.mulf %get3A_166, %broadcast_in_dim3A_163 : vector<16xf32>
          %swap3A_168 = arith.index_cast %add3A_160 : i32 to index
          %swap3A_169 = arith.constant 0 : index
          %swap3A_170 = tpu.vector_load %arg17[%swap3A_168, %swap3A_169] {strides = array<i32>} : memref<256x32xf32, #tpu.memory_space<vmem>>, vector<16xf32>,
          tpu.vector_store %arg17[%swap3A_168, %swap3A_169], %mul3A_167 {strides = array<i32>} : memref<256x32xf32, #tpu.memory_space<vmem>>, vector<16xf32>,
          %get3A_171 = arith.index_cast %add3A_160 : i32 to index
          %get3A_172 = arith.constant 16 : index
          %get3A_173 = tpu.vector_load %arg17[%get3A_171, %get3A_172] {strides = array<i32>} : memref<256x32xf32, #tpu.memory_space<vmem>>, vector<16xf32>,
          %mul3A_174 = arith.mulf %get3A_173, %broadcast_in_dim3A_163 : vector<16xf32>
          %swap3A_175 = arith.index_cast %add3A_160 : i32 to index
          %swap3A_176 = arith.constant 16 : index
          %swap3A_177 = tpu.vector_load %arg17[%swap3A_175, %swap3A_176] {strides = array<i32>} : memref<256x32xf32, #tpu.memory_space<vmem>>, vector<16xf32>,
          tpu.vector_store %arg17[%swap3A_175, %swap3A_176], %mul3A_174 {strides = array<i32>} : memref<256x32xf32, #tpu.memory_space<vmem>>, vector<16xf32>,
          %mul3A_178 = arith.constant 16 : i32
          %mul3A_179 = arith.muli %scan3A_114, %mul3A_178 : i32
          %add3A_180 = arith.constant 3 : i32
          %add3A_181 = arith.addi %mul3A_179, %add3A_180 : i32
          %slice3A_182 = vector.extract_strided_slice %get3A_117 {offsets = [3], sizes = [1], strides = [1]} : vector<16xf32> to vector<1xf32>
          %squeeze3A_183 = vector.extract %slice3A_182[0] : f32 from vector<1xf32>
          %broadcast_in_dim3A_184 = vector.broadcast %squeeze3A_183 : f32 to vector<16xf32>
          %get3A_185 = arith.index_cast %add3A_181 : i32 to index
          %get3A_186 = arith.constant 0 : index
          %get3A_187 = tpu.vector_load %arg17[%get3A_185, %get3A_186] {strides = array<i32>} : memref<256x32xf32, #tpu.memory_space<vmem>>, vector<16xf32>,
          %mul3A_188 = arith.mulf %get3A_187, %broadcast_in_dim3A_184 : vector<16xf32>
          %swap3A_189 = arith.index_cast %add3A_181 : i32 to index
          %swap3A_190 = arith.constant 0 : index
          %swap3A_191 = tpu.vector_load %arg17[%swap3A_189, %swap3A_190] {strides = array<i32>} : memref<256x32xf32, #tpu.memory_space<vmem>>, vector<16xf32>,
          tpu.vector_store %arg17[%swap3A_189, %swap3A_190], %mul3A_188 {strides = array<i32>} : memref<256x32xf32, #tpu.memory_space<vmem>>, vector<16xf32>,
          %get3A_192 = arith.index_cast %add3A_181 : i32 to index
          %get3A_193 = arith.constant 16 : index
          %get3A_194 = tpu.vector_load %arg17[%get3A_192, %get3A_193] {strides = array<i32>} : memref<256x32xf32, #tpu.memory_space<vmem>>, vector<16xf32>,
          %mul3A_195 = arith.mulf %get3A_194, %broadcast_in_dim3A_184 : vector<16xf32>
          %swap3A_196 = arith.index_cast %add3A_181 : i32 to index
          %swap3A_197 = arith.constant 16 : index
          %swap3A_198 = tpu.vector_load %arg17[%swap3A_196, %swap3A_197] {strides = array<i32>} : memref<256x32xf32, #tpu.memory_space<vmem>>, vector<16xf32>,
          tpu.vector_store %arg17[%swap3A_196, %swap3A_197], %mul3A_195 {strides = array<i32>} : memref<256x32xf32, #tpu.memory_space<vmem>>, vector<16xf32>,
          %mul3A_199 = arith.constant 16 : i32
          %mul3A_200 = arith.muli %scan3A_114, %mul3A_199 : i32
          %add3A_201 = arith.constant 4 : i32
          %add3A_202 = arith.addi %mul3A_200, %add3A_201 : i32
          %slice3A_203 = vector.extract_strided_slice %get3A_117 {offsets = [4], sizes = [1], strides = [1]} : vector<16xf32> to vector<1xf32>
          %squeeze3A_204 = vector.extract %slice3A_203[0] : f32 from vector<1xf32>
          %broadcast_in_dim3A_205 = vector.broadcast %squeeze3A_204 : f32 to vector<16xf32>
          %get3A_206 = arith.index_cast %add3A_202 : i32 to index
          %get3A_207 = arith.constant 0 : index
          %get3A_208 = tpu.vector_load %arg17[%get3A_206, %get3A_207] {strides = array<i32>} : memref<256x32xf32, #tpu.memory_space<vmem>>, vector<16xf32>,
          %mul3A_209 = arith.mulf %get3A_208, %broadcast_in_dim3A_205 : vector<16xf32>
          %swap3A_210 = arith.index_cast %add3A_202 : i32 to index
          %swap3A_211 = arith.constant 0 : index
          %swap3A_212 = tpu.vector_load %arg17[%swap3A_210, %swap3A_211] {strides = array<i32>} : memref<256x32xf32, #tpu.memory_space<vmem>>, vector<16xf32>,
          tpu.vector_store %arg17[%swap3A_210, %swap3A_211], %mul3A_209 {strides = array<i32>} : memref<256x32xf32, #tpu.memory_space<vmem>>, vector<16xf32>,
          %get3A_213 = arith.index_cast %add3A_202 : i32 to index
          %get3A_214 = arith.constant 16 : index
          %get3A_215 = tpu.vector_load %arg17[%get3A_213, %get3A_214] {strides = array<i32>} : memref<256x32xf32, #tpu.memory_space<vmem>>, vector<16xf32>,
          %mul3A_216 = arith.mulf %get3A_215, %broadcast_in_dim3A_205 : vector<16xf32>
          %swap3A_217 = arith.index_cast %add3A_202 : i32 to index
          %swap3A_218 = arith.constant 16 : index
          %swap3A_219 = tpu.vector_load %arg17[%swap3A_217, %swap3A_218] {strides = array<i32>} : memref<256x32xf32, #tpu.memory_space<vmem>>, vector<16xf32>,
          tpu.vector_store %arg17[%swap3A_217, %swap3A_218], %mul3A_216 {strides = array<i32>} : memref<256x32xf32, #tpu.memory_space<vmem>>, vector<16xf32>,
          %mul3A_220 = arith.constant 16 : i32
          %mul3A_221 = arith.muli %scan3A_114, %mul3A_220 : i32
          %add3A_222 = arith.constant 5 : i32
          %add3A_223 = arith.addi %mul3A_221, %add3A_222 : i32
          %slice3A_224 = vector.extract_strided_slice %get3A_117 {offsets = [5], sizes = [1], strides = [1]} : vector<16xf32> to vector<1xf32>
          %squeeze3A_225 = vector.extract %slice3A_224[0] : f32 from vector<1xf32>
          %broadcast_in_dim3A_226 = vector.broadcast %squeeze3A_225 : f32 to vector<16xf32>
          %get3A_227 = arith.index_cast %add3A_223 : i32 to index
          %get3A_228 = arith.constant 0 : index
          %get3A_229 = tpu.vector_load %arg17[%get3A_227, %get3A_228] {strides = array<i32>} : memref<256x32xf32, #tpu.memory_space<vmem>>, vector<16xf32>,
          %mul3A_230 = arith.mulf %get3A_229, %broadcast_in_dim3A_226 : vector<16xf32>
          %swap3A_231 = arith.index_cast %add3A_223 : i32 to index
          %swap3A_232 = arith.constant 0 : index
          %swap3A_233 = tpu.vector_load %arg17[%swap3A_231, %swap3A_232] {strides = array<i32>} : memref<256x32xf32, #tpu.memory_space<vmem>>, vector<16xf32>,
          tpu.vector_store %arg17[%swap3A_231, %swap3A_232], %mul3A_230 {strides = array<i32>} : memref<256x32xf32, #tpu.memory_space<vmem>>, vector<16xf32>,
          %get3A_234 = arith.index_cast %add3A_223 : i32 to index
          %get3A_235 = arith.constant 16 : index
          %get3A_236 = tpu.vector_load %arg17[%get3A_234, %get3A_235] {strides = array<i32>} : memref<256x32xf32, #tpu.memory_space<vmem>>, vector<16xf32>,
          %mul3A_237 = arith.mulf %get3A_236, %broadcast_in_dim3A_226 : vector<16xf32>
          %swap3A_238 = arith.index_cast %add3A_223 : i32 to index
          %swap3A_239 = arith.constant 16 : index
          %swap3A_240 = tpu.vector_load %arg17[%swap3A_238, %swap3A_239] {strides = array<i32>} : memref<256x32xf32, #tpu.memory_space<vmem>>, vector<16xf32>,
          tpu.vector_store %arg17[%swap3A_238, %swap3A_239], %mul3A_237 {strides = array<i32>} : memref<256x32xf32, #tpu.memory_space<vmem>>, vector<16xf32>,
          %mul3A_241 = arith.constant 16 : i32
          %mul3A_242 = arith.muli %scan3A_114, %mul3A_241 : i32
          %add3A_243 = arith.constant 6 : i32
          %add3A_244 = arith.addi %mul3A_242, %add3A_243 : i32
          %slice3A_245 = vector.extract_strided_slice %get3A_117 {offsets = [6], sizes = [1], strides = [1]} : vector<16xf32> to vector<1xf32>
          %squeeze3A_246 = vector.extract %slice3A_245[0] : f32 from vector<1xf32>
          %broadcast_in_dim3A_247 = vector.broadcast %squeeze3A_246 : f32 to vector<16xf32>
          %get3A_248 = arith.index_cast %add3A_244 : i32 to index
          %get3A_249 = arith.constant 0 : index
          %get3A_250 = tpu.vector_load %arg17[%get3A_248, %get3A_249] {strides = array<i32>} : memref<256x32xf32, #tpu.memory_space<vmem>>, vector<16xf32>,
          %mul3A_251 = arith.mulf %get3A_250, %broadcast_in_dim3A_247 : vector<16xf32>
          %swap3A_252 = arith.index_cast %add3A_244 : i32 to index
          %swap3A_253 = arith.constant 0 : index
          %swap3A_254 = tpu.vector_load %arg17[%swap3A_252, %swap3A_253] {strides = array<i32>} : memref<256x32xf32, #tpu.memory_space<vmem>>, vector<16xf32>,
          tpu.vector_store %arg17[%swap3A_252, %swap3A_253], %mul3A_251 {strides = array<i32>} : memref<256x32xf32, #tpu.memory_space<vmem>>, vector<16xf32>,
          %get3A_255 = arith.index_cast %add3A_244 : i32 to index
          %get3A_256 = arith.constant 16 : index
          %get3A_257 = tpu.vector_load %arg17[%get3A_255, %get3A_256] {strides = array<i32>} : memref<256x32xf32, #tpu.memory_space<vmem>>, vector<16xf32>,
          %mul3A_258 = arith.mulf %get3A_257, %broadcast_in_dim3A_247 : vector<16xf32>
          %swap3A_259 = arith.index_cast %add3A_244 : i32 to index
          %swap3A_260 = arith.constant 16 : index
          %swap3A_261 = tpu.vector_load %arg17[%swap3A_259, %swap3A_260] {strides = array<i32>} : memref<256x32xf32, #tpu.memory_space<vmem>>, vector<16xf32>,
          tpu.vector_store %arg17[%swap3A_259, %swap3A_260], %mul3A_258 {strides = array<i32>} : memref<256x32xf32, #tpu.memory_space<vmem>>, vector<16xf32>,
          %mul3A_262 = arith.constant 16 : i32
          %mul3A_263 = arith.muli %scan3A_114, %mul3A_262 : i32
          %add3A_264 = arith.constant 7 : i32
          %add3A_265 = arith.addi %mul3A_263, %add3A_264 : i32
          %slice3A_266 = vector.extract_strided_slice %get3A_117 {offsets = [7], sizes = [1], strides = [1]} : vector<16xf32> to vector<1xf32>
          %squeeze3A_267 = vector.extract %slice3A_266[0] : f32 from vector<1xf32>
          %broadcast_in_dim3A_268 = vector.broadcast %squeeze3A_267 : f32 to vector<16xf32>
          %get3A_269 = arith.index_cast %add3A_265 : i32 to index
          %get3A_270 = arith.constant 0 : index
          %get3A_271 = tpu.vector_load %arg17[%get3A_269, %get3A_270] {strides = array<i32>} : memref<256x32xf32, #tpu.memory_space<vmem>>, vector<16xf32>,
          %mul3A_272 = arith.mulf %get3A_271, %broadcast_in_dim3A_268 : vector<16xf32>
          %swap3A_273 = arith.index_cast %add3A_265 : i32 to index
          %swap3A_274 = arith.constant 0 : index
          %swap3A_275 = tpu.vector_load %arg17[%swap3A_273, %swap3A_274] {strides = array<i32>} : memref<256x32xf32, #tpu.memory_space<vmem>>, vector<16xf32>,
          tpu.vector_store %arg17[%swap3A_273, %swap3A_274], %mul3A_272 {strides = array<i32>} : memref<256x32xf32, #tpu.memory_space<vmem>>, vector<16xf32>,
          %get3A_276 = arith.index_cast %add3A_265 : i32 to index
          %get3A_277 = arith.constant 16 : index
          %get3A_278 = tpu.vector_load %arg17[%get3A_276, %get3A_277] {strides = array<i32>} : memref<256x32xf32, #tpu.memory_space<vmem>>, vector<16xf32>,
          %mul3A_279 = arith.mulf %get3A_278, %broadcast_in_dim3A_268 : vector<16xf32>
          %swap3A_280 = arith.index_cast %add3A_265 : i32 to index
          %swap3A_281 = arith.constant 16 : index
          %swap3A_282 = tpu.vector_load %arg17[%swap3A_280, %swap3A_281] {strides = array<i32>} : memref<256x32xf32, #tpu.memory_space<vmem>>, vector<16xf32>,
          tpu.vector_store %arg17[%swap3A_280, %swap3A_281], %mul3A_279 {strides = array<i32>} : memref<256x32xf32, #tpu.memory_space<vmem>>, vector<16xf32>,
          %mul3A_283 = arith.constant 16 : i32
          %mul3A_284 = arith.muli %scan3A_114, %mul3A_283 : i32
          %add3A_285 = arith.constant 8 : i32
          %add3A_286 = arith.addi %mul3A_284, %add3A_285 : i32
          %slice3A_287 = vector.extract_strided_slice %get3A_117 {offsets = [8], sizes = [1], strides = [1]} : vector<16xf32> to vector<1xf32>
          %squeeze3A_288 = vector.extract %slice3A_287[0] : f32 from vector<1xf32>
          %broadcast_in_dim3A_289 = vector.broadcast %squeeze3A_288 : f32 to vector<16xf32>
          %get3A_290 = arith.index_cast %add3A_286 : i32 to index
          %get3A_291 = arith.constant 0 : index
          %get3A_292 = tpu.vector_load %arg17[%get3A_290, %get3A_291] {strides = array<i32>} : memref<256x32xf32, #tpu.memory_space<vmem>>, vector<16xf32>,
          %mul3A_293 = arith.mulf %get3A_292, %broadcast_in_dim3A_289 : vector<16xf32>
          %swap3A_294 = arith.index_cast %add3A_286 : i32 to index
          %swap3A_295 = arith.constant 0 : index
          %swap3A_296 = tpu.vector_load %arg17[%swap3A_294, %swap3A_295] {strides = array<i32>} : memref<256x32xf32, #tpu.memory_space<vmem>>, vector<16xf32>,
          tpu.vector_store %arg17[%swap3A_294, %swap3A_295], %mul3A_293 {strides = array<i32>} : memref<256x32xf32, #tpu.memory_space<vmem>>, vector<16xf32>,
          %get3A_297 = arith.index_cast %add3A_286 : i32 to index
          %get3A_298 = arith.constant 16 : index
          %get3A_299 = tpu.vector_load %arg17[%get3A_297, %get3A_298] {strides = array<i32>} : memref<256x32xf32, #tpu.memory_space<vmem>>, vector<16xf32>,
          %mul3A_300 = arith.mulf %get3A_299, %broadcast_in_dim3A_289 : vector<16xf32>
          %swap3A_301 = arith.index_cast %add3A_286 : i32 to index
          %swap3A_302 = arith.constant 16 : index
          %swap3A_303 = tpu.vector_load %arg17[%swap3A_301, %swap3A_302] {strides = array<i32>} : memref<256x32xf32, #tpu.memory_space<vmem>>, vector<16xf32>,
          tpu.vector_store %arg17[%swap3A_301, %swap3A_302], %mul3A_300 {strides = array<i32>} : memref<256x32xf32, #tpu.memory_space<vmem>>, vector<16xf32>,
          %mul3A_304 = arith.constant 16 : i32
          %mul3A_305 = arith.muli %scan3A_114, %mul3A_304 : i32
          %add3A_306 = arith.constant 9 : i32
          %add3A_307 = arith.addi %mul3A_305, %add3A_306 : i32
          %slice3A_308 = vector.extract_strided_slice %get3A_117 {offsets = [9], sizes = [1], strides = [1]} : vector<16xf32> to vector<1xf32>
          %squeeze3A_309 = vector.extract %slice3A_308[0] : f32 from vector<1xf32>
          %broadcast_in_dim3A_310 = vector.broadcast %squeeze3A_309 : f32 to vector<16xf32>
          %get3A_311 = arith.index_cast %add3A_307 : i32 to index
          %get3A_312 = arith.constant 0 : index
          %get3A_313 = tpu.vector_load %arg17[%get3A_311, %get3A_312] {strides = array<i32>} : memref<256x32xf32, #tpu.memory_space<vmem>>, vector<16xf32>,
          %mul3A_314 = arith.mulf %get3A_313, %broadcast_in_dim3A_310 : vector<16xf32>
          %swap3A_315 = arith.index_cast %add3A_307 : i32 to index
          %swap3A_316 = arith.constant 0 : index
          %swap3A_317 = tpu.vector_load %arg17[%swap3A_315, %swap3A_316] {strides = array<i32>} : memref<256x32xf32, #tpu.memory_space<vmem>>, vector<16xf32>,
          tpu.vector_store %arg17[%swap3A_315, %swap3A_316], %mul3A_314 {strides = array<i32>} : memref<256x32xf32, #tpu.memory_space<vmem>>, vector<16xf32>,
          %get3A_318 = arith.index_cast %add3A_307 : i32 to index
          %get3A_319 = arith.constant 16 : index
          %get3A_320 = tpu.vector_load %arg17[%get3A_318, %get3A_319] {strides = array<i32>} : memref<256x32xf32, #tpu.memory_space<vmem>>, vector<16xf32>,
          %mul3A_321 = arith.mulf %get3A_320, %broadcast_in_dim3A_310 : vector<16xf32>
          %swap3A_322 = arith.index_cast %add3A_307 : i32 to index
          %swap3A_323 = arith.constant 16 : index
          %swap3A_324 = tpu.vector_load %arg17[%swap3A_322, %swap3A_323] {strides = array<i32>} : memref<256x32xf32, #tpu.memory_space<vmem>>, vector<16xf32>,
          tpu.vector_store %arg17[%swap3A_322, %swap3A_323], %mul3A_321 {strides = array<i32>} : memref<256x32xf32, #tpu.memory_space<vmem>>, vector<16xf32>,
          %mul3A_325 = arith.constant 16 : i32
          %mul3A_326 = arith.muli %scan3A_114, %mul3A_325 : i32
          %add3A_327 = arith.constant 10 : i32
          %add3A_328 = arith.addi %mul3A_326, %add3A_327 : i32
          %slice3A_329 = vector.extract_strided_slice %get3A_117 {offsets = [10], sizes = [1], strides = [1]} : vector<16xf32> to vector<1xf32>
          %squeeze3A_330 = vector.extract %slice3A_329[0] : f32 from vector<1xf32>
          %broadcast_in_dim3A_331 = vector.broadcast %squeeze3A_330 : f32 to vector<16xf32>
          %get3A_332 = arith.index_cast %add3A_328 : i32 to index
          %get3A_333 = arith.constant 0 : index
          %get3A_334 = tpu.vector_load %arg17[%get3A_332, %get3A_333] {strides = array<i32>} : memref<256x32xf32, #tpu.memory_space<vmem>>, vector<16xf32>,
          %mul3A_335 = arith.mulf %get3A_334, %broadcast_in_dim3A_331 : vector<16xf32>
          %swap3A_336 = arith.index_cast %add3A_328 : i32 to index
          %swap3A_337 = arith.constant 0 : index
          %swap3A_338 = tpu.vector_load %arg17[%swap3A_336, %swap3A_337] {strides = array<i32>} : memref<256x32xf32, #tpu.memory_space<vmem>>, vector<16xf32>,
          tpu.vector_store %arg17[%swap3A_336, %swap3A_337], %mul3A_335 {strides = array<i32>} : memref<256x32xf32, #tpu.memory_space<vmem>>, vector<16xf32>,
          %get3A_339 = arith.index_cast %add3A_328 : i32 to index
          %get3A_340 = arith.constant 16 : index
          %get3A_341 = tpu.vector_load %arg17[%get3A_339, %get3A_340] {strides = array<i32>} : memref<256x32xf32, #tpu.memory_space<vmem>>, vector<16xf32>,
          %mul3A_342 = arith.mulf %get3A_341, %broadcast_in_dim3A_331 : vector<16xf32>
          %swap3A_343 = arith.index_cast %add3A_328 : i32 to index
          %swap3A_344 = arith.constant 16 : index
          %swap3A_345 = tpu.vector_load %arg17[%swap3A_343, %swap3A_344] {strides = array<i32>} : memref<256x32xf32, #tpu.memory_space<vmem>>, vector<16xf32>,
          tpu.vector_store %arg17[%swap3A_343, %swap3A_344], %mul3A_342 {strides = array<i32>} : memref<256x32xf32, #tpu.memory_space<vmem>>, vector<16xf32>,
          %mul3A_346 = arith.constant 16 : i32
          %mul3A_347 = arith.muli %scan3A_114, %mul3A_346 : i32
          %add3A_348 = arith.constant 11 : i32
          %add3A_349 = arith.addi %mul3A_347, %add3A_348 : i32
          %slice3A_350 = vector.extract_strided_slice %get3A_117 {offsets = [11], sizes = [1], strides = [1]} : vector<16xf32> to vector<1xf32>
          %squeeze3A_351 = vector.extract %slice3A_350[0] : f32 from vector<1xf32>
          %broadcast_in_dim3A_352 = vector.broadcast %squeeze3A_351 : f32 to vector<16xf32>
          %get3A_353 = arith.index_cast %add3A_349 : i32 to index
          %get3A_354 = arith.constant 0 : index
          %get3A_355 = tpu.vector_load %arg17[%get3A_353, %get3A_354] {strides = array<i32>} : memref<256x32xf32, #tpu.memory_space<vmem>>, vector<16xf32>,
          %mul3A_356 = arith.mulf %get3A_355, %broadcast_in_dim3A_352 : vector<16xf32>
          %swap3A_357 = arith.index_cast %add3A_349 : i32 to index
          %swap3A_358 = arith.constant 0 : index
          %swap3A_359 = tpu.vector_load %arg17[%swap3A_357, %swap3A_358] {strides = array<i32>} : memref<256x32xf32, #tpu.memory_space<vmem>>, vector<16xf32>,
          tpu.vector_store %arg17[%swap3A_357, %swap3A_358], %mul3A_356 {strides = array<i32>} : memref<256x32xf32, #tpu.memory_space<vmem>>, vector<16xf32>,
          %get3A_360 = arith.index_cast %add3A_349 : i32 to index
          %get3A_361 = arith.constant 16 : index
          %get3A_362 = tpu.vector_load %arg17[%get3A_360, %get3A_361] {strides = array<i32>} : memref<256x32xf32, #tpu.memory_space<vmem>>, vector<16xf32>,
          %mul3A_363 = arith.mulf %get3A_362, %broadcast_in_dim3A_352 : vector<16xf32>
          %swap3A_364 = arith.index_cast %add3A_349 : i32 to index
          %swap3A_365 = arith.constant 16 : index
          %swap3A_366 = tpu.vector_load %arg17[%swap3A_364, %swap3A_365] {strides = array<i32>} : memref<256x32xf32, #tpu.memory_space<vmem>>, vector<16xf32>,
          tpu.vector_store %arg17[%swap3A_364, %swap3A_365], %mul3A_363 {strides = array<i32>} : memref<256x32xf32, #tpu.memory_space<vmem>>, vector<16xf32>,
          %mul3A_367 = arith.constant 16 : i32
          %mul3A_368 = arith.muli %scan3A_114, %mul3A_367 : i32
          %add3A_369 = arith.constant 12 : i32
          %add3A_370 = arith.addi %mul3A_368, %add3A_369 : i32
          %slice3A_371 = vector.extract_strided_slice %get3A_117 {offsets = [12], sizes = [1], strides = [1]} : vector<16xf32> to vector<1xf32>
          %squeeze3A_372 = vector.extract %slice3A_371[0] : f32 from vector<1xf32>
          %broadcast_in_dim3A_373 = vector.broadcast %squeeze3A_372 : f32 to vector<16xf32>
          %get3A_374 = arith.index_cast %add3A_370 : i32 to index
          %get3A_375 = arith.constant 0 : index
          %get3A_376 = tpu.vector_load %arg17[%get3A_374, %get3A_375] {strides = array<i32>} : memref<256x32xf32, #tpu.memory_space<vmem>>, vector<16xf32>,
          %mul3A_377 = arith.mulf %get3A_376, %broadcast_in_dim3A_373 : vector<16xf32>
          %swap3A_378 = arith.index_cast %add3A_370 : i32 to index
          %swap3A_379 = arith.constant 0 : index
          %swap3A_380 = tpu.vector_load %arg17[%swap3A_378, %swap3A_379] {strides = array<i32>} : memref<256x32xf32, #tpu.memory_space<vmem>>, vector<16xf32>,
          tpu.vector_store %arg17[%swap3A_378, %swap3A_379], %mul3A_377 {strides = array<i32>} : memref<256x32xf32, #tpu.memory_space<vmem>>, vector<16xf32>,
          %get3A_381 = arith.index_cast %add3A_370 : i32 to index
          %get3A_382 = arith.constant 16 : index
          %get3A_383 = tpu.vector_load %arg17[%get3A_381, %get3A_382] {strides = array<i32>} : memref<256x32xf32, #tpu.memory_space<vmem>>, vector<16xf32>,
          %mul3A_384 = arith.mulf %get3A_383, %broadcast_in_dim3A_373 : vector<16xf32>
          %swap3A_385 = arith.index_cast %add3A_370 : i32 to index
          %swap3A_386 = arith.constant 16 : index
          %swap3A_387 = tpu.vector_load %arg17[%swap3A_385, %swap3A_386] {strides = array<i32>} : memref<256x32xf32, #tpu.memory_space<vmem>>, vector<16xf32>,
          tpu.vector_store %arg17[%swap3A_385, %swap3A_386], %mul3A_384 {strides = array<i32>} : memref<256x32xf32, #tpu.memory_space<vmem>>, vector<16xf32>,
          %mul3A_388 = arith.constant 16 : i32
          %mul3A_389 = arith.muli %scan3A_114, %mul3A_388 : i32
          %add3A_390 = arith.constant 13 : i32
          %add3A_391 = arith.addi %mul3A_389, %add3A_390 : i32
          %slice3A_392 = vector.extract_strided_slice %get3A_117 {offsets = [13], sizes = [1], strides = [1]} : vector<16xf32> to vector<1xf32>
          %squeeze3A_393 = vector.extract %slice3A_392[0] : f32 from vector<1xf32>
          %broadcast_in_dim3A_394 = vector.broadcast %squeeze3A_393 : f32 to vector<16xf32>
          %get3A_395 = arith.index_cast %add3A_391 : i32 to index
          %get3A_396 = arith.constant 0 : index
          %get3A_397 = tpu.vector_load %arg17[%get3A_395, %get3A_396] {strides = array<i32>} : memref<256x32xf32, #tpu.memory_space<vmem>>, vector<16xf32>,
          %mul3A_398 = arith.mulf %get3A_397, %broadcast_in_dim3A_394 : vector<16xf32>
          %swap3A_399 = arith.index_cast %add3A_391 : i32 to index
          %swap3A_400 = arith.constant 0 : index
          %swap3A_401 = tpu.vector_load %arg17[%swap3A_399, %swap3A_400] {strides = array<i32>} : memref<256x32xf32, #tpu.memory_space<vmem>>, vector<16xf32>,
          tpu.vector_store %arg17[%swap3A_399, %swap3A_400], %mul3A_398 {strides = array<i32>} : memref<256x32xf32, #tpu.memory_space<vmem>>, vector<16xf32>,
          %get3A_402 = arith.index_cast %add3A_391 : i32 to index
          %get3A_403 = arith.constant 16 : index
          %get3A_404 = tpu.vector_load %arg17[%get3A_402, %get3A_403] {strides = array<i32>} : memref<256x32xf32, #tpu.memory_space<vmem>>, vector<16xf32>,
          %mul3A_405 = arith.mulf %get3A_404, %broadcast_in_dim3A_394 : vector<16xf32>
          %swap3A_406 = arith.index_cast %add3A_391 : i32 to index
          %swap3A_407 = arith.constant 16 : index
          %swap3A_408 = tpu.vector_load %arg17[%swap3A_406, %swap3A_407] {strides = array<i32>} : memref<256x32xf32, #tpu.memory_space<vmem>>, vector<16xf32>,
          tpu.vector_store %arg17[%swap3A_406, %swap3A_407], %mul3A_405 {strides = array<i32>} : memref<256x32xf32, #tpu.memory_space<vmem>>, vector<16xf32>,
          %mul3A_409 = arith.constant 16 : i32
          %mul3A_410 = arith.muli %scan3A_114, %mul3A_409 : i32
          %add3A_411 = arith.constant 14 : i32
          %add3A_412 = arith.addi %mul3A_410, %add3A_411 : i32
          %slice3A_413 = vector.extract_strided_slice %get3A_117 {offsets = [14], sizes = [1], strides = [1]} : vector<16xf32> to vector<1xf32>
          %squeeze3A_414 = vector.extract %slice3A_413[0] : f32 from vector<1xf32>
          %broadcast_in_dim3A_415 = vector.broadcast %squeeze3A_414 : f32 to vector<16xf32>
          %get3A_416 = arith.index_cast %add3A_412 : i32 to index
          %get3A_417 = arith.constant 0 : index
          %get3A_418 = tpu.vector_load %arg17[%get3A_416, %get3A_417] {strides = array<i32>} : memref<256x32xf32, #tpu.memory_space<vmem>>, vector<16xf32>,
          %mul3A_419 = arith.mulf %get3A_418, %broadcast_in_dim3A_415 : vector<16xf32>
          %swap3A_420 = arith.index_cast %add3A_412 : i32 to index
          %swap3A_421 = arith.constant 0 : index
          %swap3A_422 = tpu.vector_load %arg17[%swap3A_420, %swap3A_421] {strides = array<i32>} : memref<256x32xf32, #tpu.memory_space<vmem>>, vector<16xf32>,
          tpu.vector_store %arg17[%swap3A_420, %swap3A_421], %mul3A_419 {strides = array<i32>} : memref<256x32xf32, #tpu.memory_space<vmem>>, vector<16xf32>,
          %get3A_423 = arith.index_cast %add3A_412 : i32 to index
          %get3A_424 = arith.constant 16 : index
          %get3A_425 = tpu.vector_load %arg17[%get3A_423, %get3A_424] {strides = array<i32>} : memref<256x32xf32, #tpu.memory_space<vmem>>, vector<16xf32>,
          %mul3A_426 = arith.mulf %get3A_425, %broadcast_in_dim3A_415 : vector<16xf32>
          %swap3A_427 = arith.index_cast %add3A_412 : i32 to index
          %swap3A_428 = arith.constant 16 : index
          %swap3A_429 = tpu.vector_load %arg17[%swap3A_427, %swap3A_428] {strides = array<i32>} : memref<256x32xf32, #tpu.memory_space<vmem>>, vector<16xf32>,
          tpu.vector_store %arg17[%swap3A_427, %swap3A_428], %mul3A_426 {strides = array<i32>} : memref<256x32xf32, #tpu.memory_space<vmem>>, vector<16xf32>,
          %mul3A_430 = arith.constant 16 : i32
          %mul3A_431 = arith.muli %scan3A_114, %mul3A_430 : i32
          %add3A_432 = arith.constant 15 : i32
          %add3A_433 = arith.addi %mul3A_431, %add3A_432 : i32
          %slice3A_434 = vector.extract_strided_slice %get3A_117 {offsets = [15], sizes = [1], strides = [1]} : vector<16xf32> to vector<1xf32>
          %squeeze3A_435 = vector.extract %slice3A_434[0] : f32 from vector<1xf32>
          %broadcast_in_dim3A_436 = vector.broadcast %squeeze3A_435 : f32 to vector<16xf32>
          %get3A_437 = arith.index_cast %add3A_433 : i32 to index
          %get3A_438 = arith.constant 0 : index
          %get3A_439 = tpu.vector_load %arg17[%get3A_437, %get3A_438] {strides = array<i32>} : memref<256x32xf32, #tpu.memory_space<vmem>>, vector<16xf32>,
          %mul3A_440 = arith.mulf %get3A_439, %broadcast_in_dim3A_436 : vector<16xf32>
          %swap3A_441 = arith.index_cast %add3A_433 : i32 to index
          %swap3A_442 = arith.constant 0 : index
          %swap3A_443 = tpu.vector_load %arg17[%swap3A_441, %swap3A_442] {strides = array<i32>} : memref<256x32xf32, #tpu.memory_space<vmem>>, vector<16xf32>,
          tpu.vector_store %arg17[%swap3A_441, %swap3A_442], %mul3A_440 {strides = array<i32>} : memref<256x32xf32, #tpu.memory_space<vmem>>, vector<16xf32>,
          %get3A_444 = arith.index_cast %add3A_433 : i32 to index
          %get3A_445 = arith.constant 16 : index
          %get3A_446 = tpu.vector_load %arg17[%get3A_444, %get3A_445] {strides = array<i32>} : memref<256x32xf32, #tpu.memory_space<vmem>>, vector<16xf32>,
          %mul3A_447 = arith.mulf %get3A_446, %broadcast_in_dim3A_436 : vector<16xf32>
          %swap3A_448 = arith.index_cast %add3A_433 : i32 to index
          %swap3A_449 = arith.constant 16 : index
          %swap3A_450 = tpu.vector_load %arg17[%swap3A_448, %swap3A_449] {strides = array<i32>} : memref<256x32xf32, #tpu.memory_space<vmem>>, vector<16xf32>,
          tpu.vector_store %arg17[%swap3A_448, %swap3A_449], %mul3A_447 {strides = array<i32>} : memref<256x32xf32, #tpu.memory_space<vmem>>, vector<16xf32>,
        }
        %scan3A_113 = arith.constant 16 : i32
        "tpu.region"() ({
          %run_scoped3A = tpu.sem_alloc : memref<!tpu.dma_semaphore, #tpu.memory_space<semaphore_mem>>
          %dma_start3A_114 = arith.constant 0 : i32
          %dma_start3A_115 = arith.constant 0 : i32
          %dma_start3A_116 = tpu.memref_slice %arg17[%dma_start3A_114, %dma_start3A_115] : memref<256x32xf32, #tpu.memory_space<vmem>> -> memref<128x32xf32, #tpu.memory_space<vmem>>
          %dma_start3A_117 = arith.constant 0 : i32
          %dma_start3A_118 = arith.constant 0 : i32
          %dma_start3A_119 = tpu.memref_slice %arg21[%dma_start3A_117, %dma_start3A_118] : memref<10240x32xf32, #tpu.memory_space<vmem_shared>> -> memref<10240x32xf32, #tpu.memory_space<vmem_shared>>
          tpu.enqueue_indirect_dma source(%dma_start3A_116 : memref<128x32xf32, #tpu.memory_space<vmem>>) target(%dma_start3A_119 : memref<10240x32xf32, #tpu.memory_space<vmem_shared>>) offsets(%arg15 : memref<128xi32, #tpu.memory_space<vmem>>) semaphore(%run_scoped3A : memref<!tpu.dma_semaphore, #tpu.memory_space<semaphore_mem>>) {add = true}
          %dma_wait3A_120 = arith.constant 0 : i32
          %dma_wait3A_121 = arith.constant 0 : i32
          %dma_wait3A_122 = tpu.memref_slice %arg17[%dma_wait3A_120, %dma_wait3A_121] : memref<256x32xf32, #tpu.memory_space<vmem>> -> memref<128x32xf32, #tpu.memory_space<vmem>>
          %dma_wait3A_123 = arith.constant 0 : i32
          %dma_wait3A_124 = arith.constant 0 : i32
          %dma_wait3A_125 = tpu.memref_slice %arg21[%dma_wait3A_123, %dma_wait3A_124] : memref<10240x32xf32, #tpu.memory_space<vmem_shared>> -> memref<10240x32xf32, #tpu.memory_space<vmem_shared>>
          tpu.wait_indirect_dma semaphore(%run_scoped3A : memref<!tpu.dma_semaphore, #tpu.memory_space<semaphore_mem>>) src(%dma_wait3A_122 : memref<128x32xf32, #tpu.memory_space<vmem>>) dst(%dma_wait3A_125 : memref<10240x32xf32, #tpu.memory_space<vmem_shared>>)
          tpu.yield
        }) : () -> ()
        "tpu.region"() ({
          %run_scoped3A = tpu.sem_alloc : memref<!tpu.dma_semaphore, #tpu.memory_space<semaphore_mem>>
          %dma_start3A_114 = arith.constant 128 : i32
          %dma_start3A_115 = arith.constant 0 : i32
          %dma_start3A_116 = tpu.memref_slice %arg17[%dma_start3A_114, %dma_start3A_115] : memref<256x32xf32, #tpu.memory_space<vmem>> -> memref<128x32xf32, #tpu.memory_space<vmem>>
          %dma_start3A_117 = arith.constant 0 : i32
          %dma_start3A_118 = arith.constant 0 : i32
          %dma_start3A_119 = tpu.memref_slice %arg21[%dma_start3A_117, %dma_start3A_118] : memref<10240x32xf32, #tpu.memory_space<vmem_shared>> -> memref<10240x32xf32, #tpu.memory_space<vmem_shared>>
          tpu.enqueue_indirect_dma source(%dma_start3A_116 : memref<128x32xf32, #tpu.memory_space<vmem>>) target(%dma_start3A_119 : memref<10240x32xf32, #tpu.memory_space<vmem_shared>>) offsets(%arg16 : memref<128xi32, #tpu.memory_space<vmem>>) semaphore(%run_scoped3A : memref<!tpu.dma_semaphore, #tpu.memory_space<semaphore_mem>>) {add = true}
          %dma_wait3A_120 = arith.constant 128 : i32
          %dma_wait3A_121 = arith.constant 0 : i32
          %dma_wait3A_122 = tpu.memref_slice %arg17[%dma_wait3A_120, %dma_wait3A_121] : memref<256x32xf32, #tpu.memory_space<vmem>> -> memref<128x32xf32, #tpu.memory_space<vmem>>
          %dma_wait3A_123 = arith.constant 0 : i32
          %dma_wait3A_124 = arith.constant 0 : i32
          %dma_wait3A_125 = tpu.memref_slice %arg21[%dma_wait3A_123, %dma_wait3A_124] : memref<10240x32xf32, #tpu.memory_space<vmem_shared>> -> memref<10240x32xf32, #tpu.memory_space<vmem_shared>>
          tpu.wait_indirect_dma semaphore(%run_scoped3A : memref<!tpu.dma_semaphore, #tpu.memory_space<semaphore_mem>>) src(%dma_wait3A_122 : memref<128x32xf32, #tpu.memory_space<vmem>>) dst(%dma_wait3A_125 : memref<10240x32xf32, #tpu.memory_space<vmem_shared>>)
          tpu.yield
        }) : () -> ()
      } else {
      }
    }
    %scan3A_52 = arith.constant 40 : i32
    %barrier3A_53 = arith.constant 0 : index
    tpu.barrier barrier_id(%barrier3A_53)
    %mul3A_54 = arith.constant 640 : i32
    %mul3A_55 = arith.muli %arg1, %mul3A_54 : i32
    %mul3A_56 = arith.constant 640 : i32
    %mul3A_57 = arith.muli %arg1, %mul3A_56 : i32
    "tpu.region"() ({
      %run_scoped3A = tpu.sem_alloc : memref<!tpu.dma_semaphore, #tpu.memory_space<semaphore_mem>>
      %dma_start3A = arith.constant 0 : i32
      %dma_start3A_58 = tpu.memref_slice %arg7[%arg0, %mul3A_57, %dma_start3A] : memref<2x10240x32xf32, #tpu.memory_space<hbm>> -> memref<1x640x32xf32, #tpu.memory_space<hbm>>
      %dma_start3A_59 = tpu.memref_squeeze %dma_start3A_58 : memref<1x640x32xf32, #tpu.memory_space<hbm>> -> memref<640x32xf32, #tpu.memory_space<hbm>>
      %dma_start3A_60 = arith.constant 0 : i32
      %dma_start3A_61 = tpu.memref_slice %arg21[%mul3A_55, %dma_start3A_60] : memref<10240x32xf32, #tpu.memory_space<vmem_shared>> -> memref<640x32xf32, #tpu.memory_space<vmem_shared>>
      tpu.enqueue_dma source(%dma_start3A_61 : memref<640x32xf32, #tpu.memory_space<vmem_shared>>) target(%dma_start3A_59 : memref<640x32xf32, #tpu.memory_space<hbm>>) target_semaphore(%run_scoped3A : memref<!tpu.dma_semaphore, #tpu.memory_space<semaphore_mem>>)
      %dma_wait3A = arith.constant 0 : i32
      %dma_wait3A_62 = tpu.memref_slice %arg7[%arg0, %mul3A_57, %dma_wait3A] : memref<2x10240x32xf32, #tpu.memory_space<hbm>> -> memref<1x640x32xf32, #tpu.memory_space<hbm>>
      %dma_wait3A_63 = tpu.memref_squeeze %dma_wait3A_62 : memref<1x640x32xf32, #tpu.memory_space<hbm>> -> memref<640x32xf32, #tpu.memory_space<hbm>>
      %dma_wait3A_64 = arith.constant 0 : i32
      %dma_wait3A_65 = tpu.memref_slice %arg21[%mul3A_55, %dma_wait3A_64] : memref<10240x32xf32, #tpu.memory_space<vmem_shared>> -> memref<640x32xf32, #tpu.memory_space<vmem_shared>>
      tpu.wait_dma2 semaphore(%run_scoped3A : memref<!tpu.dma_semaphore, #tpu.memory_space<semaphore_mem>>) src(%dma_wait3A_65 : memref<640x32xf32, #tpu.memory_space<vmem_shared>>) dst(%dma_wait3A_63 : memref<640x32xf32, #tpu.memory_space<hbm>>)
      tpu.yield
    }) : () -> ()
    return
  }
}

module attributes {stable_mosaic.version = 14 : i64} {
  func.func @_mm(%arg0: i32, %arg1: memref<512x128xf32, #tpu.memory_space<vmem>>, %arg2: memref<128x128xf32, #tpu.memory_space<vmem>>, %arg3: memref<512x128xf32, #tpu.memory_space<vmem>>) attributes {dimension_semantics = [#tpu.dimension_semantics<arbitrary>], iteration_bounds = array<i64: 20>, scalar_prefetch = 0 : i64, scratch_operands = 0 : i64, tpu.core_type = #tpu.core_type<tc>, window_params = [{transform_indices = @transform_0, window_bounds = array<i64: 512, 128>}, {pipeline_mode = #tpu.pipeline_mode<synchronous>, transform_indices = @transform_1, window_bounds = array<i64: 128, 128>}, {transform_indices = @transform_2, window_bounds = array<i64: 512, 128>}]} {
    %get3A = arith.constant 0 : index
    %get3A_0 = arith.constant 0 : index
    %get3A_1 = vector.load %arg1[%get3A, %get3A_0] : memref<512x128xf32, #tpu.memory_space<vmem>>, vector<512x128xf32>
    %get3A_2 = arith.constant 0 : index
    %get3A_3 = arith.constant 0 : index
    %get3A_4 = vector.load %arg2[%get3A_2, %get3A_3] : memref<128x128xf32, #tpu.memory_space<vmem>>, vector<128x128xf32>
    %dot_general3A = arith.constant dense<0.000000e+00> : vector<512x128xf32>
    %dot_general3A_5 = tpu.matmul %get3A_1, %get3A_4, %dot_general3A {dimension_numbers = #tpu.dot_dimension_numbers<[1], [0], [0], [1], [0, 0, 1, 1], [], []>, transpose_lhs_hint = false} : vector<512x128xf32>, vector<128x128xf32>, vector<512x128xf32> -> vector<512x128xf32>
    %swap3A = arith.constant 0 : index
    %swap3A_6 = arith.constant 0 : index
    %swap3A_7 = vector.load %arg3[%swap3A, %swap3A_6] : memref<512x128xf32, #tpu.memory_space<vmem>>, vector<512x128xf32>
    tpu.vector_store %arg3[%swap3A, %swap3A_6], %dot_general3A_5 {strides = array<i32>} : memref<512x128xf32, #tpu.memory_space<vmem>>, vector<512x128xf32>,
    return
  }
  func.func @transform_0(%arg0: i32) -> (i32, i32) {
    %c0_i32 = arith.constant 0 : i32
    %c0_i32_0 = arith.constant 0 : i32
    return %arg0, %c0_i32 : i32, i32
  }
  func.func @transform_1(%arg0: i32) -> (i32, i32) {
    %c0_i32 = arith.constant 0 : i32
    %c0_i32_0 = arith.constant 0 : i32
    %c0_i32_1 = arith.constant 0 : i32
    return %c0_i32, %c0_i32_0 : i32, i32
  }
  func.func @transform_2(%arg0: i32) -> (i32, i32) {
    %c0_i32 = arith.constant 0 : i32
    %c0_i32_0 = arith.constant 0 : i32
    return %arg0, %c0_i32 : i32, i32
  }
}

</mosaic_0001>

<sc_bundles>
// kernel: kernel.12.cloned.1.call-start
scs
__scs_entry_jumppad:
0x0: {  	(pc) =	sbr.rel $0x88, $3  }
0x1: {  	(tag) =	ssettag $0x0;
	lr =	simm.s32 $0x1  }
0x2: {  	[smem:$0x3F93] =	sst lr;
	_ =	strace $0xD0000000  }
0x3: {  	_ = 	snop  }
0x4: {  	_ = 	snop  }
0x5: {  	_ = 	snop  }
0x6: {  	_ = 	snop  }
0x7: {  	_ = 	snop  }
__scs_overlays_trampoline_lowered:
0x8: {  	[smem:$0x3FA2] =	sst s0  }
0x9: {  	[smem:$0x3FA3] =	sst s1  }
0xa: {  	[smem:$0x3FA4] =	sst s2  }
0xb: {  	[smem:$0x3FA5] =	sst s3  }
0xc: {  	[smem:$0x3FA6] =	sst s4  }
0xd: {  	[smem:$0x3FA7] =	sst s5  }
0xe: {  	[smem:$0x3FA8] =	sst s6  }
0xf: {  	[smem:$0x3FA9] =	sst s7  }
0x10: {  	[smem:$0x3FAA] =	sst s8  }
0x11: {  	[smem:$0x3FAB] =	sst s9;
	s0 =	simm.s32 @!p0 $0x0  }
0x12: {  	s1 =	sld [smem:$0x3F91];
	s0 =	simm.s32 @p0 $0x1  }
0x13: {  	[smem:$0x3FAC] =	sst s0;
	s0 =	simm.s32 @!p1 $0x0  }
0x14: {  	s2 =	sld [smem:$0x3F90];
	s0 =	simm.s32 @p1 $0x1  }
0x15: {  	[smem:$0x3FAD] =	sst s0;
	s0 =	simm.s32 @!p2 $0x0  }
0x16: {  	s3 =	sld [smem:$0x3FDB];
	s0 =	simm.s32 @p2 $0x1  }
0x17: {  	s4 =	simm.s32 $0x1BF5;
	[smem:$0x3FAF] =	sst s0  }
0x18: {  	s0 =	sld [smem:$0x3F92];
	_ =	swait.ge [sflag:s4], $0x0  }
0x19: {  	s7 =	sld [smem:$0x3F93]  }
0x1a: {  	s8 =	sadd.s32 $0xFFFFE003, lr  }
0x1b: {  	s9 =	sadd.s32 $0xFFFFFEF7, lr;
	s5 =	simm.s32 $0xFFFFFFFF;
	p2 =	slt.u32 s8, $0xFFFFF086  }
0x1c: {  	p1 =	slt.u32 s9, $0xF7A;
	s5 =	simm.s32 @!p2 $0x0  }
0x1d: {  	s5 =	simm.s32 @p1 $0x1;
	p0 =	seq.s32 s7, s2  }
0x1e: {  	s7 =	smul.u32 @!p0 $0xF7A, s2;
	p2 =	seq.s32 @!p0 s5, $0x0  }
0x1f: {  	s9 =	smul.u32 $0xF7A, s1;
	s8 =	simm.s32 @!p0 $0x1BF5;
	p2 =	por !p2, p0  }
0x20: {  	[sflag:s8] =	ssyncset.s32 @!p0 $0xFFFFF086;
	s6 =	sadd.s32 @!p0 s3, s7;
	s7 =	simm.s32 @!p0 $0x108  }
0x21: {  	s3 =	sadd.s32 s3, s9;
	s6 =	sadd.s32 @!p0 $0x88, s6;
	s7 =	simm.s32 @p2 $0x1082  }
0x22: {  	[simem:s7], [sflag:s8] =	dma.local @!p0 [hbm:s6], $0xF7A  }
0x23: {  	s9 =	sor.u32 $0xD0000000, s2;
	s6 =	simm.s32 $0x108;
	_ =	swait.ge @!p0 [sflag:s8], $0x0  }
0x24: {  	s3 =	sadd.s32 $0x88, s3;
	s6 =	simm.s32 @!p1 $0x1082;
	[sflag:s4] =	ssyncset.s32 $0xFFFFF086  }
0x25: {  	[simem:s6], [sflag:s4] =	dma.local [hbm:s3], $0xF7A  }
0x26: {  	[smem:$0x3F93] =	sst s1;
	(tag) =	ssettag s2;
	_ =	strace s9  }
0x27: {  	s1 =	sld [smem:$0x3FA3]  }
0x28: {  	s2 =	sld [smem:$0x3FA4]  }
0x29: {  	s4 =	sld [smem:$0x3FA6]  }
0x2a: {  	p0 =	seq.s32 s5, $0x0;
	s5 =	sld [smem:$0x3FA7]  }
0x2b: {  	s6 =	sld [smem:$0x3FA8]  }
0x2c: {  	s7 =	sld [smem:$0x3FA9]  }
0x2d: {  	s3 =	simm.s32 $0x108;
	s8 =	sld [smem:$0x3FAA]  }
0x2e: {  	s3 =	simm.s32 @!p0 $0x1082;
	s9 =	sld [smem:$0x3FAB]  }
0x2f: {  	lr =	sadd.s32 s0, s3;
	s0 =	sld [smem:$0x3FA2]  }
0x30: {  	s3 =	sld [smem:$0x3FA5]  }
0x31: {  	[smem:$0x3FAE] =	sst s10  }
0x32: {  	s10 =	sld [smem:$0x3FAC];
	_ =	sdelay $0x3  }
0x33: {  	p0 =	seq.s32 s10, $0x1;
	s10 =	sld [smem:$0x3FAE];
	_ =	sdelay $0x3  }
0x34: {  	[smem:$0x3FAE] =	sst s10  }
0x35: {  	s10 =	sld [smem:$0x3FAD];
	_ =	sdelay $0x3  }
0x36: {  	p1 =	seq.s32 s10, $0x1;
	s10 =	sld [smem:$0x3FAE];
	_ =	sdelay $0x3  }
0x37: {  	[smem:$0x3FAE] =	sst s10  }
0x38: {  	s10 =	sld [smem:$0x3FAF]  }
0x39: {  	_ = 	snop;
	(pc) =	sbr.ind lr, $3  }
0x3a: {  	_ = 	snop  }
0x3b: {  	_ = 	snop  }
0x3c: {  	p2 =	seq.s32 s10, $0x1;
	s10 =	sld [smem:$0x3FAE]  }
0x3d: {  	_ =	shalt  }
0x3e: {  	_ =	shalt  }
0x3f: {  	_ =	shalt  }
0x40: {  	_ =	shalt  }
0x41: {  	_ =	shalt  }
0x42: {  	_ =	shalt  }
0x43: {  	_ =	shalt  }
0x44: {  	_ =	shalt  }
0x45: {  	_ =	shalt  }
0x46: {  	_ =	shalt  }
0x47: {  	_ =	shalt  }
0x48: {  	_ =	shalt  }
0x49: {  	_ =	shalt  }
0x4a: {  	_ =	shalt  }
0x4b: {  	_ =	shalt  }
0x4c: {  	_ =	shalt  }
0x4d: {  	_ =	shalt  }
0x4e: {  	_ =	shalt  }
0x4f: {  	_ =	shalt  }
0x50: {  	_ =	shalt  }
0x51: {  	_ =	shalt  }
0x52: {  	_ =	shalt  }
0x53: {  	_ =	shalt  }
0x54: {  	_ =	shalt  }
0x55: {  	_ =	shalt  }
0x56: {  	_ =	shalt  }
0x57: {  	_ =	shalt  }
0x58: {  	_ =	shalt  }
0x59: {  	_ =	shalt  }
0x5a: {  	_ =	shalt  }
0x5b: {  	_ =	shalt  }
0x5c: {  	_ =	shalt  }
0x5d: {  	_ =	shalt  }
0x5e: {  	_ =	shalt  }
0x5f: {  	_ =	shalt  }
0x60: {  	_ =	shalt  }
0x61: {  	_ =	shalt  }
0x62: {  	_ =	shalt  }
0x63: {  	_ =	shalt  }
0x64: {  	_ =	shalt  }
0x65: {  	_ =	shalt  }
0x66: {  	_ =	shalt  }
0x67: {  	_ =	shalt  }
0x68: {  	_ =	shalt  }
0x69: {  	_ =	shalt  }
0x6a: {  	_ =	shalt  }
0x6b: {  	_ =	shalt  }
0x6c: {  	_ =	shalt  }
0x6d: {  	_ =	shalt  }
0x6e: {  	_ =	shalt  }
0x6f: {  	_ =	shalt  }
0x70: {  	_ =	shalt  }
0x71: {  	_ =	shalt  }
0x72: {  	_ =	shalt  }
0x73: {  	_ =	shalt  }
0x74: {  	_ =	shalt  }
0x75: {  	_ =	shalt  }
0x76: {  	_ =	shalt  }
0x77: {  	_ =	shalt  }
0x78: {  	_ =	shalt  }
0x79: {  	_ =	shalt  }
0x7a: {  	_ =	shalt  }
0x7b: {  	_ =	shalt  }
0x7c: {  	_ =	shalt  }
0x7d: {  	_ =	shalt  }
0x7e: {  	_ =	shalt  }
0x7f: {  	_ =	shalt  }
0x80: {  	_ =	shalt  }
0x81: {  	_ =	shalt  }
0x82: {  	_ =	shalt  }
0x83: {  	_ =	shalt  }
0x84: {  	_ =	shalt  }
0x85: {  	_ =	shalt  }
0x86: {  	_ =	shalt  }
0x87: {  	_ =	shalt  }
.Lfunc_end0:
.L_simem_size_0:
called_computation.2_lowered:
.L_overlay_start_0:
0x88: {  	s2 =	sld [smem:$0x3FD9]  }
0x89: {  	s3 =	sld [smem:$0x3FFE];
	_ =	sdelay $0x1  }
0x8a: {  	s1 =	srdreg.scid  }
0x8b: {  	s0 =	sand.u32 $0x1, s1  }
0x8c: {  	s17 =	sshll.u32 s0, $0xA;
	s2 =	sadd.s32 s3, s2  }
0x8d: {  	s2 =	sadd.s32 s2, s17  }
0x8e: {  	[smem:$0x3FBA] =	sst s2  }
0x8f: {  	_ = 	snop  }
0x90: {  	(tm) =	ssettm $0x1  }
0x91: {  	s18 =	sld [smem:$0x3FFB];
	_ =	sdelay $0x3  }
0x92: {  	_ =	strace s18  }
0x93: {  	s2 =	sld [smem:$0x3FFC];
	_ =	sdelay $0x3  }
0x94: {  	_ =	strace s2  }
0x95: {  	s2 =	sld [smem:$0x3FFD];
	_ =	sdelay $0x3  }
0x96: {  	_ =	strace s2  }
0x97: {  	_ =	strace $0x8FFFFFFF  }
0x98: {  	s19 =	sld [smem:$0x3FDB];
	_ =	sdelay $0x1  }
0x99: {  	s20 =	simm.s32 $_scs_section_size  }
0x9a: {  	s4 =	simm.s32 $_size__tile_overlayer_lowered;
	s5 =	simm.s32 $_tile_overlayer_lowered  }
0x9b: {  	s6 =	simm.s32 $0x1BFF;
	s21 =	sshll.u32 s5, $0x1;
	s3 =	sadd.s32 s20, s19  }
0x9c: {  	s22 =	simm.s32 $0x0;
	s4 =	sshll.u32 s4, $0x1;
	s5 =	sadd.s32 s21, s3  }
0x9d: {  	[timem:s22], [sflag:s6] =	dma.local [hbm:s5], s4  }
0x9e: {  	_ =	swait.ge [sflag:s6], s4  }
0x9f: {  	s4 =	ssub.s32 $0x0, s4;
	[sflag:s6] =	ssyncset.done $0x0  }
0xa0: {  	[sflag:s6] =	ssyncadd.s32 s4;
	_ =	sdelay $0x1  }
0xa1: {  	s23 =	simm.s32 $0x1B8B  }
0xa2: {  	_ =	swait.ge [sflag:s23], $0x1  }
0xa3: {  	[sflag:s23] =	ssyncset.done $0x0  }
0xa4: {  	[sflag:s23] =	ssyncadd.s32 $0xFFFFFFFF  }
0xa5: {  	s4 =	sld [smem:$0x0]  }
0xa6: {  	s5 =	sand.u32 $0xFFFFFFFE, s1  }
0xa7: {  	p0 =	sne.s32 s1, s5  }
0xa8: {  	s5 =	sshll.u32 @p0 s5, $0xE  }
0xa9: {  	s5 =	sadd.s32 @p0 $0x11B8D, s5;
	s6 =	sshll.u32 @p0 s4, $0x11  }
0xaa: {  	s5 =	sor.u32 @p0 s6, s5  }
0xab: {  	[sflag:s5] =	ssyncadd.remote.s32 @p0 $0x1;
	_ =	sdelay $0x1  }
0xac: {  	s5 =	simm.s32 @p0 $0x1B8D  }
0xad: {  	_ =	swait.eq @p0 [sflag:s5], $0x1  }
0xae: {  	[sflag:s5] =	ssyncadd.s32 @p0 $0xFFFFFFFF  }
0xaf: {  	s6 =	sshll.u32 @!p0 s1, $0xE  }
0xb0: {  	s6 =	sor.u32 @!p0 $0x4000, s6;
	s5 =	simm.s32 @!p0 $0x1B8D  }
0xb1: {  	s4 =	sshll.u32 @!p0 s4, $0x11;
	s6 =	sadd.s32 @!p0 $0x11B8D, s6;
	_ =	swait.eq @!p0 [sflag:s5], $0x1  }
0xb2: {  	s4 =	sor.u32 @!p0 s4, s6;
	[sflag:s5] =	ssyncadd.s32 @!p0 $0xFFFFFFFF  }
0xb3: {  	s25 =	simm.s32 $0x1B8E;
	s24 =	sld [smem:$0x3FFE];
	[sflag:s4] =	ssyncadd.remote.s32 @!p0 $0x1  }
0xb4: {  	s26 =	simm.s32 $execute0_lowered;
	[smem:$0x3FD2] =	sst s25  }
0xb5: {  	s5 =	sshll.u32 s26, $0x1;
	_ =	strace $0x80000049;
	[dreg:$0x1] =	wrdreg $0xFFFFFFFF  }
0xb6: {  	s28 =	simm.s32 $_size_execute0_lowered;
	s3 =	sadd.s32 s3, s5;
	[dreg:$0x0] =	wrdreg $0x0  }
0xb7: {  	s5 =	sshll.u32 s28, $0x1;
	[dreg:$0x2] =	wrdreg s3  }
0xb8: {  	[dreg:$0x3] =	wrdreg s5  }
0xb9: {  	[dreg:$0x4] =	wrdreg $0xC0  }
0xba: {  	_ =	task [dreg:s22], $0x5FFFF  }
0xbb: {  	[dreg:$0x1] =	wrdreg $0xFFFFFFFF  }
0xbc: {  	[dreg:$0x0] =	wrdreg $0x60  }
0xbd: {  	[dreg:$0x2] =	wrdreg s24  }
0xbe: {  	[dreg:$0x3] =	wrdreg $0x192300  }
0xbf: {  	[dreg:$0x4] =	wrdreg $0x199B00  }
0xc0: {  	[dreg:$0x5] =	wrdreg $0xB  }
0xc1: {  	_ =	task.clear_ibuf [dreg:s22], $0x6FFFF;
	_ =	strace $0x90000049  }
0xc2: {  	s29 =	simm.s32 $0xB;
	_ =	strace $0x8000004B  }
0xc3: {  	_ =	swait.ge [sflag:s29], $0x1  }
0xc4: {  	[sflag:s29] =	ssyncadd.s32 $0xFFFFFFFF  }
0xc5: {  	_ =	strace $0x9000004B  }
0xc6: {  	_ =	sfence  }
0xc7: {  	s30 =	sld [smem:$0x0];
	_ =	sdelay $0x2  }
0xc8: {  	s31 =	sshll.u32 s1, $0xD;
	s1 =	sshrl.u32 s1, $0x2  }
0xc9: {  	s4 =	sand.u32 $0x4000, s31;
	s1 =	sadd.s32 s1, s30  }
0xca: {  	s0 =	sor.u32 s4, s0;
	s1 =	sshll.u32 s1, $0x11  }
0xcb: {  	s0 =	sor.u32 s1, s0  }
0xcc: {  	s0 =	sadd.s32 $0x8F2B, s0  }
0xcd: {  	[sflag:s0] =	ssyncadd.remote.s32 $0x1  }
0xce: {  	_ =	sfence.sel $0xFFFF  }
0xcf: {  	[dreg:$0x0] =	wrdreg $0xFFFFFFFF;
	(pc) =	sbr.abs _section_cstart, $3  }
0xd0: {  	[dreg:$0x1] =	wrdreg $0xFFFFFFFF  }
0xd1: {  	_ =	task.clear_ibuf [dreg:s22], $0x2FFFF;
	_ =	strace $0x9FFFFFFF  }
0xd2: {  	(tm) =	ssettm $0x7FFFFFFF  }
0xd3: {  	_ =	shalt  }
tec
execute0_lowered:
.L_overlay_start_1:
0x0: {  	(tag) =	ssettag $0x1  }
0x1: {  	s0 =	rddreg [dreg:$0x0]  }
0x2: {  	s13 =	rddreg [dreg:$0x1]  }
0x3: {  	s2 =	rddreg [dreg:$0x2]  }
0x4: {  	s4 =	simm.s32 $0x0;
	s1 =	srdreg.scid;
	s14 =	stileid.u32  }
0x5: {  	s28 =	simm.s32 $0x16E40;
	s29 =	simm.s32 $0x3;
	s30 =	simm.s32 $0x16F40  }
0x6: {  	s31 =	simm.s32 $0x16EC0;
	[smem:$0x7FF] =	sst s4;
	s19 =	smul.u32 $0x5000, s14  }
0x7: {  	s5 =	sand.u32 $0x1, s1;
	s6 =	sadd.s32 $0x48A00, s0;
	s9 =	smul.u32 $0x14000, s14  }
0x8: {  	s7 =	sadd.s32 $0x3EC00, s0;
	s8 =	sadd.s32 $0x21800, s0;
	s12 =	smul.u32 $0x1E00, s14  }
0x9: {  	s20 =	sadd.s32 $0x20800, s0;
	s10 =	sadd.s32 $0x2C00, s0;
	s16 =	smul.u32 $0x4E20, s14  }
0xa: {  	s1 =	simm.s32 $0x0;
	_ =	strace $0x8000004A;
	[dreg:$0x4] =	wrdreg s8  }
0xb: {  	s3 =	smul.u32 $0x50000, s5;
	[dreg:$0x5] =	wrdreg s20;
	s21 =	ssub.s32 $0x2, s5  }
0xc: {  	s20 =	simm.s32 $0x7800;
	s11 =	sshrl.u32 s21, $0x1;
	s23 =	sshrl.u32 s9, $0x2  }
0xd: {  	s24 =	sshrl.u32 s12, $0x2;
	s3 =	sadd.s32 s19, s3;
	s22 =	ssub.s32 s21, s11  }
0xe: {  	s11 =	sshll.u32 s14, $0x1;
	s8 =	sadd.s32 s23, s2;
	s9 =	sadd.s32 s24, s13  }
0xf: {  	s13 =	sadd.s32 s19, s2;
	s19 =	simm.s32 $0x2;
	s21 =	simm.s32 $0xF000  }
0x10: {  	s23 =	simm.s32 $0x16800;
	s24 =	simm.s32 $0x16B20;
	s3 =	sshrl.u32 s3, $0x3  }
.Ltmp0:
0x11: {  	[dreg:$0x6] =	wrdreg s9;
	s25 =	sadd.s32 $0x2000, s8;
	(pc) =	sbr.rel .LBB2_1-.Ltmp0, $4  }
0x12: {  	s26 =	sadd.s32 $0x4000, s8;
	s18 =	smax.u32 s22, $0x1;
	[dreg:$0x7] =	wrdreg s25  }
0x13: {  	s22 =	simm.s32 $0x17040;
	s0 =	sadd.s32 s3, s0;
	[dreg:$0x8] =	wrdreg s26  }
0x14: {  	s25 =	simm.s32 $0x80;
	s26 =	simm.s32 $0x18040;
	s0 =	sadd.s32 $0x52800, s0  }
0x15: {  	v0 =	vlaneseq.u32;
	v1 =	vimm.f32 $0.0e+00;
	s3 =	simm.s32 $0x1;
	[dreg:$0x9] =	wrdreg s0;
	s0 =	simm.s32 $0x16FC0  }
.LBB2_23:
0x16: {  	s8 =	stileid.u32;
	[bflag:$0x0] =	sbarrier.arrive $0xFFFF;
	s1 =	sadd.s32 $0x1, s1  }
0x17: {  	s9 =	sshrl.u32 s13, $0x3;
	s8 =	sshll.u32 s8, $0x6;
	p0 =	sne.s32 s1, s18  }
.Ltmp1:
0x18: {  	s12 =	rddreg [dreg:$0x9];
	s8 =	sor.u32 $0x1C02, s8;
	(pc) =	sbr.rel @!p0 .LBB2_24-.Ltmp1, $4  }
0x19: {  	[hbm:s12], [sflag:s8] =	dma.local [spmem:s9], $0xA00  }
0x1a: {  	_ =	swait.ge [sflag:s19], $0xA00  }
0x1b: {  	[sflag:s19] =	ssyncset.done $0x0  }
0x1c: {  	[sflag:s19] =	ssyncadd.s32 $0xFFFFF600  }
.LBB2_1:
0x1d: {  	s8 =	rddreg [dreg:$0x4]  }
0x1e: {  	[tilespmem:s4], [sflag:$0x2] =	stream.linear.gather [hbm4b:s8+s4], $0x7800, $0x38;
	[tilespmem:$0x1E9B0] =	vst v63  }
0x1f: {  	_ =	swait.ge [sflag:s19], $0x7800  }
0x20: {  	[sflag:s19] =	ssyncset.done $0x0  }
0x21: {  	s17 =	rddreg [dreg:$0x5];
	[sflag:s19] =	ssyncadd.s32 $0xFFFF8800  }
0x22: {  	[tilespmem:s20], [sflag:$0x2] =	stream.linear.gather [hbm4b:s17+s4], $0x7800, $0x38;
	[tilespmem:$0x1E9B0] =	vst v63  }
0x23: {  	_ =	swait.ge [sflag:s19], $0x7800  }
0x24: {  	[sflag:s19] =	ssyncset.done $0x0  }
0x25: {  	s9 =	simm.s32 $0x0;
	s8 =	simm.s32 $0x19140;
	[sflag:s19] =	ssyncadd.s32 $0xFFFF8800  }
.LBB2_2:
0x26: {  	p0 =	sne.s32 s9, $0xE0  }
.Ltmp2:
0x27: {  	_ = 	snop;
	(pc) =	sbr.rel @p0 .LBB2_2-.Ltmp2, $3  }
0x28: {  	_ =	sdelay $0x1  }
0x29: {  	v2 =	vor.u32 s9, v0  }
0x2a: {  	s9 =	sadd.s32 $0x10, s9;
	[tilespmem:s8+$0x0] =	vst v2;
	s8 =	sadd.s32 $0x10, s8  }
0x2b: {  	s8 =	simm.s32 $0x0;
	s9 =	simm.s32 $0x200  }
.LBB2_4:
0x2c: {  	p0 =	sne.s32 s9, $0x1DE00;
	[tilespmem:s8+$0xF070] =	vst v1  }
0x2d: {  	[tilespmem:s8+$0xF000] =	vst v1  }
0x2e: {  	[tilespmem:s8+$0xF010] =	vst v1  }
.Ltmp3:
0x2f: {  	[tilespmem:s8+$0xF020] =	vst v1;
	(pc) =	sbr.rel @p0 .LBB2_4-.Ltmp3, $4  }
0x30: {  	[tilespmem:s8+$0xF030] =	vst v1  }
0x31: {  	[tilespmem:s8+$0xF040] =	vst v1  }
0x32: {  	[tilespmem:s8+$0xF050] =	vst v1  }
0x33: {  	[tilespmem:s8+$0xF060] =	vst v1;
	s8 =	sshra.s32 s9, $0x2;
	s9 =	sadd.s32 $0x200, s9  }
0x34: {  	[tilespmem:s8+$0xF070] =	vst v1  }
0x35: {  	[tilespmem:s8+$0xF000] =	vst v1  }
0x36: {  	[tilespmem:s8+$0xF010] =	vst v1  }
0x37: {  	[tilespmem:s8+$0xF020] =	vst v1  }
0x38: {  	[tilespmem:s8+$0xF030] =	vst v1  }
0x39: {  	[tilespmem:s8+$0xF040] =	vst v1  }
0x3a: {  	[tilespmem:s8+$0xF050] =	vst v1  }
0x3b: {  	[tilespmem:s8+$0xF060] =	vst v1;
	s17 =	rddreg [dreg:$0x6]  }
0x3c: {  	[spmem:s17] =	stream.linear.scatter [tilespmem:s21], [sflag:$0x2], $0x780, $0x38;
	[tilespmem:$0x1E9B0] =	vst v63  }
0x3d: {  	_ =	swait.ge [sflag:s19], $0x780  }
0x3e: {  	[sflag:s19] =	ssyncset.done $0x0  }
0x3f: {  	s8 =	simm.s32 $0x80;
	s9 =	simm.s32 $0x0;
	[sflag:s19] =	ssyncadd.s32 $0xFFFFF880  }
.LBB2_6:
0x40: {  	p0 =	sne.s32 s8, $0x7F80;
	[tilespmem:s9+$0x17040] =	vst v1;
	s12 =	smov.u32 s8;
	s8 =	sadd.s32 $0x80, s8  }
.Ltmp4:
0x41: {  	[tilespmem:s9+$0x17050] =	vst v1;
	(pc) =	sbr.rel @p0 .LBB2_6-.Ltmp4, $2  }
0x42: {  	_ =	sdelay $0x2  }
0x43: {  	s9 =	sshra.s32 s12, $0x2  }
0x44: {  	[tilespmem:s9+$0x17040] =	vst v1  }
0x45: {  	[tilespmem:s9+$0x17050] =	vst v1  }
0x46: {  	[spmem:s13] =	stream.linear.scatter [tilespmem:s22], [sflag:$0x2], $0x2000, $0x38;
	[tilespmem:$0x1E9B0] =	vst v63  }
0x47: {  	_ =	swait.ge [sflag:s19], $0x2000  }
0x48: {  	[sflag:s19] =	ssyncset.done $0x0  }
0x49: {  	s8 =	rddreg [dreg:$0x7];
	[sflag:s19] =	ssyncadd.s32 $0xFFFFE000  }
0x4a: {  	[spmem:s8] =	stream.linear.scatter [tilespmem:s22], [sflag:$0x2], $0x2000, $0x38;
	[tilespmem:$0x1E9B0] =	vst v63  }
0x4b: {  	_ =	swait.ge [sflag:s19], $0x2000  }
0x4c: {  	[sflag:s19] =	ssyncset.done $0x0  }
0x4d: {  	s17 =	rddreg [dreg:$0x8];
	[sflag:s19] =	ssyncadd.s32 $0xFFFFE000  }
0x4e: {  	[spmem:s17] =	stream.linear.scatter [tilespmem:s22], [sflag:$0x2], $0x1000, $0x38;
	[tilespmem:$0x1E9B0] =	vst v63  }
0x4f: {  	_ =	swait.ge [sflag:s19], $0x1000  }
0x50: {  	[sflag:s19] =	ssyncset.done $0x0  }
0x51: {  	[sflag:s19] =	ssyncadd.s32 $0xFFFFF000  }
0x52: {  	s9 =	simm.s32 $0x0;
	s8 =	simm.s32 $0x0;
	[bflag:$0x0] =	sbarrier.arrive $0xFFFF  }
.LBB2_8:
0x53: {  	s12 =	smul.u32 $0x320, s9;
	_ =	sdelay $0x1  }
0x54: {  	s12 =	sadd.s32 s16, s12  }
0x55: {  	s12 =	sshrl.u32 s12, $0x3  }
0x56: {  	s14 =	sadd.s32 s6, s12  }
0x57: {  	[tilespmem:s23], [sflag:$0x2] =	stream.linear.gather [hbm4b:s14+s8], $0x320, $0x38;
	[tilespmem:$0x1E9B0] =	vst v63  }
0x58: {  	_ =	swait.ge [sflag:s19], $0x320  }
0x59: {  	[sflag:s19] =	ssyncset.done $0x0  }
0x5a: {  	s12 =	sadd.s32 s7, s12;
	[sflag:s19] =	ssyncadd.s32 $0xFFFFFCE0  }
0x5b: {  	[tilespmem:s24], [sflag:$0x2] =	stream.linear.gather [hbm4b:s12+s8], $0x320, $0x38;
	[tilespmem:$0x1E9B0] =	vst v63  }
0x5c: {  	_ =	swait.ge [sflag:s19], $0x320  }
0x5d: {  	[sflag:s19] =	ssyncset.done $0x0  }
0x5e: {  	s17 =	simm.s32 $0x0;
	[sflag:s19] =	ssyncadd.s32 $0xFFFFFCE0  }
0x5f: {  	v2 =	vld [tilespmem:s17+$0x16800]  }
0x60: {  	v3 =	vld [tilespmem:s17+$0x16B20];
	_ =	sdelay $0x3  }
0x61: {  	v2 =	vmul.u32 $0x3, v2  }
0x62: {  	v3 =	vmul.u32 $0x3, v3;
	_ =	sdelay $0x4  }
0x63: {  	v4 =	vld.idx.msk [tilespmem:v2+s4+$0x0], $0xffff  }
0x64: {  	v5 =	vld.idx.msk [tilespmem:v3+s20+$0x0], $0xffff;
	_ =	sdelay $0x4  }
0x65: {  	v4 =	vadd.f32 v5, v4;
	_ =	sdelay $0x1  }
0x66: {  	v5 =	vmul.f32 $9.999999770e-03, v4  }
0x67: {  	vm0 =	vge.f32 v4, $0.0e+00  }
0x68: {  	v4 =	vsel vm0, v4, v5  }
0x69: {  	v4 =	vmul.f32 $1.442695020e+00, v4;
	_ =	sdelay $0x1  }
0x6a: {  	(erf) = vpow2.f32 v4;
	_ =	sdelay $0x5  }
0x6b: {  	v60 =	vadd.s32 $0x1, v2  }
0x6c: {  	v61 =	vadd.s32 $0x1, v3;
	_ =	sdelay $0x1  }
0x6d: {  	v6 =	vpop (erf)  }
0x6e: {  	[tilespmem:v3+s21+$0x0] =	vst.idx.add.f32.msk $0xffff, v6  }
0x6f: {  	v4 =	vld.idx.msk [tilespmem:v60+s4+$0x0], $0xffff  }
0x70: {  	v6 =	vld.idx.msk [tilespmem:v61+s20+$0x0], $0xffff;
	_ =	sdelay $0x4  }
0x71: {  	v4 =	vadd.f32 v6, v4;
	_ =	sdelay $0x1  }
0x72: {  	v6 =	vmul.f32 $9.999999770e-03, v4  }
0x73: {  	vm14 =	vge.f32 v4, $0.0e+00  }
0x74: {  	v4 =	vsel vm14, v4, v6  }
0x75: {  	v4 =	vmul.f32 $1.442695020e+00, v4;
	_ =	sdelay $0x1  }
0x76: {  	(erf) = vpow2.f32 v4;
	_ =	sdelay $0x5  }
0x77: {  	v62 =	vadd.s32 $0x2, v2  }
0x78: {  	v2 =	vadd.s32 $0x2, v3;
	_ =	sdelay $0x1  }
0x79: {  	v3 =	vpop (erf)  }
0x7a: {  	[tilespmem:v61+s21+$0x0] =	vst.idx.add.f32.msk $0xffff, v3  }
0x7b: {  	v3 =	vld.idx.msk [tilespmem:v62+s4+$0x0], $0xffff  }
0x7c: {  	v63 =	vld.idx.msk [tilespmem:v2+s20+$0x0], $0xffff;
	_ =	sdelay $0x4  }
0x7d: {  	v3 =	vadd.f32 v63, v3;
	_ =	sdelay $0x1  }
0x7e: {  	v4 =	vmul.f32 $9.999999770e-03, v3  }
0x7f: {  	vm15 =	vge.f32 v3, $0.0e+00  }
0x80: {  	v3 =	vsel vm15, v3, v4  }
0x81: {  	v3 =	vmul.f32 $1.442695020e+00, v3;
	_ =	sdelay $0x1  }
0x82: {  	s12 =	simm.s32 $0x40;
	(erf) = vpow2.f32 v3  }
.LBB2_9:
0x83: {  	_ =	sdelay $0x5  }
0x84: {  	p0 =	sne.s32 s12, $0xC40;
	s14 =	smov.u32 s12;
	s12 =	sadd.s32 $0x40, s12  }
0x85: {  	_ = 	snop  }
0x86: {  	v3 =	vpop (erf)  }
0x87: {  	s14 =	sshra.s32 s14, $0x2;
	[tilespmem:v2+s21+$0x0] =	vst.idx.add.f32.msk $0xffff, v3  }
0x88: {  	v2 =	vld [tilespmem:s14+$0x16800]  }
0x89: {  	v3 =	vld [tilespmem:s14+$0x16B20];
	_ =	sdelay $0x3  }
0x8a: {  	v2 =	vmul.u32 $0x3, v2  }
0x8b: {  	v3 =	vmul.u32 $0x3, v3;
	_ =	sdelay $0x4  }
0x8c: {  	v4 =	vld.idx.msk [tilespmem:v2+s4+$0x0], $0xffff  }
0x8d: {  	v5 =	vld.idx.msk [tilespmem:v3+s20+$0x0], $0xffff;
	_ =	sdelay $0x5  }
0x8e: {  	v4 =	vadd.f32 v5, v4;
	_ =	sdelay $0x1  }
0x8f: {  	vm0 =	vge.f32 v4, $0.0e+00;
	v5 =	vmul.f32 $9.999999770e-03, v4;
	_ =	sdelay $0x1  }
0x90: {  	v4 =	vsel vm0, v4, v5  }
0x91: {  	v4 =	vmul.f32 $1.442695020e+00, v4;
	_ =	sdelay $0x1  }
0x92: {  	(erf) = vpow2.f32 v4;
	_ =	sdelay $0x5  }
0x93: {  	v5 =	vadd.s32 $0x1, v3;
	v4 =	vadd.s32 $0x1, v2;
	_ =	sdelay $0x2  }
0x94: {  	v6 =	vpop (erf)  }
0x95: {  	[tilespmem:v3+s21+$0x0] =	vst.idx.add.f32.msk $0xffff, v6  }
0x96: {  	v4 =	vld.idx.msk [tilespmem:v4+s4+$0x0], $0xffff  }
0x97: {  	v6 =	vld.idx.msk [tilespmem:v5+s20+$0x0], $0xffff;
	_ =	sdelay $0x5  }
0x98: {  	v4 =	vadd.f32 v6, v4;
	_ =	sdelay $0x1  }
0x99: {  	vm0 =	vge.f32 v4, $0.0e+00;
	v6 =	vmul.f32 $9.999999770e-03, v4;
	_ =	sdelay $0x1  }
0x9a: {  	v4 =	vsel vm0, v4, v6  }
0x9b: {  	v4 =	vmul.f32 $1.442695020e+00, v4;
	_ =	sdelay $0x1  }
0x9c: {  	(erf) = vpow2.f32 v4;
	_ =	sdelay $0x5  }
0x9d: {  	v4 =	vadd.s32 $0x2, v2;
	v2 =	vadd.s32 $0x2, v3;
	_ =	sdelay $0x2  }
0x9e: {  	v3 =	vpop (erf)  }
0x9f: {  	[tilespmem:v5+s21+$0x0] =	vst.idx.add.f32.msk $0xffff, v3  }
0xa0: {  	v3 =	vld.idx.msk [tilespmem:v4+s4+$0x0], $0xffff  }
0xa1: {  	v4 =	vld.idx.msk [tilespmem:v2+s20+$0x0], $0xffff;
	_ =	sdelay $0x5  }
0xa2: {  	v3 =	vadd.f32 v4, v3;
	_ =	sdelay $0x1  }
0xa3: {  	vm0 =	vge.f32 v3, $0.0e+00;
	v4 =	vmul.f32 $9.999999770e-03, v3  }
.Ltmp5:
0xa4: {  	(pc) =	sbr.rel @p0 .LBB2_9-.Ltmp5, $3  }
0xa5: {  	v3 =	vsel vm0, v3, v4  }
0xa6: {  	v3 =	vmul.f32 $1.442695020e+00, v3;
	_ =	sdelay $0x1  }
0xa7: {  	(erf) = vpow2.f32 v3  }
0xa8: {  	_ =	sdelay $0x2  }
0xa9: {  	s9 =	sadd.s32 $0x1, s9  }
0xaa: {  	p0 =	sne.s32 s9, $0x19  }
.Ltmp6:
0xab: {  	_ = 	snop;
	(pc) =	sbr.rel @p0 .LBB2_8-.Ltmp6, $3  }
0xac: {  	_ =	sdelay $0x1  }
0xad: {  	v3 =	vpop (erf)  }
0xae: {  	[tilespmem:v2+s21+$0x0] =	vst.idx.add.f32.msk $0xffff, v3  }
0xaf: {  	s8 =	rddreg [dreg:$0x1];
	s9 =	simm.s32 $0xF0;
	s12 =	simm.s32 $0x19140  }
0xb0: {  	[spmem:s8] =	stream.indirect.scatter.add.f32 [tilespmem:s21], [sflag:$0x2], $0x80, s12, s9, $0xb8;
	[tilespmem:$0x1E9B0] =	vst v63  }
0xb1: {  	_ =	swait.ge [sflag:s19], $0x7800  }
0xb2: {  	[sflag:s19] =	ssyncset.done $0x0  }
0xb3: {  	[sflag:s19] =	ssyncadd.s32 $0xFFFF8800  }
0xb4: {  	[bflag:$0x0] =	sbarrier.arrive $0xFFFF  }
0xb5: {  	[tilespmem:s21], [sflag:$0x2] =	stream.linear.gather [spmem:s8], $0x7800, $0x38;
	[tilespmem:$0x1E9B0] =	vst v63  }
0xb6: {  	_ =	swait.ge [sflag:s19], $0x7800  }
0xb7: {  	[sflag:s19] =	ssyncset.done $0x0  }
0xb8: {  	s9 =	simm.s32 $0x0;
	[sflag:s19] =	ssyncadd.s32 $0xFFFF8800  }
0xb9: {  	v6 =	vld [tilespmem:s9+$0xF000]  }
0xba: {  	v8 =	vld [tilespmem:s9+$0xF010]  }
0xbb: {  	v5 =	vld [tilespmem:s9+$0xF020]  }
0xbc: {  	v2 =	vld [tilespmem:s9+$0xF030]  }
0xbd: {  	v3 =	vld [tilespmem:s9+$0xF040]  }
0xbe: {  	v4 =	vld [tilespmem:s9+$0xF050];
	v7 =	vadd.f32 $1.000000020e-16, v6  }
0xbf: {  	s12 =	simm.s32 $0x200;
	s8 =	simm.s32 $0x0;
	v8 =	vadd.f32 $1.000000020e-16, v8;
	v6 =	vld [tilespmem:s9+$0xF060]  }
.LBB2_12:
0xc0: {  	p0 =	sne.s32 s12, $0x1DE00;
	v5 =	vadd.f32 $1.000000020e-16, v5;
	v9 =	vld [tilespmem:s9+$0xF070];
	(erf) = vrcp.f32 v7  }
0xc1: {  	v2 =	vadd.f32 $1.000000020e-16, v2;
	(erf) = vrcp.f32 v8  }
0xc2: {  	v3 =	vadd.f32 $1.000000020e-16, v3;
	(erf) = vrcp.f32 v5  }
0xc3: {  	v4 =	vadd.f32 $1.000000020e-16, v4;
	(erf) = vrcp.f32 v2  }
0xc4: {  	v2 =	vadd.f32 $1.000000020e-16, v6;
	(erf) = vrcp.f32 v3  }
0xc5: {  	v3 =	vadd.f32 $1.000000020e-16, v9;
	(erf) = vrcp.f32 v4  }
0xc6: {  	(erf) = vrcp.f32 v2  }
0xc7: {  	(erf) = vrcp.f32 v3;
	_ =	sdelay $0x1  }
0xc8: {  	v2 =	vpop (erf)  }
0xc9: {  	s14 =	sshra.s32 s12, $0x2;
	[tilespmem:s9+$0xF000] =	vst v2;
	v2 =	vpop (erf)  }
0xca: {  	v4 =	vld [tilespmem:s14+$0xF000];
	[tilespmem:s9+$0xF010] =	vst v2;
	v2 =	vpop (erf)  }
0xcb: {  	v6 =	vld [tilespmem:s14+$0xF010];
	[tilespmem:s9+$0xF020] =	vst v2;
	v2 =	vpop (erf)  }
.Ltmp7:
0xcc: {  	v5 =	vld [tilespmem:s14+$0xF020];
	[tilespmem:s9+$0xF030] =	vst v2;
	v3 =	vpop (erf);
	(pc) =	sbr.rel @p0 .LBB2_12-.Ltmp7, $4  }
0xcd: {  	v2 =	vld [tilespmem:s14+$0xF030];
	[tilespmem:s9+$0xF040] =	vst v3;
	v7 =	vpop (erf)  }
0xce: {  	v3 =	vld [tilespmem:s14+$0xF040];
	[tilespmem:s9+$0xF050] =	vst v7;
	v8 =	vpop (erf)  }
0xcf: {  	v7 =	vadd.f32 $1.000000020e-16, v4;
	v4 =	vld [tilespmem:s14+$0xF050];
	[tilespmem:s9+$0xF060] =	vst v8;
	v9 =	vpop (erf)  }
0xd0: {  	s12 =	sadd.s32 $0x200, s12;
	v8 =	vadd.f32 $1.000000020e-16, v6;
	v6 =	vld [tilespmem:s14+$0xF060];
	[tilespmem:s9+$0xF070] =	vst v9;
	s9 =	smov.u32 s14  }
0xd1: {  	v5 =	vadd.f32 $1.000000020e-16, v5;
	v9 =	vld [tilespmem:s9+$0xF070];
	(erf) = vrcp.f32 v7  }
0xd2: {  	v2 =	vadd.f32 $1.000000020e-16, v2;
	(erf) = vrcp.f32 v8  }
0xd3: {  	v3 =	vadd.f32 $1.000000020e-16, v3;
	(erf) = vrcp.f32 v5  }
0xd4: {  	v4 =	vadd.f32 $1.000000020e-16, v4;
	(erf) = vrcp.f32 v2  }
0xd5: {  	v2 =	vadd.f32 $1.000000020e-16, v6;
	(erf) = vrcp.f32 v3  }
0xd6: {  	v3 =	vadd.f32 $1.000000020e-16, v9;
	(erf) = vrcp.f32 v4  }
0xd7: {  	(erf) = vrcp.f32 v2  }
0xd8: {  	(erf) = vrcp.f32 v3;
	_ =	sdelay $0x1  }
0xd9: {  	v2 =	vpop (erf)  }
0xda: {  	[tilespmem:s9+$0xF000] =	vst v2;
	v2 =	vpop (erf)  }
0xdb: {  	[tilespmem:s9+$0xF010] =	vst v2;
	v2 =	vpop (erf)  }
0xdc: {  	[tilespmem:s9+$0xF020] =	vst v2;
	v2 =	vpop (erf)  }
.Ltmp8:
0xdd: {  	[tilespmem:s9+$0xF030] =	vst v2;
	v2 =	vpop (erf);
	(pc) =	sbr.rel .LBB2_14-.Ltmp8, $4  }
0xde: {  	[tilespmem:s9+$0xF040] =	vst v2;
	v2 =	vpop (erf)  }
0xdf: {  	[tilespmem:s9+$0xF050] =	vst v2;
	v2 =	vpop (erf)  }
0xe0: {  	[tilespmem:s9+$0xF060] =	vst v2;
	v2 =	vpop (erf)  }
0xe1: {  	[tilespmem:s9+$0xF070] =	vst v2  }
.LBB2_21:
0xe2: {  	[tilespmem:s9+$0xFFFFFF00] =	vst v25;
	v16 =	vmul.f32 v16, v6  }
0xe3: {  	v23 =	vmul.f32 v23, v17;
	[tilespmem:s9+$0xFFFFFF40] =	vst v24  }
0xe4: {  	v12 =	vmul.f32 v12, v19;
	[tilespmem:s9+$0xE0] =	vst v16  }
0xe5: {  	v32 =	vmul.f32 v21, v15;
	[tilespmem:s9+$0xC0] =	vst v23  }
0xe6: {  	v20 =	vmul.f32 v22, v20;
	[tilespmem:s9+$0xFFFFFF10] =	vst v12  }
0xe7: {  	v34 =	vmul.f32 v14, v17;
	[tilespmem:s9+$0x90] =	vst v32  }
0xe8: {  	v40 =	vbroadcast v4, $0x6;
	v9 =	vmul.f32 v9, v15;
	[tilespmem:s9+$0xFFFFFF50] =	vst v20  }
0xe9: {  	v42 =	vmul.f32 v18, v13;
	[tilespmem:s9+$0xD0] =	vst v34  }
0xea: {  	v44 =	vbroadcast v4, $0x5;
	v8 =	vmul.f32 v8, v40;
	[tilespmem:s9+$0x80] =	vst v9  }
0xeb: {  	v46 =	vbroadcast v4, $0x7;
	v10 =	vmul.f32 v10, v40;
	[tilespmem:s9+$0xB0] =	vst v42  }
0xec: {  	v30 =	vld [tilespmem:s9+$0xA0];
	v36 =	vbroadcast v4, $0xB;
	v7 =	vmul.f32 v7, v44;
	[tilespmem:s9+$0xFFFFFFD0] =	vst v8  }
0xed: {  	v31 =	vld [tilespmem:s9+$0x70];
	v53 =	vbroadcast v4, $0x3;
	v5 =	vmul.f32 v5, v46;
	[tilespmem:s9+$0xFFFFFFC0] =	vst v10  }
0xee: {  	v33 =	vld [tilespmem:s9+$0xFFFFFFB0];
	v58 =	vbroadcast v4, $0x4;
	v11 =	vmul.f32 v11, v36;
	[tilespmem:s9+$0xFFFFFFA0] =	vst v7  }
0xef: {  	v35 =	vld [tilespmem:s9+$0xFFFFFF20];
	v2 =	vmul.f32 v2, v53;
	[tilespmem:s9+$0xFFFFFFF0] =	vst v5  }
0xf0: {  	v39 =	vld [tilespmem:s9+$0x40];
	v3 =	vmul.f32 v3, v58;
	[tilespmem:s9+$0x60] =	vst v11  }
0xf1: {  	v37 =	vld [tilespmem:s9+$0xFFFFFFE0];
	[tilespmem:s9+$0xFFFFFF60] =	vst v2;
	v38 =	vmul.f32 v30, v13  }
0xf2: {  	v51 =	vbroadcast v4, $0x1;
	v54 =	vld [tilespmem:s9+$0xF0];
	[tilespmem:s9+$0xFFFFFF90] =	vst v3;
	v19 =	vmul.f32 v31, v36  }
0xf3: {  	v48 =	vld [tilespmem:s9+$0xFFFFFF70];
	v55 =	vbroadcast v4, $0xA;
	v52 =	vmul.f32 v33, v44;
	[tilespmem:s9+$0xA0] =	vst v38  }
0xf4: {  	v45 =	vld [tilespmem:s9+$0x30];
	v14 =	vmul.f32 v35, v51;
	[tilespmem:s9+$0x70] =	vst v19  }
0xf5: {  	v49 =	vld [tilespmem:s9+$0xFFFFFF80];
	v57 =	vmul.f32 v39, v55;
	[tilespmem:s9+$0xFFFFFFB0] =	vst v52  }
0xf6: {  	v43 =	vld [tilespmem:s9+$0x20];
	v9 =	vmul.f32 v37, v46;
	[tilespmem:s9+$0xFFFFFF20] =	vst v14  }
0xf7: {  	v56 =	vld [tilespmem:s9+$0xFFFFFF30];
	v59 =	vbroadcast v4, $0x9;
	v2 =	vmul.f32 v54, v6;
	[tilespmem:s9+$0x40] =	vst v57  }
0xf8: {  	v41 =	vld [tilespmem:s9+$0x50];
	v60 =	vmul.f32 v48, v53;
	[tilespmem:s9+$0xFFFFFFE0] =	vst v9  }
0xf9: {  	v47 =	vld [tilespmem:s9+$0x0];
	v3 =	vmul.f32 v45, v59;
	[tilespmem:s9+$0xF0] =	vst v2  }
0xfa: {  	v50 =	vld [tilespmem:s9+$0x10];
	v62 =	vmul.f32 v49, v58;
	[tilespmem:s9+$0xFFFFFF70] =	vst v60  }
0xfb: {  	v2 =	vmul.f32 v43, v59;
	[tilespmem:s9+$0x30] =	vst v3  }
0xfc: {  	v61 =	vbroadcast v4, $0x8;
	v63 =	vmul.f32 v56, v51;
	[tilespmem:s9+$0xFFFFFF80] =	vst v62  }
0xfd: {  	[tilespmem:s9+$0x20] =	vst v2;
	v2 =	vmul.f32 v41, v55  }
0xfe: {  	v3 =	vmul.f32 v47, v61;
	[tilespmem:s9+$0xFFFFFF30] =	vst v63  }
0xff: {  	[tilespmem:s9+$0x50] =	vst v2;
	v2 =	vmul.f32 v50, v61  }
0x100: {  	[tilespmem:s9+$0x0] =	vst v3  }
0x101: {  	[tilespmem:s9+$0x10] =	vst v2  }
0x102: {  	[spmem:s2] =	stream.indirect.scatter.add.f32 [tilespmem:s22], [sflag:$0x3], $0x20, s30, s25, $0xb8;
	[tilespmem:$0x1E9B0] =	vst v63  }
0x103: {  	_ =	swait.ge [sflag:s29], $0x1000  }
0x104: {  	[sflag:s29] =	ssyncset.done $0x0  }
0x105: {  	[sflag:s29] =	ssyncadd.s32 $0xFFFFF000  }
0x106: {  	[spmem:s2] =	stream.indirect.scatter.add.f32 [tilespmem:s26], [sflag:$0x2], $0x20, s0, s25, $0xb8;
	[tilespmem:$0x1E9B0] =	vst v63  }
0x107: {  	_ =	swait.ge [sflag:s19], $0x1000  }
0x108: {  	[sflag:s19] =	ssyncset.done $0x0  }
0x109: {  	[sflag:s19] =	ssyncadd.s32 $0xFFFFF000  }
.LBB2_22:
0x10a: {  	s8 =	sadd.s32 $0x1, s8  }
0x10b: {  	p0 =	sne.s32 s8, $0x28  }
.Ltmp9:
0x10c: {  	_ = 	snop;
	(pc) =	sbr.rel @!p0 .LBB2_23-.Ltmp9, $1  }
0x10d: {  	_ =	sdelay $0x3  }
.LBB2_14:
0x10e: {  	s9 =	sshll.u32 s8, $0x5  }
0x10f: {  	s9 =	sor.u32 s11, s9  }
0x110: {  	p0 =	sgt.u32 s9, $0x4E1  }
.Ltmp10:
0x111: {  	_ = 	snop;
	(pc) =	sbr.rel @p0 .LBB2_22-.Ltmp10, $1  }
0x112: {  	_ =	sdelay $0x3  }
0x113: {  	s9 =	sor.u32 s5, s9  }
0x114: {  	s9 =	sshll.u32 s9, $0x5  }
0x115: {  	s12 =	simm.s32 $0x0;
	s14 =	sadd.s32 s6, s9  }
0x116: {  	[tilespmem:s28], [sflag:$0x3] =	stream.linear.gather [hbm4b:s14+s12], $0x80, $0x38;
	[tilespmem:$0x1E9B0] =	vst v63  }
0x117: {  	_ =	swait.ge [sflag:s29], $0x80  }
0x118: {  	[sflag:s29] =	ssyncset.done $0x0  }
0x119: {  	s15 =	sadd.s32 s7, s9;
	[sflag:s29] =	ssyncadd.s32 $0xFFFFFF80  }
0x11a: {  	[tilespmem:s30], [sflag:$0x3] =	stream.linear.gather [hbm4b:s15+s12], $0x80, $0x38;
	[tilespmem:$0x1E9B0] =	vst v63  }
0x11b: {  	_ =	swait.ge [sflag:s29], $0x80  }
0x11c: {  	s9 =	sor.u32 $0x10, s9;
	[sflag:s29] =	ssyncset.done $0x0  }
0x11d: {  	s17 =	sadd.s32 s6, s9;
	[sflag:s29] =	ssyncadd.s32 $0xFFFFFF80  }
0x11e: {  	[tilespmem:s31], [sflag:$0x3] =	stream.linear.gather [hbm4b:s17+s12], $0x80, $0x38;
	[tilespmem:$0x1E9B0] =	vst v63  }
0x11f: {  	_ =	swait.ge [sflag:s29], $0x80  }
0x120: {  	[sflag:s29] =	ssyncset.done $0x0  }
0x121: {  	s9 =	sadd.s32 s7, s9;
	[sflag:s29] =	ssyncadd.s32 $0xFFFFFF80  }
0x122: {  	[tilespmem:s0], [sflag:$0x3] =	stream.linear.gather [hbm4b:s9+s12], $0x80, $0x38;
	[tilespmem:$0x1E9B0] =	vst v63  }
0x123: {  	_ =	swait.ge [sflag:s29], $0x80  }
0x124: {  	[sflag:s29] =	ssyncset.done $0x0  }
0x125: {  	[sflag:s29] =	ssyncadd.s32 $0xFFFFFF80  }
0x126: {  	[tilespmem:s22], [sflag:$0x1] =	stream.indirect.gather [hbm4b:s10+s25], $0x20, s28, s25, $0xb8;
	[tilespmem:$0x1E9B0] =	vst v63  }
0x127: {  	_ = 	snop  }
0x128: {  	[tilespmem:s26], [sflag:$0x1] =	stream.indirect.gather [hbm4b:s10+s25], $0x20, s31, s25, $0xb8;
	[tilespmem:$0x1E9B0] =	vst v63  }
0x129: {  	_ =	swait.ge [sflag:s3], $0x1000  }
0x12a: {  	[sflag:s3] =	ssyncset.done $0x0  }
0x12b: {  	[sflag:s3] =	ssyncadd.s32 $0xFFFFF000  }
0x12c: {  	_ =	swait.ge [sflag:s3], $0x1000  }
0x12d: {  	[sflag:s3] =	ssyncset.done $0x0  }
0x12e: {  	s9 =	simm.s32 $0x0;
	[sflag:s3] =	ssyncadd.s32 $0xFFFFF000  }
0x12f: {  	v2 =	vld [tilespmem:s9+$0x16F40]  }
0x130: {  	v3 =	vld [tilespmem:s9+$0x16E40];
	_ =	sdelay $0x3  }
0x131: {  	v2 =	vmul.u32 $0x3, v2  }
0x132: {  	v3 =	vmul.u32 $0x3, v3;
	_ =	sdelay $0x4  }
0x133: {  	v4 =	vld.idx.msk [tilespmem:v2+s20+$0x0], $0xffff  }
0x134: {  	v5 =	vld.idx.msk [tilespmem:v3+s12+$0x0], $0xffff  }
0x135: {  	v7 =	vadd.s32 $0x1, v3  }
0x136: {  	v6 =	vadd.s32 $0x1, v2  }
0x137: {  	v8 =	vadd.s32 $0x2, v2  }
0x138: {  	v3 =	vadd.s32 $0x2, v3  }
0x139: {  	v4 =	vadd.f32 v4, v5  }
0x13a: {  	v7 =	vld.idx.msk [tilespmem:v7+s12+$0x0], $0xffff  }
0x13b: {  	v5 =	vld.idx.msk [tilespmem:v6+s20+$0x0], $0xffff;
	v9 =	vmul.f32 $9.999999770e-03, v4  }
0x13c: {  	v62 =	vld.idx.msk [tilespmem:v8+s20+$0x0], $0xffff;
	vm0 =	vge.f32 v4, $0.0e+00  }
0x13d: {  	v3 =	vld.idx.msk [tilespmem:v3+s12+$0x0], $0xffff;
	v4 =	vsel vm0, v4, v9  }
0x13e: {  	v4 =	vmul.f32 $1.442695020e+00, v4;
	_ =	sdelay $0x1  }
0x13f: {  	(erf) = vpow2.f32 v4;
	v4 =	vadd.f32 v5, v7;
	_ =	sdelay $0x1  }
0x140: {  	v3 =	vadd.f32 v62, v3;
	v5 =	vmul.f32 $9.999999770e-03, v4  }
0x141: {  	vm14 =	vge.f32 v4, $0.0e+00  }
0x142: {  	v63 =	vld.idx.msk [tilespmem:v2+s21+$0x0], $0xffff;
	v7 =	vmul.f32 $9.999999770e-03, v3;
	v2 =	vsel vm14, v4, v5  }
0x143: {  	vm15 =	vge.f32 v3, $0.0e+00;
	v2 =	vmul.f32 $1.442695020e+00, v2  }
0x144: {  	v3 =	vsel vm15, v3, v7  }
0x145: {  	v4 =	vmul.f32 $1.442695020e+00, v3;
	(erf) = vpow2.f32 v2;
	_ =	sdelay $0x1  }
0x146: {  	v5 =	vpop (erf);
	(erf) = vpow2.f32 v4;
	_ =	sdelay $0x2  }
0x147: {  	v3 =	vld.idx.msk [tilespmem:v6+s21+$0x0], $0xffff;
	_ =	sdelay $0x1  }
0x148: {  	s15 =	simm.s32 $0x10;
	v2 =	vld.idx.msk [tilespmem:v8+s21+$0x0], $0xffff  }
0x149: {  	s14 =	simm.s32 $0x0;
	s17 =	simm.s32 $0x80;
	v4 =	vld [tilespmem:s15+$0x16F40];
	v5 =	vmul.f32 v5, v63  }
.LBB2_16:
0x14a: {  	p0 =	sne.s32 s17, $0x1C0;
	v6 =	vld [tilespmem:s15+$0x16E40];
	v7 =	vpop (erf)  }
0x14b: {  	v5 =	vadd.f32 $0.0e+00, v5;
	v3 =	vmul.f32 v7, v3  }
0x14c: {  	v7 =	vpop (erf)  }
0x14d: {  	v3 =	vadd.f32 v3, v5;
	v2 =	vmul.f32 v7, v2  }
0x14e: {  	v4 =	vmul.u32 $0x3, v4  }
0x14f: {  	v5 =	vmul.u32 $0x3, v6;
	v2 =	vadd.f32 v2, v3;
	_ =	sdelay $0x1  }
0x150: {  	v3 =	vadd.s32 $0x1, v4;
	v2 =	vmul.f32 $3.333333430e-01, v2  }
0x151: {  	v6 =	vadd.s32 $0x1, v5  }
0x152: {  	v7 =	vadd.s32 $0x2, v4;
	[tilespmem:s14+$0x19040] =	vst v2;
	s14 =	smov.u32 s15  }
0x153: {  	v8 =	vadd.s32 $0x2, v5;
	v2 =	vld.idx.msk [tilespmem:v4+s20+$0x0], $0xffff  }
0x154: {  	v5 =	vld.idx.msk [tilespmem:v5+s12+$0x0], $0xffff  }
0x155: {  	v9 =	vld.idx.msk [tilespmem:v3+s20+$0x0], $0xffff  }
0x156: {  	v6 =	vld.idx.msk [tilespmem:v6+s12+$0x0], $0xffff  }
0x157: {  	v10 =	vld.idx.msk [tilespmem:v7+s20+$0x0], $0xffff  }
0x158: {  	v8 =	vld.idx.msk [tilespmem:v8+s12+$0x0], $0xffff;
	_ =	sdelay $0x1  }
0x159: {  	v2 =	vadd.f32 v2, v5;
	_ =	sdelay $0x1  }
0x15a: {  	v5 =	vmul.f32 $9.999999770e-03, v2;
	v6 =	vadd.f32 v9, v6  }
0x15b: {  	vm0 =	vge.f32 v2, $0.0e+00  }
0x15c: {  	v2 =	vsel vm0, v2, v5;
	v5 =	vmul.f32 $9.999999770e-03, v6;
	v8 =	vadd.f32 v10, v8  }
0x15d: {  	vm0 =	vge.f32 v6, $0.0e+00;
	v2 =	vmul.f32 $1.442695020e+00, v2  }
0x15e: {  	v5 =	vsel vm0, v6, v5;
	v6 =	vmul.f32 $9.999999770e-03, v8  }
0x15f: {  	vm0 =	vge.f32 v8, $0.0e+00;
	v5 =	vmul.f32 $1.442695020e+00, v5;
	(erf) = vpow2.f32 v2  }
0x160: {  	v2 =	vsel vm0, v8, v6  }
0x161: {  	v2 =	vmul.f32 $1.442695020e+00, v2;
	(erf) = vpow2.f32 v5;
	_ =	sdelay $0x1  }
0x162: {  	v5 =	vld.idx.msk [tilespmem:v4+s21+$0x0], $0xffff;
	(erf) = vpow2.f32 v2;
	_ =	sdelay $0x1  }
.Ltmp11:
0x163: {  	v3 =	vld.idx.msk [tilespmem:v3+s21+$0x0], $0xffff;
	(pc) =	sbr.rel @p0 .LBB2_16-.Ltmp11, $4  }
0x164: {  	_ = 	snop  }
0x165: {  	v2 =	vld.idx.msk [tilespmem:v7+s21+$0x0], $0xffff  }
0x166: {  	s15 =	sshra.s32 s17, $0x2;
	v6 =	vpop (erf)  }
0x167: {  	s17 =	sadd.s32 $0x40, s17;
	v4 =	vld [tilespmem:s15+$0x16F40];
	v5 =	vmul.f32 v6, v5  }
0x168: {  	v6 =	vld [tilespmem:s15+$0x16E40];
	v7 =	vpop (erf)  }
0x169: {  	v5 =	vadd.f32 $0.0e+00, v5;
	v3 =	vmul.f32 v7, v3  }
0x16a: {  	v7 =	vpop (erf)  }
0x16b: {  	v3 =	vadd.f32 v3, v5;
	v2 =	vmul.f32 v7, v2  }
0x16c: {  	v4 =	vmul.u32 $0x3, v4  }
0x16d: {  	v5 =	vmul.u32 $0x3, v6;
	v2 =	vadd.f32 v2, v3;
	_ =	sdelay $0x1  }
0x16e: {  	v3 =	vadd.s32 $0x1, v4;
	v2 =	vmul.f32 $3.333333430e-01, v2  }
0x16f: {  	v6 =	vadd.s32 $0x1, v5  }
0x170: {  	v7 =	vadd.s32 $0x2, v4;
	[tilespmem:s14+$0x19040] =	vst v2  }
0x171: {  	v8 =	vadd.s32 $0x2, v5;
	v2 =	vld.idx.msk [tilespmem:v4+s20+$0x0], $0xffff  }
0x172: {  	v5 =	vld.idx.msk [tilespmem:v5+s12+$0x0], $0xffff  }
0x173: {  	v9 =	vld.idx.msk [tilespmem:v3+s20+$0x0], $0xffff  }
0x174: {  	v6 =	vld.idx.msk [tilespmem:v6+s12+$0x0], $0xffff  }
0x175: {  	v10 =	vld.idx.msk [tilespmem:v7+s20+$0x0], $0xffff  }
0x176: {  	v8 =	vld.idx.msk [tilespmem:v8+s12+$0x0], $0xffff  }
0x177: {  	v2 =	vadd.f32 v2, v5;
	_ =	sdelay $0x1  }
0x178: {  	v6 =	vadd.f32 v9, v6;
	v5 =	vmul.f32 $9.999999770e-03, v2  }
0x179: {  	vm0 =	vge.f32 v2, $0.0e+00  }
0x17a: {  	v8 =	vadd.f32 v10, v8;
	v2 =	vsel vm0, v2, v5;
	v5 =	vmul.f32 $9.999999770e-03, v6  }
0x17b: {  	vm11 =	vge.f32 v6, $0.0e+00;
	v2 =	vmul.f32 $1.442695020e+00, v2  }
0x17c: {  	v5 =	vsel vm11, v6, v5;
	v6 =	vmul.f32 $9.999999770e-03, v8  }
0x17d: {  	vm12 =	vge.f32 v8, $0.0e+00;
	v5 =	vmul.f32 $1.442695020e+00, v5;
	(erf) = vpow2.f32 v2  }
0x17e: {  	v2 =	vsel vm12, v8, v6  }
0x17f: {  	v2 =	vmul.f32 $1.442695020e+00, v2;
	(erf) = vpow2.f32 v5;
	_ =	sdelay $0x1  }
0x180: {  	(erf) = vpow2.f32 v2  }
0x181: {  	v2 =	vld.idx.msk [tilespmem:v4+s21+$0x0], $0xffff;
	_ =	sdelay $0x1  }
0x182: {  	v3 =	vld.idx.msk [tilespmem:v3+s21+$0x0], $0xffff;
	_ =	sdelay $0x1  }
0x183: {  	v4 =	vld.idx.msk [tilespmem:v7+s21+$0x0], $0xffff;
	v5 =	vpop (erf)  }
0x184: {  	v2 =	vmul.f32 v5, v2  }
0x185: {  	v5 =	vpop (erf)  }
0x186: {  	v2 =	vadd.f32 $0.0e+00, v2;
	v3 =	vmul.f32 v5, v3  }
0x187: {  	v5 =	vpop (erf)  }
0x188: {  	v2 =	vadd.f32 v3, v2;
	v3 =	vmul.f32 v5, v4;
	_ =	sdelay $0x1  }
0x189: {  	v2 =	vadd.f32 v3, v2;
	_ =	sdelay $0x1  }
0x18a: {  	v2 =	vmul.f32 $3.333333430e-01, v2;
	_ =	sdelay $0x1  }
0x18b: {  	[tilespmem:s15+$0x19040] =	vst v2  }
0x18c: {  	v2 =	vld [tilespmem:s9+$0x16FC0]  }
0x18d: {  	v3 =	vld [tilespmem:s9+$0x16EC0];
	_ =	sdelay $0x3  }
0x18e: {  	v2 =	vmul.u32 $0x3, v2  }
0x18f: {  	v3 =	vmul.u32 $0x3, v3;
	_ =	sdelay $0x4  }
0x190: {  	s12 =	simm.s32 $0x0;
	v4 =	vld.idx.msk [tilespmem:v2+s20+$0x0], $0xffff  }
0x191: {  	v5 =	vld.idx.msk [tilespmem:v3+s12+$0x0], $0xffff  }
0x192: {  	v7 =	vadd.s32 $0x1, v3  }
0x193: {  	v6 =	vadd.s32 $0x1, v2  }
0x194: {  	v60 =	vadd.s32 $0x2, v2  }
0x195: {  	v3 =	vadd.s32 $0x2, v3  }
0x196: {  	v4 =	vadd.f32 v4, v5  }
0x197: {  	v7 =	vld.idx.msk [tilespmem:v7+s12+$0x0], $0xffff  }
0x198: {  	v5 =	vld.idx.msk [tilespmem:v6+s20+$0x0], $0xffff;
	v61 =	vmul.f32 $9.999999770e-03, v4  }
0x199: {  	v62 =	vld.idx.msk [tilespmem:v60+s20+$0x0], $0xffff;
	vm13 =	vge.f32 v4, $0.0e+00  }
0x19a: {  	v3 =	vld.idx.msk [tilespmem:v3+s12+$0x0], $0xffff;
	v4 =	vsel vm13, v4, v61  }
0x19b: {  	v4 =	vmul.f32 $1.442695020e+00, v4;
	_ =	sdelay $0x1  }
0x19c: {  	(erf) = vpow2.f32 v4;
	v4 =	vadd.f32 v5, v7;
	_ =	sdelay $0x1  }
0x19d: {  	v3 =	vadd.f32 v62, v3;
	v5 =	vmul.f32 $9.999999770e-03, v4  }
0x19e: {  	vm14 =	vge.f32 v4, $0.0e+00  }
0x19f: {  	v63 =	vld.idx.msk [tilespmem:v2+s21+$0x0], $0xffff;
	v7 =	vmul.f32 $9.999999770e-03, v3;
	v2 =	vsel vm14, v4, v5  }
0x1a0: {  	vm15 =	vge.f32 v3, $0.0e+00;
	v2 =	vmul.f32 $1.442695020e+00, v2  }
0x1a1: {  	v3 =	vsel vm15, v3, v7  }
0x1a2: {  	v4 =	vmul.f32 $1.442695020e+00, v3;
	(erf) = vpow2.f32 v2;
	_ =	sdelay $0x1  }
0x1a3: {  	v5 =	vpop (erf);
	(erf) = vpow2.f32 v4;
	_ =	sdelay $0x2  }
0x1a4: {  	v3 =	vld.idx.msk [tilespmem:v6+s21+$0x0], $0xffff;
	_ =	sdelay $0x1  }
0x1a5: {  	s14 =	simm.s32 $0x10;
	v2 =	vld.idx.msk [tilespmem:v60+s21+$0x0], $0xffff  }
0x1a6: {  	s15 =	simm.s32 $0x80;
	v4 =	vld [tilespmem:s14+$0x16FC0];
	v5 =	vmul.f32 v5, v63  }
.LBB2_18:
0x1a7: {  	p0 =	sne.s32 s15, $0x1C0;
	v6 =	vld [tilespmem:s14+$0x16EC0];
	v7 =	vpop (erf)  }
0x1a8: {  	v5 =	vadd.f32 $0.0e+00, v5;
	v3 =	vmul.f32 v7, v3  }
0x1a9: {  	v7 =	vpop (erf)  }
0x1aa: {  	v3 =	vadd.f32 v3, v5;
	v2 =	vmul.f32 v7, v2  }
0x1ab: {  	v4 =	vmul.u32 $0x3, v4  }
0x1ac: {  	v5 =	vmul.u32 $0x3, v6;
	v2 =	vadd.f32 v2, v3;
	_ =	sdelay $0x1  }
0x1ad: {  	v3 =	vadd.s32 $0x1, v4;
	v2 =	vmul.f32 $3.333333430e-01, v2  }
0x1ae: {  	v6 =	vadd.s32 $0x1, v5  }
0x1af: {  	v7 =	vadd.s32 $0x2, v4;
	[tilespmem:s9+$0x190C0] =	vst v2;
	s9 =	smov.u32 s14  }
0x1b0: {  	v8 =	vadd.s32 $0x2, v5;
	v2 =	vld.idx.msk [tilespmem:v4+s20+$0x0], $0xffff  }
0x1b1: {  	v5 =	vld.idx.msk [tilespmem:v5+s12+$0x0], $0xffff  }
0x1b2: {  	v9 =	vld.idx.msk [tilespmem:v3+s20+$0x0], $0xffff  }
0x1b3: {  	v6 =	vld.idx.msk [tilespmem:v6+s12+$0x0], $0xffff  }
0x1b4: {  	v10 =	vld.idx.msk [tilespmem:v7+s20+$0x0], $0xffff  }
0x1b5: {  	v8 =	vld.idx.msk [tilespmem:v8+s12+$0x0], $0xffff;
	_ =	sdelay $0x1  }
0x1b6: {  	v2 =	vadd.f32 v2, v5;
	_ =	sdelay $0x1  }
0x1b7: {  	v5 =	vmul.f32 $9.999999770e-03, v2;
	v6 =	vadd.f32 v9, v6  }
0x1b8: {  	vm0 =	vge.f32 v2, $0.0e+00  }
0x1b9: {  	v2 =	vsel vm0, v2, v5;
	v5 =	vmul.f32 $9.999999770e-03, v6;
	v8 =	vadd.f32 v10, v8  }
0x1ba: {  	vm0 =	vge.f32 v6, $0.0e+00;
	v2 =	vmul.f32 $1.442695020e+00, v2  }
0x1bb: {  	v5 =	vsel vm0, v6, v5;
	v6 =	vmul.f32 $9.999999770e-03, v8  }
0x1bc: {  	vm0 =	vge.f32 v8, $0.0e+00;
	v5 =	vmul.f32 $1.442695020e+00, v5;
	(erf) = vpow2.f32 v2  }
0x1bd: {  	v2 =	vsel vm0, v8, v6  }
0x1be: {  	v2 =	vmul.f32 $1.442695020e+00, v2;
	(erf) = vpow2.f32 v5;
	_ =	sdelay $0x1  }
0x1bf: {  	v5 =	vld.idx.msk [tilespmem:v4+s21+$0x0], $0xffff;
	(erf) = vpow2.f32 v2;
	_ =	sdelay $0x1  }
.Ltmp12:
0x1c0: {  	v3 =	vld.idx.msk [tilespmem:v3+s21+$0x0], $0xffff;
	(pc) =	sbr.rel @p0 .LBB2_18-.Ltmp12, $4  }
0x1c1: {  	_ = 	snop  }
0x1c2: {  	v2 =	vld.idx.msk [tilespmem:v7+s21+$0x0], $0xffff  }
0x1c3: {  	s14 =	sshra.s32 s15, $0x2;
	v6 =	vpop (erf)  }
0x1c4: {  	s15 =	sadd.s32 $0x40, s15;
	v4 =	vld [tilespmem:s14+$0x16FC0];
	v5 =	vmul.f32 v6, v5  }
0x1c5: {  	v6 =	vld [tilespmem:s14+$0x16EC0];
	v7 =	vpop (erf)  }
0x1c6: {  	v5 =	vadd.f32 $0.0e+00, v5;
	v3 =	vmul.f32 v7, v3  }
0x1c7: {  	v7 =	vpop (erf)  }
0x1c8: {  	v3 =	vadd.f32 v3, v5;
	v2 =	vmul.f32 v7, v2  }
0x1c9: {  	v4 =	vmul.u32 $0x3, v4  }
0x1ca: {  	v5 =	vmul.u32 $0x3, v6;
	v2 =	vadd.f32 v2, v3;
	_ =	sdelay $0x1  }
0x1cb: {  	v3 =	vadd.s32 $0x1, v4;
	v2 =	vmul.f32 $3.333333430e-01, v2  }
0x1cc: {  	v6 =	vadd.s32 $0x1, v5  }
0x1cd: {  	v7 =	vadd.s32 $0x2, v4;
	[tilespmem:s9+$0x190C0] =	vst v2  }
0x1ce: {  	s17 =	simm.s32 $0x0;
	v8 =	vadd.s32 $0x2, v5;
	v2 =	vld.idx.msk [tilespmem:v4+s20+$0x0], $0xffff  }
0x1cf: {  	v5 =	vld.idx.msk [tilespmem:v5+s17+$0x0], $0xffff  }
0x1d0: {  	v9 =	vld.idx.msk [tilespmem:v3+s20+$0x0], $0xffff  }
0x1d1: {  	v6 =	vld.idx.msk [tilespmem:v6+s17+$0x0], $0xffff  }
0x1d2: {  	v10 =	vld.idx.msk [tilespmem:v7+s20+$0x0], $0xffff  }
0x1d3: {  	v8 =	vld.idx.msk [tilespmem:v8+s17+$0x0], $0xffff  }
0x1d4: {  	v2 =	vadd.f32 v2, v5;
	_ =	sdelay $0x1  }
0x1d5: {  	v6 =	vadd.f32 v9, v6;
	v5 =	vmul.f32 $9.999999770e-03, v2  }
0x1d6: {  	vm0 =	vge.f32 v2, $0.0e+00  }
0x1d7: {  	v8 =	vadd.f32 v10, v8;
	v2 =	vsel vm0, v2, v5;
	v5 =	vmul.f32 $9.999999770e-03, v6  }
0x1d8: {  	vm14 =	vge.f32 v6, $0.0e+00;
	v2 =	vmul.f32 $1.442695020e+00, v2  }
0x1d9: {  	v5 =	vsel vm14, v6, v5;
	v6 =	vmul.f32 $9.999999770e-03, v8  }
0x1da: {  	vm15 =	vge.f32 v8, $0.0e+00;
	v5 =	vmul.f32 $1.442695020e+00, v5;
	(erf) = vpow2.f32 v2  }
0x1db: {  	v2 =	vsel vm15, v8, v6  }
0x1dc: {  	v2 =	vmul.f32 $1.442695020e+00, v2;
	(erf) = vpow2.f32 v5;
	_ =	sdelay $0x1  }
0x1dd: {  	(erf) = vpow2.f32 v2  }
0x1de: {  	v2 =	vld.idx.msk [tilespmem:v4+s21+$0x0], $0xffff;
	_ =	sdelay $0x1  }
0x1df: {  	v3 =	vld.idx.msk [tilespmem:v3+s21+$0x0], $0xffff;
	_ =	sdelay $0x1  }
0x1e0: {  	v4 =	vld.idx.msk [tilespmem:v7+s21+$0x0], $0xffff;
	v5 =	vpop (erf)  }
0x1e1: {  	v2 =	vmul.f32 v5, v2  }
0x1e2: {  	v5 =	vpop (erf)  }
0x1e3: {  	v2 =	vadd.f32 $0.0e+00, v2;
	v3 =	vmul.f32 v5, v3  }
0x1e4: {  	v5 =	vpop (erf)  }
0x1e5: {  	v2 =	vadd.f32 v3, v2;
	v3 =	vmul.f32 v5, v4;
	_ =	sdelay $0x1  }
0x1e6: {  	v2 =	vadd.f32 v3, v2;
	_ =	sdelay $0x1  }
0x1e7: {  	v2 =	vmul.f32 $3.333333430e-01, v2;
	_ =	sdelay $0x1  }
0x1e8: {  	s9 =	simm.s32 $0x17140;
	[tilespmem:s14+$0x190C0] =	vst v2  }
0x1e9: {  	v7 =	vld [tilespmem:s9+$0xFFFFFFA0]  }
0x1ea: {  	v5 =	vld [tilespmem:s9+$0xFFFFFFF0]  }
0x1eb: {  	v2 =	vld [tilespmem:s9+$0xFFFFFF60]  }
0x1ec: {  	v8 =	vld [tilespmem:s9+$0xFFFFFFD0]  }
0x1ed: {  	v9 =	vld [tilespmem:s9+$0x80]  }
0x1ee: {  	v12 =	vld [tilespmem:s9+$0xFFFFFF10]  }
0x1ef: {  	v16 =	vld [tilespmem:s9+$0xE0]  }
0x1f0: {  	v11 =	vld [tilespmem:s9+$0xFFFFFF40]  }
0x1f1: {  	s12 =	simm.s32 $0x0;
	v3 =	vld [tilespmem:s9+$0xFFFFFF90]  }
0x1f2: {  	v4 =	vld [tilespmem:s12+$0x19040]  }
0x1f3: {  	v10 =	vld [tilespmem:s9+$0xFFFFFFC0]  }
0x1f4: {  	v13 =	vld [tilespmem:s9+$0xFFFFFF00]  }
0x1f5: {  	p0 =	por $0x1, $0x1;
	v14 =	vld [tilespmem:s9+$0xD0]  }
.Ltmp13:
0x1f6: {  	v23 =	vld [tilespmem:s9+$0xC0];
	(pc) =	sbr.rel @!p0 .LBB2_21-.Ltmp13, $4  }
0x1f7: {  	v21 =	vld [tilespmem:s9+$0x90];
	v19 =	vbroadcast v4, $0x0;
	v6 =	vbroadcast v4, $0xF  }
0x1f8: {  	v22 =	vld [tilespmem:s9+$0xFFFFFF50];
	v20 =	vbroadcast v4, $0x2;
	v17 =	vbroadcast v4, $0xE  }
0x1f9: {  	v18 =	vld [tilespmem:s9+$0xB0];
	v15 =	vbroadcast v4, $0xC;
	v25 =	vmul.f32 v19, v13  }
0x1fa: {  	s14 =	simm.s32 $0x17140;
	s12 =	simm.s32 $0x40;
	v13 =	vbroadcast v4, $0xD;
	v24 =	vmul.f32 v11, v20;
	v11 =	vld [tilespmem:s9+$0x60]  }
.LBB2_20:
0x1fb: {  	p0 =	sne.s32 s12, $0x3C0  }
0x1fc: {  	[tilespmem:s9+$0xFFFFFF00] =	vst v25;
	v25 =	vld [tilespmem:s9+$0xFFFFFFB0];
	v23 =	vmul.f32 v23, v17;
	v16 =	vmul.f32 v16, v6;
	s14 =	sadd.s32 $0x200, s14;
	s15 =	smov.u32 s12;
	s12 =	sadd.s32 $0x40, s12  }
0x1fd: {  	v21 =	vmul.f32 v21, v15;
	[tilespmem:s9+$0xFFFFFF40] =	vst v24;
	v24 =	vbroadcast v4, $0xA;
	v26 =	vld [tilespmem:s9+$0xA0]  }
0x1fe: {  	v12 =	vmul.f32 v12, v19;
	v19 =	vmul.f32 v22, v20;
	v20 =	vld [tilespmem:s9+$0x70];
	[tilespmem:s9+$0xE0] =	vst v16  }
0x1ff: {  	v18 =	vmul.f32 v18, v13;
	v16 =	vbroadcast v4, $0x5;
	v22 =	vld [tilespmem:s9+$0xFFFFFFE0];
	[tilespmem:s9+$0xC0] =	vst v23  }
0x200: {  	v14 =	vmul.f32 v14, v17;
	[tilespmem:s9+$0xFFFFFF10] =	vst v12;
	v12 =	vbroadcast v4, $0x6;
	v23 =	vld [tilespmem:s9+$0x40]  }
0x201: {  	v27 =	vbroadcast v4, $0xB;
	v7 =	vmul.f32 v7, v16;
	v17 =	vld [tilespmem:s9+$0xFFFFFF20];
	[tilespmem:s9+$0x90] =	vst v21  }
0x202: {  	[tilespmem:s9+$0xFFFFFF50] =	vst v19;
	v19 =	vbroadcast v4, $0x9;
	v21 =	vld [tilespmem:s9+$0x20];
	v13 =	vmul.f32 v26, v13  }
0x203: {  	v16 =	vmul.f32 v25, v16;
	v25 =	vld [tilespmem:s9+$0x50];
	v20 =	vmul.f32 v20, v27;
	[tilespmem:s9+$0xD0] =	vst v14  }
0x204: {  	v9 =	vmul.f32 v9, v15;
	v14 =	vbroadcast v4, $0x7;
	v26 =	vld [tilespmem:s9+$0x30];
	[tilespmem:s9+$0xA0] =	vst v13  }
0x205: {  	v10 =	vmul.f32 v10, v12;
	v13 =	vbroadcast v4, $0x3;
	v15 =	vld [tilespmem:s9+$0x0];
	[tilespmem:s9+$0x70] =	vst v20  }
0x206: {  	v11 =	vmul.f32 v11, v27;
	v8 =	vmul.f32 v8, v12;
	v12 =	vld [tilespmem:s9+$0x10];
	[tilespmem:s9+$0x80] =	vst v9  }
0x207: {  	v20 =	vbroadcast v4, $0x8;
	v23 =	vmul.f32 v23, v24;
	v9 =	vld [tilespmem:s9+$0xFFFFFF30];
	[tilespmem:s9+$0xB0] =	vst v18  }
0x208: {  	v18 =	vbroadcast v4, $0x1;
	v27 =	vld [tilespmem:s9+$0xFFFFFF70];
	[tilespmem:s9+$0xFFFFFFD0] =	vst v8;
	v24 =	vmul.f32 v25, v24  }
0x209: {  	v5 =	vmul.f32 v5, v14;
	v8 =	vmul.f32 v22, v14;
	[tilespmem:s9+$0xFFFFFFC0] =	vst v10;
	v10 =	vld [tilespmem:s9+$0xF0]  }
0x20a: {  	v22 =	vmul.f32 v26, v19;
	v14 =	vld [tilespmem:s9+$0xFFFFFF80];
	[tilespmem:s9+$0xFFFFFFA0] =	vst v7;
	v15 =	vmul.f32 v15, v20  }
0x20b: {  	v7 =	vld [tilespmem:s14+$0xFFFFFFA0];
	[tilespmem:s9+$0xFFFFFFF0] =	vst v5;
	v20 =	vmul.f32 v12, v20;
	v12 =	vmul.f32 v21, v19  }
0x20c: {  	v5 =	vmul.f32 v17, v18;
	v17 =	vmul.f32 v9, v18;
	[tilespmem:s9+$0x60] =	vst v11  }
0x20d: {  	v2 =	vmul.f32 v2, v13;
	v9 =	vmul.f32 v27, v13;
	[tilespmem:s9+$0xFFFFFFB0] =	vst v16  }
0x20e: {  	v4 =	vbroadcast v4, $0x4;
	[tilespmem:s9+$0xFFFFFF20] =	vst v5;
	v5 =	vmul.f32 v10, v6  }
0x20f: {  	[tilespmem:s9+$0xFFFFFF60] =	vst v2  }
0x210: {  	v6 =	vmul.f32 v14, v4;
	v2 =	vmul.f32 v3, v4;
	[tilespmem:s9+$0x40] =	vst v23  }
0x211: {  	[tilespmem:s9+$0xFFFFFFE0] =	vst v8  }
0x212: {  	[tilespmem:s9+$0xF0] =	vst v5  }
0x213: {  	[tilespmem:s9+$0xFFFFFF90] =	vst v2  }
0x214: {  	v5 =	vld [tilespmem:s14+$0xFFFFFFF0];
	[tilespmem:s9+$0xFFFFFF70] =	vst v9  }
0x215: {  	v2 =	vld [tilespmem:s14+$0xFFFFFF60];
	[tilespmem:s9+$0x20] =	vst v12  }
0x216: {  	v8 =	vld [tilespmem:s14+$0xFFFFFFD0];
	[tilespmem:s9+$0x30] =	vst v22  }
0x217: {  	v9 =	vld [tilespmem:s14+$0x80];
	[tilespmem:s9+$0xFFFFFF80] =	vst v6  }
0x218: {  	v12 =	vld [tilespmem:s14+$0xFFFFFF10];
	[tilespmem:s9+$0x50] =	vst v24  }
0x219: {  	v16 =	vld [tilespmem:s14+$0xE0];
	[tilespmem:s9+$0x0] =	vst v15  }
0x21a: {  	v11 =	vld [tilespmem:s14+$0xFFFFFF40];
	[tilespmem:s9+$0xFFFFFF30] =	vst v17  }
0x21b: {  	s15 =	sshra.s32 s15, $0x2;
	v3 =	vld [tilespmem:s14+$0xFFFFFF90];
	[tilespmem:s9+$0x10] =	vst v20;
	s9 =	smov.u32 s14  }
0x21c: {  	v4 =	vld [tilespmem:s15+$0x19040]  }
0x21d: {  	v10 =	vld [tilespmem:s14+$0xFFFFFFC0]  }
0x21e: {  	v13 =	vld [tilespmem:s14+$0xFFFFFF00]  }
0x21f: {  	v14 =	vld [tilespmem:s14+$0xD0]  }
.Ltmp14:
0x220: {  	v23 =	vld [tilespmem:s14+$0xC0];
	(pc) =	sbr.rel @p0 .LBB2_20-.Ltmp14, $4  }
0x221: {  	v19 =	vbroadcast v4, $0x0;
	v21 =	vld [tilespmem:s14+$0x90];
	v6 =	vbroadcast v4, $0xF  }
0x222: {  	v20 =	vbroadcast v4, $0x2;
	v17 =	vbroadcast v4, $0xE;
	v22 =	vld [tilespmem:s14+$0xFFFFFF50]  }
0x223: {  	v25 =	vmul.f32 v19, v13;
	v13 =	vbroadcast v4, $0xD;
	v18 =	vld [tilespmem:s14+$0xB0]  }
0x224: {  	v15 =	vbroadcast v4, $0xC;
	v24 =	vmul.f32 v11, v20;
	v11 =	vld [tilespmem:s14+$0x60]  }
.Ltmp15:
0x225: {  	_ = 	snop;
	(pc) =	sbr.rel .LBB2_21-.Ltmp15, $1  }
0x226: {  	_ =	sdelay $0x3  }
.LBB2_24:
0x227: {  	_ =	sfence.sel $0x180000  }
0x228: {  	[bflag:$0x0] =	sbarrier.arrive $0xFFFF  }
0x229: {  	_ =	strace $0x9000004A  }
0x22a: {  	s0 =	stileid.u32;
	[bflag:$0x2] =	sbarrier.arrive $0xFFFF  }
0x22b: {  	p0 =	sne.s32 s0, $0x0;
	s0 =	rddreg [dreg:$0x3]  }
0x22c: {  	s0 =	sadd.s32 @!p0 $0x100000, s0  }
0x22d: {  	[sflag:s0] =	ssyncadd.tile.s32 @!p0 $0x1;
	_ =	shalt  }
.Lfunc_end2:
_tile_overlayer_lowered:
.L_overlay_start_2:
0x22e: {  	(tag) =	ssettag $0x2  }
0x22f: {  	s0 =	rddreg [dreg:$0x0];
	s2 =	stileid.u32  }
0x230: {  	s1 =	rddreg [dreg:$0x1];
	p0 =	sne.s32 s2, $0x0  }
0x231: {  	s3 =	rddreg [dreg:$0x2];
	[bflag:$0x3] =	sbarrier.arrive $0xFFFF;
	s2 =	simm.s32 @!p0 $0x1C02  }
0x232: {  	[timem:s3], [sflag:s2] =	dma.local @!p0 [hbm:s0], s1  }
0x233: {  	s0 =	simm.s32 @!p0 $0x2  }
0x234: {  	_ =	swait.ge @!p0 [sflag:s0], s1  }
0x235: {  	s1 =	ssub.s32 @!p0 $0x0, s1;
	[sflag:s0] =	ssyncset.done @!p0 $0x0  }
0x236: {  	[sflag:s0] =	ssyncadd.s32 @!p0 s1  }
0x237: {  	[bflag:$0x3] =	sbarrier.arrive $0xFFFF  }
0x238: {  	_ =	shalt  }

// kernel: kernel.6.cloned.1.call-start
scs
__scs_entry_jumppad:
0x0: {  	(pc) =	sbr.rel $0x88, $3  }
0x1: {  	(tag) =	ssettag $0x0;
	lr =	simm.s32 $0x1  }
0x2: {  	[smem:$0x3F93] =	sst lr;
	_ =	strace $0xD0000000  }
0x3: {  	_ = 	snop  }
0x4: {  	_ = 	snop  }
0x5: {  	_ = 	snop  }
0x6: {  	_ = 	snop  }
0x7: {  	_ = 	snop  }
__scs_overlays_trampoline_lowered:
0x8: {  	[smem:$0x3FA2] =	sst s0  }
0x9: {  	[smem:$0x3FA3] =	sst s1  }
0xa: {  	[smem:$0x3FA4] =	sst s2  }
0xb: {  	[smem:$0x3FA5] =	sst s3  }
0xc: {  	[smem:$0x3FA6] =	sst s4  }
0xd: {  	[smem:$0x3FA7] =	sst s5  }
0xe: {  	[smem:$0x3FA8] =	sst s6  }
0xf: {  	[smem:$0x3FA9] =	sst s7  }
0x10: {  	[smem:$0x3FAA] =	sst s8  }
0x11: {  	[smem:$0x3FAB] =	sst s9;
	s0 =	simm.s32 @!p0 $0x0  }
0x12: {  	s1 =	sld [smem:$0x3F91];
	s0 =	simm.s32 @p0 $0x1  }
0x13: {  	[smem:$0x3FAC] =	sst s0;
	s0 =	simm.s32 @!p1 $0x0  }
0x14: {  	s2 =	sld [smem:$0x3F90];
	s0 =	simm.s32 @p1 $0x1  }
0x15: {  	[smem:$0x3FAD] =	sst s0;
	s0 =	simm.s32 @!p2 $0x0  }
0x16: {  	s3 =	sld [smem:$0x3FDB];
	s0 =	simm.s32 @p2 $0x1  }
0x17: {  	s4 =	simm.s32 $0x1BF5;
	[smem:$0x3FAF] =	sst s0  }
0x18: {  	s0 =	sld [smem:$0x3F92];
	_ =	swait.ge [sflag:s4], $0x0  }
0x19: {  	s7 =	sld [smem:$0x3F93]  }
0x1a: {  	s8 =	sadd.s32 $0xFFFFE003, lr  }
0x1b: {  	s9 =	sadd.s32 $0xFFFFFEF7, lr;
	s5 =	simm.s32 $0xFFFFFFFF;
	p2 =	slt.u32 s8, $0xFFFFF086  }
0x1c: {  	p1 =	slt.u32 s9, $0xF7A;
	s5 =	simm.s32 @!p2 $0x0  }
0x1d: {  	s5 =	simm.s32 @p1 $0x1;
	p0 =	seq.s32 s7, s2  }
0x1e: {  	s7 =	smul.u32 @!p0 $0xF7A, s2;
	p2 =	seq.s32 @!p0 s5, $0x0  }
0x1f: {  	s9 =	smul.u32 $0xF7A, s1;
	s8 =	simm.s32 @!p0 $0x1BF5;
	p2 =	por !p2, p0  }
0x20: {  	[sflag:s8] =	ssyncset.s32 @!p0 $0xFFFFF086;
	s6 =	sadd.s32 @!p0 s3, s7;
	s7 =	simm.s32 @!p0 $0x108  }
0x21: {  	s3 =	sadd.s32 s3, s9;
	s6 =	sadd.s32 @!p0 $0x88, s6;
	s7 =	simm.s32 @p2 $0x1082  }
0x22: {  	[simem:s7], [sflag:s8] =	dma.local @!p0 [hbm:s6], $0xF7A  }
0x23: {  	s9 =	sor.u32 $0xD0000000, s2;
	s6 =	simm.s32 $0x108;
	_ =	swait.ge @!p0 [sflag:s8], $0x0  }
0x24: {  	s3 =	sadd.s32 $0x88, s3;
	s6 =	simm.s32 @!p1 $0x1082;
	[sflag:s4] =	ssyncset.s32 $0xFFFFF086  }
0x25: {  	[simem:s6], [sflag:s4] =	dma.local [hbm:s3], $0xF7A  }
0x26: {  	[smem:$0x3F93] =	sst s1;
	(tag) =	ssettag s2;
	_ =	strace s9  }
0x27: {  	s1 =	sld [smem:$0x3FA3]  }
0x28: {  	s2 =	sld [smem:$0x3FA4]  }
0x29: {  	s4 =	sld [smem:$0x3FA6]  }
0x2a: {  	p0 =	seq.s32 s5, $0x0;
	s5 =	sld [smem:$0x3FA7]  }
0x2b: {  	s6 =	sld [smem:$0x3FA8]  }
0x2c: {  	s7 =	sld [smem:$0x3FA9]  }
0x2d: {  	s3 =	simm.s32 $0x108;
	s8 =	sld [smem:$0x3FAA]  }
0x2e: {  	s3 =	simm.s32 @!p0 $0x1082;
	s9 =	sld [smem:$0x3FAB]  }
0x2f: {  	lr =	sadd.s32 s0, s3;
	s0 =	sld [smem:$0x3FA2]  }
0x30: {  	s3 =	sld [smem:$0x3FA5]  }
0x31: {  	[smem:$0x3FAE] =	sst s10  }
0x32: {  	s10 =	sld [smem:$0x3FAC];
	_ =	sdelay $0x3  }
0x33: {  	p0 =	seq.s32 s10, $0x1;
	s10 =	sld [smem:$0x3FAE];
	_ =	sdelay $0x3  }
0x34: {  	[smem:$0x3FAE] =	sst s10  }
0x35: {  	s10 =	sld [smem:$0x3FAD];
	_ =	sdelay $0x3  }
0x36: {  	p1 =	seq.s32 s10, $0x1;
	s10 =	sld [smem:$0x3FAE];
	_ =	sdelay $0x3  }
0x37: {  	[smem:$0x3FAE] =	sst s10  }
0x38: {  	s10 =	sld [smem:$0x3FAF]  }
0x39: {  	_ = 	snop;
	(pc) =	sbr.ind lr, $3  }
0x3a: {  	_ = 	snop  }
0x3b: {  	_ = 	snop  }
0x3c: {  	p2 =	seq.s32 s10, $0x1;
	s10 =	sld [smem:$0x3FAE]  }
0x3d: {  	_ =	shalt  }
0x3e: {  	_ =	shalt  }
0x3f: {  	_ =	shalt  }
0x40: {  	_ =	shalt  }
0x41: {  	_ =	shalt  }
0x42: {  	_ =	shalt  }
0x43: {  	_ =	shalt  }
0x44: {  	_ =	shalt  }
0x45: {  	_ =	shalt  }
0x46: {  	_ =	shalt  }
0x47: {  	_ =	shalt  }
0x48: {  	_ =	shalt  }
0x49: {  	_ =	shalt  }
0x4a: {  	_ =	shalt  }
0x4b: {  	_ =	shalt  }
0x4c: {  	_ =	shalt  }
0x4d: {  	_ =	shalt  }
0x4e: {  	_ =	shalt  }
0x4f: {  	_ =	shalt  }
0x50: {  	_ =	shalt  }
0x51: {  	_ =	shalt  }
0x52: {  	_ =	shalt  }
0x53: {  	_ =	shalt  }
0x54: {  	_ =	shalt  }
0x55: {  	_ =	shalt  }
0x56: {  	_ =	shalt  }
0x57: {  	_ =	shalt  }
0x58: {  	_ =	shalt  }
0x59: {  	_ =	shalt  }
0x5a: {  	_ =	shalt  }
0x5b: {  	_ =	shalt  }
0x5c: {  	_ =	shalt  }
0x5d: {  	_ =	shalt  }
0x5e: {  	_ =	shalt  }
0x5f: {  	_ =	shalt  }
0x60: {  	_ =	shalt  }
0x61: {  	_ =	shalt  }
0x62: {  	_ =	shalt  }
0x63: {  	_ =	shalt  }
0x64: {  	_ =	shalt  }
0x65: {  	_ =	shalt  }
0x66: {  	_ =	shalt  }
0x67: {  	_ =	shalt  }
0x68: {  	_ =	shalt  }
0x69: {  	_ =	shalt  }
0x6a: {  	_ =	shalt  }
0x6b: {  	_ =	shalt  }
0x6c: {  	_ =	shalt  }
0x6d: {  	_ =	shalt  }
0x6e: {  	_ =	shalt  }
0x6f: {  	_ =	shalt  }
0x70: {  	_ =	shalt  }
0x71: {  	_ =	shalt  }
0x72: {  	_ =	shalt  }
0x73: {  	_ =	shalt  }
0x74: {  	_ =	shalt  }
0x75: {  	_ =	shalt  }
0x76: {  	_ =	shalt  }
0x77: {  	_ =	shalt  }
0x78: {  	_ =	shalt  }
0x79: {  	_ =	shalt  }
0x7a: {  	_ =	shalt  }
0x7b: {  	_ =	shalt  }
0x7c: {  	_ =	shalt  }
0x7d: {  	_ =	shalt  }
0x7e: {  	_ =	shalt  }
0x7f: {  	_ =	shalt  }
0x80: {  	_ =	shalt  }
0x81: {  	_ =	shalt  }
0x82: {  	_ =	shalt  }
0x83: {  	_ =	shalt  }
0x84: {  	_ =	shalt  }
0x85: {  	_ =	shalt  }
0x86: {  	_ =	shalt  }
0x87: {  	_ =	shalt  }
.Lfunc_end0:
.L_simem_size_0:
called_computation_lowered:
.L_overlay_start_0:
0x88: {  	s2 =	sld [smem:$0x3FD9]  }
0x89: {  	s3 =	sld [smem:$0x3FFE];
	_ =	sdelay $0x1  }
0x8a: {  	s1 =	srdreg.scid  }
0x8b: {  	s0 =	sand.u32 $0x1, s1  }
0x8c: {  	s17 =	sshll.u32 s0, $0xA;
	s2 =	sadd.s32 s3, s2  }
0x8d: {  	s2 =	sadd.s32 s2, s17  }
0x8e: {  	[smem:$0x3FBA] =	sst s2  }
0x8f: {  	_ = 	snop  }
0x90: {  	(tm) =	ssettm $0x1  }
0x91: {  	s18 =	sld [smem:$0x3FFB];
	_ =	sdelay $0x3  }
0x92: {  	_ =	strace s18  }
0x93: {  	s2 =	sld [smem:$0x3FFC];
	_ =	sdelay $0x3  }
0x94: {  	_ =	strace s2  }
0x95: {  	s2 =	sld [smem:$0x3FFD];
	_ =	sdelay $0x3  }
0x96: {  	_ =	strace s2  }
0x97: {  	_ =	strace $0x8FFFFFFF  }
0x98: {  	s19 =	sld [smem:$0x3FDB];
	_ =	sdelay $0x1  }
0x99: {  	s20 =	simm.s32 $_scs_section_size  }
0x9a: {  	s4 =	simm.s32 $_size__tile_overlayer_lowered;
	s5 =	simm.s32 $_tile_overlayer_lowered  }
0x9b: {  	s6 =	simm.s32 $0x1BFF;
	s21 =	sshll.u32 s5, $0x1;
	s3 =	sadd.s32 s20, s19  }
0x9c: {  	s22 =	simm.s32 $0x0;
	s4 =	sshll.u32 s4, $0x1;
	s5 =	sadd.s32 s21, s3  }
0x9d: {  	[timem:s22], [sflag:s6] =	dma.local [hbm:s5], s4  }
0x9e: {  	_ =	swait.ge [sflag:s6], s4  }
0x9f: {  	s4 =	ssub.s32 $0x0, s4;
	[sflag:s6] =	ssyncset.done $0x0  }
0xa0: {  	[sflag:s6] =	ssyncadd.s32 s4;
	_ =	sdelay $0x1  }
0xa1: {  	s23 =	simm.s32 $0x1B8B  }
0xa2: {  	_ =	swait.ge [sflag:s23], $0x1  }
0xa3: {  	[sflag:s23] =	ssyncset.done $0x0  }
0xa4: {  	[sflag:s23] =	ssyncadd.s32 $0xFFFFFFFF  }
0xa5: {  	s4 =	sld [smem:$0x0]  }
0xa6: {  	s5 =	sand.u32 $0xFFFFFFFE, s1  }
0xa7: {  	p0 =	sne.s32 s1, s5  }
0xa8: {  	s5 =	sshll.u32 @p0 s5, $0xE  }
0xa9: {  	s5 =	sadd.s32 @p0 $0x11B8D, s5;
	s6 =	sshll.u32 @p0 s4, $0x11  }
0xaa: {  	s5 =	sor.u32 @p0 s6, s5  }
0xab: {  	[sflag:s5] =	ssyncadd.remote.s32 @p0 $0x1;
	_ =	sdelay $0x1  }
0xac: {  	s5 =	simm.s32 @p0 $0x1B8D  }
0xad: {  	_ =	swait.eq @p0 [sflag:s5], $0x1  }
0xae: {  	[sflag:s5] =	ssyncadd.s32 @p0 $0xFFFFFFFF  }
0xaf: {  	s6 =	sshll.u32 @!p0 s1, $0xE  }
0xb0: {  	s6 =	sor.u32 @!p0 $0x4000, s6;
	s5 =	simm.s32 @!p0 $0x1B8D  }
0xb1: {  	s4 =	sshll.u32 @!p0 s4, $0x11;
	s6 =	sadd.s32 @!p0 $0x11B8D, s6;
	_ =	swait.eq @!p0 [sflag:s5], $0x1  }
0xb2: {  	s4 =	sor.u32 @!p0 s4, s6;
	[sflag:s5] =	ssyncadd.s32 @!p0 $0xFFFFFFFF  }
0xb3: {  	s25 =	simm.s32 $0x1B8E;
	s24 =	sld [smem:$0x3FFE];
	[sflag:s4] =	ssyncadd.remote.s32 @!p0 $0x1  }
0xb4: {  	s26 =	simm.s32 $execute0_lowered;
	[smem:$0x3FD2] =	sst s25  }
0xb5: {  	s5 =	sshll.u32 s26, $0x1;
	_ =	strace $0x8000004C;
	[dreg:$0x1] =	wrdreg $0xFFFFFFFF  }
0xb6: {  	s28 =	simm.s32 $_size_execute0_lowered;
	s3 =	sadd.s32 s3, s5;
	[dreg:$0x0] =	wrdreg $0x0  }
0xb7: {  	s5 =	sshll.u32 s28, $0x1;
	[dreg:$0x2] =	wrdreg s3  }
0xb8: {  	[dreg:$0x3] =	wrdreg s5  }
0xb9: {  	[dreg:$0x4] =	wrdreg $0xC0  }
0xba: {  	_ =	task [dreg:s22], $0x5FFFF  }
0xbb: {  	[dreg:$0x1] =	wrdreg $0xFFFFFFFF  }
0xbc: {  	[dreg:$0x0] =	wrdreg $0x60  }
0xbd: {  	[dreg:$0x2] =	wrdreg s24  }
0xbe: {  	[dreg:$0x3] =	wrdreg $0x192300  }
0xbf: {  	[dreg:$0x4] =	wrdreg $0x199B00  }
0xc0: {  	[dreg:$0x5] =	wrdreg $0x9  }
0xc1: {  	_ =	task.clear_ibuf [dreg:s22], $0x6FFFF;
	_ =	strace $0x9000004C  }
0xc2: {  	s29 =	simm.s32 $0x9;
	_ =	strace $0x8000004E  }
0xc3: {  	_ =	swait.ge [sflag:s29], $0x1  }
0xc4: {  	[sflag:s29] =	ssyncadd.s32 $0xFFFFFFFF  }
0xc5: {  	_ =	strace $0x9000004E  }
0xc6: {  	_ =	sfence  }
0xc7: {  	s30 =	sld [smem:$0x0];
	_ =	sdelay $0x2  }
0xc8: {  	s31 =	sshll.u32 s1, $0xD;
	s1 =	sshrl.u32 s1, $0x2  }
0xc9: {  	s4 =	sand.u32 $0x4000, s31;
	s1 =	sadd.s32 s1, s30  }
0xca: {  	s0 =	sor.u32 s4, s0;
	s1 =	sshll.u32 s1, $0x11  }
0xcb: {  	s0 =	sor.u32 s1, s0  }
0xcc: {  	s0 =	sadd.s32 $0x8F2B, s0  }
0xcd: {  	[sflag:s0] =	ssyncadd.remote.s32 $0x1  }
0xce: {  	_ =	sfence.sel $0xFFFF  }
0xcf: {  	[dreg:$0x0] =	wrdreg $0xFFFFFFFF;
	(pc) =	sbr.abs _section_cstart, $3  }
0xd0: {  	[dreg:$0x1] =	wrdreg $0xFFFFFFFF  }
0xd1: {  	_ =	task.clear_ibuf [dreg:s22], $0x2FFFF;
	_ =	strace $0x9FFFFFFF  }
0xd2: {  	(tm) =	ssettm $0x7FFFFFFF  }
0xd3: {  	_ =	shalt  }
tec
execute0_lowered:
.L_overlay_start_1:
0x0: {  	(tag) =	ssettag $0x1  }
0x1: {  	s0 =	rddreg [dreg:$0x0]  }
0x2: {  	s13 =	rddreg [dreg:$0x1]  }
0x3: {  	s2 =	rddreg [dreg:$0x2]  }
0x4: {  	s4 =	simm.s32 $0x0;
	s1 =	srdreg.scid;
	s14 =	stileid.u32  }
0x5: {  	s28 =	simm.s32 $0x16E40;
	s29 =	simm.s32 $0x3;
	s30 =	simm.s32 $0x16F40  }
0x6: {  	s31 =	simm.s32 $0x16EC0;
	[smem:$0x7FF] =	sst s4;
	s19 =	smul.u32 $0x5000, s14  }
0x7: {  	s5 =	sand.u32 $0x1, s1;
	s6 =	sadd.s32 $0x70600, s0;
	s9 =	smul.u32 $0x14000, s14  }
0x8: {  	s7 =	sadd.s32 $0x66800, s0;
	s8 =	sadd.s32 $0x23800, s0;
	s12 =	smul.u32 $0x1E00, s14  }
0x9: {  	s20 =	sadd.s32 $0x22800, s0;
	s10 =	sadd.s32 $0x2C00, s0;
	s16 =	smul.u32 $0x4E20, s14  }
0xa: {  	s1 =	simm.s32 $0x0;
	_ =	strace $0x8000004D;
	[dreg:$0x4] =	wrdreg s8  }
0xb: {  	s3 =	smul.u32 $0x50000, s5;
	[dreg:$0x5] =	wrdreg s20;
	s21 =	ssub.s32 $0x2, s5  }
0xc: {  	s20 =	simm.s32 $0x7800;
	s11 =	sshrl.u32 s21, $0x1;
	s23 =	sshrl.u32 s9, $0x2  }
0xd: {  	s24 =	sshrl.u32 s12, $0x2;
	s3 =	sadd.s32 s19, s3;
	s22 =	ssub.s32 s21, s11  }
0xe: {  	s11 =	sshll.u32 s14, $0x1;
	s8 =	sadd.s32 s23, s2;
	s9 =	sadd.s32 s24, s13  }
0xf: {  	s13 =	sadd.s32 s19, s2;
	s19 =	simm.s32 $0x2;
	s21 =	simm.s32 $0xF000  }
0x10: {  	s23 =	simm.s32 $0x16800;
	s24 =	simm.s32 $0x16B20;
	s3 =	sshrl.u32 s3, $0x3  }
.Ltmp0:
0x11: {  	[dreg:$0x6] =	wrdreg s9;
	s25 =	sadd.s32 $0x2000, s8;
	(pc) =	sbr.rel .LBB2_1-.Ltmp0, $4  }
0x12: {  	s26 =	sadd.s32 $0x4000, s8;
	s18 =	smax.u32 s22, $0x1;
	[dreg:$0x7] =	wrdreg s25  }
0x13: {  	s22 =	simm.s32 $0x17040;
	s0 =	sadd.s32 s3, s0;
	[dreg:$0x8] =	wrdreg s26  }
0x14: {  	s25 =	simm.s32 $0x80;
	s26 =	simm.s32 $0x18040;
	s0 =	sadd.s32 $0x7A400, s0  }
0x15: {  	v0 =	vlaneseq.u32;
	v1 =	vimm.f32 $0.0e+00;
	s3 =	simm.s32 $0x1;
	[dreg:$0x9] =	wrdreg s0;
	s0 =	simm.s32 $0x16FC0  }
.LBB2_23:
0x16: {  	s8 =	stileid.u32;
	[bflag:$0x0] =	sbarrier.arrive $0xFFFF;
	s1 =	sadd.s32 $0x1, s1  }
0x17: {  	s9 =	sshrl.u32 s13, $0x3;
	s8 =	sshll.u32 s8, $0x6;
	p0 =	sne.s32 s1, s18  }
.Ltmp1:
0x18: {  	s12 =	rddreg [dreg:$0x9];
	s8 =	sor.u32 $0x1C02, s8;
	(pc) =	sbr.rel @!p0 .LBB2_24-.Ltmp1, $4  }
0x19: {  	[hbm:s12], [sflag:s8] =	dma.local [spmem:s9], $0xA00  }
0x1a: {  	_ =	swait.ge [sflag:s19], $0xA00  }
0x1b: {  	[sflag:s19] =	ssyncset.done $0x0  }
0x1c: {  	[sflag:s19] =	ssyncadd.s32 $0xFFFFF600  }
.LBB2_1:
0x1d: {  	s8 =	rddreg [dreg:$0x4]  }
0x1e: {  	[tilespmem:s4], [sflag:$0x2] =	stream.linear.gather [hbm4b:s8+s4], $0x7800, $0x38;
	[tilespmem:$0x1E9B0] =	vst v63  }
0x1f: {  	_ =	swait.ge [sflag:s19], $0x7800  }
0x20: {  	[sflag:s19] =	ssyncset.done $0x0  }
0x21: {  	s17 =	rddreg [dreg:$0x5];
	[sflag:s19] =	ssyncadd.s32 $0xFFFF8800  }
0x22: {  	[tilespmem:s20], [sflag:$0x2] =	stream.linear.gather [hbm4b:s17+s4], $0x7800, $0x38;
	[tilespmem:$0x1E9B0] =	vst v63  }
0x23: {  	_ =	swait.ge [sflag:s19], $0x7800  }
0x24: {  	[sflag:s19] =	ssyncset.done $0x0  }
0x25: {  	s9 =	simm.s32 $0x0;
	s8 =	simm.s32 $0x19140;
	[sflag:s19] =	ssyncadd.s32 $0xFFFF8800  }
.LBB2_2:
0x26: {  	p0 =	sne.s32 s9, $0xE0  }
.Ltmp2:
0x27: {  	_ = 	snop;
	(pc) =	sbr.rel @p0 .LBB2_2-.Ltmp2, $3  }
0x28: {  	_ =	sdelay $0x1  }
0x29: {  	v2 =	vor.u32 s9, v0  }
0x2a: {  	s9 =	sadd.s32 $0x10, s9;
	[tilespmem:s8+$0x0] =	vst v2;
	s8 =	sadd.s32 $0x10, s8  }
0x2b: {  	s8 =	simm.s32 $0x0;
	s9 =	simm.s32 $0x200  }
.LBB2_4:
0x2c: {  	p0 =	sne.s32 s9, $0x1DE00;
	[tilespmem:s8+$0xF070] =	vst v1  }
0x2d: {  	[tilespmem:s8+$0xF000] =	vst v1  }
0x2e: {  	[tilespmem:s8+$0xF010] =	vst v1  }
.Ltmp3:
0x2f: {  	[tilespmem:s8+$0xF020] =	vst v1;
	(pc) =	sbr.rel @p0 .LBB2_4-.Ltmp3, $4  }
0x30: {  	[tilespmem:s8+$0xF030] =	vst v1  }
0x31: {  	[tilespmem:s8+$0xF040] =	vst v1  }
0x32: {  	[tilespmem:s8+$0xF050] =	vst v1  }
0x33: {  	[tilespmem:s8+$0xF060] =	vst v1;
	s8 =	sshra.s32 s9, $0x2;
	s9 =	sadd.s32 $0x200, s9  }
0x34: {  	[tilespmem:s8+$0xF070] =	vst v1  }
0x35: {  	[tilespmem:s8+$0xF000] =	vst v1  }
0x36: {  	[tilespmem:s8+$0xF010] =	vst v1  }
0x37: {  	[tilespmem:s8+$0xF020] =	vst v1  }
0x38: {  	[tilespmem:s8+$0xF030] =	vst v1  }
0x39: {  	[tilespmem:s8+$0xF040] =	vst v1  }
0x3a: {  	[tilespmem:s8+$0xF050] =	vst v1  }
0x3b: {  	[tilespmem:s8+$0xF060] =	vst v1;
	s17 =	rddreg [dreg:$0x6]  }
0x3c: {  	[spmem:s17] =	stream.linear.scatter [tilespmem:s21], [sflag:$0x2], $0x780, $0x38;
	[tilespmem:$0x1E9B0] =	vst v63  }
0x3d: {  	_ =	swait.ge [sflag:s19], $0x780  }
0x3e: {  	[sflag:s19] =	ssyncset.done $0x0  }
0x3f: {  	s8 =	simm.s32 $0x80;
	s9 =	simm.s32 $0x0;
	[sflag:s19] =	ssyncadd.s32 $0xFFFFF880  }
.LBB2_6:
0x40: {  	p0 =	sne.s32 s8, $0x7F80;
	[tilespmem:s9+$0x17040] =	vst v1;
	s12 =	smov.u32 s8;
	s8 =	sadd.s32 $0x80, s8  }
.Ltmp4:
0x41: {  	[tilespmem:s9+$0x17050] =	vst v1;
	(pc) =	sbr.rel @p0 .LBB2_6-.Ltmp4, $2  }
0x42: {  	_ =	sdelay $0x2  }
0x43: {  	s9 =	sshra.s32 s12, $0x2  }
0x44: {  	[tilespmem:s9+$0x17040] =	vst v1  }
0x45: {  	[tilespmem:s9+$0x17050] =	vst v1  }
0x46: {  	[spmem:s13] =	stream.linear.scatter [tilespmem:s22], [sflag:$0x2], $0x2000, $0x38;
	[tilespmem:$0x1E9B0] =	vst v63  }
0x47: {  	_ =	swait.ge [sflag:s19], $0x2000  }
0x48: {  	[sflag:s19] =	ssyncset.done $0x0  }
0x49: {  	s8 =	rddreg [dreg:$0x7];
	[sflag:s19] =	ssyncadd.s32 $0xFFFFE000  }
0x4a: {  	[spmem:s8] =	stream.linear.scatter [tilespmem:s22], [sflag:$0x2], $0x2000, $0x38;
	[tilespmem:$0x1E9B0] =	vst v63  }
0x4b: {  	_ =	swait.ge [sflag:s19], $0x2000  }
0x4c: {  	[sflag:s19] =	ssyncset.done $0x0  }
0x4d: {  	s17 =	rddreg [dreg:$0x8];
	[sflag:s19] =	ssyncadd.s32 $0xFFFFE000  }
0x4e: {  	[spmem:s17] =	stream.linear.scatter [tilespmem:s22], [sflag:$0x2], $0x1000, $0x38;
	[tilespmem:$0x1E9B0] =	vst v63  }
0x4f: {  	_ =	swait.ge [sflag:s19], $0x1000  }
0x50: {  	[sflag:s19] =	ssyncset.done $0x0  }
0x51: {  	[sflag:s19] =	ssyncadd.s32 $0xFFFFF000  }
0x52: {  	s9 =	simm.s32 $0x0;
	s8 =	simm.s32 $0x0;
	[bflag:$0x0] =	sbarrier.arrive $0xFFFF  }
.LBB2_8:
0x53: {  	s12 =	smul.u32 $0x320, s9;
	_ =	sdelay $0x1  }
0x54: {  	s12 =	sadd.s32 s16, s12  }
0x55: {  	s12 =	sshrl.u32 s12, $0x3  }
0x56: {  	s14 =	sadd.s32 s6, s12  }
0x57: {  	[tilespmem:s23], [sflag:$0x2] =	stream.linear.gather [hbm4b:s14+s8], $0x320, $0x38;
	[tilespmem:$0x1E9B0] =	vst v63  }
0x58: {  	_ =	swait.ge [sflag:s19], $0x320  }
0x59: {  	[sflag:s19] =	ssyncset.done $0x0  }
0x5a: {  	s12 =	sadd.s32 s7, s12;
	[sflag:s19] =	ssyncadd.s32 $0xFFFFFCE0  }
0x5b: {  	[tilespmem:s24], [sflag:$0x2] =	stream.linear.gather [hbm4b:s12+s8], $0x320, $0x38;
	[tilespmem:$0x1E9B0] =	vst v63  }
0x5c: {  	_ =	swait.ge [sflag:s19], $0x320  }
0x5d: {  	[sflag:s19] =	ssyncset.done $0x0  }
0x5e: {  	s17 =	simm.s32 $0x0;
	[sflag:s19] =	ssyncadd.s32 $0xFFFFFCE0  }
0x5f: {  	v2 =	vld [tilespmem:s17+$0x16800]  }
0x60: {  	v3 =	vld [tilespmem:s17+$0x16B20];
	_ =	sdelay $0x3  }
0x61: {  	v2 =	vmul.u32 $0x3, v2  }
0x62: {  	v3 =	vmul.u32 $0x3, v3;
	_ =	sdelay $0x4  }
0x63: {  	v4 =	vld.idx.msk [tilespmem:v2+s4+$0x0], $0xffff  }
0x64: {  	v5 =	vld.idx.msk [tilespmem:v3+s20+$0x0], $0xffff;
	_ =	sdelay $0x4  }
0x65: {  	v4 =	vadd.f32 v5, v4;
	_ =	sdelay $0x1  }
0x66: {  	v5 =	vmul.f32 $9.999999770e-03, v4  }
0x67: {  	vm0 =	vge.f32 v4, $0.0e+00  }
0x68: {  	v4 =	vsel vm0, v4, v5  }
0x69: {  	v4 =	vmul.f32 $1.442695020e+00, v4;
	_ =	sdelay $0x1  }
0x6a: {  	(erf) = vpow2.f32 v4;
	_ =	sdelay $0x5  }
0x6b: {  	v60 =	vadd.s32 $0x1, v2  }
0x6c: {  	v61 =	vadd.s32 $0x1, v3;
	_ =	sdelay $0x1  }
0x6d: {  	v6 =	vpop (erf)  }
0x6e: {  	[tilespmem:v3+s21+$0x0] =	vst.idx.add.f32.msk $0xffff, v6  }
0x6f: {  	v4 =	vld.idx.msk [tilespmem:v60+s4+$0x0], $0xffff  }
0x70: {  	v6 =	vld.idx.msk [tilespmem:v61+s20+$0x0], $0xffff;
	_ =	sdelay $0x4  }
0x71: {  	v4 =	vadd.f32 v6, v4;
	_ =	sdelay $0x1  }
0x72: {  	v6 =	vmul.f32 $9.999999770e-03, v4  }
0x73: {  	vm14 =	vge.f32 v4, $0.0e+00  }
0x74: {  	v4 =	vsel vm14, v4, v6  }
0x75: {  	v4 =	vmul.f32 $1.442695020e+00, v4;
	_ =	sdelay $0x1  }
0x76: {  	(erf) = vpow2.f32 v4;
	_ =	sdelay $0x5  }
0x77: {  	v62 =	vadd.s32 $0x2, v2  }
0x78: {  	v2 =	vadd.s32 $0x2, v3;
	_ =	sdelay $0x1  }
0x79: {  	v3 =	vpop (erf)  }
0x7a: {  	[tilespmem:v61+s21+$0x0] =	vst.idx.add.f32.msk $0xffff, v3  }
0x7b: {  	v3 =	vld.idx.msk [tilespmem:v62+s4+$0x0], $0xffff  }
0x7c: {  	v63 =	vld.idx.msk [tilespmem:v2+s20+$0x0], $0xffff;
	_ =	sdelay $0x4  }
0x7d: {  	v3 =	vadd.f32 v63, v3;
	_ =	sdelay $0x1  }
0x7e: {  	v4 =	vmul.f32 $9.999999770e-03, v3  }
0x7f: {  	vm15 =	vge.f32 v3, $0.0e+00  }
0x80: {  	v3 =	vsel vm15, v3, v4  }
0x81: {  	v3 =	vmul.f32 $1.442695020e+00, v3;
	_ =	sdelay $0x1  }
0x82: {  	s12 =	simm.s32 $0x40;
	(erf) = vpow2.f32 v3  }
.LBB2_9:
0x83: {  	_ =	sdelay $0x5  }
0x84: {  	p0 =	sne.s32 s12, $0xC40;
	s14 =	smov.u32 s12;
	s12 =	sadd.s32 $0x40, s12  }
0x85: {  	_ = 	snop  }
0x86: {  	v3 =	vpop (erf)  }
0x87: {  	s14 =	sshra.s32 s14, $0x2;
	[tilespmem:v2+s21+$0x0] =	vst.idx.add.f32.msk $0xffff, v3  }
0x88: {  	v2 =	vld [tilespmem:s14+$0x16800]  }
0x89: {  	v3 =	vld [tilespmem:s14+$0x16B20];
	_ =	sdelay $0x3  }
0x8a: {  	v2 =	vmul.u32 $0x3, v2  }
0x8b: {  	v3 =	vmul.u32 $0x3, v3;
	_ =	sdelay $0x4  }
0x8c: {  	v4 =	vld.idx.msk [tilespmem:v2+s4+$0x0], $0xffff  }
0x8d: {  	v5 =	vld.idx.msk [tilespmem:v3+s20+$0x0], $0xffff;
	_ =	sdelay $0x5  }
0x8e: {  	v4 =	vadd.f32 v5, v4;
	_ =	sdelay $0x1  }
0x8f: {  	vm0 =	vge.f32 v4, $0.0e+00;
	v5 =	vmul.f32 $9.999999770e-03, v4;
	_ =	sdelay $0x1  }
0x90: {  	v4 =	vsel vm0, v4, v5  }
0x91: {  	v4 =	vmul.f32 $1.442695020e+00, v4;
	_ =	sdelay $0x1  }
0x92: {  	(erf) = vpow2.f32 v4;
	_ =	sdelay $0x5  }
0x93: {  	v5 =	vadd.s32 $0x1, v3;
	v4 =	vadd.s32 $0x1, v2;
	_ =	sdelay $0x2  }
0x94: {  	v6 =	vpop (erf)  }
0x95: {  	[tilespmem:v3+s21+$0x0] =	vst.idx.add.f32.msk $0xffff, v6  }
0x96: {  	v4 =	vld.idx.msk [tilespmem:v4+s4+$0x0], $0xffff  }
0x97: {  	v6 =	vld.idx.msk [tilespmem:v5+s20+$0x0], $0xffff;
	_ =	sdelay $0x5  }
0x98: {  	v4 =	vadd.f32 v6, v4;
	_ =	sdelay $0x1  }
0x99: {  	vm0 =	vge.f32 v4, $0.0e+00;
	v6 =	vmul.f32 $9.999999770e-03, v4;
	_ =	sdelay $0x1  }
0x9a: {  	v4 =	vsel vm0, v4, v6  }
0x9b: {  	v4 =	vmul.f32 $1.442695020e+00, v4;
	_ =	sdelay $0x1  }
0x9c: {  	(erf) = vpow2.f32 v4;
	_ =	sdelay $0x5  }
0x9d: {  	v4 =	vadd.s32 $0x2, v2;
	v2 =	vadd.s32 $0x2, v3;
	_ =	sdelay $0x2  }
0x9e: {  	v3 =	vpop (erf)  }
0x9f: {  	[tilespmem:v5+s21+$0x0] =	vst.idx.add.f32.msk $0xffff, v3  }
0xa0: {  	v3 =	vld.idx.msk [tilespmem:v4+s4+$0x0], $0xffff  }
0xa1: {  	v4 =	vld.idx.msk [tilespmem:v2+s20+$0x0], $0xffff;
	_ =	sdelay $0x5  }
0xa2: {  	v3 =	vadd.f32 v4, v3;
	_ =	sdelay $0x1  }
0xa3: {  	vm0 =	vge.f32 v3, $0.0e+00;
	v4 =	vmul.f32 $9.999999770e-03, v3  }
.Ltmp5:
0xa4: {  	(pc) =	sbr.rel @p0 .LBB2_9-.Ltmp5, $3  }
0xa5: {  	v3 =	vsel vm0, v3, v4  }
0xa6: {  	v3 =	vmul.f32 $1.442695020e+00, v3;
	_ =	sdelay $0x1  }
0xa7: {  	(erf) = vpow2.f32 v3  }
0xa8: {  	_ =	sdelay $0x2  }
0xa9: {  	s9 =	sadd.s32 $0x1, s9  }
0xaa: {  	p0 =	sne.s32 s9, $0x19  }
.Ltmp6:
0xab: {  	_ = 	snop;
	(pc) =	sbr.rel @p0 .LBB2_8-.Ltmp6, $3  }
0xac: {  	_ =	sdelay $0x1  }
0xad: {  	v3 =	vpop (erf)  }
0xae: {  	[tilespmem:v2+s21+$0x0] =	vst.idx.add.f32.msk $0xffff, v3  }
0xaf: {  	s8 =	rddreg [dreg:$0x1];
	s9 =	simm.s32 $0xF0;
	s12 =	simm.s32 $0x19140  }
0xb0: {  	[spmem:s8] =	stream.indirect.scatter.add.f32 [tilespmem:s21], [sflag:$0x2], $0x80, s12, s9, $0xb8;
	[tilespmem:$0x1E9B0] =	vst v63  }
0xb1: {  	_ =	swait.ge [sflag:s19], $0x7800  }
0xb2: {  	[sflag:s19] =	ssyncset.done $0x0  }
0xb3: {  	[sflag:s19] =	ssyncadd.s32 $0xFFFF8800  }
0xb4: {  	[bflag:$0x0] =	sbarrier.arrive $0xFFFF  }
0xb5: {  	[tilespmem:s21], [sflag:$0x2] =	stream.linear.gather [spmem:s8], $0x7800, $0x38;
	[tilespmem:$0x1E9B0] =	vst v63  }
0xb6: {  	_ =	swait.ge [sflag:s19], $0x7800  }
0xb7: {  	[sflag:s19] =	ssyncset.done $0x0  }
0xb8: {  	s9 =	simm.s32 $0x0;
	[sflag:s19] =	ssyncadd.s32 $0xFFFF8800  }
0xb9: {  	v6 =	vld [tilespmem:s9+$0xF000]  }
0xba: {  	v8 =	vld [tilespmem:s9+$0xF010]  }
0xbb: {  	v5 =	vld [tilespmem:s9+$0xF020]  }
0xbc: {  	v2 =	vld [tilespmem:s9+$0xF030]  }
0xbd: {  	v3 =	vld [tilespmem:s9+$0xF040]  }
0xbe: {  	v4 =	vld [tilespmem:s9+$0xF050];
	v7 =	vadd.f32 $1.000000020e-16, v6  }
0xbf: {  	s12 =	simm.s32 $0x200;
	s8 =	simm.s32 $0x0;
	v8 =	vadd.f32 $1.000000020e-16, v8;
	v6 =	vld [tilespmem:s9+$0xF060]  }
.LBB2_12:
0xc0: {  	p0 =	sne.s32 s12, $0x1DE00;
	v5 =	vadd.f32 $1.000000020e-16, v5;
	v9 =	vld [tilespmem:s9+$0xF070];
	(erf) = vrcp.f32 v7  }
0xc1: {  	v2 =	vadd.f32 $1.000000020e-16, v2;
	(erf) = vrcp.f32 v8  }
0xc2: {  	v3 =	vadd.f32 $1.000000020e-16, v3;
	(erf) = vrcp.f32 v5  }
0xc3: {  	v4 =	vadd.f32 $1.000000020e-16, v4;
	(erf) = vrcp.f32 v2  }
0xc4: {  	v2 =	vadd.f32 $1.000000020e-16, v6;
	(erf) = vrcp.f32 v3  }
0xc5: {  	v3 =	vadd.f32 $1.000000020e-16, v9;
	(erf) = vrcp.f32 v4  }
0xc6: {  	(erf) = vrcp.f32 v2  }
0xc7: {  	(erf) = vrcp.f32 v3;
	_ =	sdelay $0x1  }
0xc8: {  	v2 =	vpop (erf)  }
0xc9: {  	s14 =	sshra.s32 s12, $0x2;
	[tilespmem:s9+$0xF000] =	vst v2;
	v2 =	vpop (erf)  }
0xca: {  	v4 =	vld [tilespmem:s14+$0xF000];
	[tilespmem:s9+$0xF010] =	vst v2;
	v2 =	vpop (erf)  }
0xcb: {  	v6 =	vld [tilespmem:s14+$0xF010];
	[tilespmem:s9+$0xF020] =	vst v2;
	v2 =	vpop (erf)  }
.Ltmp7:
0xcc: {  	v5 =	vld [tilespmem:s14+$0xF020];
	[tilespmem:s9+$0xF030] =	vst v2;
	v3 =	vpop (erf);
	(pc) =	sbr.rel @p0 .LBB2_12-.Ltmp7, $4  }
0xcd: {  	v2 =	vld [tilespmem:s14+$0xF030];
	[tilespmem:s9+$0xF040] =	vst v3;
	v7 =	vpop (erf)  }
0xce: {  	v3 =	vld [tilespmem:s14+$0xF040];
	[tilespmem:s9+$0xF050] =	vst v7;
	v8 =	vpop (erf)  }
0xcf: {  	v7 =	vadd.f32 $1.000000020e-16, v4;
	v4 =	vld [tilespmem:s14+$0xF050];
	[tilespmem:s9+$0xF060] =	vst v8;
	v9 =	vpop (erf)  }
0xd0: {  	s12 =	sadd.s32 $0x200, s12;
	v8 =	vadd.f32 $1.000000020e-16, v6;
	v6 =	vld [tilespmem:s14+$0xF060];
	[tilespmem:s9+$0xF070] =	vst v9;
	s9 =	smov.u32 s14  }
0xd1: {  	v5 =	vadd.f32 $1.000000020e-16, v5;
	v9 =	vld [tilespmem:s9+$0xF070];
	(erf) = vrcp.f32 v7  }
0xd2: {  	v2 =	vadd.f32 $1.000000020e-16, v2;
	(erf) = vrcp.f32 v8  }
0xd3: {  	v3 =	vadd.f32 $1.000000020e-16, v3;
	(erf) = vrcp.f32 v5  }
0xd4: {  	v4 =	vadd.f32 $1.000000020e-16, v4;
	(erf) = vrcp.f32 v2  }
0xd5: {  	v2 =	vadd.f32 $1.000000020e-16, v6;
	(erf) = vrcp.f32 v3  }
0xd6: {  	v3 =	vadd.f32 $1.000000020e-16, v9;
	(erf) = vrcp.f32 v4  }
0xd7: {  	(erf) = vrcp.f32 v2  }
0xd8: {  	(erf) = vrcp.f32 v3;
	_ =	sdelay $0x1  }
0xd9: {  	v2 =	vpop (erf)  }
0xda: {  	[tilespmem:s9+$0xF000] =	vst v2;
	v2 =	vpop (erf)  }
0xdb: {  	[tilespmem:s9+$0xF010] =	vst v2;
	v2 =	vpop (erf)  }
0xdc: {  	[tilespmem:s9+$0xF020] =	vst v2;
	v2 =	vpop (erf)  }
.Ltmp8:
0xdd: {  	[tilespmem:s9+$0xF030] =	vst v2;
	v2 =	vpop (erf);
	(pc) =	sbr.rel .LBB2_14-.Ltmp8, $4  }
0xde: {  	[tilespmem:s9+$0xF040] =	vst v2;
	v2 =	vpop (erf)  }
0xdf: {  	[tilespmem:s9+$0xF050] =	vst v2;
	v2 =	vpop (erf)  }
0xe0: {  	[tilespmem:s9+$0xF060] =	vst v2;
	v2 =	vpop (erf)  }
0xe1: {  	[tilespmem:s9+$0xF070] =	vst v2  }
.LBB2_21:
0xe2: {  	[tilespmem:s9+$0xFFFFFF00] =	vst v25;
	v16 =	vmul.f32 v16, v6  }
0xe3: {  	v23 =	vmul.f32 v23, v17;
	[tilespmem:s9+$0xFFFFFF40] =	vst v24  }
0xe4: {  	v12 =	vmul.f32 v12, v19;
	[tilespmem:s9+$0xE0] =	vst v16  }
0xe5: {  	v32 =	vmul.f32 v21, v15;
	[tilespmem:s9+$0xC0] =	vst v23  }
0xe6: {  	v20 =	vmul.f32 v22, v20;
	[tilespmem:s9+$0xFFFFFF10] =	vst v12  }
0xe7: {  	v34 =	vmul.f32 v14, v17;
	[tilespmem:s9+$0x90] =	vst v32  }
0xe8: {  	v40 =	vbroadcast v4, $0x6;
	v9 =	vmul.f32 v9, v15;
	[tilespmem:s9+$0xFFFFFF50] =	vst v20  }
0xe9: {  	v42 =	vmul.f32 v18, v13;
	[tilespmem:s9+$0xD0] =	vst v34  }
0xea: {  	v44 =	vbroadcast v4, $0x5;
	v8 =	vmul.f32 v8, v40;
	[tilespmem:s9+$0x80] =	vst v9  }
0xeb: {  	v46 =	vbroadcast v4, $0x7;
	v10 =	vmul.f32 v10, v40;
	[tilespmem:s9+$0xB0] =	vst v42  }
0xec: {  	v30 =	vld [tilespmem:s9+$0xA0];
	v36 =	vbroadcast v4, $0xB;
	v7 =	vmul.f32 v7, v44;
	[tilespmem:s9+$0xFFFFFFD0] =	vst v8  }
0xed: {  	v31 =	vld [tilespmem:s9+$0x70];
	v53 =	vbroadcast v4, $0x3;
	v5 =	vmul.f32 v5, v46;
	[tilespmem:s9+$0xFFFFFFC0] =	vst v10  }
0xee: {  	v33 =	vld [tilespmem:s9+$0xFFFFFFB0];
	v58 =	vbroadcast v4, $0x4;
	v11 =	vmul.f32 v11, v36;
	[tilespmem:s9+$0xFFFFFFA0] =	vst v7  }
0xef: {  	v35 =	vld [tilespmem:s9+$0xFFFFFF20];
	v2 =	vmul.f32 v2, v53;
	[tilespmem:s9+$0xFFFFFFF0] =	vst v5  }
0xf0: {  	v39 =	vld [tilespmem:s9+$0x40];
	v3 =	vmul.f32 v3, v58;
	[tilespmem:s9+$0x60] =	vst v11  }
0xf1: {  	v37 =	vld [tilespmem:s9+$0xFFFFFFE0];
	[tilespmem:s9+$0xFFFFFF60] =	vst v2;
	v38 =	vmul.f32 v30, v13  }
0xf2: {  	v51 =	vbroadcast v4, $0x1;
	v54 =	vld [tilespmem:s9+$0xF0];
	[tilespmem:s9+$0xFFFFFF90] =	vst v3;
	v19 =	vmul.f32 v31, v36  }
0xf3: {  	v48 =	vld [tilespmem:s9+$0xFFFFFF70];
	v55 =	vbroadcast v4, $0xA;
	v52 =	vmul.f32 v33, v44;
	[tilespmem:s9+$0xA0] =	vst v38  }
0xf4: {  	v45 =	vld [tilespmem:s9+$0x30];
	v14 =	vmul.f32 v35, v51;
	[tilespmem:s9+$0x70] =	vst v19  }
0xf5: {  	v49 =	vld [tilespmem:s9+$0xFFFFFF80];
	v57 =	vmul.f32 v39, v55;
	[tilespmem:s9+$0xFFFFFFB0] =	vst v52  }
0xf6: {  	v43 =	vld [tilespmem:s9+$0x20];
	v9 =	vmul.f32 v37, v46;
	[tilespmem:s9+$0xFFFFFF20] =	vst v14  }
0xf7: {  	v56 =	vld [tilespmem:s9+$0xFFFFFF30];
	v59 =	vbroadcast v4, $0x9;
	v2 =	vmul.f32 v54, v6;
	[tilespmem:s9+$0x40] =	vst v57  }
0xf8: {  	v41 =	vld [tilespmem:s9+$0x50];
	v60 =	vmul.f32 v48, v53;
	[tilespmem:s9+$0xFFFFFFE0] =	vst v9  }
0xf9: {  	v47 =	vld [tilespmem:s9+$0x0];
	v3 =	vmul.f32 v45, v59;
	[tilespmem:s9+$0xF0] =	vst v2  }
0xfa: {  	v50 =	vld [tilespmem:s9+$0x10];
	v62 =	vmul.f32 v49, v58;
	[tilespmem:s9+$0xFFFFFF70] =	vst v60  }
0xfb: {  	v2 =	vmul.f32 v43, v59;
	[tilespmem:s9+$0x30] =	vst v3  }
0xfc: {  	v61 =	vbroadcast v4, $0x8;
	v63 =	vmul.f32 v56, v51;
	[tilespmem:s9+$0xFFFFFF80] =	vst v62  }
0xfd: {  	[tilespmem:s9+$0x20] =	vst v2;
	v2 =	vmul.f32 v41, v55  }
0xfe: {  	v3 =	vmul.f32 v47, v61;
	[tilespmem:s9+$0xFFFFFF30] =	vst v63  }
0xff: {  	[tilespmem:s9+$0x50] =	vst v2;
	v2 =	vmul.f32 v50, v61  }
0x100: {  	[tilespmem:s9+$0x0] =	vst v3  }
0x101: {  	[tilespmem:s9+$0x10] =	vst v2  }
0x102: {  	[spmem:s2] =	stream.indirect.scatter.add.f32 [tilespmem:s22], [sflag:$0x3], $0x20, s30, s25, $0xb8;
	[tilespmem:$0x1E9B0] =	vst v63  }
0x103: {  	_ =	swait.ge [sflag:s29], $0x1000  }
0x104: {  	[sflag:s29] =	ssyncset.done $0x0  }
0x105: {  	[sflag:s29] =	ssyncadd.s32 $0xFFFFF000  }
0x106: {  	[spmem:s2] =	stream.indirect.scatter.add.f32 [tilespmem:s26], [sflag:$0x2], $0x20, s0, s25, $0xb8;
	[tilespmem:$0x1E9B0] =	vst v63  }
0x107: {  	_ =	swait.ge [sflag:s19], $0x1000  }
0x108: {  	[sflag:s19] =	ssyncset.done $0x0  }
0x109: {  	[sflag:s19] =	ssyncadd.s32 $0xFFFFF000  }
.LBB2_22:
0x10a: {  	s8 =	sadd.s32 $0x1, s8  }
0x10b: {  	p0 =	sne.s32 s8, $0x28  }
.Ltmp9:
0x10c: {  	_ = 	snop;
	(pc) =	sbr.rel @!p0 .LBB2_23-.Ltmp9, $1  }
0x10d: {  	_ =	sdelay $0x3  }
.LBB2_14:
0x10e: {  	s9 =	sshll.u32 s8, $0x5  }
0x10f: {  	s9 =	sor.u32 s11, s9  }
0x110: {  	p0 =	sgt.u32 s9, $0x4E1  }
.Ltmp10:
0x111: {  	_ = 	snop;
	(pc) =	sbr.rel @p0 .LBB2_22-.Ltmp10, $1  }
0x112: {  	_ =	sdelay $0x3  }
0x113: {  	s9 =	sor.u32 s5, s9  }
0x114: {  	s9 =	sshll.u32 s9, $0x5  }
0x115: {  	s12 =	simm.s32 $0x0;
	s14 =	sadd.s32 s6, s9  }
0x116: {  	[tilespmem:s28], [sflag:$0x3] =	stream.linear.gather [hbm4b:s14+s12], $0x80, $0x38;
	[tilespmem:$0x1E9B0] =	vst v63  }
0x117: {  	_ =	swait.ge [sflag:s29], $0x80  }
0x118: {  	[sflag:s29] =	ssyncset.done $0x0  }
0x119: {  	s15 =	sadd.s32 s7, s9;
	[sflag:s29] =	ssyncadd.s32 $0xFFFFFF80  }
0x11a: {  	[tilespmem:s30], [sflag:$0x3] =	stream.linear.gather [hbm4b:s15+s12], $0x80, $0x38;
	[tilespmem:$0x1E9B0] =	vst v63  }
0x11b: {  	_ =	swait.ge [sflag:s29], $0x80  }
0x11c: {  	s9 =	sor.u32 $0x10, s9;
	[sflag:s29] =	ssyncset.done $0x0  }
0x11d: {  	s17 =	sadd.s32 s6, s9;
	[sflag:s29] =	ssyncadd.s32 $0xFFFFFF80  }
0x11e: {  	[tilespmem:s31], [sflag:$0x3] =	stream.linear.gather [hbm4b:s17+s12], $0x80, $0x38;
	[tilespmem:$0x1E9B0] =	vst v63  }
0x11f: {  	_ =	swait.ge [sflag:s29], $0x80  }
0x120: {  	[sflag:s29] =	ssyncset.done $0x0  }
0x121: {  	s9 =	sadd.s32 s7, s9;
	[sflag:s29] =	ssyncadd.s32 $0xFFFFFF80  }
0x122: {  	[tilespmem:s0], [sflag:$0x3] =	stream.linear.gather [hbm4b:s9+s12], $0x80, $0x38;
	[tilespmem:$0x1E9B0] =	vst v63  }
0x123: {  	_ =	swait.ge [sflag:s29], $0x80  }
0x124: {  	[sflag:s29] =	ssyncset.done $0x0  }
0x125: {  	[sflag:s29] =	ssyncadd.s32 $0xFFFFFF80  }
0x126: {  	[tilespmem:s22], [sflag:$0x1] =	stream.indirect.gather [hbm4b:s10+s25], $0x20, s28, s25, $0xb8;
	[tilespmem:$0x1E9B0] =	vst v63  }
0x127: {  	_ = 	snop  }
0x128: {  	[tilespmem:s26], [sflag:$0x1] =	stream.indirect.gather [hbm4b:s10+s25], $0x20, s31, s25, $0xb8;
	[tilespmem:$0x1E9B0] =	vst v63  }
0x129: {  	_ =	swait.ge [sflag:s3], $0x1000  }
0x12a: {  	[sflag:s3] =	ssyncset.done $0x0  }
0x12b: {  	[sflag:s3] =	ssyncadd.s32 $0xFFFFF000  }
0x12c: {  	_ =	swait.ge [sflag:s3], $0x1000  }
0x12d: {  	[sflag:s3] =	ssyncset.done $0x0  }
0x12e: {  	s9 =	simm.s32 $0x0;
	[sflag:s3] =	ssyncadd.s32 $0xFFFFF000  }
0x12f: {  	v2 =	vld [tilespmem:s9+$0x16F40]  }
0x130: {  	v3 =	vld [tilespmem:s9+$0x16E40];
	_ =	sdelay $0x3  }
0x131: {  	v2 =	vmul.u32 $0x3, v2  }
0x132: {  	v3 =	vmul.u32 $0x3, v3;
	_ =	sdelay $0x4  }
0x133: {  	v4 =	vld.idx.msk [tilespmem:v2+s20+$0x0], $0xffff  }
0x134: {  	v5 =	vld.idx.msk [tilespmem:v3+s12+$0x0], $0xffff  }
0x135: {  	v7 =	vadd.s32 $0x1, v3  }
0x136: {  	v6 =	vadd.s32 $0x1, v2  }
0x137: {  	v8 =	vadd.s32 $0x2, v2  }
0x138: {  	v3 =	vadd.s32 $0x2, v3  }
0x139: {  	v4 =	vadd.f32 v4, v5  }
0x13a: {  	v7 =	vld.idx.msk [tilespmem:v7+s12+$0x0], $0xffff  }
0x13b: {  	v5 =	vld.idx.msk [tilespmem:v6+s20+$0x0], $0xffff;
	v9 =	vmul.f32 $9.999999770e-03, v4  }
0x13c: {  	v62 =	vld.idx.msk [tilespmem:v8+s20+$0x0], $0xffff;
	vm0 =	vge.f32 v4, $0.0e+00  }
0x13d: {  	v3 =	vld.idx.msk [tilespmem:v3+s12+$0x0], $0xffff;
	v4 =	vsel vm0, v4, v9  }
0x13e: {  	v4 =	vmul.f32 $1.442695020e+00, v4;
	_ =	sdelay $0x1  }
0x13f: {  	(erf) = vpow2.f32 v4;
	v4 =	vadd.f32 v5, v7;
	_ =	sdelay $0x1  }
0x140: {  	v3 =	vadd.f32 v62, v3;
	v5 =	vmul.f32 $9.999999770e-03, v4  }
0x141: {  	vm14 =	vge.f32 v4, $0.0e+00  }
0x142: {  	v63 =	vld.idx.msk [tilespmem:v2+s21+$0x0], $0xffff;
	v7 =	vmul.f32 $9.999999770e-03, v3;
	v2 =	vsel vm14, v4, v5  }
0x143: {  	vm15 =	vge.f32 v3, $0.0e+00;
	v2 =	vmul.f32 $1.442695020e+00, v2  }
0x144: {  	v3 =	vsel vm15, v3, v7  }
0x145: {  	v4 =	vmul.f32 $1.442695020e+00, v3;
	(erf) = vpow2.f32 v2;
	_ =	sdelay $0x1  }
0x146: {  	v5 =	vpop (erf);
	(erf) = vpow2.f32 v4;
	_ =	sdelay $0x2  }
0x147: {  	v3 =	vld.idx.msk [tilespmem:v6+s21+$0x0], $0xffff;
	_ =	sdelay $0x1  }
0x148: {  	s15 =	simm.s32 $0x10;
	v2 =	vld.idx.msk [tilespmem:v8+s21+$0x0], $0xffff  }
0x149: {  	s14 =	simm.s32 $0x0;
	s17 =	simm.s32 $0x80;
	v4 =	vld [tilespmem:s15+$0x16F40];
	v5 =	vmul.f32 v5, v63  }
.LBB2_16:
0x14a: {  	p0 =	sne.s32 s17, $0x1C0;
	v6 =	vld [tilespmem:s15+$0x16E40];
	v7 =	vpop (erf)  }
0x14b: {  	v5 =	vadd.f32 $0.0e+00, v5;
	v3 =	vmul.f32 v7, v3  }
0x14c: {  	v7 =	vpop (erf)  }
0x14d: {  	v3 =	vadd.f32 v3, v5;
	v2 =	vmul.f32 v7, v2  }
0x14e: {  	v4 =	vmul.u32 $0x3, v4  }
0x14f: {  	v5 =	vmul.u32 $0x3, v6;
	v2 =	vadd.f32 v2, v3;
	_ =	sdelay $0x1  }
0x150: {  	v3 =	vadd.s32 $0x1, v4;
	v2 =	vmul.f32 $3.333333430e-01, v2  }
0x151: {  	v6 =	vadd.s32 $0x1, v5  }
0x152: {  	v7 =	vadd.s32 $0x2, v4;
	[tilespmem:s14+$0x19040] =	vst v2;
	s14 =	smov.u32 s15  }
0x153: {  	v8 =	vadd.s32 $0x2, v5;
	v2 =	vld.idx.msk [tilespmem:v4+s20+$0x0], $0xffff  }
0x154: {  	v5 =	vld.idx.msk [tilespmem:v5+s12+$0x0], $0xffff  }
0x155: {  	v9 =	vld.idx.msk [tilespmem:v3+s20+$0x0], $0xffff  }
0x156: {  	v6 =	vld.idx.msk [tilespmem:v6+s12+$0x0], $0xffff  }
0x157: {  	v10 =	vld.idx.msk [tilespmem:v7+s20+$0x0], $0xffff  }
0x158: {  	v8 =	vld.idx.msk [tilespmem:v8+s12+$0x0], $0xffff;
	_ =	sdelay $0x1  }
0x159: {  	v2 =	vadd.f32 v2, v5;
	_ =	sdelay $0x1  }
0x15a: {  	v5 =	vmul.f32 $9.999999770e-03, v2;
	v6 =	vadd.f32 v9, v6  }
0x15b: {  	vm0 =	vge.f32 v2, $0.0e+00  }
0x15c: {  	v2 =	vsel vm0, v2, v5;
	v5 =	vmul.f32 $9.999999770e-03, v6;
	v8 =	vadd.f32 v10, v8  }
0x15d: {  	vm0 =	vge.f32 v6, $0.0e+00;
	v2 =	vmul.f32 $1.442695020e+00, v2  }
0x15e: {  	v5 =	vsel vm0, v6, v5;
	v6 =	vmul.f32 $9.999999770e-03, v8  }
0x15f: {  	vm0 =	vge.f32 v8, $0.0e+00;
	v5 =	vmul.f32 $1.442695020e+00, v5;
	(erf) = vpow2.f32 v2  }
0x160: {  	v2 =	vsel vm0, v8, v6  }
0x161: {  	v2 =	vmul.f32 $1.442695020e+00, v2;
	(erf) = vpow2.f32 v5;
	_ =	sdelay $0x1  }
0x162: {  	v5 =	vld.idx.msk [tilespmem:v4+s21+$0x0], $0xffff;
	(erf) = vpow2.f32 v2;
	_ =	sdelay $0x1  }
.Ltmp11:
0x163: {  	v3 =	vld.idx.msk [tilespmem:v3+s21+$0x0], $0xffff;
	(pc) =	sbr.rel @p0 .LBB2_16-.Ltmp11, $4  }
0x164: {  	_ = 	snop  }
0x165: {  	v2 =	vld.idx.msk [tilespmem:v7+s21+$0x0], $0xffff  }
0x166: {  	s15 =	sshra.s32 s17, $0x2;
	v6 =	vpop (erf)  }
0x167: {  	s17 =	sadd.s32 $0x40, s17;
	v4 =	vld [tilespmem:s15+$0x16F40];
	v5 =	vmul.f32 v6, v5  }
0x168: {  	v6 =	vld [tilespmem:s15+$0x16E40];
	v7 =	vpop (erf)  }
0x169: {  	v5 =	vadd.f32 $0.0e+00, v5;
	v3 =	vmul.f32 v7, v3  }
0x16a: {  	v7 =	vpop (erf)  }
0x16b: {  	v3 =	vadd.f32 v3, v5;
	v2 =	vmul.f32 v7, v2  }
0x16c: {  	v4 =	vmul.u32 $0x3, v4  }
0x16d: {  	v5 =	vmul.u32 $0x3, v6;
	v2 =	vadd.f32 v2, v3;
	_ =	sdelay $0x1  }
0x16e: {  	v3 =	vadd.s32 $0x1, v4;
	v2 =	vmul.f32 $3.333333430e-01, v2  }
0x16f: {  	v6 =	vadd.s32 $0x1, v5  }
0x170: {  	v7 =	vadd.s32 $0x2, v4;
	[tilespmem:s14+$0x19040] =	vst v2  }
0x171: {  	v8 =	vadd.s32 $0x2, v5;
	v2 =	vld.idx.msk [tilespmem:v4+s20+$0x0], $0xffff  }
0x172: {  	v5 =	vld.idx.msk [tilespmem:v5+s12+$0x0], $0xffff  }
0x173: {  	v9 =	vld.idx.msk [tilespmem:v3+s20+$0x0], $0xffff  }
0x174: {  	v6 =	vld.idx.msk [tilespmem:v6+s12+$0x0], $0xffff  }
0x175: {  	v10 =	vld.idx.msk [tilespmem:v7+s20+$0x0], $0xffff  }
0x176: {  	v8 =	vld.idx.msk [tilespmem:v8+s12+$0x0], $0xffff  }
0x177: {  	v2 =	vadd.f32 v2, v5;
	_ =	sdelay $0x1  }
0x178: {  	v6 =	vadd.f32 v9, v6;
	v5 =	vmul.f32 $9.999999770e-03, v2  }
0x179: {  	vm0 =	vge.f32 v2, $0.0e+00  }
0x17a: {  	v8 =	vadd.f32 v10, v8;
	v2 =	vsel vm0, v2, v5;
	v5 =	vmul.f32 $9.999999770e-03, v6  }
0x17b: {  	vm11 =	vge.f32 v6, $0.0e+00;
	v2 =	vmul.f32 $1.442695020e+00, v2  }
0x17c: {  	v5 =	vsel vm11, v6, v5;
	v6 =	vmul.f32 $9.999999770e-03, v8  }
0x17d: {  	vm12 =	vge.f32 v8, $0.0e+00;
	v5 =	vmul.f32 $1.442695020e+00, v5;
	(erf) = vpow2.f32 v2  }
0x17e: {  	v2 =	vsel vm12, v8, v6  }
0x17f: {  	v2 =	vmul.f32 $1.442695020e+00, v2;
	(erf) = vpow2.f32 v5;
	_ =	sdelay $0x1  }
0x180: {  	(erf) = vpow2.f32 v2  }
0x181: {  	v2 =	vld.idx.msk [tilespmem:v4+s21+$0x0], $0xffff;
	_ =	sdelay $0x1  }
0x182: {  	v3 =	vld.idx.msk [tilespmem:v3+s21+$0x0], $0xffff;
	_ =	sdelay $0x1  }
0x183: {  	v4 =	vld.idx.msk [tilespmem:v7+s21+$0x0], $0xffff;
	v5 =	vpop (erf)  }
0x184: {  	v2 =	vmul.f32 v5, v2  }
0x185: {  	v5 =	vpop (erf)  }
0x186: {  	v2 =	vadd.f32 $0.0e+00, v2;
	v3 =	vmul.f32 v5, v3  }
0x187: {  	v5 =	vpop (erf)  }
0x188: {  	v2 =	vadd.f32 v3, v2;
	v3 =	vmul.f32 v5, v4;
	_ =	sdelay $0x1  }
0x189: {  	v2 =	vadd.f32 v3, v2;
	_ =	sdelay $0x1  }
0x18a: {  	v2 =	vmul.f32 $3.333333430e-01, v2;
	_ =	sdelay $0x1  }
0x18b: {  	[tilespmem:s15+$0x19040] =	vst v2  }
0x18c: {  	v2 =	vld [tilespmem:s9+$0x16FC0]  }
0x18d: {  	v3 =	vld [tilespmem:s9+$0x16EC0];
	_ =	sdelay $0x3  }
0x18e: {  	v2 =	vmul.u32 $0x3, v2  }
0x18f: {  	v3 =	vmul.u32 $0x3, v3;
	_ =	sdelay $0x4  }
0x190: {  	s12 =	simm.s32 $0x0;
	v4 =	vld.idx.msk [tilespmem:v2+s20+$0x0], $0xffff  }
0x191: {  	v5 =	vld.idx.msk [tilespmem:v3+s12+$0x0], $0xffff  }
0x192: {  	v7 =	vadd.s32 $0x1, v3  }
0x193: {  	v6 =	vadd.s32 $0x1, v2  }
0x194: {  	v60 =	vadd.s32 $0x2, v2  }
0x195: {  	v3 =	vadd.s32 $0x2, v3  }
0x196: {  	v4 =	vadd.f32 v4, v5  }
0x197: {  	v7 =	vld.idx.msk [tilespmem:v7+s12+$0x0], $0xffff  }
0x198: {  	v5 =	vld.idx.msk [tilespmem:v6+s20+$0x0], $0xffff;
	v61 =	vmul.f32 $9.999999770e-03, v4  }
0x199: {  	v62 =	vld.idx.msk [tilespmem:v60+s20+$0x0], $0xffff;
	vm13 =	vge.f32 v4, $0.0e+00  }
0x19a: {  	v3 =	vld.idx.msk [tilespmem:v3+s12+$0x0], $0xffff;
	v4 =	vsel vm13, v4, v61  }
0x19b: {  	v4 =	vmul.f32 $1.442695020e+00, v4;
	_ =	sdelay $0x1  }
0x19c: {  	(erf) = vpow2.f32 v4;
	v4 =	vadd.f32 v5, v7;
	_ =	sdelay $0x1  }
0x19d: {  	v3 =	vadd.f32 v62, v3;
	v5 =	vmul.f32 $9.999999770e-03, v4  }
0x19e: {  	vm14 =	vge.f32 v4, $0.0e+00  }
0x19f: {  	v63 =	vld.idx.msk [tilespmem:v2+s21+$0x0], $0xffff;
	v7 =	vmul.f32 $9.999999770e-03, v3;
	v2 =	vsel vm14, v4, v5  }
0x1a0: {  	vm15 =	vge.f32 v3, $0.0e+00;
	v2 =	vmul.f32 $1.442695020e+00, v2  }
0x1a1: {  	v3 =	vsel vm15, v3, v7  }
0x1a2: {  	v4 =	vmul.f32 $1.442695020e+00, v3;
	(erf) = vpow2.f32 v2;
	_ =	sdelay $0x1  }
0x1a3: {  	v5 =	vpop (erf);
	(erf) = vpow2.f32 v4;
	_ =	sdelay $0x2  }
0x1a4: {  	v3 =	vld.idx.msk [tilespmem:v6+s21+$0x0], $0xffff;
	_ =	sdelay $0x1  }
0x1a5: {  	s14 =	simm.s32 $0x10;
	v2 =	vld.idx.msk [tilespmem:v60+s21+$0x0], $0xffff  }
0x1a6: {  	s15 =	simm.s32 $0x80;
	v4 =	vld [tilespmem:s14+$0x16FC0];
	v5 =	vmul.f32 v5, v63  }
.LBB2_18:
0x1a7: {  	p0 =	sne.s32 s15, $0x1C0;
	v6 =	vld [tilespmem:s14+$0x16EC0];
	v7 =	vpop (erf)  }
0x1a8: {  	v5 =	vadd.f32 $0.0e+00, v5;
	v3 =	vmul.f32 v7, v3  }
0x1a9: {  	v7 =	vpop (erf)  }
0x1aa: {  	v3 =	vadd.f32 v3, v5;
	v2 =	vmul.f32 v7, v2  }
0x1ab: {  	v4 =	vmul.u32 $0x3, v4  }
0x1ac: {  	v5 =	vmul.u32 $0x3, v6;
	v2 =	vadd.f32 v2, v3;
	_ =	sdelay $0x1  }
0x1ad: {  	v3 =	vadd.s32 $0x1, v4;
	v2 =	vmul.f32 $3.333333430e-01, v2  }
0x1ae: {  	v6 =	vadd.s32 $0x1, v5  }
0x1af: {  	v7 =	vadd.s32 $0x2, v4;
	[tilespmem:s9+$0x190C0] =	vst v2;
	s9 =	smov.u32 s14  }
0x1b0: {  	v8 =	vadd.s32 $0x2, v5;
	v2 =	vld.idx.msk [tilespmem:v4+s20+$0x0], $0xffff  }
0x1b1: {  	v5 =	vld.idx.msk [tilespmem:v5+s12+$0x0], $0xffff  }
0x1b2: {  	v9 =	vld.idx.msk [tilespmem:v3+s20+$0x0], $0xffff  }
0x1b3: {  	v6 =	vld.idx.msk [tilespmem:v6+s12+$0x0], $0xffff  }
0x1b4: {  	v10 =	vld.idx.msk [tilespmem:v7+s20+$0x0], $0xffff  }
0x1b5: {  	v8 =	vld.idx.msk [tilespmem:v8+s12+$0x0], $0xffff;
	_ =	sdelay $0x1  }
0x1b6: {  	v2 =	vadd.f32 v2, v5;
	_ =	sdelay $0x1  }
0x1b7: {  	v5 =	vmul.f32 $9.999999770e-03, v2;
	v6 =	vadd.f32 v9, v6  }
0x1b8: {  	vm0 =	vge.f32 v2, $0.0e+00  }
0x1b9: {  	v2 =	vsel vm0, v2, v5;
	v5 =	vmul.f32 $9.999999770e-03, v6;
	v8 =	vadd.f32 v10, v8  }
0x1ba: {  	vm0 =	vge.f32 v6, $0.0e+00;
	v2 =	vmul.f32 $1.442695020e+00, v2  }
0x1bb: {  	v5 =	vsel vm0, v6, v5;
	v6 =	vmul.f32 $9.999999770e-03, v8  }
0x1bc: {  	vm0 =	vge.f32 v8, $0.0e+00;
	v5 =	vmul.f32 $1.442695020e+00, v5;
	(erf) = vpow2.f32 v2  }
0x1bd: {  	v2 =	vsel vm0, v8, v6  }
0x1be: {  	v2 =	vmul.f32 $1.442695020e+00, v2;
	(erf) = vpow2.f32 v5;
	_ =	sdelay $0x1  }
0x1bf: {  	v5 =	vld.idx.msk [tilespmem:v4+s21+$0x0], $0xffff;
	(erf) = vpow2.f32 v2;
	_ =	sdelay $0x1  }
.Ltmp12:
0x1c0: {  	v3 =	vld.idx.msk [tilespmem:v3+s21+$0x0], $0xffff;
	(pc) =	sbr.rel @p0 .LBB2_18-.Ltmp12, $4  }
0x1c1: {  	_ = 	snop  }
0x1c2: {  	v2 =	vld.idx.msk [tilespmem:v7+s21+$0x0], $0xffff  }
0x1c3: {  	s14 =	sshra.s32 s15, $0x2;
	v6 =	vpop (erf)  }
0x1c4: {  	s15 =	sadd.s32 $0x40, s15;
	v4 =	vld [tilespmem:s14+$0x16FC0];
	v5 =	vmul.f32 v6, v5  }
0x1c5: {  	v6 =	vld [tilespmem:s14+$0x16EC0];
	v7 =	vpop (erf)  }
0x1c6: {  	v5 =	vadd.f32 $0.0e+00, v5;
	v3 =	vmul.f32 v7, v3  }
0x1c7: {  	v7 =	vpop (erf)  }
0x1c8: {  	v3 =	vadd.f32 v3, v5;
	v2 =	vmul.f32 v7, v2  }
0x1c9: {  	v4 =	vmul.u32 $0x3, v4  }
0x1ca: {  	v5 =	vmul.u32 $0x3, v6;
	v2 =	vadd.f32 v2, v3;
	_ =	sdelay $0x1  }
0x1cb: {  	v3 =	vadd.s32 $0x1, v4;
	v2 =	vmul.f32 $3.333333430e-01, v2  }
0x1cc: {  	v6 =	vadd.s32 $0x1, v5  }
0x1cd: {  	v7 =	vadd.s32 $0x2, v4;
	[tilespmem:s9+$0x190C0] =	vst v2  }
0x1ce: {  	s17 =	simm.s32 $0x0;
	v8 =	vadd.s32 $0x2, v5;
	v2 =	vld.idx.msk [tilespmem:v4+s20+$0x0], $0xffff  }
0x1cf: {  	v5 =	vld.idx.msk [tilespmem:v5+s17+$0x0], $0xffff  }
0x1d0: {  	v9 =	vld.idx.msk [tilespmem:v3+s20+$0x0], $0xffff  }
0x1d1: {  	v6 =	vld.idx.msk [tilespmem:v6+s17+$0x0], $0xffff  }
0x1d2: {  	v10 =	vld.idx.msk [tilespmem:v7+s20+$0x0], $0xffff  }
0x1d3: {  	v8 =	vld.idx.msk [tilespmem:v8+s17+$0x0], $0xffff  }
0x1d4: {  	v2 =	vadd.f32 v2, v5;
	_ =	sdelay $0x1  }
0x1d5: {  	v6 =	vadd.f32 v9, v6;
	v5 =	vmul.f32 $9.999999770e-03, v2  }
0x1d6: {  	vm0 =	vge.f32 v2, $0.0e+00  }
0x1d7: {  	v8 =	vadd.f32 v10, v8;
	v2 =	vsel vm0, v2, v5;
	v5 =	vmul.f32 $9.999999770e-03, v6  }
0x1d8: {  	vm14 =	vge.f32 v6, $0.0e+00;
	v2 =	vmul.f32 $1.442695020e+00, v2  }
0x1d9: {  	v5 =	vsel vm14, v6, v5;
	v6 =	vmul.f32 $9.999999770e-03, v8  }
0x1da: {  	vm15 =	vge.f32 v8, $0.0e+00;
	v5 =	vmul.f32 $1.442695020e+00, v5;
	(erf) = vpow2.f32 v2  }
0x1db: {  	v2 =	vsel vm15, v8, v6  }
0x1dc: {  	v2 =	vmul.f32 $1.442695020e+00, v2;
	(erf) = vpow2.f32 v5;
	_ =	sdelay $0x1  }
0x1dd: {  	(erf) = vpow2.f32 v2  }
0x1de: {  	v2 =	vld.idx.msk [tilespmem:v4+s21+$0x0], $0xffff;
	_ =	sdelay $0x1  }
0x1df: {  	v3 =	vld.idx.msk [tilespmem:v3+s21+$0x0], $0xffff;
	_ =	sdelay $0x1  }
0x1e0: {  	v4 =	vld.idx.msk [tilespmem:v7+s21+$0x0], $0xffff;
	v5 =	vpop (erf)  }
0x1e1: {  	v2 =	vmul.f32 v5, v2  }
0x1e2: {  	v5 =	vpop (erf)  }
0x1e3: {  	v2 =	vadd.f32 $0.0e+00, v2;
	v3 =	vmul.f32 v5, v3  }
0x1e4: {  	v5 =	vpop (erf)  }
0x1e5: {  	v2 =	vadd.f32 v3, v2;
	v3 =	vmul.f32 v5, v4;
	_ =	sdelay $0x1  }
0x1e6: {  	v2 =	vadd.f32 v3, v2;
	_ =	sdelay $0x1  }
0x1e7: {  	v2 =	vmul.f32 $3.333333430e-01, v2;
	_ =	sdelay $0x1  }
0x1e8: {  	s9 =	simm.s32 $0x17140;
	[tilespmem:s14+$0x190C0] =	vst v2  }
0x1e9: {  	v7 =	vld [tilespmem:s9+$0xFFFFFFA0]  }
0x1ea: {  	v5 =	vld [tilespmem:s9+$0xFFFFFFF0]  }
0x1eb: {  	v2 =	vld [tilespmem:s9+$0xFFFFFF60]  }
0x1ec: {  	v8 =	vld [tilespmem:s9+$0xFFFFFFD0]  }
0x1ed: {  	v9 =	vld [tilespmem:s9+$0x80]  }
0x1ee: {  	v12 =	vld [tilespmem:s9+$0xFFFFFF10]  }
0x1ef: {  	v16 =	vld [tilespmem:s9+$0xE0]  }
0x1f0: {  	v11 =	vld [tilespmem:s9+$0xFFFFFF40]  }
0x1f1: {  	s12 =	simm.s32 $0x0;
	v3 =	vld [tilespmem:s9+$0xFFFFFF90]  }
0x1f2: {  	v4 =	vld [tilespmem:s12+$0x19040]  }
0x1f3: {  	v10 =	vld [tilespmem:s9+$0xFFFFFFC0]  }
0x1f4: {  	v13 =	vld [tilespmem:s9+$0xFFFFFF00]  }
0x1f5: {  	p0 =	por $0x1, $0x1;
	v14 =	vld [tilespmem:s9+$0xD0]  }
.Ltmp13:
0x1f6: {  	v23 =	vld [tilespmem:s9+$0xC0];
	(pc) =	sbr.rel @!p0 .LBB2_21-.Ltmp13, $4  }
0x1f7: {  	v21 =	vld [tilespmem:s9+$0x90];
	v19 =	vbroadcast v4, $0x0;
	v6 =	vbroadcast v4, $0xF  }
0x1f8: {  	v22 =	vld [tilespmem:s9+$0xFFFFFF50];
	v20 =	vbroadcast v4, $0x2;
	v17 =	vbroadcast v4, $0xE  }
0x1f9: {  	v18 =	vld [tilespmem:s9+$0xB0];
	v15 =	vbroadcast v4, $0xC;
	v25 =	vmul.f32 v19, v13  }
0x1fa: {  	s14 =	simm.s32 $0x17140;
	s12 =	simm.s32 $0x40;
	v13 =	vbroadcast v4, $0xD;
	v24 =	vmul.f32 v11, v20;
	v11 =	vld [tilespmem:s9+$0x60]  }
.LBB2_20:
0x1fb: {  	p0 =	sne.s32 s12, $0x3C0  }
0x1fc: {  	[tilespmem:s9+$0xFFFFFF00] =	vst v25;
	v25 =	vld [tilespmem:s9+$0xFFFFFFB0];
	v23 =	vmul.f32 v23, v17;
	v16 =	vmul.f32 v16, v6;
	s14 =	sadd.s32 $0x200, s14;
	s15 =	smov.u32 s12;
	s12 =	sadd.s32 $0x40, s12  }
0x1fd: {  	v21 =	vmul.f32 v21, v15;
	[tilespmem:s9+$0xFFFFFF40] =	vst v24;
	v24 =	vbroadcast v4, $0xA;
	v26 =	vld [tilespmem:s9+$0xA0]  }
0x1fe: {  	v12 =	vmul.f32 v12, v19;
	v19 =	vmul.f32 v22, v20;
	v20 =	vld [tilespmem:s9+$0x70];
	[tilespmem:s9+$0xE0] =	vst v16  }
0x1ff: {  	v18 =	vmul.f32 v18, v13;
	v16 =	vbroadcast v4, $0x5;
	v22 =	vld [tilespmem:s9+$0xFFFFFFE0];
	[tilespmem:s9+$0xC0] =	vst v23  }
0x200: {  	v14 =	vmul.f32 v14, v17;
	[tilespmem:s9+$0xFFFFFF10] =	vst v12;
	v12 =	vbroadcast v4, $0x6;
	v23 =	vld [tilespmem:s9+$0x40]  }
0x201: {  	v27 =	vbroadcast v4, $0xB;
	v7 =	vmul.f32 v7, v16;
	v17 =	vld [tilespmem:s9+$0xFFFFFF20];
	[tilespmem:s9+$0x90] =	vst v21  }
0x202: {  	[tilespmem:s9+$0xFFFFFF50] =	vst v19;
	v19 =	vbroadcast v4, $0x9;
	v21 =	vld [tilespmem:s9+$0x20];
	v13 =	vmul.f32 v26, v13  }
0x203: {  	v16 =	vmul.f32 v25, v16;
	v25 =	vld [tilespmem:s9+$0x50];
	v20 =	vmul.f32 v20, v27;
	[tilespmem:s9+$0xD0] =	vst v14  }
0x204: {  	v9 =	vmul.f32 v9, v15;
	v14 =	vbroadcast v4, $0x7;
	v26 =	vld [tilespmem:s9+$0x30];
	[tilespmem:s9+$0xA0] =	vst v13  }
0x205: {  	v10 =	vmul.f32 v10, v12;
	v13 =	vbroadcast v4, $0x3;
	v15 =	vld [tilespmem:s9+$0x0];
	[tilespmem:s9+$0x70] =	vst v20  }
0x206: {  	v11 =	vmul.f32 v11, v27;
	v8 =	vmul.f32 v8, v12;
	v12 =	vld [tilespmem:s9+$0x10];
	[tilespmem:s9+$0x80] =	vst v9  }
0x207: {  	v20 =	vbroadcast v4, $0x8;
	v23 =	vmul.f32 v23, v24;
	v9 =	vld [tilespmem:s9+$0xFFFFFF30];
	[tilespmem:s9+$0xB0] =	vst v18  }
0x208: {  	v18 =	vbroadcast v4, $0x1;
	v27 =	vld [tilespmem:s9+$0xFFFFFF70];
	[tilespmem:s9+$0xFFFFFFD0] =	vst v8;
	v24 =	vmul.f32 v25, v24  }
0x209: {  	v5 =	vmul.f32 v5, v14;
	v8 =	vmul.f32 v22, v14;
	[tilespmem:s9+$0xFFFFFFC0] =	vst v10;
	v10 =	vld [tilespmem:s9+$0xF0]  }
0x20a: {  	v22 =	vmul.f32 v26, v19;
	v14 =	vld [tilespmem:s9+$0xFFFFFF80];
	[tilespmem:s9+$0xFFFFFFA0] =	vst v7;
	v15 =	vmul.f32 v15, v20  }
0x20b: {  	v7 =	vld [tilespmem:s14+$0xFFFFFFA0];
	[tilespmem:s9+$0xFFFFFFF0] =	vst v5;
	v20 =	vmul.f32 v12, v20;
	v12 =	vmul.f32 v21, v19  }
0x20c: {  	v5 =	vmul.f32 v17, v18;
	v17 =	vmul.f32 v9, v18;
	[tilespmem:s9+$0x60] =	vst v11  }
0x20d: {  	v2 =	vmul.f32 v2, v13;
	v9 =	vmul.f32 v27, v13;
	[tilespmem:s9+$0xFFFFFFB0] =	vst v16  }
0x20e: {  	v4 =	vbroadcast v4, $0x4;
	[tilespmem:s9+$0xFFFFFF20] =	vst v5;
	v5 =	vmul.f32 v10, v6  }
0x20f: {  	[tilespmem:s9+$0xFFFFFF60] =	vst v2  }
0x210: {  	v6 =	vmul.f32 v14, v4;
	v2 =	vmul.f32 v3, v4;
	[tilespmem:s9+$0x40] =	vst v23  }
0x211: {  	[tilespmem:s9+$0xFFFFFFE0] =	vst v8  }
0x212: {  	[tilespmem:s9+$0xF0] =	vst v5  }
0x213: {  	[tilespmem:s9+$0xFFFFFF90] =	vst v2  }
0x214: {  	v5 =	vld [tilespmem:s14+$0xFFFFFFF0];
	[tilespmem:s9+$0xFFFFFF70] =	vst v9  }
0x215: {  	v2 =	vld [tilespmem:s14+$0xFFFFFF60];
	[tilespmem:s9+$0x20] =	vst v12  }
0x216: {  	v8 =	vld [tilespmem:s14+$0xFFFFFFD0];
	[tilespmem:s9+$0x30] =	vst v22  }
0x217: {  	v9 =	vld [tilespmem:s14+$0x80];
	[tilespmem:s9+$0xFFFFFF80] =	vst v6  }
0x218: {  	v12 =	vld [tilespmem:s14+$0xFFFFFF10];
	[tilespmem:s9+$0x50] =	vst v24  }
0x219: {  	v16 =	vld [tilespmem:s14+$0xE0];
	[tilespmem:s9+$0x0] =	vst v15  }
0x21a: {  	v11 =	vld [tilespmem:s14+$0xFFFFFF40];
	[tilespmem:s9+$0xFFFFFF30] =	vst v17  }
0x21b: {  	s15 =	sshra.s32 s15, $0x2;
	v3 =	vld [tilespmem:s14+$0xFFFFFF90];
	[tilespmem:s9+$0x10] =	vst v20;
	s9 =	smov.u32 s14  }
0x21c: {  	v4 =	vld [tilespmem:s15+$0x19040]  }
0x21d: {  	v10 =	vld [tilespmem:s14+$0xFFFFFFC0]  }
0x21e: {  	v13 =	vld [tilespmem:s14+$0xFFFFFF00]  }
0x21f: {  	v14 =	vld [tilespmem:s14+$0xD0]  }
.Ltmp14:
0x220: {  	v23 =	vld [tilespmem:s14+$0xC0];
	(pc) =	sbr.rel @p0 .LBB2_20-.Ltmp14, $4  }
0x221: {  	v19 =	vbroadcast v4, $0x0;
	v21 =	vld [tilespmem:s14+$0x90];
	v6 =	vbroadcast v4, $0xF  }
0x222: {  	v20 =	vbroadcast v4, $0x2;
	v17 =	vbroadcast v4, $0xE;
	v22 =	vld [tilespmem:s14+$0xFFFFFF50]  }
0x223: {  	v25 =	vmul.f32 v19, v13;
	v13 =	vbroadcast v4, $0xD;
	v18 =	vld [tilespmem:s14+$0xB0]  }
0x224: {  	v15 =	vbroadcast v4, $0xC;
	v24 =	vmul.f32 v11, v20;
	v11 =	vld [tilespmem:s14+$0x60]  }
.Ltmp15:
0x225: {  	_ = 	snop;
	(pc) =	sbr.rel .LBB2_21-.Ltmp15, $1  }
0x226: {  	_ =	sdelay $0x3  }
.LBB2_24:
0x227: {  	_ =	sfence.sel $0x180000  }
0x228: {  	[bflag:$0x0] =	sbarrier.arrive $0xFFFF  }
0x229: {  	_ =	strace $0x9000004D  }
0x22a: {  	s0 =	stileid.u32;
	[bflag:$0x2] =	sbarrier.arrive $0xFFFF  }
0x22b: {  	p0 =	sne.s32 s0, $0x0;
	s0 =	rddreg [dreg:$0x3]  }
0x22c: {  	s0 =	sadd.s32 @!p0 $0x100000, s0  }
0x22d: {  	[sflag:s0] =	ssyncadd.tile.s32 @!p0 $0x1;
	_ =	shalt  }
.Lfunc_end2:
_tile_overlayer_lowered:
.L_overlay_start_2:
0x22e: {  	(tag) =	ssettag $0x2  }
0x22f: {  	s0 =	rddreg [dreg:$0x0];
	s2 =	stileid.u32  }
0x230: {  	s1 =	rddreg [dreg:$0x1];
	p0 =	sne.s32 s2, $0x0  }
0x231: {  	s3 =	rddreg [dreg:$0x2];
	[bflag:$0x3] =	sbarrier.arrive $0xFFFF;
	s2 =	simm.s32 @!p0 $0x1C02  }
0x232: {  	[timem:s3], [sflag:s2] =	dma.local @!p0 [hbm:s0], s1  }
0x233: {  	s0 =	simm.s32 @!p0 $0x2  }
0x234: {  	_ =	swait.ge @!p0 [sflag:s0], s1  }
0x235: {  	s1 =	ssub.s32 @!p0 $0x0, s1;
	[sflag:s0] =	ssyncset.done @!p0 $0x0  }
0x236: {  	[sflag:s0] =	ssyncadd.s32 @!p0 s1  }
0x237: {  	[bflag:$0x3] =	sbarrier.arrive $0xFFFF  }
0x238: {  	_ =	shalt  }

// kernel: kernel.9.cloned.1.call-start
scs
__scs_entry_jumppad:
0x0: {  	(pc) =	sbr.rel $0x88, $3  }
0x1: {  	(tag) =	ssettag $0x0;
	lr =	simm.s32 $0x1  }
0x2: {  	[smem:$0x3F93] =	sst lr;
	_ =	strace $0xD0000000  }
0x3: {  	_ = 	snop  }
0x4: {  	_ = 	snop  }
0x5: {  	_ = 	snop  }
0x6: {  	_ = 	snop  }
0x7: {  	_ = 	snop  }
__scs_overlays_trampoline_lowered:
0x8: {  	[smem:$0x3FA2] =	sst s0  }
0x9: {  	[smem:$0x3FA3] =	sst s1  }
0xa: {  	[smem:$0x3FA4] =	sst s2  }
0xb: {  	[smem:$0x3FA5] =	sst s3  }
0xc: {  	[smem:$0x3FA6] =	sst s4  }
0xd: {  	[smem:$0x3FA7] =	sst s5  }
0xe: {  	[smem:$0x3FA8] =	sst s6  }
0xf: {  	[smem:$0x3FA9] =	sst s7  }
0x10: {  	[smem:$0x3FAA] =	sst s8  }
0x11: {  	[smem:$0x3FAB] =	sst s9;
	s0 =	simm.s32 @!p0 $0x0  }
0x12: {  	s1 =	sld [smem:$0x3F91];
	s0 =	simm.s32 @p0 $0x1  }
0x13: {  	[smem:$0x3FAC] =	sst s0;
	s0 =	simm.s32 @!p1 $0x0  }
0x14: {  	s2 =	sld [smem:$0x3F90];
	s0 =	simm.s32 @p1 $0x1  }
0x15: {  	[smem:$0x3FAD] =	sst s0;
	s0 =	simm.s32 @!p2 $0x0  }
0x16: {  	s3 =	sld [smem:$0x3FDB];
	s0 =	simm.s32 @p2 $0x1  }
0x17: {  	s4 =	simm.s32 $0x1BF5;
	[smem:$0x3FAF] =	sst s0  }
0x18: {  	s0 =	sld [smem:$0x3F92];
	_ =	swait.ge [sflag:s4], $0x0  }
0x19: {  	s7 =	sld [smem:$0x3F93]  }
0x1a: {  	s8 =	sadd.s32 $0xFFFFE003, lr  }
0x1b: {  	s9 =	sadd.s32 $0xFFFFFEF7, lr;
	s5 =	simm.s32 $0xFFFFFFFF;
	p2 =	slt.u32 s8, $0xFFFFF086  }
0x1c: {  	p1 =	slt.u32 s9, $0xF7A;
	s5 =	simm.s32 @!p2 $0x0  }
0x1d: {  	s5 =	simm.s32 @p1 $0x1;
	p0 =	seq.s32 s7, s2  }
0x1e: {  	s7 =	smul.u32 @!p0 $0xF7A, s2;
	p2 =	seq.s32 @!p0 s5, $0x0  }
0x1f: {  	s9 =	smul.u32 $0xF7A, s1;
	s8 =	simm.s32 @!p0 $0x1BF5;
	p2 =	por !p2, p0  }
0x20: {  	[sflag:s8] =	ssyncset.s32 @!p0 $0xFFFFF086;
	s6 =	sadd.s32 @!p0 s3, s7;
	s7 =	simm.s32 @!p0 $0x108  }
0x21: {  	s3 =	sadd.s32 s3, s9;
	s6 =	sadd.s32 @!p0 $0x88, s6;
	s7 =	simm.s32 @p2 $0x1082  }
0x22: {  	[simem:s7], [sflag:s8] =	dma.local @!p0 [hbm:s6], $0xF7A  }
0x23: {  	s9 =	sor.u32 $0xD0000000, s2;
	s6 =	simm.s32 $0x108;
	_ =	swait.ge @!p0 [sflag:s8], $0x0  }
0x24: {  	s3 =	sadd.s32 $0x88, s3;
	s6 =	simm.s32 @!p1 $0x1082;
	[sflag:s4] =	ssyncset.s32 $0xFFFFF086  }
0x25: {  	[simem:s6], [sflag:s4] =	dma.local [hbm:s3], $0xF7A  }
0x26: {  	[smem:$0x3F93] =	sst s1;
	(tag) =	ssettag s2;
	_ =	strace s9  }
0x27: {  	s1 =	sld [smem:$0x3FA3]  }
0x28: {  	s2 =	sld [smem:$0x3FA4]  }
0x29: {  	s4 =	sld [smem:$0x3FA6]  }
0x2a: {  	p0 =	seq.s32 s5, $0x0;
	s5 =	sld [smem:$0x3FA7]  }
0x2b: {  	s6 =	sld [smem:$0x3FA8]  }
0x2c: {  	s7 =	sld [smem:$0x3FA9]  }
0x2d: {  	s3 =	simm.s32 $0x108;
	s8 =	sld [smem:$0x3FAA]  }
0x2e: {  	s3 =	simm.s32 @!p0 $0x1082;
	s9 =	sld [smem:$0x3FAB]  }
0x2f: {  	lr =	sadd.s32 s0, s3;
	s0 =	sld [smem:$0x3FA2]  }
0x30: {  	s3 =	sld [smem:$0x3FA5]  }
0x31: {  	[smem:$0x3FAE] =	sst s10  }
0x32: {  	s10 =	sld [smem:$0x3FAC];
	_ =	sdelay $0x3  }
0x33: {  	p0 =	seq.s32 s10, $0x1;
	s10 =	sld [smem:$0x3FAE];
	_ =	sdelay $0x3  }
0x34: {  	[smem:$0x3FAE] =	sst s10  }
0x35: {  	s10 =	sld [smem:$0x3FAD];
	_ =	sdelay $0x3  }
0x36: {  	p1 =	seq.s32 s10, $0x1;
	s10 =	sld [smem:$0x3FAE];
	_ =	sdelay $0x3  }
0x37: {  	[smem:$0x3FAE] =	sst s10  }
0x38: {  	s10 =	sld [smem:$0x3FAF]  }
0x39: {  	_ = 	snop;
	(pc) =	sbr.ind lr, $3  }
0x3a: {  	_ = 	snop  }
0x3b: {  	_ = 	snop  }
0x3c: {  	p2 =	seq.s32 s10, $0x1;
	s10 =	sld [smem:$0x3FAE]  }
0x3d: {  	_ =	shalt  }
0x3e: {  	_ =	shalt  }
0x3f: {  	_ =	shalt  }
0x40: {  	_ =	shalt  }
0x41: {  	_ =	shalt  }
0x42: {  	_ =	shalt  }
0x43: {  	_ =	shalt  }
0x44: {  	_ =	shalt  }
0x45: {  	_ =	shalt  }
0x46: {  	_ =	shalt  }
0x47: {  	_ =	shalt  }
0x48: {  	_ =	shalt  }
0x49: {  	_ =	shalt  }
0x4a: {  	_ =	shalt  }
0x4b: {  	_ =	shalt  }
0x4c: {  	_ =	shalt  }
0x4d: {  	_ =	shalt  }
0x4e: {  	_ =	shalt  }
0x4f: {  	_ =	shalt  }
0x50: {  	_ =	shalt  }
0x51: {  	_ =	shalt  }
0x52: {  	_ =	shalt  }
0x53: {  	_ =	shalt  }
0x54: {  	_ =	shalt  }
0x55: {  	_ =	shalt  }
0x56: {  	_ =	shalt  }
0x57: {  	_ =	shalt  }
0x58: {  	_ =	shalt  }
0x59: {  	_ =	shalt  }
0x5a: {  	_ =	shalt  }
0x5b: {  	_ =	shalt  }
0x5c: {  	_ =	shalt  }
0x5d: {  	_ =	shalt  }
0x5e: {  	_ =	shalt  }
0x5f: {  	_ =	shalt  }
0x60: {  	_ =	shalt  }
0x61: {  	_ =	shalt  }
0x62: {  	_ =	shalt  }
0x63: {  	_ =	shalt  }
0x64: {  	_ =	shalt  }
0x65: {  	_ =	shalt  }
0x66: {  	_ =	shalt  }
0x67: {  	_ =	shalt  }
0x68: {  	_ =	shalt  }
0x69: {  	_ =	shalt  }
0x6a: {  	_ =	shalt  }
0x6b: {  	_ =	shalt  }
0x6c: {  	_ =	shalt  }
0x6d: {  	_ =	shalt  }
0x6e: {  	_ =	shalt  }
0x6f: {  	_ =	shalt  }
0x70: {  	_ =	shalt  }
0x71: {  	_ =	shalt  }
0x72: {  	_ =	shalt  }
0x73: {  	_ =	shalt  }
0x74: {  	_ =	shalt  }
0x75: {  	_ =	shalt  }
0x76: {  	_ =	shalt  }
0x77: {  	_ =	shalt  }
0x78: {  	_ =	shalt  }
0x79: {  	_ =	shalt  }
0x7a: {  	_ =	shalt  }
0x7b: {  	_ =	shalt  }
0x7c: {  	_ =	shalt  }
0x7d: {  	_ =	shalt  }
0x7e: {  	_ =	shalt  }
0x7f: {  	_ =	shalt  }
0x80: {  	_ =	shalt  }
0x81: {  	_ =	shalt  }
0x82: {  	_ =	shalt  }
0x83: {  	_ =	shalt  }
0x84: {  	_ =	shalt  }
0x85: {  	_ =	shalt  }
0x86: {  	_ =	shalt  }
0x87: {  	_ =	shalt  }
.Lfunc_end0:
.L_simem_size_0:
called_computation.1_lowered:
.L_overlay_start_0:
0x88: {  	s2 =	sld [smem:$0x3FD9]  }
0x89: {  	s3 =	sld [smem:$0x3FFE];
	_ =	sdelay $0x1  }
0x8a: {  	s1 =	srdreg.scid  }
0x8b: {  	s0 =	sand.u32 $0x1, s1  }
0x8c: {  	s16 =	sshll.u32 s0, $0xA;
	s2 =	sadd.s32 s3, s2  }
0x8d: {  	s2 =	sadd.s32 s2, s16  }
0x8e: {  	[smem:$0x3FBA] =	sst s2  }
0x8f: {  	_ = 	snop  }
0x90: {  	(tm) =	ssettm $0x1  }
0x91: {  	s17 =	sld [smem:$0x3FFB];
	_ =	sdelay $0x3  }
0x92: {  	_ =	strace s17  }
0x93: {  	s2 =	sld [smem:$0x3FFC];
	_ =	sdelay $0x3  }
0x94: {  	_ =	strace s2  }
0x95: {  	s2 =	sld [smem:$0x3FFD];
	_ =	sdelay $0x3  }
0x96: {  	_ =	strace s2  }
0x97: {  	_ =	strace $0x8FFFFFFF  }
0x98: {  	s18 =	sld [smem:$0x3FDB];
	_ =	sdelay $0x1  }
0x99: {  	s19 =	simm.s32 $_scs_section_size  }
0x9a: {  	s4 =	simm.s32 $_size__tile_overlayer_lowered;
	s5 =	simm.s32 $_tile_overlayer_lowered  }
0x9b: {  	s22 =	simm.s32 $0x1BFF;
	s21 =	sshll.u32 s5, $0x1;
	s2 =	sadd.s32 s19, s18  }
0x9c: {  	s6 =	simm.s32 $0x0;
	s20 =	sshll.u32 s4, $0x1;
	s4 =	sadd.s32 s21, s2  }
0x9d: {  	[timem:s6], [sflag:s22] =	dma.local [hbm:s4], s20  }
0x9e: {  	_ =	swait.ge [sflag:s22], s20  }
0x9f: {  	s3 =	ssub.s32 $0x0, s20;
	[sflag:s22] =	ssyncset.done $0x0  }
0xa0: {  	[sflag:s22] =	ssyncadd.s32 s3;
	_ =	sdelay $0x1  }
0xa1: {  	s23 =	simm.s32 $0x1B8B  }
0xa2: {  	_ =	swait.ge [sflag:s23], $0x1  }
0xa3: {  	[sflag:s23] =	ssyncset.done $0x0  }
0xa4: {  	s25 =	simm.s32 $0x1B8E;
	s24 =	sld [smem:$0x3FFE];
	[sflag:s23] =	ssyncadd.s32 $0xFFFFFFFF  }
0xa5: {  	s26 =	simm.s32 $execute0_lowered;
	[smem:$0x3FD2] =	sst s25  }
0xa6: {  	s4 =	sshll.u32 s26, $0x1;
	_ =	strace $0x80000046;
	[dreg:$0x1] =	wrdreg $0xFFFFFFFF  }
0xa7: {  	s28 =	simm.s32 $_size_execute0_lowered;
	s2 =	sadd.s32 s2, s4;
	[dreg:$0x0] =	wrdreg $0x0  }
0xa8: {  	s4 =	sshll.u32 s28, $0x1;
	[dreg:$0x2] =	wrdreg s2  }
0xa9: {  	[dreg:$0x3] =	wrdreg s4  }
0xaa: {  	[dreg:$0x4] =	wrdreg $0xC0  }
0xab: {  	_ =	task [dreg:s6], $0x5FFFF  }
0xac: {  	[dreg:$0x1] =	wrdreg $0xFFFFFFFF  }
0xad: {  	[dreg:$0x0] =	wrdreg $0x60  }
0xae: {  	[dreg:$0x2] =	wrdreg s24  }
0xaf: {  	[dreg:$0x3] =	wrdreg $0x192300  }
0xb0: {  	[dreg:$0x4] =	wrdreg $0x199B00  }
0xb1: {  	[dreg:$0x5] =	wrdreg $0xA  }
0xb2: {  	_ =	task.clear_ibuf [dreg:s6], $0x6FFFF;
	_ =	strace $0x90000046  }
0xb3: {  	s29 =	simm.s32 $0xA;
	_ =	strace $0x80000048  }
0xb4: {  	_ =	swait.ge [sflag:s29], $0x1  }
0xb5: {  	[sflag:s29] =	ssyncadd.s32 $0xFFFFFFFF  }
0xb6: {  	_ =	strace $0x90000048  }
0xb7: {  	_ =	sfence  }
0xb8: {  	s30 =	sld [smem:$0x0];
	_ =	sdelay $0x2  }
0xb9: {  	s31 =	sshll.u32 s1, $0xD;
	s1 =	sshrl.u32 s1, $0x2  }
0xba: {  	s3 =	sand.u32 $0x4000, s31;
	s1 =	sadd.s32 s1, s30  }
0xbb: {  	s0 =	sor.u32 s3, s0;
	s1 =	sshll.u32 s1, $0x11  }
0xbc: {  	s0 =	sor.u32 s1, s0  }
0xbd: {  	s0 =	sadd.s32 $0x8F2B, s0  }
0xbe: {  	[sflag:s0] =	ssyncadd.remote.s32 $0x1  }
0xbf: {  	_ =	sfence.sel $0xFFFF  }
0xc0: {  	[dreg:$0x0] =	wrdreg $0xFFFFFFFF;
	(pc) =	sbr.abs _section_cstart, $3  }
0xc1: {  	[dreg:$0x1] =	wrdreg $0xFFFFFFFF  }
0xc2: {  	_ =	task.clear_ibuf [dreg:s6], $0x2FFFF;
	_ =	strace $0x9FFFFFFF  }
0xc3: {  	(tm) =	ssettm $0x7FFFFFFF  }
tec
execute0_lowered:
.L_overlay_start_1:
0x0: {  	(tag) =	ssettag $0x1  }
0x1: {  	s0 =	rddreg [dreg:$0x0]  }
0x2: {  	s13 =	rddreg [dreg:$0x1]  }
0x3: {  	s2 =	rddreg [dreg:$0x2]  }
0x4: {  	s4 =	simm.s32 $0x0;
	s1 =	srdreg.scid;
	s14 =	stileid.u32  }
0x5: {  	s28 =	simm.s32 $0x16E40;
	s29 =	simm.s32 $0x3;
	s30 =	simm.s32 $0x16F40  }
0x6: {  	s31 =	simm.s32 $0x16EC0;
	[smem:$0x7FF] =	sst s4;
	s19 =	smul.u32 $0x5000, s14  }
0x7: {  	s5 =	sand.u32 $0x1, s1;
	s6 =	sadd.s32 $0x16A00, s0;
	s9 =	smul.u32 $0x14000, s14  }
0x8: {  	s7 =	sadd.s32 $0xCC00, s0;
	s8 =	sadd.s32 $0x1C00, s0;
	s12 =	smul.u32 $0x1E00, s14  }
0x9: {  	s20 =	sadd.s32 $0x29C00, s0;
	s10 =	sadd.s32 $0x2C00, s0;
	s16 =	smul.u32 $0x4E20, s14  }
0xa: {  	s1 =	simm.s32 $0x0;
	_ =	strace $0x80000047;
	[dreg:$0x4] =	wrdreg s8  }
0xb: {  	s3 =	smul.u32 $0x50000, s5;
	[dreg:$0x5] =	wrdreg s20;
	s21 =	ssub.s32 $0x2, s5  }
0xc: {  	s20 =	simm.s32 $0x7800;
	s11 =	sshrl.u32 s21, $0x1;
	s23 =	sshrl.u32 s9, $0x2  }
0xd: {  	s24 =	sshrl.u32 s12, $0x2;
	s3 =	sadd.s32 s19, s3;
	s22 =	ssub.s32 s21, s11  }
0xe: {  	s11 =	sshll.u32 s14, $0x1;
	s8 =	sadd.s32 s23, s2;
	s9 =	sadd.s32 s24, s13  }
0xf: {  	s13 =	sadd.s32 s19, s2;
	s19 =	simm.s32 $0x2;
	s21 =	simm.s32 $0xF000  }
0x10: {  	s23 =	simm.s32 $0x16800;
	s24 =	simm.s32 $0x16B20;
	s3 =	sshrl.u32 s3, $0x3  }
.Ltmp0:
0x11: {  	[dreg:$0x6] =	wrdreg s9;
	s25 =	sadd.s32 $0x2000, s8;
	(pc) =	sbr.rel .LBB2_1-.Ltmp0, $4  }
0x12: {  	s26 =	sadd.s32 $0x4000, s8;
	s18 =	smax.u32 s22, $0x1;
	[dreg:$0x7] =	wrdreg s25  }
0x13: {  	s22 =	simm.s32 $0x17040;
	s0 =	sadd.s32 s3, s0;
	[dreg:$0x8] =	wrdreg s26  }
0x14: {  	s25 =	simm.s32 $0x80;
	s26 =	simm.s32 $0x18040;
	s0 =	sadd.s32 $0x2AC00, s0  }
0x15: {  	v0 =	vlaneseq.u32;
	v1 =	vimm.f32 $0.0e+00;
	s3 =	simm.s32 $0x1;
	[dreg:$0x9] =	wrdreg s0;
	s0 =	simm.s32 $0x16FC0  }
.LBB2_23:
0x16: {  	s8 =	stileid.u32;
	[bflag:$0x0] =	sbarrier.arrive $0xFFFF;
	s1 =	sadd.s32 $0x1, s1  }
0x17: {  	s9 =	sshrl.u32 s13, $0x3;
	s8 =	sshll.u32 s8, $0x6;
	p0 =	sne.s32 s1, s18  }
.Ltmp1:
0x18: {  	s12 =	rddreg [dreg:$0x9];
	s8 =	sor.u32 $0x1C02, s8;
	(pc) =	sbr.rel @!p0 .LBB2_24-.Ltmp1, $4  }
0x19: {  	[hbm:s12], [sflag:s8] =	dma.local [spmem:s9], $0xA00  }
0x1a: {  	_ =	swait.ge [sflag:s19], $0xA00  }
0x1b: {  	[sflag:s19] =	ssyncset.done $0x0  }
0x1c: {  	[sflag:s19] =	ssyncadd.s32 $0xFFFFF600  }
.LBB2_1:
0x1d: {  	s8 =	rddreg [dreg:$0x4]  }
0x1e: {  	[tilespmem:s4], [sflag:$0x2] =	stream.linear.gather [hbm4b:s8+s4], $0x7800, $0x38;
	[tilespmem:$0x1E9B0] =	vst v63  }
0x1f: {  	_ =	swait.ge [sflag:s19], $0x7800  }
0x20: {  	[sflag:s19] =	ssyncset.done $0x0  }
0x21: {  	s17 =	rddreg [dreg:$0x5];
	[sflag:s19] =	ssyncadd.s32 $0xFFFF8800  }
0x22: {  	[tilespmem:s20], [sflag:$0x2] =	stream.linear.gather [hbm4b:s17+s4], $0x7800, $0x38;
	[tilespmem:$0x1E9B0] =	vst v63  }
0x23: {  	_ =	swait.ge [sflag:s19], $0x7800  }
0x24: {  	[sflag:s19] =	ssyncset.done $0x0  }
0x25: {  	s9 =	simm.s32 $0x0;
	s8 =	simm.s32 $0x19140;
	[sflag:s19] =	ssyncadd.s32 $0xFFFF8800  }
.LBB2_2:
0x26: {  	p0 =	sne.s32 s9, $0xE0  }
.Ltmp2:
0x27: {  	_ = 	snop;
	(pc) =	sbr.rel @p0 .LBB2_2-.Ltmp2, $3  }
0x28: {  	_ =	sdelay $0x1  }
0x29: {  	v2 =	vor.u32 s9, v0  }
0x2a: {  	s9 =	sadd.s32 $0x10, s9;
	[tilespmem:s8+$0x0] =	vst v2;
	s8 =	sadd.s32 $0x10, s8  }
0x2b: {  	s8 =	simm.s32 $0x0;
	s9 =	simm.s32 $0x200  }
.LBB2_4:
0x2c: {  	p0 =	sne.s32 s9, $0x1DE00;
	[tilespmem:s8+$0xF070] =	vst v1  }
0x2d: {  	[tilespmem:s8+$0xF000] =	vst v1  }
0x2e: {  	[tilespmem:s8+$0xF010] =	vst v1  }
.Ltmp3:
0x2f: {  	[tilespmem:s8+$0xF020] =	vst v1;
	(pc) =	sbr.rel @p0 .LBB2_4-.Ltmp3, $4  }
0x30: {  	[tilespmem:s8+$0xF030] =	vst v1  }
0x31: {  	[tilespmem:s8+$0xF040] =	vst v1  }
0x32: {  	[tilespmem:s8+$0xF050] =	vst v1  }
0x33: {  	[tilespmem:s8+$0xF060] =	vst v1;
	s8 =	sshra.s32 s9, $0x2;
	s9 =	sadd.s32 $0x200, s9  }
0x34: {  	[tilespmem:s8+$0xF070] =	vst v1  }
0x35: {  	[tilespmem:s8+$0xF000] =	vst v1  }
0x36: {  	[tilespmem:s8+$0xF010] =	vst v1  }
0x37: {  	[tilespmem:s8+$0xF020] =	vst v1  }
0x38: {  	[tilespmem:s8+$0xF030] =	vst v1  }
0x39: {  	[tilespmem:s8+$0xF040] =	vst v1  }
0x3a: {  	[tilespmem:s8+$0xF050] =	vst v1  }
0x3b: {  	[tilespmem:s8+$0xF060] =	vst v1;
	s17 =	rddreg [dreg:$0x6]  }
0x3c: {  	[spmem:s17] =	stream.linear.scatter [tilespmem:s21], [sflag:$0x2], $0x780, $0x38;
	[tilespmem:$0x1E9B0] =	vst v63  }
0x3d: {  	_ =	swait.ge [sflag:s19], $0x780  }
0x3e: {  	[sflag:s19] =	ssyncset.done $0x0  }
0x3f: {  	s8 =	simm.s32 $0x80;
	s9 =	simm.s32 $0x0;
	[sflag:s19] =	ssyncadd.s32 $0xFFFFF880  }
.LBB2_6:
0x40: {  	p0 =	sne.s32 s8, $0x7F80;
	[tilespmem:s9+$0x17040] =	vst v1;
	s12 =	smov.u32 s8;
	s8 =	sadd.s32 $0x80, s8  }
.Ltmp4:
0x41: {  	[tilespmem:s9+$0x17050] =	vst v1;
	(pc) =	sbr.rel @p0 .LBB2_6-.Ltmp4, $2  }
0x42: {  	_ =	sdelay $0x2  }
0x43: {  	s9 =	sshra.s32 s12, $0x2  }
0x44: {  	[tilespmem:s9+$0x17040] =	vst v1  }
0x45: {  	[tilespmem:s9+$0x17050] =	vst v1  }
0x46: {  	[spmem:s13] =	stream.linear.scatter [tilespmem:s22], [sflag:$0x2], $0x2000, $0x38;
	[tilespmem:$0x1E9B0] =	vst v63  }
0x47: {  	_ =	swait.ge [sflag:s19], $0x2000  }
0x48: {  	[sflag:s19] =	ssyncset.done $0x0  }
0x49: {  	s8 =	rddreg [dreg:$0x7];
	[sflag:s19] =	ssyncadd.s32 $0xFFFFE000  }
0x4a: {  	[spmem:s8] =	stream.linear.scatter [tilespmem:s22], [sflag:$0x2], $0x2000, $0x38;
	[tilespmem:$0x1E9B0] =	vst v63  }
0x4b: {  	_ =	swait.ge [sflag:s19], $0x2000  }
0x4c: {  	[sflag:s19] =	ssyncset.done $0x0  }
0x4d: {  	s17 =	rddreg [dreg:$0x8];
	[sflag:s19] =	ssyncadd.s32 $0xFFFFE000  }
0x4e: {  	[spmem:s17] =	stream.linear.scatter [tilespmem:s22], [sflag:$0x2], $0x1000, $0x38;
	[tilespmem:$0x1E9B0] =	vst v63  }
0x4f: {  	_ =	swait.ge [sflag:s19], $0x1000  }
0x50: {  	[sflag:s19] =	ssyncset.done $0x0  }
0x51: {  	[sflag:s19] =	ssyncadd.s32 $0xFFFFF000  }
0x52: {  	s9 =	simm.s32 $0x0;
	s8 =	simm.s32 $0x0;
	[bflag:$0x0] =	sbarrier.arrive $0xFFFF  }
.LBB2_8:
0x53: {  	s12 =	smul.u32 $0x320, s9;
	_ =	sdelay $0x1  }
0x54: {  	s12 =	sadd.s32 s16, s12  }
0x55: {  	s12 =	sshrl.u32 s12, $0x3  }
0x56: {  	s14 =	sadd.s32 s6, s12  }
0x57: {  	[tilespmem:s23], [sflag:$0x2] =	stream.linear.gather [hbm4b:s14+s8], $0x320, $0x38;
	[tilespmem:$0x1E9B0] =	vst v63  }
0x58: {  	_ =	swait.ge [sflag:s19], $0x320  }
0x59: {  	[sflag:s19] =	ssyncset.done $0x0  }
0x5a: {  	s12 =	sadd.s32 s7, s12;
	[sflag:s19] =	ssyncadd.s32 $0xFFFFFCE0  }
0x5b: {  	[tilespmem:s24], [sflag:$0x2] =	stream.linear.gather [hbm4b:s12+s8], $0x320, $0x38;
	[tilespmem:$0x1E9B0] =	vst v63  }
0x5c: {  	_ =	swait.ge [sflag:s19], $0x320  }
0x5d: {  	[sflag:s19] =	ssyncset.done $0x0  }
0x5e: {  	s17 =	simm.s32 $0x0;
	[sflag:s19] =	ssyncadd.s32 $0xFFFFFCE0  }
0x5f: {  	v2 =	vld [tilespmem:s17+$0x16800]  }
0x60: {  	v3 =	vld [tilespmem:s17+$0x16B20];
	_ =	sdelay $0x3  }
0x61: {  	v2 =	vmul.u32 $0x3, v2  }
0x62: {  	v3 =	vmul.u32 $0x3, v3;
	_ =	sdelay $0x4  }
0x63: {  	v4 =	vld.idx.msk [tilespmem:v2+s4+$0x0], $0xffff  }
0x64: {  	v5 =	vld.idx.msk [tilespmem:v3+s20+$0x0], $0xffff;
	_ =	sdelay $0x4  }
0x65: {  	v4 =	vadd.f32 v5, v4;
	_ =	sdelay $0x1  }
0x66: {  	v5 =	vmul.f32 $9.999999770e-03, v4  }
0x67: {  	vm0 =	vge.f32 v4, $0.0e+00  }
0x68: {  	v4 =	vsel vm0, v4, v5  }
0x69: {  	v4 =	vmul.f32 $1.442695020e+00, v4;
	_ =	sdelay $0x1  }
0x6a: {  	(erf) = vpow2.f32 v4;
	_ =	sdelay $0x5  }
0x6b: {  	v60 =	vadd.s32 $0x1, v2  }
0x6c: {  	v61 =	vadd.s32 $0x1, v3;
	_ =	sdelay $0x1  }
0x6d: {  	v6 =	vpop (erf)  }
0x6e: {  	[tilespmem:v3+s21+$0x0] =	vst.idx.add.f32.msk $0xffff, v6  }
0x6f: {  	v4 =	vld.idx.msk [tilespmem:v60+s4+$0x0], $0xffff  }
0x70: {  	v6 =	vld.idx.msk [tilespmem:v61+s20+$0x0], $0xffff;
	_ =	sdelay $0x4  }
0x71: {  	v4 =	vadd.f32 v6, v4;
	_ =	sdelay $0x1  }
0x72: {  	v6 =	vmul.f32 $9.999999770e-03, v4  }
0x73: {  	vm14 =	vge.f32 v4, $0.0e+00  }
0x74: {  	v4 =	vsel vm14, v4, v6  }
0x75: {  	v4 =	vmul.f32 $1.442695020e+00, v4;
	_ =	sdelay $0x1  }
0x76: {  	(erf) = vpow2.f32 v4;
	_ =	sdelay $0x5  }
0x77: {  	v62 =	vadd.s32 $0x2, v2  }
0x78: {  	v2 =	vadd.s32 $0x2, v3;
	_ =	sdelay $0x1  }
0x79: {  	v3 =	vpop (erf)  }
0x7a: {  	[tilespmem:v61+s21+$0x0] =	vst.idx.add.f32.msk $0xffff, v3  }
0x7b: {  	v3 =	vld.idx.msk [tilespmem:v62+s4+$0x0], $0xffff  }
0x7c: {  	v63 =	vld.idx.msk [tilespmem:v2+s20+$0x0], $0xffff;
	_ =	sdelay $0x4  }
0x7d: {  	v3 =	vadd.f32 v63, v3;
	_ =	sdelay $0x1  }
0x7e: {  	v4 =	vmul.f32 $9.999999770e-03, v3  }
0x7f: {  	vm15 =	vge.f32 v3, $0.0e+00  }
0x80: {  	v3 =	vsel vm15, v3, v4  }
0x81: {  	v3 =	vmul.f32 $1.442695020e+00, v3;
	_ =	sdelay $0x1  }
0x82: {  	s12 =	simm.s32 $0x40;
	(erf) = vpow2.f32 v3  }
.LBB2_9:
0x83: {  	_ =	sdelay $0x5  }
0x84: {  	p0 =	sne.s32 s12, $0xC40;
	s14 =	smov.u32 s12;
	s12 =	sadd.s32 $0x40, s12  }
0x85: {  	_ = 	snop  }
0x86: {  	v3 =	vpop (erf)  }
0x87: {  	s14 =	sshra.s32 s14, $0x2;
	[tilespmem:v2+s21+$0x0] =	vst.idx.add.f32.msk $0xffff, v3  }
0x88: {  	v2 =	vld [tilespmem:s14+$0x16800]  }
0x89: {  	v3 =	vld [tilespmem:s14+$0x16B20];
	_ =	sdelay $0x3  }
0x8a: {  	v2 =	vmul.u32 $0x3, v2  }
0x8b: {  	v3 =	vmul.u32 $0x3, v3;
	_ =	sdelay $0x4  }
0x8c: {  	v4 =	vld.idx.msk [tilespmem:v2+s4+$0x0], $0xffff  }
0x8d: {  	v5 =	vld.idx.msk [tilespmem:v3+s20+$0x0], $0xffff;
	_ =	sdelay $0x5  }
0x8e: {  	v4 =	vadd.f32 v5, v4;
	_ =	sdelay $0x1  }
0x8f: {  	vm0 =	vge.f32 v4, $0.0e+00;
	v5 =	vmul.f32 $9.999999770e-03, v4;
	_ =	sdelay $0x1  }
0x90: {  	v4 =	vsel vm0, v4, v5  }
0x91: {  	v4 =	vmul.f32 $1.442695020e+00, v4;
	_ =	sdelay $0x1  }
0x92: {  	(erf) = vpow2.f32 v4;
	_ =	sdelay $0x5  }
0x93: {  	v5 =	vadd.s32 $0x1, v3;
	v4 =	vadd.s32 $0x1, v2;
	_ =	sdelay $0x2  }
0x94: {  	v6 =	vpop (erf)  }
0x95: {  	[tilespmem:v3+s21+$0x0] =	vst.idx.add.f32.msk $0xffff, v6  }
0x96: {  	v4 =	vld.idx.msk [tilespmem:v4+s4+$0x0], $0xffff  }
0x97: {  	v6 =	vld.idx.msk [tilespmem:v5+s20+$0x0], $0xffff;
	_ =	sdelay $0x5  }
0x98: {  	v4 =	vadd.f32 v6, v4;
	_ =	sdelay $0x1  }
0x99: {  	vm0 =	vge.f32 v4, $0.0e+00;
	v6 =	vmul.f32 $9.999999770e-03, v4;
	_ =	sdelay $0x1  }
0x9a: {  	v4 =	vsel vm0, v4, v6  }
0x9b: {  	v4 =	vmul.f32 $1.442695020e+00, v4;
	_ =	sdelay $0x1  }
0x9c: {  	(erf) = vpow2.f32 v4;
	_ =	sdelay $0x5  }
0x9d: {  	v4 =	vadd.s32 $0x2, v2;
	v2 =	vadd.s32 $0x2, v3;
	_ =	sdelay $0x2  }
0x9e: {  	v3 =	vpop (erf)  }
0x9f: {  	[tilespmem:v5+s21+$0x0] =	vst.idx.add.f32.msk $0xffff, v3  }
0xa0: {  	v3 =	vld.idx.msk [tilespmem:v4+s4+$0x0], $0xffff  }
0xa1: {  	v4 =	vld.idx.msk [tilespmem:v2+s20+$0x0], $0xffff;
	_ =	sdelay $0x5  }
0xa2: {  	v3 =	vadd.f32 v4, v3;
	_ =	sdelay $0x1  }
0xa3: {  	vm0 =	vge.f32 v3, $0.0e+00;
	v4 =	vmul.f32 $9.999999770e-03, v3  }
.Ltmp5:
0xa4: {  	(pc) =	sbr.rel @p0 .LBB2_9-.Ltmp5, $3  }
0xa5: {  	v3 =	vsel vm0, v3, v4  }
0xa6: {  	v3 =	vmul.f32 $1.442695020e+00, v3;
	_ =	sdelay $0x1  }
0xa7: {  	(erf) = vpow2.f32 v3  }
0xa8: {  	_ =	sdelay $0x2  }
0xa9: {  	s9 =	sadd.s32 $0x1, s9  }
0xaa: {  	p0 =	sne.s32 s9, $0x19  }
.Ltmp6:
0xab: {  	_ = 	snop;
	(pc) =	sbr.rel @p0 .LBB2_8-.Ltmp6, $3  }
0xac: {  	_ =	sdelay $0x1  }
0xad: {  	v3 =	vpop (erf)  }
0xae: {  	[tilespmem:v2+s21+$0x0] =	vst.idx.add.f32.msk $0xffff, v3  }
0xaf: {  	s8 =	rddreg [dreg:$0x1];
	s9 =	simm.s32 $0xF0;
	s12 =	simm.s32 $0x19140  }
0xb0: {  	[spmem:s8] =	stream.indirect.scatter.add.f32 [tilespmem:s21], [sflag:$0x2], $0x80, s12, s9, $0xb8;
	[tilespmem:$0x1E9B0] =	vst v63  }
0xb1: {  	_ =	swait.ge [sflag:s19], $0x7800  }
0xb2: {  	[sflag:s19] =	ssyncset.done $0x0  }
0xb3: {  	[sflag:s19] =	ssyncadd.s32 $0xFFFF8800  }
0xb4: {  	[bflag:$0x0] =	sbarrier.arrive $0xFFFF  }
0xb5: {  	[tilespmem:s21], [sflag:$0x2] =	stream.linear.gather [spmem:s8], $0x7800, $0x38;
	[tilespmem:$0x1E9B0] =	vst v63  }
0xb6: {  	_ =	swait.ge [sflag:s19], $0x7800  }
0xb7: {  	[sflag:s19] =	ssyncset.done $0x0  }
0xb8: {  	s9 =	simm.s32 $0x0;
	[sflag:s19] =	ssyncadd.s32 $0xFFFF8800  }
0xb9: {  	v6 =	vld [tilespmem:s9+$0xF000]  }
0xba: {  	v8 =	vld [tilespmem:s9+$0xF010]  }
0xbb: {  	v5 =	vld [tilespmem:s9+$0xF020]  }
0xbc: {  	v2 =	vld [tilespmem:s9+$0xF030]  }
0xbd: {  	v3 =	vld [tilespmem:s9+$0xF040]  }
0xbe: {  	v4 =	vld [tilespmem:s9+$0xF050];
	v7 =	vadd.f32 $1.000000020e-16, v6  }
0xbf: {  	s12 =	simm.s32 $0x200;
	s8 =	simm.s32 $0x0;
	v8 =	vadd.f32 $1.000000020e-16, v8;
	v6 =	vld [tilespmem:s9+$0xF060]  }
.LBB2_12:
0xc0: {  	p0 =	sne.s32 s12, $0x1DE00;
	v5 =	vadd.f32 $1.000000020e-16, v5;
	v9 =	vld [tilespmem:s9+$0xF070];
	(erf) = vrcp.f32 v7  }
0xc1: {  	v2 =	vadd.f32 $1.000000020e-16, v2;
	(erf) = vrcp.f32 v8  }
0xc2: {  	v3 =	vadd.f32 $1.000000020e-16, v3;
	(erf) = vrcp.f32 v5  }
0xc3: {  	v4 =	vadd.f32 $1.000000020e-16, v4;
	(erf) = vrcp.f32 v2  }
0xc4: {  	v2 =	vadd.f32 $1.000000020e-16, v6;
	(erf) = vrcp.f32 v3  }
0xc5: {  	v3 =	vadd.f32 $1.000000020e-16, v9;
	(erf) = vrcp.f32 v4  }
0xc6: {  	(erf) = vrcp.f32 v2  }
0xc7: {  	(erf) = vrcp.f32 v3;
	_ =	sdelay $0x1  }
0xc8: {  	v2 =	vpop (erf)  }
0xc9: {  	s14 =	sshra.s32 s12, $0x2;
	[tilespmem:s9+$0xF000] =	vst v2;
	v2 =	vpop (erf)  }
0xca: {  	v4 =	vld [tilespmem:s14+$0xF000];
	[tilespmem:s9+$0xF010] =	vst v2;
	v2 =	vpop (erf)  }
0xcb: {  	v6 =	vld [tilespmem:s14+$0xF010];
	[tilespmem:s9+$0xF020] =	vst v2;
	v2 =	vpop (erf)  }
.Ltmp7:
0xcc: {  	v5 =	vld [tilespmem:s14+$0xF020];
	[tilespmem:s9+$0xF030] =	vst v2;
	v3 =	vpop (erf);
	(pc) =	sbr.rel @p0 .LBB2_12-.Ltmp7, $4  }
0xcd: {  	v2 =	vld [tilespmem:s14+$0xF030];
	[tilespmem:s9+$0xF040] =	vst v3;
	v7 =	vpop (erf)  }
0xce: {  	v3 =	vld [tilespmem:s14+$0xF040];
	[tilespmem:s9+$0xF050] =	vst v7;
	v8 =	vpop (erf)  }
0xcf: {  	v7 =	vadd.f32 $1.000000020e-16, v4;
	v4 =	vld [tilespmem:s14+$0xF050];
	[tilespmem:s9+$0xF060] =	vst v8;
	v9 =	vpop (erf)  }
0xd0: {  	s12 =	sadd.s32 $0x200, s12;
	v8 =	vadd.f32 $1.000000020e-16, v6;
	v6 =	vld [tilespmem:s14+$0xF060];
	[tilespmem:s9+$0xF070] =	vst v9;
	s9 =	smov.u32 s14  }
0xd1: {  	v5 =	vadd.f32 $1.000000020e-16, v5;
	v9 =	vld [tilespmem:s9+$0xF070];
	(erf) = vrcp.f32 v7  }
0xd2: {  	v2 =	vadd.f32 $1.000000020e-16, v2;
	(erf) = vrcp.f32 v8  }
0xd3: {  	v3 =	vadd.f32 $1.000000020e-16, v3;
	(erf) = vrcp.f32 v5  }
0xd4: {  	v4 =	vadd.f32 $1.000000020e-16, v4;
	(erf) = vrcp.f32 v2  }
0xd5: {  	v2 =	vadd.f32 $1.000000020e-16, v6;
	(erf) = vrcp.f32 v3  }
0xd6: {  	v3 =	vadd.f32 $1.000000020e-16, v9;
	(erf) = vrcp.f32 v4  }
0xd7: {  	(erf) = vrcp.f32 v2  }
0xd8: {  	(erf) = vrcp.f32 v3;
	_ =	sdelay $0x1  }
0xd9: {  	v2 =	vpop (erf)  }
0xda: {  	[tilespmem:s9+$0xF000] =	vst v2;
	v2 =	vpop (erf)  }
0xdb: {  	[tilespmem:s9+$0xF010] =	vst v2;
	v2 =	vpop (erf)  }
0xdc: {  	[tilespmem:s9+$0xF020] =	vst v2;
	v2 =	vpop (erf)  }
.Ltmp8:
0xdd: {  	[tilespmem:s9+$0xF030] =	vst v2;
	v2 =	vpop (erf);
	(pc) =	sbr.rel .LBB2_14-.Ltmp8, $4  }
0xde: {  	[tilespmem:s9+$0xF040] =	vst v2;
	v2 =	vpop (erf)  }
0xdf: {  	[tilespmem:s9+$0xF050] =	vst v2;
	v2 =	vpop (erf)  }
0xe0: {  	[tilespmem:s9+$0xF060] =	vst v2;
	v2 =	vpop (erf)  }
0xe1: {  	[tilespmem:s9+$0xF070] =	vst v2  }
.LBB2_21:
0xe2: {  	[tilespmem:s9+$0xFFFFFF00] =	vst v25;
	v16 =	vmul.f32 v16, v6  }
0xe3: {  	v23 =	vmul.f32 v23, v17;
	[tilespmem:s9+$0xFFFFFF40] =	vst v24  }
0xe4: {  	v12 =	vmul.f32 v12, v19;
	[tilespmem:s9+$0xE0] =	vst v16  }
0xe5: {  	v32 =	vmul.f32 v21, v15;
	[tilespmem:s9+$0xC0] =	vst v23  }
0xe6: {  	v20 =	vmul.f32 v22, v20;
	[tilespmem:s9+$0xFFFFFF10] =	vst v12  }
0xe7: {  	v34 =	vmul.f32 v14, v17;
	[tilespmem:s9+$0x90] =	vst v32  }
0xe8: {  	v40 =	vbroadcast v4, $0x6;
	v9 =	vmul.f32 v9, v15;
	[tilespmem:s9+$0xFFFFFF50] =	vst v20  }
0xe9: {  	v42 =	vmul.f32 v18, v13;
	[tilespmem:s9+$0xD0] =	vst v34  }
0xea: {  	v44 =	vbroadcast v4, $0x5;
	v8 =	vmul.f32 v8, v40;
	[tilespmem:s9+$0x80] =	vst v9  }
0xeb: {  	v46 =	vbroadcast v4, $0x7;
	v10 =	vmul.f32 v10, v40;
	[tilespmem:s9+$0xB0] =	vst v42  }
0xec: {  	v30 =	vld [tilespmem:s9+$0xA0];
	v36 =	vbroadcast v4, $0xB;
	v7 =	vmul.f32 v7, v44;
	[tilespmem:s9+$0xFFFFFFD0] =	vst v8  }
0xed: {  	v31 =	vld [tilespmem:s9+$0x70];
	v53 =	vbroadcast v4, $0x3;
	v5 =	vmul.f32 v5, v46;
	[tilespmem:s9+$0xFFFFFFC0] =	vst v10  }
0xee: {  	v33 =	vld [tilespmem:s9+$0xFFFFFFB0];
	v58 =	vbroadcast v4, $0x4;
	v11 =	vmul.f32 v11, v36;
	[tilespmem:s9+$0xFFFFFFA0] =	vst v7  }
0xef: {  	v35 =	vld [tilespmem:s9+$0xFFFFFF20];
	v2 =	vmul.f32 v2, v53;
	[tilespmem:s9+$0xFFFFFFF0] =	vst v5  }
0xf0: {  	v39 =	vld [tilespmem:s9+$0x40];
	v3 =	vmul.f32 v3, v58;
	[tilespmem:s9+$0x60] =	vst v11  }
0xf1: {  	v37 =	vld [tilespmem:s9+$0xFFFFFFE0];
	[tilespmem:s9+$0xFFFFFF60] =	vst v2;
	v38 =	vmul.f32 v30, v13  }
0xf2: {  	v51 =	vbroadcast v4, $0x1;
	v54 =	vld [tilespmem:s9+$0xF0];
	[tilespmem:s9+$0xFFFFFF90] =	vst v3;
	v19 =	vmul.f32 v31, v36  }
0xf3: {  	v48 =	vld [tilespmem:s9+$0xFFFFFF70];
	v55 =	vbroadcast v4, $0xA;
	v52 =	vmul.f32 v33, v44;
	[tilespmem:s9+$0xA0] =	vst v38  }
0xf4: {  	v45 =	vld [tilespmem:s9+$0x30];
	v14 =	vmul.f32 v35, v51;
	[tilespmem:s9+$0x70] =	vst v19  }
0xf5: {  	v49 =	vld [tilespmem:s9+$0xFFFFFF80];
	v57 =	vmul.f32 v39, v55;
	[tilespmem:s9+$0xFFFFFFB0] =	vst v52  }
0xf6: {  	v43 =	vld [tilespmem:s9+$0x20];
	v9 =	vmul.f32 v37, v46;
	[tilespmem:s9+$0xFFFFFF20] =	vst v14  }
0xf7: {  	v56 =	vld [tilespmem:s9+$0xFFFFFF30];
	v59 =	vbroadcast v4, $0x9;
	v2 =	vmul.f32 v54, v6;
	[tilespmem:s9+$0x40] =	vst v57  }
0xf8: {  	v41 =	vld [tilespmem:s9+$0x50];
	v60 =	vmul.f32 v48, v53;
	[tilespmem:s9+$0xFFFFFFE0] =	vst v9  }
0xf9: {  	v47 =	vld [tilespmem:s9+$0x0];
	v3 =	vmul.f32 v45, v59;
	[tilespmem:s9+$0xF0] =	vst v2  }
0xfa: {  	v50 =	vld [tilespmem:s9+$0x10];
	v62 =	vmul.f32 v49, v58;
	[tilespmem:s9+$0xFFFFFF70] =	vst v60  }
0xfb: {  	v2 =	vmul.f32 v43, v59;
	[tilespmem:s9+$0x30] =	vst v3  }
0xfc: {  	v61 =	vbroadcast v4, $0x8;
	v63 =	vmul.f32 v56, v51;
	[tilespmem:s9+$0xFFFFFF80] =	vst v62  }
0xfd: {  	[tilespmem:s9+$0x20] =	vst v2;
	v2 =	vmul.f32 v41, v55  }
0xfe: {  	v3 =	vmul.f32 v47, v61;
	[tilespmem:s9+$0xFFFFFF30] =	vst v63  }
0xff: {  	[tilespmem:s9+$0x50] =	vst v2;
	v2 =	vmul.f32 v50, v61  }
0x100: {  	[tilespmem:s9+$0x0] =	vst v3  }
0x101: {  	[tilespmem:s9+$0x10] =	vst v2  }
0x102: {  	[spmem:s2] =	stream.indirect.scatter.add.f32 [tilespmem:s22], [sflag:$0x3], $0x20, s30, s25, $0xb8;
	[tilespmem:$0x1E9B0] =	vst v63  }
0x103: {  	_ =	swait.ge [sflag:s29], $0x1000  }
0x104: {  	[sflag:s29] =	ssyncset.done $0x0  }
0x105: {  	[sflag:s29] =	ssyncadd.s32 $0xFFFFF000  }
0x106: {  	[spmem:s2] =	stream.indirect.scatter.add.f32 [tilespmem:s26], [sflag:$0x2], $0x20, s0, s25, $0xb8;
	[tilespmem:$0x1E9B0] =	vst v63  }
0x107: {  	_ =	swait.ge [sflag:s19], $0x1000  }
0x108: {  	[sflag:s19] =	ssyncset.done $0x0  }
0x109: {  	[sflag:s19] =	ssyncadd.s32 $0xFFFFF000  }
.LBB2_22:
0x10a: {  	s8 =	sadd.s32 $0x1, s8  }
0x10b: {  	p0 =	sne.s32 s8, $0x28  }
.Ltmp9:
0x10c: {  	_ = 	snop;
	(pc) =	sbr.rel @!p0 .LBB2_23-.Ltmp9, $1  }
0x10d: {  	_ =	sdelay $0x3  }
.LBB2_14:
0x10e: {  	s9 =	sshll.u32 s8, $0x5  }
0x10f: {  	s9 =	sor.u32 s11, s9  }
0x110: {  	p0 =	sgt.u32 s9, $0x4E1  }
.Ltmp10:
0x111: {  	_ = 	snop;
	(pc) =	sbr.rel @p0 .LBB2_22-.Ltmp10, $1  }
0x112: {  	_ =	sdelay $0x3  }
0x113: {  	s9 =	sor.u32 s5, s9  }
0x114: {  	s9 =	sshll.u32 s9, $0x5  }
0x115: {  	s12 =	simm.s32 $0x0;
	s14 =	sadd.s32 s6, s9  }
0x116: {  	[tilespmem:s28], [sflag:$0x3] =	stream.linear.gather [hbm4b:s14+s12], $0x80, $0x38;
	[tilespmem:$0x1E9B0] =	vst v63  }
0x117: {  	_ =	swait.ge [sflag:s29], $0x80  }
0x118: {  	[sflag:s29] =	ssyncset.done $0x0  }
0x119: {  	s15 =	sadd.s32 s7, s9;
	[sflag:s29] =	ssyncadd.s32 $0xFFFFFF80  }
0x11a: {  	[tilespmem:s30], [sflag:$0x3] =	stream.linear.gather [hbm4b:s15+s12], $0x80, $0x38;
	[tilespmem:$0x1E9B0] =	vst v63  }
0x11b: {  	_ =	swait.ge [sflag:s29], $0x80  }
0x11c: {  	s9 =	sor.u32 $0x10, s9;
	[sflag:s29] =	ssyncset.done $0x0  }
0x11d: {  	s17 =	sadd.s32 s6, s9;
	[sflag:s29] =	ssyncadd.s32 $0xFFFFFF80  }
0x11e: {  	[tilespmem:s31], [sflag:$0x3] =	stream.linear.gather [hbm4b:s17+s12], $0x80, $0x38;
	[tilespmem:$0x1E9B0] =	vst v63  }
0x11f: {  	_ =	swait.ge [sflag:s29], $0x80  }
0x120: {  	[sflag:s29] =	ssyncset.done $0x0  }
0x121: {  	s9 =	sadd.s32 s7, s9;
	[sflag:s29] =	ssyncadd.s32 $0xFFFFFF80  }
0x122: {  	[tilespmem:s0], [sflag:$0x3] =	stream.linear.gather [hbm4b:s9+s12], $0x80, $0x38;
	[tilespmem:$0x1E9B0] =	vst v63  }
0x123: {  	_ =	swait.ge [sflag:s29], $0x80  }
0x124: {  	[sflag:s29] =	ssyncset.done $0x0  }
0x125: {  	[sflag:s29] =	ssyncadd.s32 $0xFFFFFF80  }
0x126: {  	[tilespmem:s22], [sflag:$0x1] =	stream.indirect.gather [hbm4b:s10+s25], $0x20, s28, s25, $0xb8;
	[tilespmem:$0x1E9B0] =	vst v63  }
0x127: {  	_ = 	snop  }
0x128: {  	[tilespmem:s26], [sflag:$0x1] =	stream.indirect.gather [hbm4b:s10+s25], $0x20, s31, s25, $0xb8;
	[tilespmem:$0x1E9B0] =	vst v63  }
0x129: {  	_ =	swait.ge [sflag:s3], $0x1000  }
0x12a: {  	[sflag:s3] =	ssyncset.done $0x0  }
0x12b: {  	[sflag:s3] =	ssyncadd.s32 $0xFFFFF000  }
0x12c: {  	_ =	swait.ge [sflag:s3], $0x1000  }
0x12d: {  	[sflag:s3] =	ssyncset.done $0x0  }
0x12e: {  	s9 =	simm.s32 $0x0;
	[sflag:s3] =	ssyncadd.s32 $0xFFFFF000  }
0x12f: {  	v2 =	vld [tilespmem:s9+$0x16F40]  }
0x130: {  	v3 =	vld [tilespmem:s9+$0x16E40];
	_ =	sdelay $0x3  }
0x131: {  	v2 =	vmul.u32 $0x3, v2  }
0x132: {  	v3 =	vmul.u32 $0x3, v3;
	_ =	sdelay $0x4  }
0x133: {  	v4 =	vld.idx.msk [tilespmem:v2+s20+$0x0], $0xffff  }
0x134: {  	v5 =	vld.idx.msk [tilespmem:v3+s12+$0x0], $0xffff  }
0x135: {  	v7 =	vadd.s32 $0x1, v3  }
0x136: {  	v6 =	vadd.s32 $0x1, v2  }
0x137: {  	v8 =	vadd.s32 $0x2, v2  }
0x138: {  	v3 =	vadd.s32 $0x2, v3  }
0x139: {  	v4 =	vadd.f32 v4, v5  }
0x13a: {  	v7 =	vld.idx.msk [tilespmem:v7+s12+$0x0], $0xffff  }
0x13b: {  	v5 =	vld.idx.msk [tilespmem:v6+s20+$0x0], $0xffff;
	v9 =	vmul.f32 $9.999999770e-03, v4  }
0x13c: {  	v62 =	vld.idx.msk [tilespmem:v8+s20+$0x0], $0xffff;
	vm0 =	vge.f32 v4, $0.0e+00  }
0x13d: {  	v3 =	vld.idx.msk [tilespmem:v3+s12+$0x0], $0xffff;
	v4 =	vsel vm0, v4, v9  }
0x13e: {  	v4 =	vmul.f32 $1.442695020e+00, v4;
	_ =	sdelay $0x1  }
0x13f: {  	(erf) = vpow2.f32 v4;
	v4 =	vadd.f32 v5, v7;
	_ =	sdelay $0x1  }
0x140: {  	v3 =	vadd.f32 v62, v3;
	v5 =	vmul.f32 $9.999999770e-03, v4  }
0x141: {  	vm14 =	vge.f32 v4, $0.0e+00  }
0x142: {  	v63 =	vld.idx.msk [tilespmem:v2+s21+$0x0], $0xffff;
	v7 =	vmul.f32 $9.999999770e-03, v3;
	v2 =	vsel vm14, v4, v5  }
0x143: {  	vm15 =	vge.f32 v3, $0.0e+00;
	v2 =	vmul.f32 $1.442695020e+00, v2  }
0x144: {  	v3 =	vsel vm15, v3, v7  }
0x145: {  	v4 =	vmul.f32 $1.442695020e+00, v3;
	(erf) = vpow2.f32 v2;
	_ =	sdelay $0x1  }
0x146: {  	v5 =	vpop (erf);
	(erf) = vpow2.f32 v4;
	_ =	sdelay $0x2  }
0x147: {  	v3 =	vld.idx.msk [tilespmem:v6+s21+$0x0], $0xffff;
	_ =	sdelay $0x1  }
0x148: {  	s15 =	simm.s32 $0x10;
	v2 =	vld.idx.msk [tilespmem:v8+s21+$0x0], $0xffff  }
0x149: {  	s14 =	simm.s32 $0x0;
	s17 =	simm.s32 $0x80;
	v4 =	vld [tilespmem:s15+$0x16F40];
	v5 =	vmul.f32 v5, v63  }
.LBB2_16:
0x14a: {  	p0 =	sne.s32 s17, $0x1C0;
	v6 =	vld [tilespmem:s15+$0x16E40];
	v7 =	vpop (erf)  }
0x14b: {  	v5 =	vadd.f32 $0.0e+00, v5;
	v3 =	vmul.f32 v7, v3  }
0x14c: {  	v7 =	vpop (erf)  }
0x14d: {  	v3 =	vadd.f32 v3, v5;
	v2 =	vmul.f32 v7, v2  }
0x14e: {  	v4 =	vmul.u32 $0x3, v4  }
0x14f: {  	v5 =	vmul.u32 $0x3, v6;
	v2 =	vadd.f32 v2, v3;
	_ =	sdelay $0x1  }
0x150: {  	v3 =	vadd.s32 $0x1, v4;
	v2 =	vmul.f32 $3.333333430e-01, v2  }
0x151: {  	v6 =	vadd.s32 $0x1, v5  }
0x152: {  	v7 =	vadd.s32 $0x2, v4;
	[tilespmem:s14+$0x19040] =	vst v2;
	s14 =	smov.u32 s15  }
0x153: {  	v8 =	vadd.s32 $0x2, v5;
	v2 =	vld.idx.msk [tilespmem:v4+s20+$0x0], $0xffff  }
0x154: {  	v5 =	vld.idx.msk [tilespmem:v5+s12+$0x0], $0xffff  }
0x155: {  	v9 =	vld.idx.msk [tilespmem:v3+s20+$0x0], $0xffff  }
0x156: {  	v6 =	vld.idx.msk [tilespmem:v6+s12+$0x0], $0xffff  }
0x157: {  	v10 =	vld.idx.msk [tilespmem:v7+s20+$0x0], $0xffff  }
0x158: {  	v8 =	vld.idx.msk [tilespmem:v8+s12+$0x0], $0xffff;
	_ =	sdelay $0x1  }
0x159: {  	v2 =	vadd.f32 v2, v5;
	_ =	sdelay $0x1  }
0x15a: {  	v5 =	vmul.f32 $9.999999770e-03, v2;
	v6 =	vadd.f32 v9, v6  }
0x15b: {  	vm0 =	vge.f32 v2, $0.0e+00  }
0x15c: {  	v2 =	vsel vm0, v2, v5;
	v5 =	vmul.f32 $9.999999770e-03, v6;
	v8 =	vadd.f32 v10, v8  }
0x15d: {  	vm0 =	vge.f32 v6, $0.0e+00;
	v2 =	vmul.f32 $1.442695020e+00, v2  }
0x15e: {  	v5 =	vsel vm0, v6, v5;
	v6 =	vmul.f32 $9.999999770e-03, v8  }
0x15f: {  	vm0 =	vge.f32 v8, $0.0e+00;
	v5 =	vmul.f32 $1.442695020e+00, v5;
	(erf) = vpow2.f32 v2  }
0x160: {  	v2 =	vsel vm0, v8, v6  }
0x161: {  	v2 =	vmul.f32 $1.442695020e+00, v2;
	(erf) = vpow2.f32 v5;
	_ =	sdelay $0x1  }
0x162: {  	v5 =	vld.idx.msk [tilespmem:v4+s21+$0x0], $0xffff;
	(erf) = vpow2.f32 v2;
	_ =	sdelay $0x1  }
.Ltmp11:
0x163: {  	v3 =	vld.idx.msk [tilespmem:v3+s21+$0x0], $0xffff;
	(pc) =	sbr.rel @p0 .LBB2_16-.Ltmp11, $4  }
0x164: {  	_ = 	snop  }
0x165: {  	v2 =	vld.idx.msk [tilespmem:v7+s21+$0x0], $0xffff  }
0x166: {  	s15 =	sshra.s32 s17, $0x2;
	v6 =	vpop (erf)  }
0x167: {  	s17 =	sadd.s32 $0x40, s17;
	v4 =	vld [tilespmem:s15+$0x16F40];
	v5 =	vmul.f32 v6, v5  }
0x168: {  	v6 =	vld [tilespmem:s15+$0x16E40];
	v7 =	vpop (erf)  }
0x169: {  	v5 =	vadd.f32 $0.0e+00, v5;
	v3 =	vmul.f32 v7, v3  }
0x16a: {  	v7 =	vpop (erf)  }
0x16b: {  	v3 =	vadd.f32 v3, v5;
	v2 =	vmul.f32 v7, v2  }
0x16c: {  	v4 =	vmul.u32 $0x3, v4  }
0x16d: {  	v5 =	vmul.u32 $0x3, v6;
	v2 =	vadd.f32 v2, v3;
	_ =	sdelay $0x1  }
0x16e: {  	v3 =	vadd.s32 $0x1, v4;
	v2 =	vmul.f32 $3.333333430e-01, v2  }
0x16f: {  	v6 =	vadd.s32 $0x1, v5  }
0x170: {  	v7 =	vadd.s32 $0x2, v4;
	[tilespmem:s14+$0x19040] =	vst v2  }
0x171: {  	v8 =	vadd.s32 $0x2, v5;
	v2 =	vld.idx.msk [tilespmem:v4+s20+$0x0], $0xffff  }
0x172: {  	v5 =	vld.idx.msk [tilespmem:v5+s12+$0x0], $0xffff  }
0x173: {  	v9 =	vld.idx.msk [tilespmem:v3+s20+$0x0], $0xffff  }
0x174: {  	v6 =	vld.idx.msk [tilespmem:v6+s12+$0x0], $0xffff  }
0x175: {  	v10 =	vld.idx.msk [tilespmem:v7+s20+$0x0], $0xffff  }
0x176: {  	v8 =	vld.idx.msk [tilespmem:v8+s12+$0x0], $0xffff  }
0x177: {  	v2 =	vadd.f32 v2, v5;
	_ =	sdelay $0x1  }
0x178: {  	v6 =	vadd.f32 v9, v6;
	v5 =	vmul.f32 $9.999999770e-03, v2  }
0x179: {  	vm0 =	vge.f32 v2, $0.0e+00  }
0x17a: {  	v8 =	vadd.f32 v10, v8;
	v2 =	vsel vm0, v2, v5;
	v5 =	vmul.f32 $9.999999770e-03, v6  }
0x17b: {  	vm11 =	vge.f32 v6, $0.0e+00;
	v2 =	vmul.f32 $1.442695020e+00, v2  }
0x17c: {  	v5 =	vsel vm11, v6, v5;
	v6 =	vmul.f32 $9.999999770e-03, v8  }
0x17d: {  	vm12 =	vge.f32 v8, $0.0e+00;
	v5 =	vmul.f32 $1.442695020e+00, v5;
	(erf) = vpow2.f32 v2  }
0x17e: {  	v2 =	vsel vm12, v8, v6  }
0x17f: {  	v2 =	vmul.f32 $1.442695020e+00, v2;
	(erf) = vpow2.f32 v5;
	_ =	sdelay $0x1  }
0x180: {  	(erf) = vpow2.f32 v2  }
0x181: {  	v2 =	vld.idx.msk [tilespmem:v4+s21+$0x0], $0xffff;
	_ =	sdelay $0x1  }
0x182: {  	v3 =	vld.idx.msk [tilespmem:v3+s21+$0x0], $0xffff;
	_ =	sdelay $0x1  }
0x183: {  	v4 =	vld.idx.msk [tilespmem:v7+s21+$0x0], $0xffff;
	v5 =	vpop (erf)  }
0x184: {  	v2 =	vmul.f32 v5, v2  }
0x185: {  	v5 =	vpop (erf)  }
0x186: {  	v2 =	vadd.f32 $0.0e+00, v2;
	v3 =	vmul.f32 v5, v3  }
0x187: {  	v5 =	vpop (erf)  }
0x188: {  	v2 =	vadd.f32 v3, v2;
	v3 =	vmul.f32 v5, v4;
	_ =	sdelay $0x1  }
0x189: {  	v2 =	vadd.f32 v3, v2;
	_ =	sdelay $0x1  }
0x18a: {  	v2 =	vmul.f32 $3.333333430e-01, v2;
	_ =	sdelay $0x1  }
0x18b: {  	[tilespmem:s15+$0x19040] =	vst v2  }
0x18c: {  	v2 =	vld [tilespmem:s9+$0x16FC0]  }
0x18d: {  	v3 =	vld [tilespmem:s9+$0x16EC0];
	_ =	sdelay $0x3  }
0x18e: {  	v2 =	vmul.u32 $0x3, v2  }
0x18f: {  	v3 =	vmul.u32 $0x3, v3;
	_ =	sdelay $0x4  }
0x190: {  	s12 =	simm.s32 $0x0;
	v4 =	vld.idx.msk [tilespmem:v2+s20+$0x0], $0xffff  }
0x191: {  	v5 =	vld.idx.msk [tilespmem:v3+s12+$0x0], $0xffff  }
0x192: {  	v7 =	vadd.s32 $0x1, v3  }
0x193: {  	v6 =	vadd.s32 $0x1, v2  }
0x194: {  	v60 =	vadd.s32 $0x2, v2  }
0x195: {  	v3 =	vadd.s32 $0x2, v3  }
0x196: {  	v4 =	vadd.f32 v4, v5  }
0x197: {  	v7 =	vld.idx.msk [tilespmem:v7+s12+$0x0], $0xffff  }
0x198: {  	v5 =	vld.idx.msk [tilespmem:v6+s20+$0x0], $0xffff;
	v61 =	vmul.f32 $9.999999770e-03, v4  }
0x199: {  	v62 =	vld.idx.msk [tilespmem:v60+s20+$0x0], $0xffff;
	vm13 =	vge.f32 v4, $0.0e+00  }
0x19a: {  	v3 =	vld.idx.msk [tilespmem:v3+s12+$0x0], $0xffff;
	v4 =	vsel vm13, v4, v61  }
0x19b: {  	v4 =	vmul.f32 $1.442695020e+00, v4;
	_ =	sdelay $0x1  }
0x19c: {  	(erf) = vpow2.f32 v4;
	v4 =	vadd.f32 v5, v7;
	_ =	sdelay $0x1  }
0x19d: {  	v3 =	vadd.f32 v62, v3;
	v5 =	vmul.f32 $9.999999770e-03, v4  }
0x19e: {  	vm14 =	vge.f32 v4, $0.0e+00  }
0x19f: {  	v63 =	vld.idx.msk [tilespmem:v2+s21+$0x0], $0xffff;
	v7 =	vmul.f32 $9.999999770e-03, v3;
	v2 =	vsel vm14, v4, v5  }
0x1a0: {  	vm15 =	vge.f32 v3, $0.0e+00;
	v2 =	vmul.f32 $1.442695020e+00, v2  }
0x1a1: {  	v3 =	vsel vm15, v3, v7  }
0x1a2: {  	v4 =	vmul.f32 $1.442695020e+00, v3;
	(erf) = vpow2.f32 v2;
	_ =	sdelay $0x1  }
0x1a3: {  	v5 =	vpop (erf);
	(erf) = vpow2.f32 v4;
	_ =	sdelay $0x2  }
0x1a4: {  	v3 =	vld.idx.msk [tilespmem:v6+s21+$0x0], $0xffff;
	_ =	sdelay $0x1  }
0x1a5: {  	s14 =	simm.s32 $0x10;
	v2 =	vld.idx.msk [tilespmem:v60+s21+$0x0], $0xffff  }
0x1a6: {  	s15 =	simm.s32 $0x80;
	v4 =	vld [tilespmem:s14+$0x16FC0];
	v5 =	vmul.f32 v5, v63  }
.LBB2_18:
0x1a7: {  	p0 =	sne.s32 s15, $0x1C0;
	v6 =	vld [tilespmem:s14+$0x16EC0];
	v7 =	vpop (erf)  }
0x1a8: {  	v5 =	vadd.f32 $0.0e+00, v5;
	v3 =	vmul.f32 v7, v3  }
0x1a9: {  	v7 =	vpop (erf)  }
0x1aa: {  	v3 =	vadd.f32 v3, v5;
	v2 =	vmul.f32 v7, v2  }
0x1ab: {  	v4 =	vmul.u32 $0x3, v4  }
0x1ac: {  	v5 =	vmul.u32 $0x3, v6;
	v2 =	vadd.f32 v2, v3;
	_ =	sdelay $0x1  }
0x1ad: {  	v3 =	vadd.s32 $0x1, v4;
	v2 =	vmul.f32 $3.333333430e-01, v2  }
0x1ae: {  	v6 =	vadd.s32 $0x1, v5  }
0x1af: {  	v7 =	vadd.s32 $0x2, v4;
	[tilespmem:s9+$0x190C0] =	vst v2;
	s9 =	smov.u32 s14  }
0x1b0: {  	v8 =	vadd.s32 $0x2, v5;
	v2 =	vld.idx.msk [tilespmem:v4+s20+$0x0], $0xffff  }
0x1b1: {  	v5 =	vld.idx.msk [tilespmem:v5+s12+$0x0], $0xffff  }
0x1b2: {  	v9 =	vld.idx.msk [tilespmem:v3+s20+$0x0], $0xffff  }
0x1b3: {  	v6 =	vld.idx.msk [tilespmem:v6+s12+$0x0], $0xffff  }
0x1b4: {  	v10 =	vld.idx.msk [tilespmem:v7+s20+$0x0], $0xffff  }
0x1b5: {  	v8 =	vld.idx.msk [tilespmem:v8+s12+$0x0], $0xffff;
	_ =	sdelay $0x1  }
0x1b6: {  	v2 =	vadd.f32 v2, v5;
	_ =	sdelay $0x1  }
0x1b7: {  	v5 =	vmul.f32 $9.999999770e-03, v2;
	v6 =	vadd.f32 v9, v6  }
0x1b8: {  	vm0 =	vge.f32 v2, $0.0e+00  }
0x1b9: {  	v2 =	vsel vm0, v2, v5;
	v5 =	vmul.f32 $9.999999770e-03, v6;
	v8 =	vadd.f32 v10, v8  }
0x1ba: {  	vm0 =	vge.f32 v6, $0.0e+00;
	v2 =	vmul.f32 $1.442695020e+00, v2  }
0x1bb: {  	v5 =	vsel vm0, v6, v5;
	v6 =	vmul.f32 $9.999999770e-03, v8  }
0x1bc: {  	vm0 =	vge.f32 v8, $0.0e+00;
	v5 =	vmul.f32 $1.442695020e+00, v5;
	(erf) = vpow2.f32 v2  }
0x1bd: {  	v2 =	vsel vm0, v8, v6  }
0x1be: {  	v2 =	vmul.f32 $1.442695020e+00, v2;
	(erf) = vpow2.f32 v5;
	_ =	sdelay $0x1  }
0x1bf: {  	v5 =	vld.idx.msk [tilespmem:v4+s21+$0x0], $0xffff;
	(erf) = vpow2.f32 v2;
	_ =	sdelay $0x1  }
.Ltmp12:
0x1c0: {  	v3 =	vld.idx.msk [tilespmem:v3+s21+$0x0], $0xffff;
	(pc) =	sbr.rel @p0 .LBB2_18-.Ltmp12, $4  }
0x1c1: {  	_ = 	snop  }
0x1c2: {  	v2 =	vld.idx.msk [tilespmem:v7+s21+$0x0], $0xffff  }
0x1c3: {  	s14 =	sshra.s32 s15, $0x2;
	v6 =	vpop (erf)  }
0x1c4: {  	s15 =	sadd.s32 $0x40, s15;
	v4 =	vld [tilespmem:s14+$0x16FC0];
	v5 =	vmul.f32 v6, v5  }
0x1c5: {  	v6 =	vld [tilespmem:s14+$0x16EC0];
	v7 =	vpop (erf)  }
0x1c6: {  	v5 =	vadd.f32 $0.0e+00, v5;
	v3 =	vmul.f32 v7, v3  }
0x1c7: {  	v7 =	vpop (erf)  }
0x1c8: {  	v3 =	vadd.f32 v3, v5;
	v2 =	vmul.f32 v7, v2  }
0x1c9: {  	v4 =	vmul.u32 $0x3, v4  }
0x1ca: {  	v5 =	vmul.u32 $0x3, v6;
	v2 =	vadd.f32 v2, v3;
	_ =	sdelay $0x1  }
0x1cb: {  	v3 =	vadd.s32 $0x1, v4;
	v2 =	vmul.f32 $3.333333430e-01, v2  }
0x1cc: {  	v6 =	vadd.s32 $0x1, v5  }
0x1cd: {  	v7 =	vadd.s32 $0x2, v4;
	[tilespmem:s9+$0x190C0] =	vst v2  }
0x1ce: {  	s17 =	simm.s32 $0x0;
	v8 =	vadd.s32 $0x2, v5;
	v2 =	vld.idx.msk [tilespmem:v4+s20+$0x0], $0xffff  }
0x1cf: {  	v5 =	vld.idx.msk [tilespmem:v5+s17+$0x0], $0xffff  }
0x1d0: {  	v9 =	vld.idx.msk [tilespmem:v3+s20+$0x0], $0xffff  }
0x1d1: {  	v6 =	vld.idx.msk [tilespmem:v6+s17+$0x0], $0xffff  }
0x1d2: {  	v10 =	vld.idx.msk [tilespmem:v7+s20+$0x0], $0xffff  }
0x1d3: {  	v8 =	vld.idx.msk [tilespmem:v8+s17+$0x0], $0xffff  }
0x1d4: {  	v2 =	vadd.f32 v2, v5;
	_ =	sdelay $0x1  }
0x1d5: {  	v6 =	vadd.f32 v9, v6;
	v5 =	vmul.f32 $9.999999770e-03, v2  }
0x1d6: {  	vm0 =	vge.f32 v2, $0.0e+00  }
0x1d7: {  	v8 =	vadd.f32 v10, v8;
	v2 =	vsel vm0, v2, v5;
	v5 =	vmul.f32 $9.999999770e-03, v6  }
0x1d8: {  	vm14 =	vge.f32 v6, $0.0e+00;
	v2 =	vmul.f32 $1.442695020e+00, v2  }
0x1d9: {  	v5 =	vsel vm14, v6, v5;
	v6 =	vmul.f32 $9.999999770e-03, v8  }
0x1da: {  	vm15 =	vge.f32 v8, $0.0e+00;
	v5 =	vmul.f32 $1.442695020e+00, v5;
	(erf) = vpow2.f32 v2  }
0x1db: {  	v2 =	vsel vm15, v8, v6  }
0x1dc: {  	v2 =	vmul.f32 $1.442695020e+00, v2;
	(erf) = vpow2.f32 v5;
	_ =	sdelay $0x1  }
0x1dd: {  	(erf) = vpow2.f32 v2  }
0x1de: {  	v2 =	vld.idx.msk [tilespmem:v4+s21+$0x0], $0xffff;
	_ =	sdelay $0x1  }
0x1df: {  	v3 =	vld.idx.msk [tilespmem:v3+s21+$0x0], $0xffff;
	_ =	sdelay $0x1  }
0x1e0: {  	v4 =	vld.idx.msk [tilespmem:v7+s21+$0x0], $0xffff;
	v5 =	vpop (erf)  }
0x1e1: {  	v2 =	vmul.f32 v5, v2  }
0x1e2: {  	v5 =	vpop (erf)  }
0x1e3: {  	v2 =	vadd.f32 $0.0e+00, v2;
	v3 =	vmul.f32 v5, v3  }
0x1e4: {  	v5 =	vpop (erf)  }
0x1e5: {  	v2 =	vadd.f32 v3, v2;
	v3 =	vmul.f32 v5, v4;
	_ =	sdelay $0x1  }
0x1e6: {  	v2 =	vadd.f32 v3, v2;
	_ =	sdelay $0x1  }
0x1e7: {  	v2 =	vmul.f32 $3.333333430e-01, v2;
	_ =	sdelay $0x1  }
0x1e8: {  	s9 =	simm.s32 $0x17140;
	[tilespmem:s14+$0x190C0] =	vst v2  }
0x1e9: {  	v7 =	vld [tilespmem:s9+$0xFFFFFFA0]  }
0x1ea: {  	v5 =	vld [tilespmem:s9+$0xFFFFFFF0]  }
0x1eb: {  	v2 =	vld [tilespmem:s9+$0xFFFFFF60]  }
0x1ec: {  	v8 =	vld [tilespmem:s9+$0xFFFFFFD0]  }
0x1ed: {  	v9 =	vld [tilespmem:s9+$0x80]  }
0x1ee: {  	v12 =	vld [tilespmem:s9+$0xFFFFFF10]  }
0x1ef: {  	v16 =	vld [tilespmem:s9+$0xE0]  }
0x1f0: {  	v11 =	vld [tilespmem:s9+$0xFFFFFF40]  }
0x1f1: {  	s12 =	simm.s32 $0x0;
	v3 =	vld [tilespmem:s9+$0xFFFFFF90]  }
0x1f2: {  	v4 =	vld [tilespmem:s12+$0x19040]  }
0x1f3: {  	v10 =	vld [tilespmem:s9+$0xFFFFFFC0]  }
0x1f4: {  	v13 =	vld [tilespmem:s9+$0xFFFFFF00]  }
0x1f5: {  	p0 =	por $0x1, $0x1;
	v14 =	vld [tilespmem:s9+$0xD0]  }
.Ltmp13:
0x1f6: {  	v23 =	vld [tilespmem:s9+$0xC0];
	(pc) =	sbr.rel @!p0 .LBB2_21-.Ltmp13, $4  }
0x1f7: {  	v21 =	vld [tilespmem:s9+$0x90];
	v19 =	vbroadcast v4, $0x0;
	v6 =	vbroadcast v4, $0xF  }
0x1f8: {  	v22 =	vld [tilespmem:s9+$0xFFFFFF50];
	v20 =	vbroadcast v4, $0x2;
	v17 =	vbroadcast v4, $0xE  }
0x1f9: {  	v18 =	vld [tilespmem:s9+$0xB0];
	v15 =	vbroadcast v4, $0xC;
	v25 =	vmul.f32 v19, v13  }
0x1fa: {  	s14 =	simm.s32 $0x17140;
	s12 =	simm.s32 $0x40;
	v13 =	vbroadcast v4, $0xD;
	v24 =	vmul.f32 v11, v20;
	v11 =	vld [tilespmem:s9+$0x60]  }
.LBB2_20:
0x1fb: {  	p0 =	sne.s32 s12, $0x3C0  }
0x1fc: {  	[tilespmem:s9+$0xFFFFFF00] =	vst v25;
	v25 =	vld [tilespmem:s9+$0xFFFFFFB0];
	v23 =	vmul.f32 v23, v17;
	v16 =	vmul.f32 v16, v6;
	s14 =	sadd.s32 $0x200, s14;
	s15 =	smov.u32 s12;
	s12 =	sadd.s32 $0x40, s12  }
0x1fd: {  	v21 =	vmul.f32 v21, v15;
	[tilespmem:s9+$0xFFFFFF40] =	vst v24;
	v24 =	vbroadcast v4, $0xA;
	v26 =	vld [tilespmem:s9+$0xA0]  }
0x1fe: {  	v12 =	vmul.f32 v12, v19;
	v19 =	vmul.f32 v22, v20;
	v20 =	vld [tilespmem:s9+$0x70];
	[tilespmem:s9+$0xE0] =	vst v16  }
0x1ff: {  	v18 =	vmul.f32 v18, v13;
	v16 =	vbroadcast v4, $0x5;
	v22 =	vld [tilespmem:s9+$0xFFFFFFE0];
	[tilespmem:s9+$0xC0] =	vst v23  }
0x200: {  	v14 =	vmul.f32 v14, v17;
	[tilespmem:s9+$0xFFFFFF10] =	vst v12;
	v12 =	vbroadcast v4, $0x6;
	v23 =	vld [tilespmem:s9+$0x40]  }
0x201: {  	v27 =	vbroadcast v4, $0xB;
	v7 =	vmul.f32 v7, v16;
	v17 =	vld [tilespmem:s9+$0xFFFFFF20];
	[tilespmem:s9+$0x90] =	vst v21  }
0x202: {  	[tilespmem:s9+$0xFFFFFF50] =	vst v19;
	v19 =	vbroadcast v4, $0x9;
	v21 =	vld [tilespmem:s9+$0x20];
	v13 =	vmul.f32 v26, v13  }
0x203: {  	v16 =	vmul.f32 v25, v16;
	v25 =	vld [tilespmem:s9+$0x50];
	v20 =	vmul.f32 v20, v27;
	[tilespmem:s9+$0xD0] =	vst v14  }
0x204: {  	v9 =	vmul.f32 v9, v15;
	v14 =	vbroadcast v4, $0x7;
	v26 =	vld [tilespmem:s9+$0x30];
	[tilespmem:s9+$0xA0] =	vst v13  }
0x205: {  	v10 =	vmul.f32 v10, v12;
	v13 =	vbroadcast v4, $0x3;
	v15 =	vld [tilespmem:s9+$0x0];
	[tilespmem:s9+$0x70] =	vst v20  }
0x206: {  	v11 =	vmul.f32 v11, v27;
	v8 =	vmul.f32 v8, v12;
	v12 =	vld [tilespmem:s9+$0x10];
	[tilespmem:s9+$0x80] =	vst v9  }
0x207: {  	v20 =	vbroadcast v4, $0x8;
	v23 =	vmul.f32 v23, v24;
	v9 =	vld [tilespmem:s9+$0xFFFFFF30];
	[tilespmem:s9+$0xB0] =	vst v18  }
0x208: {  	v18 =	vbroadcast v4, $0x1;
	v27 =	vld [tilespmem:s9+$0xFFFFFF70];
	[tilespmem:s9+$0xFFFFFFD0] =	vst v8;
	v24 =	vmul.f32 v25, v24  }
0x209: {  	v5 =	vmul.f32 v5, v14;
	v8 =	vmul.f32 v22, v14;
	[tilespmem:s9+$0xFFFFFFC0] =	vst v10;
	v10 =	vld [tilespmem:s9+$0xF0]  }
0x20a: {  	v22 =	vmul.f32 v26, v19;
	v14 =	vld [tilespmem:s9+$0xFFFFFF80];
	[tilespmem:s9+$0xFFFFFFA0] =	vst v7;
	v15 =	vmul.f32 v15, v20  }
0x20b: {  	v7 =	vld [tilespmem:s14+$0xFFFFFFA0];
	[tilespmem:s9+$0xFFFFFFF0] =	vst v5;
	v20 =	vmul.f32 v12, v20;
	v12 =	vmul.f32 v21, v19  }
0x20c: {  	v5 =	vmul.f32 v17, v18;
	v17 =	vmul.f32 v9, v18;
	[tilespmem:s9+$0x60] =	vst v11  }
0x20d: {  	v2 =	vmul.f32 v2, v13;
	v9 =	vmul.f32 v27, v13;
	[tilespmem:s9+$0xFFFFFFB0] =	vst v16  }
0x20e: {  	v4 =	vbroadcast v4, $0x4;
	[tilespmem:s9+$0xFFFFFF20] =	vst v5;
	v5 =	vmul.f32 v10, v6  }
0x20f: {  	[tilespmem:s9+$0xFFFFFF60] =	vst v2  }
0x210: {  	v6 =	vmul.f32 v14, v4;
	v2 =	vmul.f32 v3, v4;
	[tilespmem:s9+$0x40] =	vst v23  }
0x211: {  	[tilespmem:s9+$0xFFFFFFE0] =	vst v8  }
0x212: {  	[tilespmem:s9+$0xF0] =	vst v5  }
0x213: {  	[tilespmem:s9+$0xFFFFFF90] =	vst v2  }
0x214: {  	v5 =	vld [tilespmem:s14+$0xFFFFFFF0];
	[tilespmem:s9+$0xFFFFFF70] =	vst v9  }
0x215: {  	v2 =	vld [tilespmem:s14+$0xFFFFFF60];
	[tilespmem:s9+$0x20] =	vst v12  }
0x216: {  	v8 =	vld [tilespmem:s14+$0xFFFFFFD0];
	[tilespmem:s9+$0x30] =	vst v22  }
0x217: {  	v9 =	vld [tilespmem:s14+$0x80];
	[tilespmem:s9+$0xFFFFFF80] =	vst v6  }
0x218: {  	v12 =	vld [tilespmem:s14+$0xFFFFFF10];
	[tilespmem:s9+$0x50] =	vst v24  }
0x219: {  	v16 =	vld [tilespmem:s14+$0xE0];
	[tilespmem:s9+$0x0] =	vst v15  }
0x21a: {  	v11 =	vld [tilespmem:s14+$0xFFFFFF40];
	[tilespmem:s9+$0xFFFFFF30] =	vst v17  }
0x21b: {  	s15 =	sshra.s32 s15, $0x2;
	v3 =	vld [tilespmem:s14+$0xFFFFFF90];
	[tilespmem:s9+$0x10] =	vst v20;
	s9 =	smov.u32 s14  }
0x21c: {  	v4 =	vld [tilespmem:s15+$0x19040]  }
0x21d: {  	v10 =	vld [tilespmem:s14+$0xFFFFFFC0]  }
0x21e: {  	v13 =	vld [tilespmem:s14+$0xFFFFFF00]  }
0x21f: {  	v14 =	vld [tilespmem:s14+$0xD0]  }
.Ltmp14:
0x220: {  	v23 =	vld [tilespmem:s14+$0xC0];
	(pc) =	sbr.rel @p0 .LBB2_20-.Ltmp14, $4  }
0x221: {  	v19 =	vbroadcast v4, $0x0;
	v21 =	vld [tilespmem:s14+$0x90];
	v6 =	vbroadcast v4, $0xF  }
0x222: {  	v20 =	vbroadcast v4, $0x2;
	v17 =	vbroadcast v4, $0xE;
	v22 =	vld [tilespmem:s14+$0xFFFFFF50]  }
0x223: {  	v25 =	vmul.f32 v19, v13;
	v13 =	vbroadcast v4, $0xD;
	v18 =	vld [tilespmem:s14+$0xB0]  }
0x224: {  	v15 =	vbroadcast v4, $0xC;
	v24 =	vmul.f32 v11, v20;
	v11 =	vld [tilespmem:s14+$0x60]  }
.Ltmp15:
0x225: {  	_ = 	snop;
	(pc) =	sbr.rel .LBB2_21-.Ltmp15, $1  }
0x226: {  	_ =	sdelay $0x3  }
.LBB2_24:
0x227: {  	_ =	sfence.sel $0x180000  }
0x228: {  	[bflag:$0x0] =	sbarrier.arrive $0xFFFF  }
0x229: {  	_ =	strace $0x90000047  }
0x22a: {  	s0 =	stileid.u32;
	[bflag:$0x2] =	sbarrier.arrive $0xFFFF  }
0x22b: {  	p0 =	sne.s32 s0, $0x0;
	s0 =	rddreg [dreg:$0x3]  }
0x22c: {  	s0 =	sadd.s32 @!p0 $0x100000, s0  }
0x22d: {  	[sflag:s0] =	ssyncadd.tile.s32 @!p0 $0x1;
	_ =	shalt  }
.Lfunc_end2:
_tile_overlayer_lowered:
.L_overlay_start_2:
0x22e: {  	(tag) =	ssettag $0x2  }
0x22f: {  	s0 =	rddreg [dreg:$0x0];
	s2 =	stileid.u32  }
0x230: {  	s1 =	rddreg [dreg:$0x1];
	p0 =	sne.s32 s2, $0x0  }
0x231: {  	s3 =	rddreg [dreg:$0x2];
	[bflag:$0x3] =	sbarrier.arrive $0xFFFF;
	s2 =	simm.s32 @!p0 $0x1C02  }
0x232: {  	[timem:s3], [sflag:s2] =	dma.local @!p0 [hbm:s0], s1  }
0x233: {  	s0 =	simm.s32 @!p0 $0x2  }
0x234: {  	_ =	swait.ge @!p0 [sflag:s0], s1  }
0x235: {  	s1 =	ssub.s32 @!p0 $0x0, s1;
	[sflag:s0] =	ssyncset.done @!p0 $0x0  }
0x236: {  	[sflag:s0] =	ssyncadd.s32 @!p0 s1  }
0x237: {  	[bflag:$0x3] =	sbarrier.arrive $0xFFFF  }
0x238: {  	_ =	shalt  }

</sc_bundles>
